<compile_context>
chip_gen: v7x
topology: tpu7x:2x2x1
jax: 0.10.2.dev20260603
libtpu: 0.0.44.dev20260713+nightly
codegen_flags: <defaults>
</compile_context>

<pallas_src>
import functools
import math

import jax
import jax.numpy as jnp
from jax import lax
from jax.experimental import pallas as pl
from jax.experimental.pallas import tpu as pltpu
from jax.experimental.pallas import tpu_sc as plsc

LOG2PI = math.log(2.0 * math.pi)

K_TC = 640
K_SC = 384

NC, NS, LANES = 2, 16, 16
NW = NC * NS


def _prep_body(mu_ref, lv_ref, w_ref, z_ref, *refs):
    if K_SC > 0:
        a_ref, b_ref, c_ref, asc_ref, bsc_ref, csc_ref, zt_ref = refs
    else:
        a_ref, b_ref, c_ref = refs
    mu = mu_ref[...]
    lv = lv_ref[...]
    w = w_ref[...]
    wm = jnp.max(w)
    lw = w - (wm + jnp.log(jnp.sum(jnp.exp(w - wm))))
    ev = jnp.exp(-lv)
    a = -0.5 * ev
    b = ev * mu
    c = -0.5 * (LOG2PI + lv + ev * mu * mu) + lw
    a_ref[...] = a
    b_ref[...] = b
    c_ref[...] = c
    if K_SC > 0:
        asc_ref[...] = a[:, K_TC:]
        bsc_ref[...] = b[:, K_TC:]
        csc_ref[...] = c[:, K_TC:]
        zt_ref[...] = z_ref[...].T


def _tc_body(z_ref, a_ref, b_ref, c_ref, *refs, L, K, KC, final):
    if final:
        m_ref, t_ref = refs
        s_ref = None
    else:
        m_ref, s_ref, t_ref = refs
    nchunk = K // KC
    for l in range(L):
        zl = z_ref[:, l : l + 1]
        a = a_ref[l : l + 1, :]
        b = b_ref[l : l + 1, :]
        c = c_ref[l : l + 1, :]
        macc = None
        for i in range(nchunk):
            sl = slice(i * KC, (i + 1) * KC)
            t = (a[:, sl] * zl + b[:, sl]) * zl + c[:, sl]
            t_ref[:, sl] = t
            macc = t if macc is None else jnp.maximum(macc, t)
        m_l = jnp.max(macc, axis=1, keepdims=True)
        sacc = None
        for i in range(nchunk):
            sl = slice(i * KC, (i + 1) * KC)
            e = jnp.exp(t_ref[:, sl] - m_l)
            sacc = e if sacc is None else sacc + e
        s_l = jnp.sum(sacc, axis=1, keepdims=True)
        if final:
            m_ref[:, l : l + 1] = m_l + jnp.log(s_l)
        else:
            m_ref[:, l : l + 1] = m_l
            s_ref[:, l : l + 1] = s_l


def _lane_reduce(x, lane, op):
    for shift in (8, 4, 2, 1):
        idx = jnp.bitwise_xor(lane, shift)
        x = op(x, x.at[idx].get(mode="promise_in_bounds"))
    return x


def _sc_body(a_hbm, b_hbm, c_hbm, z_hbm, m_hbm, s_hbm,
             a_v, b_v, c_v, z_v, m_v, s_v,
             t0, t1, t2, t3, t4, t5, t6, t7, *, B, K, NP):
    wid = lax.axis_index("s") * NC + lax.axis_index("c")
    pltpu.sync_copy(a_hbm.at[wid], a_v)
    pltpu.sync_copy(b_hbm.at[wid], b_v)
    pltpu.sync_copy(c_hbm.at[wid], c_v)
    pltpu.sync_copy(z_hbm.at[wid], z_v)
    t_v = (t0, t1, t2, t3, t4, t5, t6, t7)
    nkc = K // LANES
    lane = lax.broadcasted_iota(jnp.int32, (LANES,), 0)
    neg = jnp.full((LANES,), -3.0e38, jnp.float32)
    zero = jnp.zeros((LANES,), jnp.float32)

    def per_chunk(j, carry):
        zc16 = z_v[pl.ds(j * LANES, LANES)]
        m_out = zero
        s_out = zero
        for blk in range(LANES // NP):
            z_s = [zc16[blk * NP + i] for i in range(NP)]
            zsp = [jnp.full((LANES,), z_s[i]) for i in range(NP)]
            z2sp = [zsp[i] * zsp[i] for i in range(NP)]

            def p1(q, macc):
                sl = pl.ds(q * LANES, LANES)
                a16 = a_v[sl]
                b16 = b_v[sl]
                c16 = c_v[sl]
                new = []
                for i in range(NP):
                    t = a16 * z2sp[i] + b16 * zsp[i] + c16
                    t_v[i][sl] = t
                    new.append(jnp.maximum(macc[i], t))
                return tuple(new)

            macc = lax.fori_loop(0, nkc, p1, (neg,) * NP)
            msp = [_lane_reduce(macc[i], lane, jnp.maximum) for i in range(NP)]

            def p2(q, sacc):
                sl = pl.ds(q * LANES, LANES)
                return tuple(
                    sacc[i] + jnp.exp(t_v[i][sl] - msp[i]) for i in range(NP)
                )

            sacc = lax.fori_loop(0, nkc, p2, (zero,) * NP)
            for i in range(NP):
                idx = blk * NP + i
                ssp = _lane_reduce(sacc[i], lane, jnp.add)
                m_out = jnp.where(lane == idx, msp[i], m_out)
                s_out = jnp.where(lane == idx, ssp, s_out)
        m_v[pl.ds(j * LANES, LANES)] = m_out
        s_v[pl.ds(j * LANES, LANES)] = s_out
        return carry

    lax.fori_loop(0, B // LANES, per_chunk, 0)
    pltpu.sync_copy(m_v, m_hbm.at[wid])
    pltpu.sync_copy(s_v, s_hbm.at[wid])


def _merge_body(m1_ref, s1_ref, m2_ref, s2_ref, o_ref):
    m1 = m1_ref[...]
    s1 = s1_ref[...]
    m2 = m2_ref[...].T
    s2 = s2_ref[...].T
    m = jnp.maximum(m1, m2)
    o_ref[...] = m + jnp.log(s1 * jnp.exp(m1 - m) + s2 * jnp.exp(m2 - m))


def _run_sc(a_sc, b_sc, c_sc, z_t, B, L):
    assert L == NW
    NP = 8
    mesh = plsc.VectorSubcoreMesh(core_axis_name="c", subcore_axis_name="s")
    out_ty = [jax.ShapeDtypeStruct((L, B), jnp.float32)] * 2
    m_t, s_t = pl.kernel(
        functools.partial(_sc_body, B=B, K=K_SC, NP=NP),
        out_type=out_ty,
        mesh=mesh,
        scratch_types=[
            pltpu.VMEM((K_SC,), jnp.float32),
            pltpu.VMEM((K_SC,), jnp.float32),
            pltpu.VMEM((K_SC,), jnp.float32),
            pltpu.VMEM((B,), jnp.float32),
            pltpu.VMEM((B,), jnp.float32),
            pltpu.VMEM((B,), jnp.float32),
            pltpu.VMEM((K_SC,), jnp.float32),
            pltpu.VMEM((K_SC,), jnp.float32),
            pltpu.VMEM((K_SC,), jnp.float32),
            pltpu.VMEM((K_SC,), jnp.float32),
            pltpu.VMEM((K_SC,), jnp.float32),
            pltpu.VMEM((K_SC,), jnp.float32),
            pltpu.VMEM((K_SC,), jnp.float32),
            pltpu.VMEM((K_SC,), jnp.float32),
        ],
    )(a_sc, b_sc, c_sc, z_t)
    return m_t, s_t


def _run_tc(z, a_t, b_t, c_t, B, L, final):
    BT = 128
    KC = K_TC
    n_out = 1 if final else 2
    outs = pl.pallas_call(
        functools.partial(_tc_body, L=L, K=K_TC, KC=KC, final=final),
        grid=(B // BT,),
        in_specs=[
            pl.BlockSpec((BT, L), lambda i: (i, 0)),
            pl.BlockSpec((L, K_TC), lambda i: (0, 0)),
            pl.BlockSpec((L, K_TC), lambda i: (0, 0)),
            pl.BlockSpec((L, K_TC), lambda i: (0, 0)),
        ],
        out_specs=[pl.BlockSpec((BT, L), lambda i: (i, 0))] * n_out,
        out_shape=[jax.ShapeDtypeStruct((B, L), jnp.float32)] * n_out,
        scratch_shapes=[pltpu.VMEM((BT, K_TC), jnp.float32)],
    )(z, a_t, b_t, c_t)
    return outs


def _run_merge(m1, s1, m2_t, s2_t, B, L):
    BT = 512
    return pl.pallas_call(
        _merge_body,
        grid=(B // BT,),
        in_specs=[
            pl.BlockSpec((BT, L), lambda i: (i, 0)),
            pl.BlockSpec((BT, L), lambda i: (i, 0)),
            pl.BlockSpec((L, BT), lambda i: (0, i)),
            pl.BlockSpec((L, BT), lambda i: (0, i)),
        ],
        out_specs=pl.BlockSpec((BT, L), lambda i: (i, 0)),
        out_shape=jax.ShapeDtypeStruct((B, L), jnp.float32),
    )(m1, s1, m2_t, s2_t)


def _final_log_body(m_ref, s_ref, o_ref):
    m = m_ref[...].T
    s = s_ref[...].T
    o_ref[...] = m + jnp.log(s)


def kernel(z, means, logvars, w):
    B, L = z.shape
    K = means.shape[0]
    mu_t = means.T
    lv_t = logvars.T
    w2 = w.reshape(1, K)

    out_shape = [jax.ShapeDtypeStruct((L, K), jnp.float32)] * 3
    if K_SC > 0:
        out_shape += [jax.ShapeDtypeStruct((L, K_SC), jnp.float32)] * 3
        out_shape += [jax.ShapeDtypeStruct((L, B), jnp.float32)]
    prep_out = pl.pallas_call(
        _prep_body,
        out_shape=out_shape,
    )(mu_t, lv_t, w2, z)

    if K_SC == 0:
        a_t, b_t, c_t = prep_out
        (out,) = _run_tc(z, a_t, b_t, c_t, B, L, final=True)
        return out
    a_t, b_t, c_t, a_sc, b_sc, c_sc, z_t = prep_out
    m2, s2 = _run_sc(a_sc, b_sc, c_sc, z_t, B, L)
    if K_TC == 0:
        BT = 512
        return pl.pallas_call(
            _final_log_body,
            grid=(B // BT,),
            in_specs=[pl.BlockSpec((L, BT), lambda i: (0, i))] * 2,
            out_specs=pl.BlockSpec((BT, L), lambda i: (i, 0)),
            out_shape=jax.ShapeDtypeStruct((B, L), jnp.float32),
        )(m2, s2)
    m1, s1 = _run_tc(z, a_t, b_t, c_t, B, L, final=False)
    return _run_merge(m1, s1, m2, s2, B, L)

# --- scband reference (transcript-rebuilt; emitter-appended) ---
"""Pipeline reference for scband-prior-9938554323465 (READ-ONLY COPY).

The authoritative reference and input builder live on the scoring server;
editing this copy changes nothing except your own understanding.
"""

import jax, jax.numpy as jnp
import numpy as np
import math
from jax.scipy.special import logsumexp


def setup_inputs(seed: int = 0) -> dict:
    key = jax.random.key(seed)
    k1, k2, k3 = jax.random.split(key, 3)
    B, K, L = 4096, 1024, 32
    z = jax.random.normal(k1, (B, L), dtype=jnp.float32)
    multiplier = 1.0
    means = jax.random.normal(k2, (K, L), dtype=jnp.float32) * multiplier
    logvars = jax.random.normal(k3, (K, L), dtype=jnp.float32)
    w = jnp.zeros((K, 1, 1), dtype=jnp.float32)
    return {"z": z, "means": means, "logvars": logvars, "w": w}


def _log_normal_diag(x, mu, log_var):
    return -0.5 * (jnp.log(jnp.asarray(2.0 * math.pi, dtype=x.dtype)) + log_var + jnp.exp(-log_var) * (x - mu) ** 2)


def reference(z, means, logvars, w):
    # Prior.log_prob(z): mixture-of-diagonal-Gaussians log density per dim
    log_w = jax.nn.log_softmax(w, axis=0)          # [K,1,1], == log(softmax(w, dim=0))
    zb = z[None, :, :]                              # [1,B,L]
    mu = means[:, None, :]                          # [K,1,L]
    lv = logvars[:, None, :]                        # [K,1,L]
    log_p = _log_normal_diag(zb, mu, lv) + log_w    # [K,B,L]
    log_prob = logsumexp(log_p, axis=0)             # [B,L]
    return log_prob

if __name__ == "__main__":
    import jax
    _d = setup_inputs()
    print(jax.jit(kernel)(*tuple(_d.values())))

</pallas_src>

<mosaic_0001>
#map = affine_map<(d0, d1) -> (0, 0)>
module attributes {stable_mosaic.version = 14 : i64} {
  func.func @_sc_body(%arg0: i32, %arg1: i32, %arg2: memref<32x384xf32, #tpu.memory_space<hbm>>, %arg3: memref<32x384xf32, #tpu.memory_space<hbm>>, %arg4: memref<32x384xf32, #tpu.memory_space<hbm>>, %arg5: memref<32x4096xf32, #tpu.memory_space<hbm>>, %arg6: memref<32x4096xf32, #tpu.memory_space<hbm>>, %arg7: memref<32x4096xf32, #tpu.memory_space<hbm>>, %arg8: memref<384xf32, #tpu.memory_space<vmem>>, %arg9: memref<384xf32, #tpu.memory_space<vmem>>, %arg10: memref<384xf32, #tpu.memory_space<vmem>>, %arg11: memref<4096xf32, #tpu.memory_space<vmem>>, %arg12: memref<4096xf32, #tpu.memory_space<vmem>>, %arg13: memref<4096xf32, #tpu.memory_space<vmem>>, %arg14: memref<384xf32, #tpu.memory_space<vmem>>, %arg15: memref<384xf32, #tpu.memory_space<vmem>>, %arg16: memref<384xf32, #tpu.memory_space<vmem>>, %arg17: memref<384xf32, #tpu.memory_space<vmem>>, %arg18: memref<384xf32, #tpu.memory_space<vmem>>, %arg19: memref<384xf32, #tpu.memory_space<vmem>>, %arg20: memref<384xf32, #tpu.memory_space<vmem>>, %arg21: memref<384xf32, #tpu.memory_space<vmem>>) attributes {dimension_semantics = [#tpu.dimension_semantics<core_parallel>, #tpu.dimension_semantics<subcore_parallel>], iteration_bounds = array<i64: 2, 16>, scalar_prefetch = 0 : i64, scratch_operands = 14 : i64, tpu.core_type = #tpu.core_type<sc_vector_subcore>, window_params = [{transform_indices = #map}, {transform_indices = #map}, {transform_indices = #map}, {transform_indices = #map}, {transform_indices = #map}, {transform_indices = #map}]} {
    %mul3A = arith.constant 2 : i32
    %mul3A_0 = arith.muli %arg1, %mul3A : i32
    %add3A = arith.addi %mul3A_0, %arg0 : i32
    "tpu.region"() ({
      %run_scoped3A = tpu.sem_alloc : memref<!tpu.dma_semaphore, #tpu.memory_space<semaphore_mem>>
      %dma_start3A = arith.constant 0 : i32
      %dma_start3A_9 = tpu.memref_slice %arg2[%add3A, %dma_start3A] : memref<32x384xf32, #tpu.memory_space<hbm>> -> memref<1x384xf32, #tpu.memory_space<hbm>>
      %dma_start3A_10 = tpu.memref_squeeze %dma_start3A_9 : memref<1x384xf32, #tpu.memory_space<hbm>> -> memref<384xf32, #tpu.memory_space<hbm>>
      %dma_start3A_11 = arith.constant 0 : i32
      %dma_start3A_12 = tpu.memref_slice %arg2[%add3A, %dma_start3A_11] : memref<32x384xf32, #tpu.memory_space<hbm>> -> memref<1x384xf32, #tpu.memory_space<hbm>>
      %dma_start3A_13 = tpu.memref_squeeze %dma_start3A_12 : memref<1x384xf32, #tpu.memory_space<hbm>> -> memref<384xf32, #tpu.memory_space<hbm>>
      tpu.enqueue_dma source(%dma_start3A_13 : memref<384xf32, #tpu.memory_space<hbm>>) target(%arg8 : memref<384xf32, #tpu.memory_space<vmem>>) target_semaphore(%run_scoped3A : memref<!tpu.dma_semaphore, #tpu.memory_space<semaphore_mem>>)
      %dma_wait3A = arith.constant 0 : i32
      %dma_wait3A_14 = tpu.memref_slice %arg2[%add3A, %dma_wait3A] : memref<32x384xf32, #tpu.memory_space<hbm>> -> memref<1x384xf32, #tpu.memory_space<hbm>>
      %dma_wait3A_15 = tpu.memref_squeeze %dma_wait3A_14 : memref<1x384xf32, #tpu.memory_space<hbm>> -> memref<384xf32, #tpu.memory_space<hbm>>
      %dma_wait3A_16 = arith.constant 0 : i32
      %dma_wait3A_17 = tpu.memref_slice %arg2[%add3A, %dma_wait3A_16] : memref<32x384xf32, #tpu.memory_space<hbm>> -> memref<1x384xf32, #tpu.memory_space<hbm>>
      %dma_wait3A_18 = tpu.memref_squeeze %dma_wait3A_17 : memref<1x384xf32, #tpu.memory_space<hbm>> -> memref<384xf32, #tpu.memory_space<hbm>>
      tpu.wait_dma2 semaphore(%run_scoped3A : memref<!tpu.dma_semaphore, #tpu.memory_space<semaphore_mem>>) src(%dma_wait3A_18 : memref<384xf32, #tpu.memory_space<hbm>>) dst(%arg8 : memref<384xf32, #tpu.memory_space<vmem>>)
      tpu.yield
    }) : () -> ()
    "tpu.region"() ({
      %run_scoped3A = tpu.sem_alloc : memref<!tpu.dma_semaphore, #tpu.memory_space<semaphore_mem>>
      %dma_start3A = arith.constant 0 : i32
      %dma_start3A_9 = tpu.memref_slice %arg3[%add3A, %dma_start3A] : memref<32x384xf32, #tpu.memory_space<hbm>> -> memref<1x384xf32, #tpu.memory_space<hbm>>
      %dma_start3A_10 = tpu.memref_squeeze %dma_start3A_9 : memref<1x384xf32, #tpu.memory_space<hbm>> -> memref<384xf32, #tpu.memory_space<hbm>>
      %dma_start3A_11 = arith.constant 0 : i32
      %dma_start3A_12 = tpu.memref_slice %arg3[%add3A, %dma_start3A_11] : memref<32x384xf32, #tpu.memory_space<hbm>> -> memref<1x384xf32, #tpu.memory_space<hbm>>
      %dma_start3A_13 = tpu.memref_squeeze %dma_start3A_12 : memref<1x384xf32, #tpu.memory_space<hbm>> -> memref<384xf32, #tpu.memory_space<hbm>>
      tpu.enqueue_dma source(%dma_start3A_13 : memref<384xf32, #tpu.memory_space<hbm>>) target(%arg9 : memref<384xf32, #tpu.memory_space<vmem>>) target_semaphore(%run_scoped3A : memref<!tpu.dma_semaphore, #tpu.memory_space<semaphore_mem>>)
      %dma_wait3A = arith.constant 0 : i32
      %dma_wait3A_14 = tpu.memref_slice %arg3[%add3A, %dma_wait3A] : memref<32x384xf32, #tpu.memory_space<hbm>> -> memref<1x384xf32, #tpu.memory_space<hbm>>
      %dma_wait3A_15 = tpu.memref_squeeze %dma_wait3A_14 : memref<1x384xf32, #tpu.memory_space<hbm>> -> memref<384xf32, #tpu.memory_space<hbm>>
      %dma_wait3A_16 = arith.constant 0 : i32
      %dma_wait3A_17 = tpu.memref_slice %arg3[%add3A, %dma_wait3A_16] : memref<32x384xf32, #tpu.memory_space<hbm>> -> memref<1x384xf32, #tpu.memory_space<hbm>>
      %dma_wait3A_18 = tpu.memref_squeeze %dma_wait3A_17 : memref<1x384xf32, #tpu.memory_space<hbm>> -> memref<384xf32, #tpu.memory_space<hbm>>
      tpu.wait_dma2 semaphore(%run_scoped3A : memref<!tpu.dma_semaphore, #tpu.memory_space<semaphore_mem>>) src(%dma_wait3A_18 : memref<384xf32, #tpu.memory_space<hbm>>) dst(%arg9 : memref<384xf32, #tpu.memory_space<vmem>>)
      tpu.yield
    }) : () -> ()
    "tpu.region"() ({
      %run_scoped3A = tpu.sem_alloc : memref<!tpu.dma_semaphore, #tpu.memory_space<semaphore_mem>>
      %dma_start3A = arith.constant 0 : i32
      %dma_start3A_9 = tpu.memref_slice %arg4[%add3A, %dma_start3A] : memref<32x384xf32, #tpu.memory_space<hbm>> -> memref<1x384xf32, #tpu.memory_space<hbm>>
      %dma_start3A_10 = tpu.memref_squeeze %dma_start3A_9 : memref<1x384xf32, #tpu.memory_space<hbm>> -> memref<384xf32, #tpu.memory_space<hbm>>
      %dma_start3A_11 = arith.constant 0 : i32
      %dma_start3A_12 = tpu.memref_slice %arg4[%add3A, %dma_start3A_11] : memref<32x384xf32, #tpu.memory_space<hbm>> -> memref<1x384xf32, #tpu.memory_space<hbm>>
      %dma_start3A_13 = tpu.memref_squeeze %dma_start3A_12 : memref<1x384xf32, #tpu.memory_space<hbm>> -> memref<384xf32, #tpu.memory_space<hbm>>
      tpu.enqueue_dma source(%dma_start3A_13 : memref<384xf32, #tpu.memory_space<hbm>>) target(%arg10 : memref<384xf32, #tpu.memory_space<vmem>>) target_semaphore(%run_scoped3A : memref<!tpu.dma_semaphore, #tpu.memory_space<semaphore_mem>>)
      %dma_wait3A = arith.constant 0 : i32
      %dma_wait3A_14 = tpu.memref_slice %arg4[%add3A, %dma_wait3A] : memref<32x384xf32, #tpu.memory_space<hbm>> -> memref<1x384xf32, #tpu.memory_space<hbm>>
      %dma_wait3A_15 = tpu.memref_squeeze %dma_wait3A_14 : memref<1x384xf32, #tpu.memory_space<hbm>> -> memref<384xf32, #tpu.memory_space<hbm>>
      %dma_wait3A_16 = arith.constant 0 : i32
      %dma_wait3A_17 = tpu.memref_slice %arg4[%add3A, %dma_wait3A_16] : memref<32x384xf32, #tpu.memory_space<hbm>> -> memref<1x384xf32, #tpu.memory_space<hbm>>
      %dma_wait3A_18 = tpu.memref_squeeze %dma_wait3A_17 : memref<1x384xf32, #tpu.memory_space<hbm>> -> memref<384xf32, #tpu.memory_space<hbm>>
      tpu.wait_dma2 semaphore(%run_scoped3A : memref<!tpu.dma_semaphore, #tpu.memory_space<semaphore_mem>>) src(%dma_wait3A_18 : memref<384xf32, #tpu.memory_space<hbm>>) dst(%arg10 : memref<384xf32, #tpu.memory_space<vmem>>)
      tpu.yield
    }) : () -> ()
    "tpu.region"() ({
      %run_scoped3A = tpu.sem_alloc : memref<!tpu.dma_semaphore, #tpu.memory_space<semaphore_mem>>
      %dma_start3A = arith.constant 0 : i32
      %dma_start3A_9 = tpu.memref_slice %arg5[%add3A, %dma_start3A] : memref<32x4096xf32, #tpu.memory_space<hbm>> -> memref<1x4096xf32, #tpu.memory_space<hbm>>
      %dma_start3A_10 = tpu.memref_squeeze %dma_start3A_9 : memref<1x4096xf32, #tpu.memory_space<hbm>> -> memref<4096xf32, #tpu.memory_space<hbm>>
      %dma_start3A_11 = arith.constant 0 : i32
      %dma_start3A_12 = tpu.memref_slice %arg5[%add3A, %dma_start3A_11] : memref<32x4096xf32, #tpu.memory_space<hbm>> -> memref<1x4096xf32, #tpu.memory_space<hbm>>
      %dma_start3A_13 = tpu.memref_squeeze %dma_start3A_12 : memref<1x4096xf32, #tpu.memory_space<hbm>> -> memref<4096xf32, #tpu.memory_space<hbm>>
      tpu.enqueue_dma source(%dma_start3A_13 : memref<4096xf32, #tpu.memory_space<hbm>>) target(%arg11 : memref<4096xf32, #tpu.memory_space<vmem>>) target_semaphore(%run_scoped3A : memref<!tpu.dma_semaphore, #tpu.memory_space<semaphore_mem>>)
      %dma_wait3A = arith.constant 0 : i32
      %dma_wait3A_14 = tpu.memref_slice %arg5[%add3A, %dma_wait3A] : memref<32x4096xf32, #tpu.memory_space<hbm>> -> memref<1x4096xf32, #tpu.memory_space<hbm>>
      %dma_wait3A_15 = tpu.memref_squeeze %dma_wait3A_14 : memref<1x4096xf32, #tpu.memory_space<hbm>> -> memref<4096xf32, #tpu.memory_space<hbm>>
      %dma_wait3A_16 = arith.constant 0 : i32
      %dma_wait3A_17 = tpu.memref_slice %arg5[%add3A, %dma_wait3A_16] : memref<32x4096xf32, #tpu.memory_space<hbm>> -> memref<1x4096xf32, #tpu.memory_space<hbm>>
      %dma_wait3A_18 = tpu.memref_squeeze %dma_wait3A_17 : memref<1x4096xf32, #tpu.memory_space<hbm>> -> memref<4096xf32, #tpu.memory_space<hbm>>
      tpu.wait_dma2 semaphore(%run_scoped3A : memref<!tpu.dma_semaphore, #tpu.memory_space<semaphore_mem>>) src(%dma_wait3A_18 : memref<4096xf32, #tpu.memory_space<hbm>>) dst(%arg11 : memref<4096xf32, #tpu.memory_space<vmem>>)
      tpu.yield
    }) : () -> ()
    %iota3A = tpu.iota {dimensions = array<i32: 0>} : vector<16xi32>
    %broadcast_in_dim3A = arith.constant -3.000000e+38 : f32
    %broadcast_in_dim3A_1 = vector.broadcast %broadcast_in_dim3A : f32 to vector<16xf32>
    %broadcast_in_dim3A_2 = arith.constant 0.000000e+00 : f32
    %broadcast_in_dim3A_3 = vector.broadcast %broadcast_in_dim3A_2 : f32 to vector<16xf32>
    %scan3A = arith.constant 0 : i32
    %scan3A_4 = arith.constant 0 : i32
    %scan3A_5 = arith.constant 256 : i32
    %scan3A_6 = arith.addi %scan3A_4, %scan3A_5 : i32
    %scan3A_7 = arith.constant 1 : i32
    scf.for %scan3A_9 = %scan3A_4 to %scan3A_6 step %scan3A_7  : i32 {
      %mul3A_10 = arith.constant 16 : i32
      %mul3A_11 = arith.muli %scan3A_9, %mul3A_10 : i32
      %get3A = arith.index_cast %mul3A_11 : i32 to index
      %get3A_12 = tpu.vector_load %arg11[%get3A] {strides = array<i32>} : memref<4096xf32, #tpu.memory_space<vmem>>, vector<16xf32>,
      %get3A_13 = vector.shape_cast %get3A_12 : vector<16xf32> to vector<16xf32>
      %slice3A = vector.extract_strided_slice %get3A_13 {offsets = [0], sizes = [1], strides = [1]} : vector<16xf32> to vector<1xf32>
      %squeeze3A = vector.extract %slice3A[0] : f32 from vector<1xf32>
      %slice3A_14 = vector.extract_strided_slice %get3A_13 {offsets = [1], sizes = [1], strides = [1]} : vector<16xf32> to vector<1xf32>
      %squeeze3A_15 = vector.extract %slice3A_14[0] : f32 from vector<1xf32>
      %slice3A_16 = vector.extract_strided_slice %get3A_13 {offsets = [2], sizes = [1], strides = [1]} : vector<16xf32> to vector<1xf32>
      %squeeze3A_17 = vector.extract %slice3A_16[0] : f32 from vector<1xf32>
      %slice3A_18 = vector.extract_strided_slice %get3A_13 {offsets = [3], sizes = [1], strides = [1]} : vector<16xf32> to vector<1xf32>
      %squeeze3A_19 = vector.extract %slice3A_18[0] : f32 from vector<1xf32>
      %slice3A_20 = vector.extract_strided_slice %get3A_13 {offsets = [4], sizes = [1], strides = [1]} : vector<16xf32> to vector<1xf32>
      %squeeze3A_21 = vector.extract %slice3A_20[0] : f32 from vector<1xf32>
      %slice3A_22 = vector.extract_strided_slice %get3A_13 {offsets = [5], sizes = [1], strides = [1]} : vector<16xf32> to vector<1xf32>
      %squeeze3A_23 = vector.extract %slice3A_22[0] : f32 from vector<1xf32>
      %slice3A_24 = vector.extract_strided_slice %get3A_13 {offsets = [6], sizes = [1], strides = [1]} : vector<16xf32> to vector<1xf32>
      %squeeze3A_25 = vector.extract %slice3A_24[0] : f32 from vector<1xf32>
      %slice3A_26 = vector.extract_strided_slice %get3A_13 {offsets = [7], sizes = [1], strides = [1]} : vector<16xf32> to vector<1xf32>
      %squeeze3A_27 = vector.extract %slice3A_26[0] : f32 from vector<1xf32>
      %broadcast_in_dim3A_28 = vector.broadcast %squeeze3A : f32 to vector<16xf32>
      %broadcast_in_dim3A_29 = vector.broadcast %squeeze3A_15 : f32 to vector<16xf32>
      %broadcast_in_dim3A_30 = vector.broadcast %squeeze3A_17 : f32 to vector<16xf32>
      %broadcast_in_dim3A_31 = vector.broadcast %squeeze3A_19 : f32 to vector<16xf32>
      %broadcast_in_dim3A_32 = vector.broadcast %squeeze3A_21 : f32 to vector<16xf32>
      %broadcast_in_dim3A_33 = vector.broadcast %squeeze3A_23 : f32 to vector<16xf32>
      %broadcast_in_dim3A_34 = vector.broadcast %squeeze3A_25 : f32 to vector<16xf32>
      %broadcast_in_dim3A_35 = vector.broadcast %squeeze3A_27 : f32 to vector<16xf32>
      %mul3A_36 = arith.mulf %broadcast_in_dim3A_28, %broadcast_in_dim3A_28 : vector<16xf32>
      %mul3A_37 = arith.mulf %broadcast_in_dim3A_29, %broadcast_in_dim3A_29 : vector<16xf32>
      %mul3A_38 = arith.mulf %broadcast_in_dim3A_30, %broadcast_in_dim3A_30 : vector<16xf32>
      %mul3A_39 = arith.mulf %broadcast_in_dim3A_31, %broadcast_in_dim3A_31 : vector<16xf32>
      %mul3A_40 = arith.mulf %broadcast_in_dim3A_32, %broadcast_in_dim3A_32 : vector<16xf32>
      %mul3A_41 = arith.mulf %broadcast_in_dim3A_33, %broadcast_in_dim3A_33 : vector<16xf32>
      %mul3A_42 = arith.mulf %broadcast_in_dim3A_34, %broadcast_in_dim3A_34 : vector<16xf32>
      %mul3A_43 = arith.mulf %broadcast_in_dim3A_35, %broadcast_in_dim3A_35 : vector<16xf32>
      %scan3A_44 = arith.constant 0 : i32
      %scan3A_45 = arith.constant 24 : i32
      %scan3A_46 = arith.addi %scan3A_44, %scan3A_45 : i32
      %scan3A_47 = arith.constant 1 : i32
      %scan3A_48:8 = scf.for %scan3A_2025 = %scan3A_44 to %scan3A_46 step %scan3A_47 iter_args(%scan3A_2026 = %broadcast_in_dim3A_1, %scan3A_2027 = %broadcast_in_dim3A_1, %scan3A_2028 = %broadcast_in_dim3A_1, %scan3A_2029 = %broadcast_in_dim3A_1, %scan3A_2030 = %broadcast_in_dim3A_1, %scan3A_2031 = %broadcast_in_dim3A_1, %scan3A_2032 = %broadcast_in_dim3A_1, %scan3A_2033 = %broadcast_in_dim3A_1) -> (vector<16xf32>, vector<16xf32>, vector<16xf32>, vector<16xf32>, vector<16xf32>, vector<16xf32>, vector<16xf32>, vector<16xf32>)  : i32 {
        %mul3A_2034 = arith.constant 16 : i32
        %mul3A_2035 = arith.muli %scan3A_2025, %mul3A_2034 : i32
        %get3A_2036 = arith.index_cast %mul3A_2035 : i32 to index
        %get3A_2037 = tpu.vector_load %arg8[%get3A_2036] {strides = array<i32>} : memref<384xf32, #tpu.memory_space<vmem>>, vector<16xf32>,
        %get3A_2038 = vector.shape_cast %get3A_2037 : vector<16xf32> to vector<16xf32>
        %get3A_2039 = arith.index_cast %mul3A_2035 : i32 to index
        %get3A_2040 = tpu.vector_load %arg9[%get3A_2039] {strides = array<i32>} : memref<384xf32, #tpu.memory_space<vmem>>, vector<16xf32>,
        %get3A_2041 = vector.shape_cast %get3A_2040 : vector<16xf32> to vector<16xf32>
        %get3A_2042 = arith.index_cast %mul3A_2035 : i32 to index
        %get3A_2043 = tpu.vector_load %arg10[%get3A_2042] {strides = array<i32>} : memref<384xf32, #tpu.memory_space<vmem>>, vector<16xf32>,
        %get3A_2044 = vector.shape_cast %get3A_2043 : vector<16xf32> to vector<16xf32>
        %mul3A_2045 = arith.mulf %get3A_2038, %mul3A_36 : vector<16xf32>
        %mul3A_2046 = arith.mulf %get3A_2041, %broadcast_in_dim3A_28 : vector<16xf32>
        %add3A_2047 = arith.addf %mul3A_2045, %mul3A_2046 : vector<16xf32>
        %add3A_2048 = arith.addf %add3A_2047, %get3A_2044 : vector<16xf32>
        %swap3A_2049 = arith.index_cast %mul3A_2035 : i32 to index
        %swap3A_2050 = tpu.vector_load %arg14[%swap3A_2049] {strides = array<i32>} : memref<384xf32, #tpu.memory_space<vmem>>, vector<16xf32>,
        %swap3A_2051 = vector.shape_cast %swap3A_2050 : vector<16xf32> to vector<16xf32>
        %swap3A_2052 = vector.shape_cast %add3A_2048 : vector<16xf32> to vector<16xf32>
        tpu.vector_store %arg14[%swap3A_2049], %swap3A_2052 {strides = array<i32>} : memref<384xf32, #tpu.memory_space<vmem>>, vector<16xf32>,
        %max3A_2053 = arith.maximumf %scan3A_2026, %add3A_2048 : vector<16xf32>
        %mul3A_2054 = arith.mulf %get3A_2038, %mul3A_37 : vector<16xf32>
        %mul3A_2055 = arith.mulf %get3A_2041, %broadcast_in_dim3A_29 : vector<16xf32>
        %add3A_2056 = arith.addf %mul3A_2054, %mul3A_2055 : vector<16xf32>
        %add3A_2057 = arith.addf %add3A_2056, %get3A_2044 : vector<16xf32>
        %swap3A_2058 = arith.index_cast %mul3A_2035 : i32 to index
        %swap3A_2059 = tpu.vector_load %arg15[%swap3A_2058] {strides = array<i32>} : memref<384xf32, #tpu.memory_space<vmem>>, vector<16xf32>,
        %swap3A_2060 = vector.shape_cast %swap3A_2059 : vector<16xf32> to vector<16xf32>
        %swap3A_2061 = vector.shape_cast %add3A_2057 : vector<16xf32> to vector<16xf32>
        tpu.vector_store %arg15[%swap3A_2058], %swap3A_2061 {strides = array<i32>} : memref<384xf32, #tpu.memory_space<vmem>>, vector<16xf32>,
        %max3A_2062 = arith.maximumf %scan3A_2027, %add3A_2057 : vector<16xf32>
        %mul3A_2063 = arith.mulf %get3A_2038, %mul3A_38 : vector<16xf32>
        %mul3A_2064 = arith.mulf %get3A_2041, %broadcast_in_dim3A_30 : vector<16xf32>
        %add3A_2065 = arith.addf %mul3A_2063, %mul3A_2064 : vector<16xf32>
        %add3A_2066 = arith.addf %add3A_2065, %get3A_2044 : vector<16xf32>
        %swap3A_2067 = arith.index_cast %mul3A_2035 : i32 to index
        %swap3A_2068 = tpu.vector_load %arg16[%swap3A_2067] {strides = array<i32>} : memref<384xf32, #tpu.memory_space<vmem>>, vector<16xf32>,
        %swap3A_2069 = vector.shape_cast %swap3A_2068 : vector<16xf32> to vector<16xf32>
        %swap3A_2070 = vector.shape_cast %add3A_2066 : vector<16xf32> to vector<16xf32>
        tpu.vector_store %arg16[%swap3A_2067], %swap3A_2070 {strides = array<i32>} : memref<384xf32, #tpu.memory_space<vmem>>, vector<16xf32>,
        %max3A_2071 = arith.maximumf %scan3A_2028, %add3A_2066 : vector<16xf32>
        %mul3A_2072 = arith.mulf %get3A_2038, %mul3A_39 : vector<16xf32>
        %mul3A_2073 = arith.mulf %get3A_2041, %broadcast_in_dim3A_31 : vector<16xf32>
        %add3A_2074 = arith.addf %mul3A_2072, %mul3A_2073 : vector<16xf32>
        %add3A_2075 = arith.addf %add3A_2074, %get3A_2044 : vector<16xf32>
        %swap3A_2076 = arith.index_cast %mul3A_2035 : i32 to index
        %swap3A_2077 = tpu.vector_load %arg17[%swap3A_2076] {strides = array<i32>} : memref<384xf32, #tpu.memory_space<vmem>>, vector<16xf32>,
        %swap3A_2078 = vector.shape_cast %swap3A_2077 : vector<16xf32> to vector<16xf32>
        %swap3A_2079 = vector.shape_cast %add3A_2075 : vector<16xf32> to vector<16xf32>
        tpu.vector_store %arg17[%swap3A_2076], %swap3A_2079 {strides = array<i32>} : memref<384xf32, #tpu.memory_space<vmem>>, vector<16xf32>,
        %max3A_2080 = arith.maximumf %scan3A_2029, %add3A_2075 : vector<16xf32>
        %mul3A_2081 = arith.mulf %get3A_2038, %mul3A_40 : vector<16xf32>
        %mul3A_2082 = arith.mulf %get3A_2041, %broadcast_in_dim3A_32 : vector<16xf32>
        %add3A_2083 = arith.addf %mul3A_2081, %mul3A_2082 : vector<16xf32>
        %add3A_2084 = arith.addf %add3A_2083, %get3A_2044 : vector<16xf32>
        %swap3A_2085 = arith.index_cast %mul3A_2035 : i32 to index
        %swap3A_2086 = tpu.vector_load %arg18[%swap3A_2085] {strides = array<i32>} : memref<384xf32, #tpu.memory_space<vmem>>, vector<16xf32>,
        %swap3A_2087 = vector.shape_cast %swap3A_2086 : vector<16xf32> to vector<16xf32>
        %swap3A_2088 = vector.shape_cast %add3A_2084 : vector<16xf32> to vector<16xf32>
        tpu.vector_store %arg18[%swap3A_2085], %swap3A_2088 {strides = array<i32>} : memref<384xf32, #tpu.memory_space<vmem>>, vector<16xf32>,
        %max3A_2089 = arith.maximumf %scan3A_2030, %add3A_2084 : vector<16xf32>
        %mul3A_2090 = arith.mulf %get3A_2038, %mul3A_41 : vector<16xf32>
        %mul3A_2091 = arith.mulf %get3A_2041, %broadcast_in_dim3A_33 : vector<16xf32>
        %add3A_2092 = arith.addf %mul3A_2090, %mul3A_2091 : vector<16xf32>
        %add3A_2093 = arith.addf %add3A_2092, %get3A_2044 : vector<16xf32>
        %swap3A_2094 = arith.index_cast %mul3A_2035 : i32 to index
        %swap3A_2095 = tpu.vector_load %arg19[%swap3A_2094] {strides = array<i32>} : memref<384xf32, #tpu.memory_space<vmem>>, vector<16xf32>,
        %swap3A_2096 = vector.shape_cast %swap3A_2095 : vector<16xf32> to vector<16xf32>
        %swap3A_2097 = vector.shape_cast %add3A_2093 : vector<16xf32> to vector<16xf32>
        tpu.vector_store %arg19[%swap3A_2094], %swap3A_2097 {strides = array<i32>} : memref<384xf32, #tpu.memory_space<vmem>>, vector<16xf32>,
        %max3A_2098 = arith.maximumf %scan3A_2031, %add3A_2093 : vector<16xf32>
        %mul3A_2099 = arith.mulf %get3A_2038, %mul3A_42 : vector<16xf32>
        %mul3A_2100 = arith.mulf %get3A_2041, %broadcast_in_dim3A_34 : vector<16xf32>
        %add3A_2101 = arith.addf %mul3A_2099, %mul3A_2100 : vector<16xf32>
        %add3A_2102 = arith.addf %add3A_2101, %get3A_2044 : vector<16xf32>
        %swap3A_2103 = arith.index_cast %mul3A_2035 : i32 to index
        %swap3A_2104 = tpu.vector_load %arg20[%swap3A_2103] {strides = array<i32>} : memref<384xf32, #tpu.memory_space<vmem>>, vector<16xf32>,
        %swap3A_2105 = vector.shape_cast %swap3A_2104 : vector<16xf32> to vector<16xf32>
        %swap3A_2106 = vector.shape_cast %add3A_2102 : vector<16xf32> to vector<16xf32>
        tpu.vector_store %arg20[%swap3A_2103], %swap3A_2106 {strides = array<i32>} : memref<384xf32, #tpu.memory_space<vmem>>, vector<16xf32>,
        %max3A_2107 = arith.maximumf %scan3A_2032, %add3A_2102 : vector<16xf32>
        %mul3A_2108 = arith.mulf %get3A_2038, %mul3A_43 : vector<16xf32>
        %mul3A_2109 = arith.mulf %get3A_2041, %broadcast_in_dim3A_35 : vector<16xf32>
        %add3A_2110 = arith.addf %mul3A_2108, %mul3A_2109 : vector<16xf32>
        %add3A_2111 = arith.addf %add3A_2110, %get3A_2044 : vector<16xf32>
        %swap3A_2112 = arith.index_cast %mul3A_2035 : i32 to index
        %swap3A_2113 = tpu.vector_load %arg21[%swap3A_2112] {strides = array<i32>} : memref<384xf32, #tpu.memory_space<vmem>>, vector<16xf32>,
        %swap3A_2114 = vector.shape_cast %swap3A_2113 : vector<16xf32> to vector<16xf32>
        %swap3A_2115 = vector.shape_cast %add3A_2111 : vector<16xf32> to vector<16xf32>
        tpu.vector_store %arg21[%swap3A_2112], %swap3A_2115 {strides = array<i32>} : memref<384xf32, #tpu.memory_space<vmem>>, vector<16xf32>,
        %max3A_2116 = arith.maximumf %scan3A_2033, %add3A_2111 : vector<16xf32>
        scf.yield %max3A_2053, %max3A_2062, %max3A_2071, %max3A_2080, %max3A_2089, %max3A_2098, %max3A_2107, %max3A_2116 : vector<16xf32>, vector<16xf32>, vector<16xf32>, vector<16xf32>, vector<16xf32>, vector<16xf32>, vector<16xf32>, vector<16xf32>
      }
      %scan3A_49 = arith.constant 24 : i32
      %xor3A = arith.constant 8 : i32
      %xor3A_50 = vector.broadcast %xor3A : i32 to vector<16xi32>
      %xor3A_51 = arith.xori %iota3A, %xor3A_50 : vector<16xi32>
      %lt3A = arith.constant 0 : i32
      %lt3A_52 = vector.broadcast %lt3A : i32 to vector<16xi32>
      %lt3A_53 = arith.cmpi slt, %xor3A_51, %lt3A_52 : vector<16xi32>
      %add3A_54 = arith.constant 16 : i32
      %add3A_55 = vector.broadcast %add3A_54 : i32 to vector<16xi32>
      %add3A_56 = arith.addi %xor3A_51, %add3A_55 : vector<16xi32>
      %select_n3A = arith.select %lt3A_53, %add3A_56, %xor3A_51 : vector<16xi1>, vector<16xi32>
      %broadcast_in_dim3A_57 = vector.shape_cast %select_n3A : vector<16xi32> to vector<16x1xi32>
      %gather3A = vector.shape_cast %broadcast_in_dim3A_57 : vector<16x1xi32> to vector<16xi32>
      %gather3A_58 = tpu.dynamic_gather %scan3A_48#0[%gather3A] in [0] : vector<16xf32>, vector<16xi32> -> vector<16xf32>
      %max3A = arith.maximumf %scan3A_48#0, %gather3A_58 : vector<16xf32>
      %xor3A_59 = arith.constant 4 : i32
      %xor3A_60 = vector.broadcast %xor3A_59 : i32 to vector<16xi32>
      %xor3A_61 = arith.xori %iota3A, %xor3A_60 : vector<16xi32>
      %lt3A_62 = arith.constant 0 : i32
      %lt3A_63 = vector.broadcast %lt3A_62 : i32 to vector<16xi32>
      %lt3A_64 = arith.cmpi slt, %xor3A_61, %lt3A_63 : vector<16xi32>
      %add3A_65 = arith.constant 16 : i32
      %add3A_66 = vector.broadcast %add3A_65 : i32 to vector<16xi32>
      %add3A_67 = arith.addi %xor3A_61, %add3A_66 : vector<16xi32>
      %select_n3A_68 = arith.select %lt3A_64, %add3A_67, %xor3A_61 : vector<16xi1>, vector<16xi32>
      %broadcast_in_dim3A_69 = vector.shape_cast %select_n3A_68 : vector<16xi32> to vector<16x1xi32>
      %gather3A_70 = vector.shape_cast %broadcast_in_dim3A_69 : vector<16x1xi32> to vector<16xi32>
      %gather3A_71 = tpu.dynamic_gather %max3A[%gather3A_70] in [0] : vector<16xf32>, vector<16xi32> -> vector<16xf32>
      %max3A_72 = arith.maximumf %max3A, %gather3A_71 : vector<16xf32>
      %xor3A_73 = arith.constant 2 : i32
      %xor3A_74 = vector.broadcast %xor3A_73 : i32 to vector<16xi32>
      %xor3A_75 = arith.xori %iota3A, %xor3A_74 : vector<16xi32>
      %lt3A_76 = arith.constant 0 : i32
      %lt3A_77 = vector.broadcast %lt3A_76 : i32 to vector<16xi32>
      %lt3A_78 = arith.cmpi slt, %xor3A_75, %lt3A_77 : vector<16xi32>
      %add3A_79 = arith.constant 16 : i32
      %add3A_80 = vector.broadcast %add3A_79 : i32 to vector<16xi32>
      %add3A_81 = arith.addi %xor3A_75, %add3A_80 : vector<16xi32>
      %select_n3A_82 = arith.select %lt3A_78, %add3A_81, %xor3A_75 : vector<16xi1>, vector<16xi32>
      %broadcast_in_dim3A_83 = vector.shape_cast %select_n3A_82 : vector<16xi32> to vector<16x1xi32>
      %gather3A_84 = vector.shape_cast %broadcast_in_dim3A_83 : vector<16x1xi32> to vector<16xi32>
      %gather3A_85 = tpu.dynamic_gather %max3A_72[%gather3A_84] in [0] : vector<16xf32>, vector<16xi32> -> vector<16xf32>
      %max3A_86 = arith.maximumf %max3A_72, %gather3A_85 : vector<16xf32>
      %xor3A_87 = arith.constant 1 : i32
      %xor3A_88 = vector.broadcast %xor3A_87 : i32 to vector<16xi32>
      %xor3A_89 = arith.xori %iota3A, %xor3A_88 : vector<16xi32>
      %lt3A_90 = arith.constant 0 : i32
      %lt3A_91 = vector.broadcast %lt3A_90 : i32 to vector<16xi32>
      %lt3A_92 = arith.cmpi slt, %xor3A_89, %lt3A_91 : vector<16xi32>
      %add3A_93 = arith.constant 16 : i32
      %add3A_94 = vector.broadcast %add3A_93 : i32 to vector<16xi32>
      %add3A_95 = arith.addi %xor3A_89, %add3A_94 : vector<16xi32>
      %select_n3A_96 = arith.select %lt3A_92, %add3A_95, %xor3A_89 : vector<16xi1>, vector<16xi32>
      %broadcast_in_dim3A_97 = vector.shape_cast %select_n3A_96 : vector<16xi32> to vector<16x1xi32>
      %gather3A_98 = vector.shape_cast %broadcast_in_dim3A_97 : vector<16x1xi32> to vector<16xi32>
      %gather3A_99 = tpu.dynamic_gather %max3A_86[%gather3A_98] in [0] : vector<16xf32>, vector<16xi32> -> vector<16xf32>
      %max3A_100 = arith.maximumf %max3A_86, %gather3A_99 : vector<16xf32>
      %xor3A_101 = arith.constant 8 : i32
      %xor3A_102 = vector.broadcast %xor3A_101 : i32 to vector<16xi32>
      %xor3A_103 = arith.xori %iota3A, %xor3A_102 : vector<16xi32>
      %lt3A_104 = arith.constant 0 : i32
      %lt3A_105 = vector.broadcast %lt3A_104 : i32 to vector<16xi32>
      %lt3A_106 = arith.cmpi slt, %xor3A_103, %lt3A_105 : vector<16xi32>
      %add3A_107 = arith.constant 16 : i32
      %add3A_108 = vector.broadcast %add3A_107 : i32 to vector<16xi32>
      %add3A_109 = arith.addi %xor3A_103, %add3A_108 : vector<16xi32>
      %select_n3A_110 = arith.select %lt3A_106, %add3A_109, %xor3A_103 : vector<16xi1>, vector<16xi32>
      %broadcast_in_dim3A_111 = vector.shape_cast %select_n3A_110 : vector<16xi32> to vector<16x1xi32>
      %gather3A_112 = vector.shape_cast %broadcast_in_dim3A_111 : vector<16x1xi32> to vector<16xi32>
      %gather3A_113 = tpu.dynamic_gather %scan3A_48#1[%gather3A_112] in [0] : vector<16xf32>, vector<16xi32> -> vector<16xf32>
      %max3A_114 = arith.maximumf %scan3A_48#1, %gather3A_113 : vector<16xf32>
      %xor3A_115 = arith.constant 4 : i32
      %xor3A_116 = vector.broadcast %xor3A_115 : i32 to vector<16xi32>
      %xor3A_117 = arith.xori %iota3A, %xor3A_116 : vector<16xi32>
      %lt3A_118 = arith.constant 0 : i32
      %lt3A_119 = vector.broadcast %lt3A_118 : i32 to vector<16xi32>
      %lt3A_120 = arith.cmpi slt, %xor3A_117, %lt3A_119 : vector<16xi32>
      %add3A_121 = arith.constant 16 : i32
      %add3A_122 = vector.broadcast %add3A_121 : i32 to vector<16xi32>
      %add3A_123 = arith.addi %xor3A_117, %add3A_122 : vector<16xi32>
      %select_n3A_124 = arith.select %lt3A_120, %add3A_123, %xor3A_117 : vector<16xi1>, vector<16xi32>
      %broadcast_in_dim3A_125 = vector.shape_cast %select_n3A_124 : vector<16xi32> to vector<16x1xi32>
      %gather3A_126 = vector.shape_cast %broadcast_in_dim3A_125 : vector<16x1xi32> to vector<16xi32>
      %gather3A_127 = tpu.dynamic_gather %max3A_114[%gather3A_126] in [0] : vector<16xf32>, vector<16xi32> -> vector<16xf32>
      %max3A_128 = arith.maximumf %max3A_114, %gather3A_127 : vector<16xf32>
      %xor3A_129 = arith.constant 2 : i32
      %xor3A_130 = vector.broadcast %xor3A_129 : i32 to vector<16xi32>
      %xor3A_131 = arith.xori %iota3A, %xor3A_130 : vector<16xi32>
      %lt3A_132 = arith.constant 0 : i32
      %lt3A_133 = vector.broadcast %lt3A_132 : i32 to vector<16xi32>
      %lt3A_134 = arith.cmpi slt, %xor3A_131, %lt3A_133 : vector<16xi32>
      %add3A_135 = arith.constant 16 : i32
      %add3A_136 = vector.broadcast %add3A_135 : i32 to vector<16xi32>
      %add3A_137 = arith.addi %xor3A_131, %add3A_136 : vector<16xi32>
      %select_n3A_138 = arith.select %lt3A_134, %add3A_137, %xor3A_131 : vector<16xi1>, vector<16xi32>
      %broadcast_in_dim3A_139 = vector.shape_cast %select_n3A_138 : vector<16xi32> to vector<16x1xi32>
      %gather3A_140 = vector.shape_cast %broadcast_in_dim3A_139 : vector<16x1xi32> to vector<16xi32>
      %gather3A_141 = tpu.dynamic_gather %max3A_128[%gather3A_140] in [0] : vector<16xf32>, vector<16xi32> -> vector<16xf32>
      %max3A_142 = arith.maximumf %max3A_128, %gather3A_141 : vector<16xf32>
      %xor3A_143 = arith.constant 1 : i32
      %xor3A_144 = vector.broadcast %xor3A_143 : i32 to vector<16xi32>
      %xor3A_145 = arith.xori %iota3A, %xor3A_144 : vector<16xi32>
      %lt3A_146 = arith.constant 0 : i32
      %lt3A_147 = vector.broadcast %lt3A_146 : i32 to vector<16xi32>
      %lt3A_148 = arith.cmpi slt, %xor3A_145, %lt3A_147 : vector<16xi32>
      %add3A_149 = arith.constant 16 : i32
      %add3A_150 = vector.broadcast %add3A_149 : i32 to vector<16xi32>
      %add3A_151 = arith.addi %xor3A_145, %add3A_150 : vector<16xi32>
      %select_n3A_152 = arith.select %lt3A_148, %add3A_151, %xor3A_145 : vector<16xi1>, vector<16xi32>
      %broadcast_in_dim3A_153 = vector.shape_cast %select_n3A_152 : vector<16xi32> to vector<16x1xi32>
      %gather3A_154 = vector.shape_cast %broadcast_in_dim3A_153 : vector<16x1xi32> to vector<16xi32>
      %gather3A_155 = tpu.dynamic_gather %max3A_142[%gather3A_154] in [0] : vector<16xf32>, vector<16xi32> -> vector<16xf32>
      %max3A_156 = arith.maximumf %max3A_142, %gather3A_155 : vector<16xf32>
      %xor3A_157 = arith.constant 8 : i32
      %xor3A_158 = vector.broadcast %xor3A_157 : i32 to vector<16xi32>
      %xor3A_159 = arith.xori %iota3A, %xor3A_158 : vector<16xi32>
      %lt3A_160 = arith.constant 0 : i32
      %lt3A_161 = vector.broadcast %lt3A_160 : i32 to vector<16xi32>
      %lt3A_162 = arith.cmpi slt, %xor3A_159, %lt3A_161 : vector<16xi32>
      %add3A_163 = arith.constant 16 : i32
      %add3A_164 = vector.broadcast %add3A_163 : i32 to vector<16xi32>
      %add3A_165 = arith.addi %xor3A_159, %add3A_164 : vector<16xi32>
      %select_n3A_166 = arith.select %lt3A_162, %add3A_165, %xor3A_159 : vector<16xi1>, vector<16xi32>
      %broadcast_in_dim3A_167 = vector.shape_cast %select_n3A_166 : vector<16xi32> to vector<16x1xi32>
      %gather3A_168 = vector.shape_cast %broadcast_in_dim3A_167 : vector<16x1xi32> to vector<16xi32>
      %gather3A_169 = tpu.dynamic_gather %scan3A_48#2[%gather3A_168] in [0] : vector<16xf32>, vector<16xi32> -> vector<16xf32>
      %max3A_170 = arith.maximumf %scan3A_48#2, %gather3A_169 : vector<16xf32>
      %xor3A_171 = arith.constant 4 : i32
      %xor3A_172 = vector.broadcast %xor3A_171 : i32 to vector<16xi32>
      %xor3A_173 = arith.xori %iota3A, %xor3A_172 : vector<16xi32>
      %lt3A_174 = arith.constant 0 : i32
      %lt3A_175 = vector.broadcast %lt3A_174 : i32 to vector<16xi32>
      %lt3A_176 = arith.cmpi slt, %xor3A_173, %lt3A_175 : vector<16xi32>
      %add3A_177 = arith.constant 16 : i32
      %add3A_178 = vector.broadcast %add3A_177 : i32 to vector<16xi32>
      %add3A_179 = arith.addi %xor3A_173, %add3A_178 : vector<16xi32>
      %select_n3A_180 = arith.select %lt3A_176, %add3A_179, %xor3A_173 : vector<16xi1>, vector<16xi32>
      %broadcast_in_dim3A_181 = vector.shape_cast %select_n3A_180 : vector<16xi32> to vector<16x1xi32>
      %gather3A_182 = vector.shape_cast %broadcast_in_dim3A_181 : vector<16x1xi32> to vector<16xi32>
      %gather3A_183 = tpu.dynamic_gather %max3A_170[%gather3A_182] in [0] : vector<16xf32>, vector<16xi32> -> vector<16xf32>
      %max3A_184 = arith.maximumf %max3A_170, %gather3A_183 : vector<16xf32>
      %xor3A_185 = arith.constant 2 : i32
      %xor3A_186 = vector.broadcast %xor3A_185 : i32 to vector<16xi32>
      %xor3A_187 = arith.xori %iota3A, %xor3A_186 : vector<16xi32>
      %lt3A_188 = arith.constant 0 : i32
      %lt3A_189 = vector.broadcast %lt3A_188 : i32 to vector<16xi32>
      %lt3A_190 = arith.cmpi slt, %xor3A_187, %lt3A_189 : vector<16xi32>
      %add3A_191 = arith.constant 16 : i32
      %add3A_192 = vector.broadcast %add3A_191 : i32 to vector<16xi32>
      %add3A_193 = arith.addi %xor3A_187, %add3A_192 : vector<16xi32>
      %select_n3A_194 = arith.select %lt3A_190, %add3A_193, %xor3A_187 : vector<16xi1>, vector<16xi32>
      %broadcast_in_dim3A_195 = vector.shape_cast %select_n3A_194 : vector<16xi32> to vector<16x1xi32>
      %gather3A_196 = vector.shape_cast %broadcast_in_dim3A_195 : vector<16x1xi32> to vector<16xi32>
      %gather3A_197 = tpu.dynamic_gather %max3A_184[%gather3A_196] in [0] : vector<16xf32>, vector<16xi32> -> vector<16xf32>
      %max3A_198 = arith.maximumf %max3A_184, %gather3A_197 : vector<16xf32>
      %xor3A_199 = arith.constant 1 : i32
      %xor3A_200 = vector.broadcast %xor3A_199 : i32 to vector<16xi32>
      %xor3A_201 = arith.xori %iota3A, %xor3A_200 : vector<16xi32>
      %lt3A_202 = arith.constant 0 : i32
      %lt3A_203 = vector.broadcast %lt3A_202 : i32 to vector<16xi32>
      %lt3A_204 = arith.cmpi slt, %xor3A_201, %lt3A_203 : vector<16xi32>
      %add3A_205 = arith.constant 16 : i32
      %add3A_206 = vector.broadcast %add3A_205 : i32 to vector<16xi32>
      %add3A_207 = arith.addi %xor3A_201, %add3A_206 : vector<16xi32>
      %select_n3A_208 = arith.select %lt3A_204, %add3A_207, %xor3A_201 : vector<16xi1>, vector<16xi32>
      %broadcast_in_dim3A_209 = vector.shape_cast %select_n3A_208 : vector<16xi32> to vector<16x1xi32>
      %gather3A_210 = vector.shape_cast %broadcast_in_dim3A_209 : vector<16x1xi32> to vector<16xi32>
      %gather3A_211 = tpu.dynamic_gather %max3A_198[%gather3A_210] in [0] : vector<16xf32>, vector<16xi32> -> vector<16xf32>
      %max3A_212 = arith.maximumf %max3A_198, %gather3A_211 : vector<16xf32>
      %xor3A_213 = arith.constant 8 : i32
      %xor3A_214 = vector.broadcast %xor3A_213 : i32 to vector<16xi32>
      %xor3A_215 = arith.xori %iota3A, %xor3A_214 : vector<16xi32>
      %lt3A_216 = arith.constant 0 : i32
      %lt3A_217 = vector.broadcast %lt3A_216 : i32 to vector<16xi32>
      %lt3A_218 = arith.cmpi slt, %xor3A_215, %lt3A_217 : vector<16xi32>
      %add3A_219 = arith.constant 16 : i32
      %add3A_220 = vector.broadcast %add3A_219 : i32 to vector<16xi32>
      %add3A_221 = arith.addi %xor3A_215, %add3A_220 : vector<16xi32>
      %select_n3A_222 = arith.select %lt3A_218, %add3A_221, %xor3A_215 : vector<16xi1>, vector<16xi32>
      %broadcast_in_dim3A_223 = vector.shape_cast %select_n3A_222 : vector<16xi32> to vector<16x1xi32>
      %gather3A_224 = vector.shape_cast %broadcast_in_dim3A_223 : vector<16x1xi32> to vector<16xi32>
      %gather3A_225 = tpu.dynamic_gather %scan3A_48#3[%gather3A_224] in [0] : vector<16xf32>, vector<16xi32> -> vector<16xf32>
      %max3A_226 = arith.maximumf %scan3A_48#3, %gather3A_225 : vector<16xf32>
      %xor3A_227 = arith.constant 4 : i32
      %xor3A_228 = vector.broadcast %xor3A_227 : i32 to vector<16xi32>
      %xor3A_229 = arith.xori %iota3A, %xor3A_228 : vector<16xi32>
      %lt3A_230 = arith.constant 0 : i32
      %lt3A_231 = vector.broadcast %lt3A_230 : i32 to vector<16xi32>
      %lt3A_232 = arith.cmpi slt, %xor3A_229, %lt3A_231 : vector<16xi32>
      %add3A_233 = arith.constant 16 : i32
      %add3A_234 = vector.broadcast %add3A_233 : i32 to vector<16xi32>
      %add3A_235 = arith.addi %xor3A_229, %add3A_234 : vector<16xi32>
      %select_n3A_236 = arith.select %lt3A_232, %add3A_235, %xor3A_229 : vector<16xi1>, vector<16xi32>
      %broadcast_in_dim3A_237 = vector.shape_cast %select_n3A_236 : vector<16xi32> to vector<16x1xi32>
      %gather3A_238 = vector.shape_cast %broadcast_in_dim3A_237 : vector<16x1xi32> to vector<16xi32>
      %gather3A_239 = tpu.dynamic_gather %max3A_226[%gather3A_238] in [0] : vector<16xf32>, vector<16xi32> -> vector<16xf32>
      %max3A_240 = arith.maximumf %max3A_226, %gather3A_239 : vector<16xf32>
      %xor3A_241 = arith.constant 2 : i32
      %xor3A_242 = vector.broadcast %xor3A_241 : i32 to vector<16xi32>
      %xor3A_243 = arith.xori %iota3A, %xor3A_242 : vector<16xi32>
      %lt3A_244 = arith.constant 0 : i32
      %lt3A_245 = vector.broadcast %lt3A_244 : i32 to vector<16xi32>
      %lt3A_246 = arith.cmpi slt, %xor3A_243, %lt3A_245 : vector<16xi32>
      %add3A_247 = arith.constant 16 : i32
      %add3A_248 = vector.broadcast %add3A_247 : i32 to vector<16xi32>
      %add3A_249 = arith.addi %xor3A_243, %add3A_248 : vector<16xi32>
      %select_n3A_250 = arith.select %lt3A_246, %add3A_249, %xor3A_243 : vector<16xi1>, vector<16xi32>
      %broadcast_in_dim3A_251 = vector.shape_cast %select_n3A_250 : vector<16xi32> to vector<16x1xi32>
      %gather3A_252 = vector.shape_cast %broadcast_in_dim3A_251 : vector<16x1xi32> to vector<16xi32>
      %gather3A_253 = tpu.dynamic_gather %max3A_240[%gather3A_252] in [0] : vector<16xf32>, vector<16xi32> -> vector<16xf32>
      %max3A_254 = arith.maximumf %max3A_240, %gather3A_253 : vector<16xf32>
      %xor3A_255 = arith.constant 1 : i32
      %xor3A_256 = vector.broadcast %xor3A_255 : i32 to vector<16xi32>
      %xor3A_257 = arith.xori %iota3A, %xor3A_256 : vector<16xi32>
      %lt3A_258 = arith.constant 0 : i32
      %lt3A_259 = vector.broadcast %lt3A_258 : i32 to vector<16xi32>
      %lt3A_260 = arith.cmpi slt, %xor3A_257, %lt3A_259 : vector<16xi32>
      %add3A_261 = arith.constant 16 : i32
      %add3A_262 = vector.broadcast %add3A_261 : i32 to vector<16xi32>
      %add3A_263 = arith.addi %xor3A_257, %add3A_262 : vector<16xi32>
      %select_n3A_264 = arith.select %lt3A_260, %add3A_263, %xor3A_257 : vector<16xi1>, vector<16xi32>
      %broadcast_in_dim3A_265 = vector.shape_cast %select_n3A_264 : vector<16xi32> to vector<16x1xi32>
      %gather3A_266 = vector.shape_cast %broadcast_in_dim3A_265 : vector<16x1xi32> to vector<16xi32>
      %gather3A_267 = tpu.dynamic_gather %max3A_254[%gather3A_266] in [0] : vector<16xf32>, vector<16xi32> -> vector<16xf32>
      %max3A_268 = arith.maximumf %max3A_254, %gather3A_267 : vector<16xf32>
      %xor3A_269 = arith.constant 8 : i32
      %xor3A_270 = vector.broadcast %xor3A_269 : i32 to vector<16xi32>
      %xor3A_271 = arith.xori %iota3A, %xor3A_270 : vector<16xi32>
      %lt3A_272 = arith.constant 0 : i32
      %lt3A_273 = vector.broadcast %lt3A_272 : i32 to vector<16xi32>
      %lt3A_274 = arith.cmpi slt, %xor3A_271, %lt3A_273 : vector<16xi32>
      %add3A_275 = arith.constant 16 : i32
      %add3A_276 = vector.broadcast %add3A_275 : i32 to vector<16xi32>
      %add3A_277 = arith.addi %xor3A_271, %add3A_276 : vector<16xi32>
      %select_n3A_278 = arith.select %lt3A_274, %add3A_277, %xor3A_271 : vector<16xi1>, vector<16xi32>
      %broadcast_in_dim3A_279 = vector.shape_cast %select_n3A_278 : vector<16xi32> to vector<16x1xi32>
      %gather3A_280 = vector.shape_cast %broadcast_in_dim3A_279 : vector<16x1xi32> to vector<16xi32>
      %gather3A_281 = tpu.dynamic_gather %scan3A_48#4[%gather3A_280] in [0] : vector<16xf32>, vector<16xi32> -> vector<16xf32>
      %max3A_282 = arith.maximumf %scan3A_48#4, %gather3A_281 : vector<16xf32>
      %xor3A_283 = arith.constant 4 : i32
      %xor3A_284 = vector.broadcast %xor3A_283 : i32 to vector<16xi32>
      %xor3A_285 = arith.xori %iota3A, %xor3A_284 : vector<16xi32>
      %lt3A_286 = arith.constant 0 : i32
      %lt3A_287 = vector.broadcast %lt3A_286 : i32 to vector<16xi32>
      %lt3A_288 = arith.cmpi slt, %xor3A_285, %lt3A_287 : vector<16xi32>
      %add3A_289 = arith.constant 16 : i32
      %add3A_290 = vector.broadcast %add3A_289 : i32 to vector<16xi32>
      %add3A_291 = arith.addi %xor3A_285, %add3A_290 : vector<16xi32>
      %select_n3A_292 = arith.select %lt3A_288, %add3A_291, %xor3A_285 : vector<16xi1>, vector<16xi32>
      %broadcast_in_dim3A_293 = vector.shape_cast %select_n3A_292 : vector<16xi32> to vector<16x1xi32>
      %gather3A_294 = vector.shape_cast %broadcast_in_dim3A_293 : vector<16x1xi32> to vector<16xi32>
      %gather3A_295 = tpu.dynamic_gather %max3A_282[%gather3A_294] in [0] : vector<16xf32>, vector<16xi32> -> vector<16xf32>
      %max3A_296 = arith.maximumf %max3A_282, %gather3A_295 : vector<16xf32>
      %xor3A_297 = arith.constant 2 : i32
      %xor3A_298 = vector.broadcast %xor3A_297 : i32 to vector<16xi32>
      %xor3A_299 = arith.xori %iota3A, %xor3A_298 : vector<16xi32>
      %lt3A_300 = arith.constant 0 : i32
      %lt3A_301 = vector.broadcast %lt3A_300 : i32 to vector<16xi32>
      %lt3A_302 = arith.cmpi slt, %xor3A_299, %lt3A_301 : vector<16xi32>
      %add3A_303 = arith.constant 16 : i32
      %add3A_304 = vector.broadcast %add3A_303 : i32 to vector<16xi32>
      %add3A_305 = arith.addi %xor3A_299, %add3A_304 : vector<16xi32>
      %select_n3A_306 = arith.select %lt3A_302, %add3A_305, %xor3A_299 : vector<16xi1>, vector<16xi32>
      %broadcast_in_dim3A_307 = vector.shape_cast %select_n3A_306 : vector<16xi32> to vector<16x1xi32>
      %gather3A_308 = vector.shape_cast %broadcast_in_dim3A_307 : vector<16x1xi32> to vector<16xi32>
      %gather3A_309 = tpu.dynamic_gather %max3A_296[%gather3A_308] in [0] : vector<16xf32>, vector<16xi32> -> vector<16xf32>
      %max3A_310 = arith.maximumf %max3A_296, %gather3A_309 : vector<16xf32>
      %xor3A_311 = arith.constant 1 : i32
      %xor3A_312 = vector.broadcast %xor3A_311 : i32 to vector<16xi32>
      %xor3A_313 = arith.xori %iota3A, %xor3A_312 : vector<16xi32>
      %lt3A_314 = arith.constant 0 : i32
      %lt3A_315 = vector.broadcast %lt3A_314 : i32 to vector<16xi32>
      %lt3A_316 = arith.cmpi slt, %xor3A_313, %lt3A_315 : vector<16xi32>
      %add3A_317 = arith.constant 16 : i32
      %add3A_318 = vector.broadcast %add3A_317 : i32 to vector<16xi32>
      %add3A_319 = arith.addi %xor3A_313, %add3A_318 : vector<16xi32>
      %select_n3A_320 = arith.select %lt3A_316, %add3A_319, %xor3A_313 : vector<16xi1>, vector<16xi32>
      %broadcast_in_dim3A_321 = vector.shape_cast %select_n3A_320 : vector<16xi32> to vector<16x1xi32>
      %gather3A_322 = vector.shape_cast %broadcast_in_dim3A_321 : vector<16x1xi32> to vector<16xi32>
      %gather3A_323 = tpu.dynamic_gather %max3A_310[%gather3A_322] in [0] : vector<16xf32>, vector<16xi32> -> vector<16xf32>
      %max3A_324 = arith.maximumf %max3A_310, %gather3A_323 : vector<16xf32>
      %xor3A_325 = arith.constant 8 : i32
      %xor3A_326 = vector.broadcast %xor3A_325 : i32 to vector<16xi32>
      %xor3A_327 = arith.xori %iota3A, %xor3A_326 : vector<16xi32>
      %lt3A_328 = arith.constant 0 : i32
      %lt3A_329 = vector.broadcast %lt3A_328 : i32 to vector<16xi32>
      %lt3A_330 = arith.cmpi slt, %xor3A_327, %lt3A_329 : vector<16xi32>
      %add3A_331 = arith.constant 16 : i32
      %add3A_332 = vector.broadcast %add3A_331 : i32 to vector<16xi32>
      %add3A_333 = arith.addi %xor3A_327, %add3A_332 : vector<16xi32>
      %select_n3A_334 = arith.select %lt3A_330, %add3A_333, %xor3A_327 : vector<16xi1>, vector<16xi32>
      %broadcast_in_dim3A_335 = vector.shape_cast %select_n3A_334 : vector<16xi32> to vector<16x1xi32>
      %gather3A_336 = vector.shape_cast %broadcast_in_dim3A_335 : vector<16x1xi32> to vector<16xi32>
      %gather3A_337 = tpu.dynamic_gather %scan3A_48#5[%gather3A_336] in [0] : vector<16xf32>, vector<16xi32> -> vector<16xf32>
      %max3A_338 = arith.maximumf %scan3A_48#5, %gather3A_337 : vector<16xf32>
      %xor3A_339 = arith.constant 4 : i32
      %xor3A_340 = vector.broadcast %xor3A_339 : i32 to vector<16xi32>
      %xor3A_341 = arith.xori %iota3A, %xor3A_340 : vector<16xi32>
      %lt3A_342 = arith.constant 0 : i32
      %lt3A_343 = vector.broadcast %lt3A_342 : i32 to vector<16xi32>
      %lt3A_344 = arith.cmpi slt, %xor3A_341, %lt3A_343 : vector<16xi32>
      %add3A_345 = arith.constant 16 : i32
      %add3A_346 = vector.broadcast %add3A_345 : i32 to vector<16xi32>
      %add3A_347 = arith.addi %xor3A_341, %add3A_346 : vector<16xi32>
      %select_n3A_348 = arith.select %lt3A_344, %add3A_347, %xor3A_341 : vector<16xi1>, vector<16xi32>
      %broadcast_in_dim3A_349 = vector.shape_cast %select_n3A_348 : vector<16xi32> to vector<16x1xi32>
      %gather3A_350 = vector.shape_cast %broadcast_in_dim3A_349 : vector<16x1xi32> to vector<16xi32>
      %gather3A_351 = tpu.dynamic_gather %max3A_338[%gather3A_350] in [0] : vector<16xf32>, vector<16xi32> -> vector<16xf32>
      %max3A_352 = arith.maximumf %max3A_338, %gather3A_351 : vector<16xf32>
      %xor3A_353 = arith.constant 2 : i32
      %xor3A_354 = vector.broadcast %xor3A_353 : i32 to vector<16xi32>
      %xor3A_355 = arith.xori %iota3A, %xor3A_354 : vector<16xi32>
      %lt3A_356 = arith.constant 0 : i32
      %lt3A_357 = vector.broadcast %lt3A_356 : i32 to vector<16xi32>
      %lt3A_358 = arith.cmpi slt, %xor3A_355, %lt3A_357 : vector<16xi32>
      %add3A_359 = arith.constant 16 : i32
      %add3A_360 = vector.broadcast %add3A_359 : i32 to vector<16xi32>
      %add3A_361 = arith.addi %xor3A_355, %add3A_360 : vector<16xi32>
      %select_n3A_362 = arith.select %lt3A_358, %add3A_361, %xor3A_355 : vector<16xi1>, vector<16xi32>
      %broadcast_in_dim3A_363 = vector.shape_cast %select_n3A_362 : vector<16xi32> to vector<16x1xi32>
      %gather3A_364 = vector.shape_cast %broadcast_in_dim3A_363 : vector<16x1xi32> to vector<16xi32>
      %gather3A_365 = tpu.dynamic_gather %max3A_352[%gather3A_364] in [0] : vector<16xf32>, vector<16xi32> -> vector<16xf32>
      %max3A_366 = arith.maximumf %max3A_352, %gather3A_365 : vector<16xf32>
      %xor3A_367 = arith.constant 1 : i32
      %xor3A_368 = vector.broadcast %xor3A_367 : i32 to vector<16xi32>
      %xor3A_369 = arith.xori %iota3A, %xor3A_368 : vector<16xi32>
      %lt3A_370 = arith.constant 0 : i32
      %lt3A_371 = vector.broadcast %lt3A_370 : i32 to vector<16xi32>
      %lt3A_372 = arith.cmpi slt, %xor3A_369, %lt3A_371 : vector<16xi32>
      %add3A_373 = arith.constant 16 : i32
      %add3A_374 = vector.broadcast %add3A_373 : i32 to vector<16xi32>
      %add3A_375 = arith.addi %xor3A_369, %add3A_374 : vector<16xi32>
      %select_n3A_376 = arith.select %lt3A_372, %add3A_375, %xor3A_369 : vector<16xi1>, vector<16xi32>
      %broadcast_in_dim3A_377 = vector.shape_cast %select_n3A_376 : vector<16xi32> to vector<16x1xi32>
      %gather3A_378 = vector.shape_cast %broadcast_in_dim3A_377 : vector<16x1xi32> to vector<16xi32>
      %gather3A_379 = tpu.dynamic_gather %max3A_366[%gather3A_378] in [0] : vector<16xf32>, vector<16xi32> -> vector<16xf32>
      %max3A_380 = arith.maximumf %max3A_366, %gather3A_379 : vector<16xf32>
      %xor3A_381 = arith.constant 8 : i32
      %xor3A_382 = vector.broadcast %xor3A_381 : i32 to vector<16xi32>
      %xor3A_383 = arith.xori %iota3A, %xor3A_382 : vector<16xi32>
      %lt3A_384 = arith.constant 0 : i32
      %lt3A_385 = vector.broadcast %lt3A_384 : i32 to vector<16xi32>
      %lt3A_386 = arith.cmpi slt, %xor3A_383, %lt3A_385 : vector<16xi32>
      %add3A_387 = arith.constant 16 : i32
      %add3A_388 = vector.broadcast %add3A_387 : i32 to vector<16xi32>
      %add3A_389 = arith.addi %xor3A_383, %add3A_388 : vector<16xi32>
      %select_n3A_390 = arith.select %lt3A_386, %add3A_389, %xor3A_383 : vector<16xi1>, vector<16xi32>
      %broadcast_in_dim3A_391 = vector.shape_cast %select_n3A_390 : vector<16xi32> to vector<16x1xi32>
      %gather3A_392 = vector.shape_cast %broadcast_in_dim3A_391 : vector<16x1xi32> to vector<16xi32>
      %gather3A_393 = tpu.dynamic_gather %scan3A_48#6[%gather3A_392] in [0] : vector<16xf32>, vector<16xi32> -> vector<16xf32>
      %max3A_394 = arith.maximumf %scan3A_48#6, %gather3A_393 : vector<16xf32>
      %xor3A_395 = arith.constant 4 : i32
      %xor3A_396 = vector.broadcast %xor3A_395 : i32 to vector<16xi32>
      %xor3A_397 = arith.xori %iota3A, %xor3A_396 : vector<16xi32>
      %lt3A_398 = arith.constant 0 : i32
      %lt3A_399 = vector.broadcast %lt3A_398 : i32 to vector<16xi32>
      %lt3A_400 = arith.cmpi slt, %xor3A_397, %lt3A_399 : vector<16xi32>
      %add3A_401 = arith.constant 16 : i32
      %add3A_402 = vector.broadcast %add3A_401 : i32 to vector<16xi32>
      %add3A_403 = arith.addi %xor3A_397, %add3A_402 : vector<16xi32>
      %select_n3A_404 = arith.select %lt3A_400, %add3A_403, %xor3A_397 : vector<16xi1>, vector<16xi32>
      %broadcast_in_dim3A_405 = vector.shape_cast %select_n3A_404 : vector<16xi32> to vector<16x1xi32>
      %gather3A_406 = vector.shape_cast %broadcast_in_dim3A_405 : vector<16x1xi32> to vector<16xi32>
      %gather3A_407 = tpu.dynamic_gather %max3A_394[%gather3A_406] in [0] : vector<16xf32>, vector<16xi32> -> vector<16xf32>
      %max3A_408 = arith.maximumf %max3A_394, %gather3A_407 : vector<16xf32>
      %xor3A_409 = arith.constant 2 : i32
      %xor3A_410 = vector.broadcast %xor3A_409 : i32 to vector<16xi32>
      %xor3A_411 = arith.xori %iota3A, %xor3A_410 : vector<16xi32>
      %lt3A_412 = arith.constant 0 : i32
      %lt3A_413 = vector.broadcast %lt3A_412 : i32 to vector<16xi32>
      %lt3A_414 = arith.cmpi slt, %xor3A_411, %lt3A_413 : vector<16xi32>
      %add3A_415 = arith.constant 16 : i32
      %add3A_416 = vector.broadcast %add3A_415 : i32 to vector<16xi32>
      %add3A_417 = arith.addi %xor3A_411, %add3A_416 : vector<16xi32>
      %select_n3A_418 = arith.select %lt3A_414, %add3A_417, %xor3A_411 : vector<16xi1>, vector<16xi32>
      %broadcast_in_dim3A_419 = vector.shape_cast %select_n3A_418 : vector<16xi32> to vector<16x1xi32>
      %gather3A_420 = vector.shape_cast %broadcast_in_dim3A_419 : vector<16x1xi32> to vector<16xi32>
      %gather3A_421 = tpu.dynamic_gather %max3A_408[%gather3A_420] in [0] : vector<16xf32>, vector<16xi32> -> vector<16xf32>
      %max3A_422 = arith.maximumf %max3A_408, %gather3A_421 : vector<16xf32>
      %xor3A_423 = arith.constant 1 : i32
      %xor3A_424 = vector.broadcast %xor3A_423 : i32 to vector<16xi32>
      %xor3A_425 = arith.xori %iota3A, %xor3A_424 : vector<16xi32>
      %lt3A_426 = arith.constant 0 : i32
      %lt3A_427 = vector.broadcast %lt3A_426 : i32 to vector<16xi32>
      %lt3A_428 = arith.cmpi slt, %xor3A_425, %lt3A_427 : vector<16xi32>
      %add3A_429 = arith.constant 16 : i32
      %add3A_430 = vector.broadcast %add3A_429 : i32 to vector<16xi32>
      %add3A_431 = arith.addi %xor3A_425, %add3A_430 : vector<16xi32>
      %select_n3A_432 = arith.select %lt3A_428, %add3A_431, %xor3A_425 : vector<16xi1>, vector<16xi32>
      %broadcast_in_dim3A_433 = vector.shape_cast %select_n3A_432 : vector<16xi32> to vector<16x1xi32>
      %gather3A_434 = vector.shape_cast %broadcast_in_dim3A_433 : vector<16x1xi32> to vector<16xi32>
      %gather3A_435 = tpu.dynamic_gather %max3A_422[%gather3A_434] in [0] : vector<16xf32>, vector<16xi32> -> vector<16xf32>
      %max3A_436 = arith.maximumf %max3A_422, %gather3A_435 : vector<16xf32>
      %xor3A_437 = arith.constant 8 : i32
      %xor3A_438 = vector.broadcast %xor3A_437 : i32 to vector<16xi32>
      %xor3A_439 = arith.xori %iota3A, %xor3A_438 : vector<16xi32>
      %lt3A_440 = arith.constant 0 : i32
      %lt3A_441 = vector.broadcast %lt3A_440 : i32 to vector<16xi32>
      %lt3A_442 = arith.cmpi slt, %xor3A_439, %lt3A_441 : vector<16xi32>
      %add3A_443 = arith.constant 16 : i32
      %add3A_444 = vector.broadcast %add3A_443 : i32 to vector<16xi32>
      %add3A_445 = arith.addi %xor3A_439, %add3A_444 : vector<16xi32>
      %select_n3A_446 = arith.select %lt3A_442, %add3A_445, %xor3A_439 : vector<16xi1>, vector<16xi32>
      %broadcast_in_dim3A_447 = vector.shape_cast %select_n3A_446 : vector<16xi32> to vector<16x1xi32>
      %gather3A_448 = vector.shape_cast %broadcast_in_dim3A_447 : vector<16x1xi32> to vector<16xi32>
      %gather3A_449 = tpu.dynamic_gather %scan3A_48#7[%gather3A_448] in [0] : vector<16xf32>, vector<16xi32> -> vector<16xf32>
      %max3A_450 = arith.maximumf %scan3A_48#7, %gather3A_449 : vector<16xf32>
      %xor3A_451 = arith.constant 4 : i32
      %xor3A_452 = vector.broadcast %xor3A_451 : i32 to vector<16xi32>
      %xor3A_453 = arith.xori %iota3A, %xor3A_452 : vector<16xi32>
      %lt3A_454 = arith.constant 0 : i32
      %lt3A_455 = vector.broadcast %lt3A_454 : i32 to vector<16xi32>
      %lt3A_456 = arith.cmpi slt, %xor3A_453, %lt3A_455 : vector<16xi32>
      %add3A_457 = arith.constant 16 : i32
      %add3A_458 = vector.broadcast %add3A_457 : i32 to vector<16xi32>
      %add3A_459 = arith.addi %xor3A_453, %add3A_458 : vector<16xi32>
      %select_n3A_460 = arith.select %lt3A_456, %add3A_459, %xor3A_453 : vector<16xi1>, vector<16xi32>
      %broadcast_in_dim3A_461 = vector.shape_cast %select_n3A_460 : vector<16xi32> to vector<16x1xi32>
      %gather3A_462 = vector.shape_cast %broadcast_in_dim3A_461 : vector<16x1xi32> to vector<16xi32>
      %gather3A_463 = tpu.dynamic_gather %max3A_450[%gather3A_462] in [0] : vector<16xf32>, vector<16xi32> -> vector<16xf32>
      %max3A_464 = arith.maximumf %max3A_450, %gather3A_463 : vector<16xf32>
      %xor3A_465 = arith.constant 2 : i32
      %xor3A_466 = vector.broadcast %xor3A_465 : i32 to vector<16xi32>
      %xor3A_467 = arith.xori %iota3A, %xor3A_466 : vector<16xi32>
      %lt3A_468 = arith.constant 0 : i32
      %lt3A_469 = vector.broadcast %lt3A_468 : i32 to vector<16xi32>
      %lt3A_470 = arith.cmpi slt, %xor3A_467, %lt3A_469 : vector<16xi32>
      %add3A_471 = arith.constant 16 : i32
      %add3A_472 = vector.broadcast %add3A_471 : i32 to vector<16xi32>
      %add3A_473 = arith.addi %xor3A_467, %add3A_472 : vector<16xi32>
      %select_n3A_474 = arith.select %lt3A_470, %add3A_473, %xor3A_467 : vector<16xi1>, vector<16xi32>
      %broadcast_in_dim3A_475 = vector.shape_cast %select_n3A_474 : vector<16xi32> to vector<16x1xi32>
      %gather3A_476 = vector.shape_cast %broadcast_in_dim3A_475 : vector<16x1xi32> to vector<16xi32>
      %gather3A_477 = tpu.dynamic_gather %max3A_464[%gather3A_476] in [0] : vector<16xf32>, vector<16xi32> -> vector<16xf32>
      %max3A_478 = arith.maximumf %max3A_464, %gather3A_477 : vector<16xf32>
      %xor3A_479 = arith.constant 1 : i32
      %xor3A_480 = vector.broadcast %xor3A_479 : i32 to vector<16xi32>
      %xor3A_481 = arith.xori %iota3A, %xor3A_480 : vector<16xi32>
      %lt3A_482 = arith.constant 0 : i32
      %lt3A_483 = vector.broadcast %lt3A_482 : i32 to vector<16xi32>
      %lt3A_484 = arith.cmpi slt, %xor3A_481, %lt3A_483 : vector<16xi32>
      %add3A_485 = arith.constant 16 : i32
      %add3A_486 = vector.broadcast %add3A_485 : i32 to vector<16xi32>
      %add3A_487 = arith.addi %xor3A_481, %add3A_486 : vector<16xi32>
      %select_n3A_488 = arith.select %lt3A_484, %add3A_487, %xor3A_481 : vector<16xi1>, vector<16xi32>
      %broadcast_in_dim3A_489 = vector.shape_cast %select_n3A_488 : vector<16xi32> to vector<16x1xi32>
      %gather3A_490 = vector.shape_cast %broadcast_in_dim3A_489 : vector<16x1xi32> to vector<16xi32>
      %gather3A_491 = tpu.dynamic_gather %max3A_478[%gather3A_490] in [0] : vector<16xf32>, vector<16xi32> -> vector<16xf32>
      %max3A_492 = arith.maximumf %max3A_478, %gather3A_491 : vector<16xf32>
      %scan3A_493 = arith.constant 0 : i32
      %scan3A_494 = arith.constant 24 : i32
      %scan3A_495 = arith.addi %scan3A_493, %scan3A_494 : i32
      %scan3A_496 = arith.constant 1 : i32
      %scan3A_497:8 = scf.for %scan3A_2025 = %scan3A_493 to %scan3A_495 step %scan3A_496 iter_args(%scan3A_2026 = %broadcast_in_dim3A_3, %scan3A_2027 = %broadcast_in_dim3A_3, %scan3A_2028 = %broadcast_in_dim3A_3, %scan3A_2029 = %broadcast_in_dim3A_3, %scan3A_2030 = %broadcast_in_dim3A_3, %scan3A_2031 = %broadcast_in_dim3A_3, %scan3A_2032 = %broadcast_in_dim3A_3, %scan3A_2033 = %broadcast_in_dim3A_3) -> (vector<16xf32>, vector<16xf32>, vector<16xf32>, vector<16xf32>, vector<16xf32>, vector<16xf32>, vector<16xf32>, vector<16xf32>)  : i32 {
        %mul3A_2034 = arith.constant 16 : i32
        %mul3A_2035 = arith.muli %scan3A_2025, %mul3A_2034 : i32
        %get3A_2036 = arith.index_cast %mul3A_2035 : i32 to index
        %get3A_2037 = tpu.vector_load %arg14[%get3A_2036] {strides = array<i32>} : memref<384xf32, #tpu.memory_space<vmem>>, vector<16xf32>,
        %get3A_2038 = vector.shape_cast %get3A_2037 : vector<16xf32> to vector<16xf32>
        %sub3A = arith.subf %get3A_2038, %max3A_100 : vector<16xf32>
        %exp3A = math.exp %sub3A : vector<16xf32>
        %add3A_2039 = arith.addf %scan3A_2026, %exp3A : vector<16xf32>
        %get3A_2040 = arith.index_cast %mul3A_2035 : i32 to index
        %get3A_2041 = tpu.vector_load %arg15[%get3A_2040] {strides = array<i32>} : memref<384xf32, #tpu.memory_space<vmem>>, vector<16xf32>,
        %get3A_2042 = vector.shape_cast %get3A_2041 : vector<16xf32> to vector<16xf32>
        %sub3A_2043 = arith.subf %get3A_2042, %max3A_156 : vector<16xf32>
        %exp3A_2044 = math.exp %sub3A_2043 : vector<16xf32>
        %add3A_2045 = arith.addf %scan3A_2027, %exp3A_2044 : vector<16xf32>
        %get3A_2046 = arith.index_cast %mul3A_2035 : i32 to index
        %get3A_2047 = tpu.vector_load %arg16[%get3A_2046] {strides = array<i32>} : memref<384xf32, #tpu.memory_space<vmem>>, vector<16xf32>,
        %get3A_2048 = vector.shape_cast %get3A_2047 : vector<16xf32> to vector<16xf32>
        %sub3A_2049 = arith.subf %get3A_2048, %max3A_212 : vector<16xf32>
        %exp3A_2050 = math.exp %sub3A_2049 : vector<16xf32>
        %add3A_2051 = arith.addf %scan3A_2028, %exp3A_2050 : vector<16xf32>
        %get3A_2052 = arith.index_cast %mul3A_2035 : i32 to index
        %get3A_2053 = tpu.vector_load %arg17[%get3A_2052] {strides = array<i32>} : memref<384xf32, #tpu.memory_space<vmem>>, vector<16xf32>,
        %get3A_2054 = vector.shape_cast %get3A_2053 : vector<16xf32> to vector<16xf32>
        %sub3A_2055 = arith.subf %get3A_2054, %max3A_268 : vector<16xf32>
        %exp3A_2056 = math.exp %sub3A_2055 : vector<16xf32>
        %add3A_2057 = arith.addf %scan3A_2029, %exp3A_2056 : vector<16xf32>
        %get3A_2058 = arith.index_cast %mul3A_2035 : i32 to index
        %get3A_2059 = tpu.vector_load %arg18[%get3A_2058] {strides = array<i32>} : memref<384xf32, #tpu.memory_space<vmem>>, vector<16xf32>,
        %get3A_2060 = vector.shape_cast %get3A_2059 : vector<16xf32> to vector<16xf32>
        %sub3A_2061 = arith.subf %get3A_2060, %max3A_324 : vector<16xf32>
        %exp3A_2062 = math.exp %sub3A_2061 : vector<16xf32>
        %add3A_2063 = arith.addf %scan3A_2030, %exp3A_2062 : vector<16xf32>
        %get3A_2064 = arith.index_cast %mul3A_2035 : i32 to index
        %get3A_2065 = tpu.vector_load %arg19[%get3A_2064] {strides = array<i32>} : memref<384xf32, #tpu.memory_space<vmem>>, vector<16xf32>,
        %get3A_2066 = vector.shape_cast %get3A_2065 : vector<16xf32> to vector<16xf32>
        %sub3A_2067 = arith.subf %get3A_2066, %max3A_380 : vector<16xf32>
        %exp3A_2068 = math.exp %sub3A_2067 : vector<16xf32>
        %add3A_2069 = arith.addf %scan3A_2031, %exp3A_2068 : vector<16xf32>
        %get3A_2070 = arith.index_cast %mul3A_2035 : i32 to index
        %get3A_2071 = tpu.vector_load %arg20[%get3A_2070] {strides = array<i32>} : memref<384xf32, #tpu.memory_space<vmem>>, vector<16xf32>,
        %get3A_2072 = vector.shape_cast %get3A_2071 : vector<16xf32> to vector<16xf32>
        %sub3A_2073 = arith.subf %get3A_2072, %max3A_436 : vector<16xf32>
        %exp3A_2074 = math.exp %sub3A_2073 : vector<16xf32>
        %add3A_2075 = arith.addf %scan3A_2032, %exp3A_2074 : vector<16xf32>
        %get3A_2076 = arith.index_cast %mul3A_2035 : i32 to index
        %get3A_2077 = tpu.vector_load %arg21[%get3A_2076] {strides = array<i32>} : memref<384xf32, #tpu.memory_space<vmem>>, vector<16xf32>,
        %get3A_2078 = vector.shape_cast %get3A_2077 : vector<16xf32> to vector<16xf32>
        %sub3A_2079 = arith.subf %get3A_2078, %max3A_492 : vector<16xf32>
        %exp3A_2080 = math.exp %sub3A_2079 : vector<16xf32>
        %add3A_2081 = arith.addf %scan3A_2033, %exp3A_2080 : vector<16xf32>
        scf.yield %add3A_2039, %add3A_2045, %add3A_2051, %add3A_2057, %add3A_2063, %add3A_2069, %add3A_2075, %add3A_2081 : vector<16xf32>, vector<16xf32>, vector<16xf32>, vector<16xf32>, vector<16xf32>, vector<16xf32>, vector<16xf32>, vector<16xf32>
      }
      %scan3A_498 = arith.constant 24 : i32
      %xor3A_499 = arith.constant 8 : i32
      %xor3A_500 = vector.broadcast %xor3A_499 : i32 to vector<16xi32>
      %xor3A_501 = arith.xori %iota3A, %xor3A_500 : vector<16xi32>
      %lt3A_502 = arith.constant 0 : i32
      %lt3A_503 = vector.broadcast %lt3A_502 : i32 to vector<16xi32>
      %lt3A_504 = arith.cmpi slt, %xor3A_501, %lt3A_503 : vector<16xi32>
      %add3A_505 = arith.constant 16 : i32
      %add3A_506 = vector.broadcast %add3A_505 : i32 to vector<16xi32>
      %add3A_507 = arith.addi %xor3A_501, %add3A_506 : vector<16xi32>
      %select_n3A_508 = arith.select %lt3A_504, %add3A_507, %xor3A_501 : vector<16xi1>, vector<16xi32>
      %broadcast_in_dim3A_509 = vector.shape_cast %select_n3A_508 : vector<16xi32> to vector<16x1xi32>
      %gather3A_510 = vector.shape_cast %broadcast_in_dim3A_509 : vector<16x1xi32> to vector<16xi32>
      %gather3A_511 = tpu.dynamic_gather %scan3A_497#0[%gather3A_510] in [0] : vector<16xf32>, vector<16xi32> -> vector<16xf32>
      %add3A_512 = arith.addf %scan3A_497#0, %gather3A_511 : vector<16xf32>
      %xor3A_513 = arith.constant 4 : i32
      %xor3A_514 = vector.broadcast %xor3A_513 : i32 to vector<16xi32>
      %xor3A_515 = arith.xori %iota3A, %xor3A_514 : vector<16xi32>
      %lt3A_516 = arith.constant 0 : i32
      %lt3A_517 = vector.broadcast %lt3A_516 : i32 to vector<16xi32>
      %lt3A_518 = arith.cmpi slt, %xor3A_515, %lt3A_517 : vector<16xi32>
      %add3A_519 = arith.constant 16 : i32
      %add3A_520 = vector.broadcast %add3A_519 : i32 to vector<16xi32>
      %add3A_521 = arith.addi %xor3A_515, %add3A_520 : vector<16xi32>
      %select_n3A_522 = arith.select %lt3A_518, %add3A_521, %xor3A_515 : vector<16xi1>, vector<16xi32>
      %broadcast_in_dim3A_523 = vector.shape_cast %select_n3A_522 : vector<16xi32> to vector<16x1xi32>
      %gather3A_524 = vector.shape_cast %broadcast_in_dim3A_523 : vector<16x1xi32> to vector<16xi32>
      %gather3A_525 = tpu.dynamic_gather %add3A_512[%gather3A_524] in [0] : vector<16xf32>, vector<16xi32> -> vector<16xf32>
      %add3A_526 = arith.addf %add3A_512, %gather3A_525 : vector<16xf32>
      %xor3A_527 = arith.constant 2 : i32
      %xor3A_528 = vector.broadcast %xor3A_527 : i32 to vector<16xi32>
      %xor3A_529 = arith.xori %iota3A, %xor3A_528 : vector<16xi32>
      %lt3A_530 = arith.constant 0 : i32
      %lt3A_531 = vector.broadcast %lt3A_530 : i32 to vector<16xi32>
      %lt3A_532 = arith.cmpi slt, %xor3A_529, %lt3A_531 : vector<16xi32>
      %add3A_533 = arith.constant 16 : i32
      %add3A_534 = vector.broadcast %add3A_533 : i32 to vector<16xi32>
      %add3A_535 = arith.addi %xor3A_529, %add3A_534 : vector<16xi32>
      %select_n3A_536 = arith.select %lt3A_532, %add3A_535, %xor3A_529 : vector<16xi1>, vector<16xi32>
      %broadcast_in_dim3A_537 = vector.shape_cast %select_n3A_536 : vector<16xi32> to vector<16x1xi32>
      %gather3A_538 = vector.shape_cast %broadcast_in_dim3A_537 : vector<16x1xi32> to vector<16xi32>
      %gather3A_539 = tpu.dynamic_gather %add3A_526[%gather3A_538] in [0] : vector<16xf32>, vector<16xi32> -> vector<16xf32>
      %add3A_540 = arith.addf %add3A_526, %gather3A_539 : vector<16xf32>
      %xor3A_541 = arith.constant 1 : i32
      %xor3A_542 = vector.broadcast %xor3A_541 : i32 to vector<16xi32>
      %xor3A_543 = arith.xori %iota3A, %xor3A_542 : vector<16xi32>
      %lt3A_544 = arith.constant 0 : i32
      %lt3A_545 = vector.broadcast %lt3A_544 : i32 to vector<16xi32>
      %lt3A_546 = arith.cmpi slt, %xor3A_543, %lt3A_545 : vector<16xi32>
      %add3A_547 = arith.constant 16 : i32
      %add3A_548 = vector.broadcast %add3A_547 : i32 to vector<16xi32>
      %add3A_549 = arith.addi %xor3A_543, %add3A_548 : vector<16xi32>
      %select_n3A_550 = arith.select %lt3A_546, %add3A_549, %xor3A_543 : vector<16xi1>, vector<16xi32>
      %broadcast_in_dim3A_551 = vector.shape_cast %select_n3A_550 : vector<16xi32> to vector<16x1xi32>
      %gather3A_552 = vector.shape_cast %broadcast_in_dim3A_551 : vector<16x1xi32> to vector<16xi32>
      %gather3A_553 = tpu.dynamic_gather %add3A_540[%gather3A_552] in [0] : vector<16xf32>, vector<16xi32> -> vector<16xf32>
      %add3A_554 = arith.addf %add3A_540, %gather3A_553 : vector<16xf32>
      %eq3A = arith.constant 0 : i32
      %eq3A_555 = vector.broadcast %eq3A : i32 to vector<16xi32>
      %eq3A_556 = arith.cmpi eq, %iota3A, %eq3A_555 : vector<16xi32>
      %select_n3A_557 = arith.select %eq3A_556, %max3A_100, %broadcast_in_dim3A_3 : vector<16xi1>, vector<16xf32>
      %eq3A_558 = arith.constant 0 : i32
      %eq3A_559 = vector.broadcast %eq3A_558 : i32 to vector<16xi32>
      %eq3A_560 = arith.cmpi eq, %iota3A, %eq3A_559 : vector<16xi32>
      %select_n3A_561 = arith.select %eq3A_560, %add3A_554, %broadcast_in_dim3A_3 : vector<16xi1>, vector<16xf32>
      %xor3A_562 = arith.constant 8 : i32
      %xor3A_563 = vector.broadcast %xor3A_562 : i32 to vector<16xi32>
      %xor3A_564 = arith.xori %iota3A, %xor3A_563 : vector<16xi32>
      %lt3A_565 = arith.constant 0 : i32
      %lt3A_566 = vector.broadcast %lt3A_565 : i32 to vector<16xi32>
      %lt3A_567 = arith.cmpi slt, %xor3A_564, %lt3A_566 : vector<16xi32>
      %add3A_568 = arith.constant 16 : i32
      %add3A_569 = vector.broadcast %add3A_568 : i32 to vector<16xi32>
      %add3A_570 = arith.addi %xor3A_564, %add3A_569 : vector<16xi32>
      %select_n3A_571 = arith.select %lt3A_567, %add3A_570, %xor3A_564 : vector<16xi1>, vector<16xi32>
      %broadcast_in_dim3A_572 = vector.shape_cast %select_n3A_571 : vector<16xi32> to vector<16x1xi32>
      %gather3A_573 = vector.shape_cast %broadcast_in_dim3A_572 : vector<16x1xi32> to vector<16xi32>
      %gather3A_574 = tpu.dynamic_gather %scan3A_497#1[%gather3A_573] in [0] : vector<16xf32>, vector<16xi32> -> vector<16xf32>
      %add3A_575 = arith.addf %scan3A_497#1, %gather3A_574 : vector<16xf32>
      %xor3A_576 = arith.constant 4 : i32
      %xor3A_577 = vector.broadcast %xor3A_576 : i32 to vector<16xi32>
      %xor3A_578 = arith.xori %iota3A, %xor3A_577 : vector<16xi32>
      %lt3A_579 = arith.constant 0 : i32
      %lt3A_580 = vector.broadcast %lt3A_579 : i32 to vector<16xi32>
      %lt3A_581 = arith.cmpi slt, %xor3A_578, %lt3A_580 : vector<16xi32>
      %add3A_582 = arith.constant 16 : i32
      %add3A_583 = vector.broadcast %add3A_582 : i32 to vector<16xi32>
      %add3A_584 = arith.addi %xor3A_578, %add3A_583 : vector<16xi32>
      %select_n3A_585 = arith.select %lt3A_581, %add3A_584, %xor3A_578 : vector<16xi1>, vector<16xi32>
      %broadcast_in_dim3A_586 = vector.shape_cast %select_n3A_585 : vector<16xi32> to vector<16x1xi32>
      %gather3A_587 = vector.shape_cast %broadcast_in_dim3A_586 : vector<16x1xi32> to vector<16xi32>
      %gather3A_588 = tpu.dynamic_gather %add3A_575[%gather3A_587] in [0] : vector<16xf32>, vector<16xi32> -> vector<16xf32>
      %add3A_589 = arith.addf %add3A_575, %gather3A_588 : vector<16xf32>
      %xor3A_590 = arith.constant 2 : i32
      %xor3A_591 = vector.broadcast %xor3A_590 : i32 to vector<16xi32>
      %xor3A_592 = arith.xori %iota3A, %xor3A_591 : vector<16xi32>
      %lt3A_593 = arith.constant 0 : i32
      %lt3A_594 = vector.broadcast %lt3A_593 : i32 to vector<16xi32>
      %lt3A_595 = arith.cmpi slt, %xor3A_592, %lt3A_594 : vector<16xi32>
      %add3A_596 = arith.constant 16 : i32
      %add3A_597 = vector.broadcast %add3A_596 : i32 to vector<16xi32>
      %add3A_598 = arith.addi %xor3A_592, %add3A_597 : vector<16xi32>
      %select_n3A_599 = arith.select %lt3A_595, %add3A_598, %xor3A_592 : vector<16xi1>, vector<16xi32>
      %broadcast_in_dim3A_600 = vector.shape_cast %select_n3A_599 : vector<16xi32> to vector<16x1xi32>
      %gather3A_601 = vector.shape_cast %broadcast_in_dim3A_600 : vector<16x1xi32> to vector<16xi32>
      %gather3A_602 = tpu.dynamic_gather %add3A_589[%gather3A_601] in [0] : vector<16xf32>, vector<16xi32> -> vector<16xf32>
      %add3A_603 = arith.addf %add3A_589, %gather3A_602 : vector<16xf32>
      %xor3A_604 = arith.constant 1 : i32
      %xor3A_605 = vector.broadcast %xor3A_604 : i32 to vector<16xi32>
      %xor3A_606 = arith.xori %iota3A, %xor3A_605 : vector<16xi32>
      %lt3A_607 = arith.constant 0 : i32
      %lt3A_608 = vector.broadcast %lt3A_607 : i32 to vector<16xi32>
      %lt3A_609 = arith.cmpi slt, %xor3A_606, %lt3A_608 : vector<16xi32>
      %add3A_610 = arith.constant 16 : i32
      %add3A_611 = vector.broadcast %add3A_610 : i32 to vector<16xi32>
      %add3A_612 = arith.addi %xor3A_606, %add3A_611 : vector<16xi32>
      %select_n3A_613 = arith.select %lt3A_609, %add3A_612, %xor3A_606 : vector<16xi1>, vector<16xi32>
      %broadcast_in_dim3A_614 = vector.shape_cast %select_n3A_613 : vector<16xi32> to vector<16x1xi32>
      %gather3A_615 = vector.shape_cast %broadcast_in_dim3A_614 : vector<16x1xi32> to vector<16xi32>
      %gather3A_616 = tpu.dynamic_gather %add3A_603[%gather3A_615] in [0] : vector<16xf32>, vector<16xi32> -> vector<16xf32>
      %add3A_617 = arith.addf %add3A_603, %gather3A_616 : vector<16xf32>
      %eq3A_618 = arith.constant 1 : i32
      %eq3A_619 = vector.broadcast %eq3A_618 : i32 to vector<16xi32>
      %eq3A_620 = arith.cmpi eq, %iota3A, %eq3A_619 : vector<16xi32>
      %select_n3A_621 = arith.select %eq3A_620, %max3A_156, %select_n3A_557 : vector<16xi1>, vector<16xf32>
      %eq3A_622 = arith.constant 1 : i32
      %eq3A_623 = vector.broadcast %eq3A_622 : i32 to vector<16xi32>
      %eq3A_624 = arith.cmpi eq, %iota3A, %eq3A_623 : vector<16xi32>
      %select_n3A_625 = arith.select %eq3A_624, %add3A_617, %select_n3A_561 : vector<16xi1>, vector<16xf32>
      %xor3A_626 = arith.constant 8 : i32
      %xor3A_627 = vector.broadcast %xor3A_626 : i32 to vector<16xi32>
      %xor3A_628 = arith.xori %iota3A, %xor3A_627 : vector<16xi32>
      %lt3A_629 = arith.constant 0 : i32
      %lt3A_630 = vector.broadcast %lt3A_629 : i32 to vector<16xi32>
      %lt3A_631 = arith.cmpi slt, %xor3A_628, %lt3A_630 : vector<16xi32>
      %add3A_632 = arith.constant 16 : i32
      %add3A_633 = vector.broadcast %add3A_632 : i32 to vector<16xi32>
      %add3A_634 = arith.addi %xor3A_628, %add3A_633 : vector<16xi32>
      %select_n3A_635 = arith.select %lt3A_631, %add3A_634, %xor3A_628 : vector<16xi1>, vector<16xi32>
      %broadcast_in_dim3A_636 = vector.shape_cast %select_n3A_635 : vector<16xi32> to vector<16x1xi32>
      %gather3A_637 = vector.shape_cast %broadcast_in_dim3A_636 : vector<16x1xi32> to vector<16xi32>
      %gather3A_638 = tpu.dynamic_gather %scan3A_497#2[%gather3A_637] in [0] : vector<16xf32>, vector<16xi32> -> vector<16xf32>
      %add3A_639 = arith.addf %scan3A_497#2, %gather3A_638 : vector<16xf32>
      %xor3A_640 = arith.constant 4 : i32
      %xor3A_641 = vector.broadcast %xor3A_640 : i32 to vector<16xi32>
      %xor3A_642 = arith.xori %iota3A, %xor3A_641 : vector<16xi32>
      %lt3A_643 = arith.constant 0 : i32
      %lt3A_644 = vector.broadcast %lt3A_643 : i32 to vector<16xi32>
      %lt3A_645 = arith.cmpi slt, %xor3A_642, %lt3A_644 : vector<16xi32>
      %add3A_646 = arith.constant 16 : i32
      %add3A_647 = vector.broadcast %add3A_646 : i32 to vector<16xi32>
      %add3A_648 = arith.addi %xor3A_642, %add3A_647 : vector<16xi32>
      %select_n3A_649 = arith.select %lt3A_645, %add3A_648, %xor3A_642 : vector<16xi1>, vector<16xi32>
      %broadcast_in_dim3A_650 = vector.shape_cast %select_n3A_649 : vector<16xi32> to vector<16x1xi32>
      %gather3A_651 = vector.shape_cast %broadcast_in_dim3A_650 : vector<16x1xi32> to vector<16xi32>
      %gather3A_652 = tpu.dynamic_gather %add3A_639[%gather3A_651] in [0] : vector<16xf32>, vector<16xi32> -> vector<16xf32>
      %add3A_653 = arith.addf %add3A_639, %gather3A_652 : vector<16xf32>
      %xor3A_654 = arith.constant 2 : i32
      %xor3A_655 = vector.broadcast %xor3A_654 : i32 to vector<16xi32>
      %xor3A_656 = arith.xori %iota3A, %xor3A_655 : vector<16xi32>
      %lt3A_657 = arith.constant 0 : i32
      %lt3A_658 = vector.broadcast %lt3A_657 : i32 to vector<16xi32>
      %lt3A_659 = arith.cmpi slt, %xor3A_656, %lt3A_658 : vector<16xi32>
      %add3A_660 = arith.constant 16 : i32
      %add3A_661 = vector.broadcast %add3A_660 : i32 to vector<16xi32>
      %add3A_662 = arith.addi %xor3A_656, %add3A_661 : vector<16xi32>
      %select_n3A_663 = arith.select %lt3A_659, %add3A_662, %xor3A_656 : vector<16xi1>, vector<16xi32>
      %broadcast_in_dim3A_664 = vector.shape_cast %select_n3A_663 : vector<16xi32> to vector<16x1xi32>
      %gather3A_665 = vector.shape_cast %broadcast_in_dim3A_664 : vector<16x1xi32> to vector<16xi32>
      %gather3A_666 = tpu.dynamic_gather %add3A_653[%gather3A_665] in [0] : vector<16xf32>, vector<16xi32> -> vector<16xf32>
      %add3A_667 = arith.addf %add3A_653, %gather3A_666 : vector<16xf32>
      %xor3A_668 = arith.constant 1 : i32
      %xor3A_669 = vector.broadcast %xor3A_668 : i32 to vector<16xi32>
      %xor3A_670 = arith.xori %iota3A, %xor3A_669 : vector<16xi32>
      %lt3A_671 = arith.constant 0 : i32
      %lt3A_672 = vector.broadcast %lt3A_671 : i32 to vector<16xi32>
      %lt3A_673 = arith.cmpi slt, %xor3A_670, %lt3A_672 : vector<16xi32>
      %add3A_674 = arith.constant 16 : i32
      %add3A_675 = vector.broadcast %add3A_674 : i32 to vector<16xi32>
      %add3A_676 = arith.addi %xor3A_670, %add3A_675 : vector<16xi32>
      %select_n3A_677 = arith.select %lt3A_673, %add3A_676, %xor3A_670 : vector<16xi1>, vector<16xi32>
      %broadcast_in_dim3A_678 = vector.shape_cast %select_n3A_677 : vector<16xi32> to vector<16x1xi32>
      %gather3A_679 = vector.shape_cast %broadcast_in_dim3A_678 : vector<16x1xi32> to vector<16xi32>
      %gather3A_680 = tpu.dynamic_gather %add3A_667[%gather3A_679] in [0] : vector<16xf32>, vector<16xi32> -> vector<16xf32>
      %add3A_681 = arith.addf %add3A_667, %gather3A_680 : vector<16xf32>
      %eq3A_682 = arith.constant 2 : i32
      %eq3A_683 = vector.broadcast %eq3A_682 : i32 to vector<16xi32>
      %eq3A_684 = arith.cmpi eq, %iota3A, %eq3A_683 : vector<16xi32>
      %select_n3A_685 = arith.select %eq3A_684, %max3A_212, %select_n3A_621 : vector<16xi1>, vector<16xf32>
      %eq3A_686 = arith.constant 2 : i32
      %eq3A_687 = vector.broadcast %eq3A_686 : i32 to vector<16xi32>
      %eq3A_688 = arith.cmpi eq, %iota3A, %eq3A_687 : vector<16xi32>
      %select_n3A_689 = arith.select %eq3A_688, %add3A_681, %select_n3A_625 : vector<16xi1>, vector<16xf32>
      %xor3A_690 = arith.constant 8 : i32
      %xor3A_691 = vector.broadcast %xor3A_690 : i32 to vector<16xi32>
      %xor3A_692 = arith.xori %iota3A, %xor3A_691 : vector<16xi32>
      %lt3A_693 = arith.constant 0 : i32
      %lt3A_694 = vector.broadcast %lt3A_693 : i32 to vector<16xi32>
      %lt3A_695 = arith.cmpi slt, %xor3A_692, %lt3A_694 : vector<16xi32>
      %add3A_696 = arith.constant 16 : i32
      %add3A_697 = vector.broadcast %add3A_696 : i32 to vector<16xi32>
      %add3A_698 = arith.addi %xor3A_692, %add3A_697 : vector<16xi32>
      %select_n3A_699 = arith.select %lt3A_695, %add3A_698, %xor3A_692 : vector<16xi1>, vector<16xi32>
      %broadcast_in_dim3A_700 = vector.shape_cast %select_n3A_699 : vector<16xi32> to vector<16x1xi32>
      %gather3A_701 = vector.shape_cast %broadcast_in_dim3A_700 : vector<16x1xi32> to vector<16xi32>
      %gather3A_702 = tpu.dynamic_gather %scan3A_497#3[%gather3A_701] in [0] : vector<16xf32>, vector<16xi32> -> vector<16xf32>
      %add3A_703 = arith.addf %scan3A_497#3, %gather3A_702 : vector<16xf32>
      %xor3A_704 = arith.constant 4 : i32
      %xor3A_705 = vector.broadcast %xor3A_704 : i32 to vector<16xi32>
      %xor3A_706 = arith.xori %iota3A, %xor3A_705 : vector<16xi32>
      %lt3A_707 = arith.constant 0 : i32
      %lt3A_708 = vector.broadcast %lt3A_707 : i32 to vector<16xi32>
      %lt3A_709 = arith.cmpi slt, %xor3A_706, %lt3A_708 : vector<16xi32>
      %add3A_710 = arith.constant 16 : i32
      %add3A_711 = vector.broadcast %add3A_710 : i32 to vector<16xi32>
      %add3A_712 = arith.addi %xor3A_706, %add3A_711 : vector<16xi32>
      %select_n3A_713 = arith.select %lt3A_709, %add3A_712, %xor3A_706 : vector<16xi1>, vector<16xi32>
      %broadcast_in_dim3A_714 = vector.shape_cast %select_n3A_713 : vector<16xi32> to vector<16x1xi32>
      %gather3A_715 = vector.shape_cast %broadcast_in_dim3A_714 : vector<16x1xi32> to vector<16xi32>
      %gather3A_716 = tpu.dynamic_gather %add3A_703[%gather3A_715] in [0] : vector<16xf32>, vector<16xi32> -> vector<16xf32>
      %add3A_717 = arith.addf %add3A_703, %gather3A_716 : vector<16xf32>
      %xor3A_718 = arith.constant 2 : i32
      %xor3A_719 = vector.broadcast %xor3A_718 : i32 to vector<16xi32>
      %xor3A_720 = arith.xori %iota3A, %xor3A_719 : vector<16xi32>
      %lt3A_721 = arith.constant 0 : i32
      %lt3A_722 = vector.broadcast %lt3A_721 : i32 to vector<16xi32>
      %lt3A_723 = arith.cmpi slt, %xor3A_720, %lt3A_722 : vector<16xi32>
      %add3A_724 = arith.constant 16 : i32
      %add3A_725 = vector.broadcast %add3A_724 : i32 to vector<16xi32>
      %add3A_726 = arith.addi %xor3A_720, %add3A_725 : vector<16xi32>
      %select_n3A_727 = arith.select %lt3A_723, %add3A_726, %xor3A_720 : vector<16xi1>, vector<16xi32>
      %broadcast_in_dim3A_728 = vector.shape_cast %select_n3A_727 : vector<16xi32> to vector<16x1xi32>
      %gather3A_729 = vector.shape_cast %broadcast_in_dim3A_728 : vector<16x1xi32> to vector<16xi32>
      %gather3A_730 = tpu.dynamic_gather %add3A_717[%gather3A_729] in [0] : vector<16xf32>, vector<16xi32> -> vector<16xf32>
      %add3A_731 = arith.addf %add3A_717, %gather3A_730 : vector<16xf32>
      %xor3A_732 = arith.constant 1 : i32
      %xor3A_733 = vector.broadcast %xor3A_732 : i32 to vector<16xi32>
      %xor3A_734 = arith.xori %iota3A, %xor3A_733 : vector<16xi32>
      %lt3A_735 = arith.constant 0 : i32
      %lt3A_736 = vector.broadcast %lt3A_735 : i32 to vector<16xi32>
      %lt3A_737 = arith.cmpi slt, %xor3A_734, %lt3A_736 : vector<16xi32>
      %add3A_738 = arith.constant 16 : i32
      %add3A_739 = vector.broadcast %add3A_738 : i32 to vector<16xi32>
      %add3A_740 = arith.addi %xor3A_734, %add3A_739 : vector<16xi32>
      %select_n3A_741 = arith.select %lt3A_737, %add3A_740, %xor3A_734 : vector<16xi1>, vector<16xi32>
      %broadcast_in_dim3A_742 = vector.shape_cast %select_n3A_741 : vector<16xi32> to vector<16x1xi32>
      %gather3A_743 = vector.shape_cast %broadcast_in_dim3A_742 : vector<16x1xi32> to vector<16xi32>
      %gather3A_744 = tpu.dynamic_gather %add3A_731[%gather3A_743] in [0] : vector<16xf32>, vector<16xi32> -> vector<16xf32>
      %add3A_745 = arith.addf %add3A_731, %gather3A_744 : vector<16xf32>
      %eq3A_746 = arith.constant 3 : i32
      %eq3A_747 = vector.broadcast %eq3A_746 : i32 to vector<16xi32>
      %eq3A_748 = arith.cmpi eq, %iota3A, %eq3A_747 : vector<16xi32>
      %select_n3A_749 = arith.select %eq3A_748, %max3A_268, %select_n3A_685 : vector<16xi1>, vector<16xf32>
      %eq3A_750 = arith.constant 3 : i32
      %eq3A_751 = vector.broadcast %eq3A_750 : i32 to vector<16xi32>
      %eq3A_752 = arith.cmpi eq, %iota3A, %eq3A_751 : vector<16xi32>
      %select_n3A_753 = arith.select %eq3A_752, %add3A_745, %select_n3A_689 : vector<16xi1>, vector<16xf32>
      %xor3A_754 = arith.constant 8 : i32
      %xor3A_755 = vector.broadcast %xor3A_754 : i32 to vector<16xi32>
      %xor3A_756 = arith.xori %iota3A, %xor3A_755 : vector<16xi32>
      %lt3A_757 = arith.constant 0 : i32
      %lt3A_758 = vector.broadcast %lt3A_757 : i32 to vector<16xi32>
      %lt3A_759 = arith.cmpi slt, %xor3A_756, %lt3A_758 : vector<16xi32>
      %add3A_760 = arith.constant 16 : i32
      %add3A_761 = vector.broadcast %add3A_760 : i32 to vector<16xi32>
      %add3A_762 = arith.addi %xor3A_756, %add3A_761 : vector<16xi32>
      %select_n3A_763 = arith.select %lt3A_759, %add3A_762, %xor3A_756 : vector<16xi1>, vector<16xi32>
      %broadcast_in_dim3A_764 = vector.shape_cast %select_n3A_763 : vector<16xi32> to vector<16x1xi32>
      %gather3A_765 = vector.shape_cast %broadcast_in_dim3A_764 : vector<16x1xi32> to vector<16xi32>
      %gather3A_766 = tpu.dynamic_gather %scan3A_497#4[%gather3A_765] in [0] : vector<16xf32>, vector<16xi32> -> vector<16xf32>
      %add3A_767 = arith.addf %scan3A_497#4, %gather3A_766 : vector<16xf32>
      %xor3A_768 = arith.constant 4 : i32
      %xor3A_769 = vector.broadcast %xor3A_768 : i32 to vector<16xi32>
      %xor3A_770 = arith.xori %iota3A, %xor3A_769 : vector<16xi32>
      %lt3A_771 = arith.constant 0 : i32
      %lt3A_772 = vector.broadcast %lt3A_771 : i32 to vector<16xi32>
      %lt3A_773 = arith.cmpi slt, %xor3A_770, %lt3A_772 : vector<16xi32>
      %add3A_774 = arith.constant 16 : i32
      %add3A_775 = vector.broadcast %add3A_774 : i32 to vector<16xi32>
      %add3A_776 = arith.addi %xor3A_770, %add3A_775 : vector<16xi32>
      %select_n3A_777 = arith.select %lt3A_773, %add3A_776, %xor3A_770 : vector<16xi1>, vector<16xi32>
      %broadcast_in_dim3A_778 = vector.shape_cast %select_n3A_777 : vector<16xi32> to vector<16x1xi32>
      %gather3A_779 = vector.shape_cast %broadcast_in_dim3A_778 : vector<16x1xi32> to vector<16xi32>
      %gather3A_780 = tpu.dynamic_gather %add3A_767[%gather3A_779] in [0] : vector<16xf32>, vector<16xi32> -> vector<16xf32>
      %add3A_781 = arith.addf %add3A_767, %gather3A_780 : vector<16xf32>
      %xor3A_782 = arith.constant 2 : i32
      %xor3A_783 = vector.broadcast %xor3A_782 : i32 to vector<16xi32>
      %xor3A_784 = arith.xori %iota3A, %xor3A_783 : vector<16xi32>
      %lt3A_785 = arith.constant 0 : i32
      %lt3A_786 = vector.broadcast %lt3A_785 : i32 to vector<16xi32>
      %lt3A_787 = arith.cmpi slt, %xor3A_784, %lt3A_786 : vector<16xi32>
      %add3A_788 = arith.constant 16 : i32
      %add3A_789 = vector.broadcast %add3A_788 : i32 to vector<16xi32>
      %add3A_790 = arith.addi %xor3A_784, %add3A_789 : vector<16xi32>
      %select_n3A_791 = arith.select %lt3A_787, %add3A_790, %xor3A_784 : vector<16xi1>, vector<16xi32>
      %broadcast_in_dim3A_792 = vector.shape_cast %select_n3A_791 : vector<16xi32> to vector<16x1xi32>
      %gather3A_793 = vector.shape_cast %broadcast_in_dim3A_792 : vector<16x1xi32> to vector<16xi32>
      %gather3A_794 = tpu.dynamic_gather %add3A_781[%gather3A_793] in [0] : vector<16xf32>, vector<16xi32> -> vector<16xf32>
      %add3A_795 = arith.addf %add3A_781, %gather3A_794 : vector<16xf32>
      %xor3A_796 = arith.constant 1 : i32
      %xor3A_797 = vector.broadcast %xor3A_796 : i32 to vector<16xi32>
      %xor3A_798 = arith.xori %iota3A, %xor3A_797 : vector<16xi32>
      %lt3A_799 = arith.constant 0 : i32
      %lt3A_800 = vector.broadcast %lt3A_799 : i32 to vector<16xi32>
      %lt3A_801 = arith.cmpi slt, %xor3A_798, %lt3A_800 : vector<16xi32>
      %add3A_802 = arith.constant 16 : i32
      %add3A_803 = vector.broadcast %add3A_802 : i32 to vector<16xi32>
      %add3A_804 = arith.addi %xor3A_798, %add3A_803 : vector<16xi32>
      %select_n3A_805 = arith.select %lt3A_801, %add3A_804, %xor3A_798 : vector<16xi1>, vector<16xi32>
      %broadcast_in_dim3A_806 = vector.shape_cast %select_n3A_805 : vector<16xi32> to vector<16x1xi32>
      %gather3A_807 = vector.shape_cast %broadcast_in_dim3A_806 : vector<16x1xi32> to vector<16xi32>
      %gather3A_808 = tpu.dynamic_gather %add3A_795[%gather3A_807] in [0] : vector<16xf32>, vector<16xi32> -> vector<16xf32>
      %add3A_809 = arith.addf %add3A_795, %gather3A_808 : vector<16xf32>
      %eq3A_810 = arith.constant 4 : i32
      %eq3A_811 = vector.broadcast %eq3A_810 : i32 to vector<16xi32>
      %eq3A_812 = arith.cmpi eq, %iota3A, %eq3A_811 : vector<16xi32>
      %select_n3A_813 = arith.select %eq3A_812, %max3A_324, %select_n3A_749 : vector<16xi1>, vector<16xf32>
      %eq3A_814 = arith.constant 4 : i32
      %eq3A_815 = vector.broadcast %eq3A_814 : i32 to vector<16xi32>
      %eq3A_816 = arith.cmpi eq, %iota3A, %eq3A_815 : vector<16xi32>
      %select_n3A_817 = arith.select %eq3A_816, %add3A_809, %select_n3A_753 : vector<16xi1>, vector<16xf32>
      %xor3A_818 = arith.constant 8 : i32
      %xor3A_819 = vector.broadcast %xor3A_818 : i32 to vector<16xi32>
      %xor3A_820 = arith.xori %iota3A, %xor3A_819 : vector<16xi32>
      %lt3A_821 = arith.constant 0 : i32
      %lt3A_822 = vector.broadcast %lt3A_821 : i32 to vector<16xi32>
      %lt3A_823 = arith.cmpi slt, %xor3A_820, %lt3A_822 : vector<16xi32>
      %add3A_824 = arith.constant 16 : i32
      %add3A_825 = vector.broadcast %add3A_824 : i32 to vector<16xi32>
      %add3A_826 = arith.addi %xor3A_820, %add3A_825 : vector<16xi32>
      %select_n3A_827 = arith.select %lt3A_823, %add3A_826, %xor3A_820 : vector<16xi1>, vector<16xi32>
      %broadcast_in_dim3A_828 = vector.shape_cast %select_n3A_827 : vector<16xi32> to vector<16x1xi32>
      %gather3A_829 = vector.shape_cast %broadcast_in_dim3A_828 : vector<16x1xi32> to vector<16xi32>
      %gather3A_830 = tpu.dynamic_gather %scan3A_497#5[%gather3A_829] in [0] : vector<16xf32>, vector<16xi32> -> vector<16xf32>
      %add3A_831 = arith.addf %scan3A_497#5, %gather3A_830 : vector<16xf32>
      %xor3A_832 = arith.constant 4 : i32
      %xor3A_833 = vector.broadcast %xor3A_832 : i32 to vector<16xi32>
      %xor3A_834 = arith.xori %iota3A, %xor3A_833 : vector<16xi32>
      %lt3A_835 = arith.constant 0 : i32
      %lt3A_836 = vector.broadcast %lt3A_835 : i32 to vector<16xi32>
      %lt3A_837 = arith.cmpi slt, %xor3A_834, %lt3A_836 : vector<16xi32>
      %add3A_838 = arith.constant 16 : i32
      %add3A_839 = vector.broadcast %add3A_838 : i32 to vector<16xi32>
      %add3A_840 = arith.addi %xor3A_834, %add3A_839 : vector<16xi32>
      %select_n3A_841 = arith.select %lt3A_837, %add3A_840, %xor3A_834 : vector<16xi1>, vector<16xi32>
      %broadcast_in_dim3A_842 = vector.shape_cast %select_n3A_841 : vector<16xi32> to vector<16x1xi32>
      %gather3A_843 = vector.shape_cast %broadcast_in_dim3A_842 : vector<16x1xi32> to vector<16xi32>
      %gather3A_844 = tpu.dynamic_gather %add3A_831[%gather3A_843] in [0] : vector<16xf32>, vector<16xi32> -> vector<16xf32>
      %add3A_845 = arith.addf %add3A_831, %gather3A_844 : vector<16xf32>
      %xor3A_846 = arith.constant 2 : i32
      %xor3A_847 = vector.broadcast %xor3A_846 : i32 to vector<16xi32>
      %xor3A_848 = arith.xori %iota3A, %xor3A_847 : vector<16xi32>
      %lt3A_849 = arith.constant 0 : i32
      %lt3A_850 = vector.broadcast %lt3A_849 : i32 to vector<16xi32>
      %lt3A_851 = arith.cmpi slt, %xor3A_848, %lt3A_850 : vector<16xi32>
      %add3A_852 = arith.constant 16 : i32
      %add3A_853 = vector.broadcast %add3A_852 : i32 to vector<16xi32>
      %add3A_854 = arith.addi %xor3A_848, %add3A_853 : vector<16xi32>
      %select_n3A_855 = arith.select %lt3A_851, %add3A_854, %xor3A_848 : vector<16xi1>, vector<16xi32>
      %broadcast_in_dim3A_856 = vector.shape_cast %select_n3A_855 : vector<16xi32> to vector<16x1xi32>
      %gather3A_857 = vector.shape_cast %broadcast_in_dim3A_856 : vector<16x1xi32> to vector<16xi32>
      %gather3A_858 = tpu.dynamic_gather %add3A_845[%gather3A_857] in [0] : vector<16xf32>, vector<16xi32> -> vector<16xf32>
      %add3A_859 = arith.addf %add3A_845, %gather3A_858 : vector<16xf32>
      %xor3A_860 = arith.constant 1 : i32
      %xor3A_861 = vector.broadcast %xor3A_860 : i32 to vector<16xi32>
      %xor3A_862 = arith.xori %iota3A, %xor3A_861 : vector<16xi32>
      %lt3A_863 = arith.constant 0 : i32
      %lt3A_864 = vector.broadcast %lt3A_863 : i32 to vector<16xi32>
      %lt3A_865 = arith.cmpi slt, %xor3A_862, %lt3A_864 : vector<16xi32>
      %add3A_866 = arith.constant 16 : i32
      %add3A_867 = vector.broadcast %add3A_866 : i32 to vector<16xi32>
      %add3A_868 = arith.addi %xor3A_862, %add3A_867 : vector<16xi32>
      %select_n3A_869 = arith.select %lt3A_865, %add3A_868, %xor3A_862 : vector<16xi1>, vector<16xi32>
      %broadcast_in_dim3A_870 = vector.shape_cast %select_n3A_869 : vector<16xi32> to vector<16x1xi32>
      %gather3A_871 = vector.shape_cast %broadcast_in_dim3A_870 : vector<16x1xi32> to vector<16xi32>
      %gather3A_872 = tpu.dynamic_gather %add3A_859[%gather3A_871] in [0] : vector<16xf32>, vector<16xi32> -> vector<16xf32>
      %add3A_873 = arith.addf %add3A_859, %gather3A_872 : vector<16xf32>
      %eq3A_874 = arith.constant 5 : i32
      %eq3A_875 = vector.broadcast %eq3A_874 : i32 to vector<16xi32>
      %eq3A_876 = arith.cmpi eq, %iota3A, %eq3A_875 : vector<16xi32>
      %select_n3A_877 = arith.select %eq3A_876, %max3A_380, %select_n3A_813 : vector<16xi1>, vector<16xf32>
      %eq3A_878 = arith.constant 5 : i32
      %eq3A_879 = vector.broadcast %eq3A_878 : i32 to vector<16xi32>
      %eq3A_880 = arith.cmpi eq, %iota3A, %eq3A_879 : vector<16xi32>
      %select_n3A_881 = arith.select %eq3A_880, %add3A_873, %select_n3A_817 : vector<16xi1>, vector<16xf32>
      %xor3A_882 = arith.constant 8 : i32
      %xor3A_883 = vector.broadcast %xor3A_882 : i32 to vector<16xi32>
      %xor3A_884 = arith.xori %iota3A, %xor3A_883 : vector<16xi32>
      %lt3A_885 = arith.constant 0 : i32
      %lt3A_886 = vector.broadcast %lt3A_885 : i32 to vector<16xi32>
      %lt3A_887 = arith.cmpi slt, %xor3A_884, %lt3A_886 : vector<16xi32>
      %add3A_888 = arith.constant 16 : i32
      %add3A_889 = vector.broadcast %add3A_888 : i32 to vector<16xi32>
      %add3A_890 = arith.addi %xor3A_884, %add3A_889 : vector<16xi32>
      %select_n3A_891 = arith.select %lt3A_887, %add3A_890, %xor3A_884 : vector<16xi1>, vector<16xi32>
      %broadcast_in_dim3A_892 = vector.shape_cast %select_n3A_891 : vector<16xi32> to vector<16x1xi32>
      %gather3A_893 = vector.shape_cast %broadcast_in_dim3A_892 : vector<16x1xi32> to vector<16xi32>
      %gather3A_894 = tpu.dynamic_gather %scan3A_497#6[%gather3A_893] in [0] : vector<16xf32>, vector<16xi32> -> vector<16xf32>
      %add3A_895 = arith.addf %scan3A_497#6, %gather3A_894 : vector<16xf32>
      %xor3A_896 = arith.constant 4 : i32
      %xor3A_897 = vector.broadcast %xor3A_896 : i32 to vector<16xi32>
      %xor3A_898 = arith.xori %iota3A, %xor3A_897 : vector<16xi32>
      %lt3A_899 = arith.constant 0 : i32
      %lt3A_900 = vector.broadcast %lt3A_899 : i32 to vector<16xi32>
      %lt3A_901 = arith.cmpi slt, %xor3A_898, %lt3A_900 : vector<16xi32>
      %add3A_902 = arith.constant 16 : i32
      %add3A_903 = vector.broadcast %add3A_902 : i32 to vector<16xi32>
      %add3A_904 = arith.addi %xor3A_898, %add3A_903 : vector<16xi32>
      %select_n3A_905 = arith.select %lt3A_901, %add3A_904, %xor3A_898 : vector<16xi1>, vector<16xi32>
      %broadcast_in_dim3A_906 = vector.shape_cast %select_n3A_905 : vector<16xi32> to vector<16x1xi32>
      %gather3A_907 = vector.shape_cast %broadcast_in_dim3A_906 : vector<16x1xi32> to vector<16xi32>
      %gather3A_908 = tpu.dynamic_gather %add3A_895[%gather3A_907] in [0] : vector<16xf32>, vector<16xi32> -> vector<16xf32>
      %add3A_909 = arith.addf %add3A_895, %gather3A_908 : vector<16xf32>
      %xor3A_910 = arith.constant 2 : i32
      %xor3A_911 = vector.broadcast %xor3A_910 : i32 to vector<16xi32>
      %xor3A_912 = arith.xori %iota3A, %xor3A_911 : vector<16xi32>
      %lt3A_913 = arith.constant 0 : i32
      %lt3A_914 = vector.broadcast %lt3A_913 : i32 to vector<16xi32>
      %lt3A_915 = arith.cmpi slt, %xor3A_912, %lt3A_914 : vector<16xi32>
      %add3A_916 = arith.constant 16 : i32
      %add3A_917 = vector.broadcast %add3A_916 : i32 to vector<16xi32>
      %add3A_918 = arith.addi %xor3A_912, %add3A_917 : vector<16xi32>
      %select_n3A_919 = arith.select %lt3A_915, %add3A_918, %xor3A_912 : vector<16xi1>, vector<16xi32>
      %broadcast_in_dim3A_920 = vector.shape_cast %select_n3A_919 : vector<16xi32> to vector<16x1xi32>
      %gather3A_921 = vector.shape_cast %broadcast_in_dim3A_920 : vector<16x1xi32> to vector<16xi32>
      %gather3A_922 = tpu.dynamic_gather %add3A_909[%gather3A_921] in [0] : vector<16xf32>, vector<16xi32> -> vector<16xf32>
      %add3A_923 = arith.addf %add3A_909, %gather3A_922 : vector<16xf32>
      %xor3A_924 = arith.constant 1 : i32
      %xor3A_925 = vector.broadcast %xor3A_924 : i32 to vector<16xi32>
      %xor3A_926 = arith.xori %iota3A, %xor3A_925 : vector<16xi32>
      %lt3A_927 = arith.constant 0 : i32
      %lt3A_928 = vector.broadcast %lt3A_927 : i32 to vector<16xi32>
      %lt3A_929 = arith.cmpi slt, %xor3A_926, %lt3A_928 : vector<16xi32>
      %add3A_930 = arith.constant 16 : i32
      %add3A_931 = vector.broadcast %add3A_930 : i32 to vector<16xi32>
      %add3A_932 = arith.addi %xor3A_926, %add3A_931 : vector<16xi32>
      %select_n3A_933 = arith.select %lt3A_929, %add3A_932, %xor3A_926 : vector<16xi1>, vector<16xi32>
      %broadcast_in_dim3A_934 = vector.shape_cast %select_n3A_933 : vector<16xi32> to vector<16x1xi32>
      %gather3A_935 = vector.shape_cast %broadcast_in_dim3A_934 : vector<16x1xi32> to vector<16xi32>
      %gather3A_936 = tpu.dynamic_gather %add3A_923[%gather3A_935] in [0] : vector<16xf32>, vector<16xi32> -> vector<16xf32>
      %add3A_937 = arith.addf %add3A_923, %gather3A_936 : vector<16xf32>
      %eq3A_938 = arith.constant 6 : i32
      %eq3A_939 = vector.broadcast %eq3A_938 : i32 to vector<16xi32>
      %eq3A_940 = arith.cmpi eq, %iota3A, %eq3A_939 : vector<16xi32>
      %select_n3A_941 = arith.select %eq3A_940, %max3A_436, %select_n3A_877 : vector<16xi1>, vector<16xf32>
      %eq3A_942 = arith.constant 6 : i32
      %eq3A_943 = vector.broadcast %eq3A_942 : i32 to vector<16xi32>
      %eq3A_944 = arith.cmpi eq, %iota3A, %eq3A_943 : vector<16xi32>
      %select_n3A_945 = arith.select %eq3A_944, %add3A_937, %select_n3A_881 : vector<16xi1>, vector<16xf32>
      %xor3A_946 = arith.constant 8 : i32
      %xor3A_947 = vector.broadcast %xor3A_946 : i32 to vector<16xi32>
      %xor3A_948 = arith.xori %iota3A, %xor3A_947 : vector<16xi32>
      %lt3A_949 = arith.constant 0 : i32
      %lt3A_950 = vector.broadcast %lt3A_949 : i32 to vector<16xi32>
      %lt3A_951 = arith.cmpi slt, %xor3A_948, %lt3A_950 : vector<16xi32>
      %add3A_952 = arith.constant 16 : i32
      %add3A_953 = vector.broadcast %add3A_952 : i32 to vector<16xi32>
      %add3A_954 = arith.addi %xor3A_948, %add3A_953 : vector<16xi32>
      %select_n3A_955 = arith.select %lt3A_951, %add3A_954, %xor3A_948 : vector<16xi1>, vector<16xi32>
      %broadcast_in_dim3A_956 = vector.shape_cast %select_n3A_955 : vector<16xi32> to vector<16x1xi32>
      %gather3A_957 = vector.shape_cast %broadcast_in_dim3A_956 : vector<16x1xi32> to vector<16xi32>
      %gather3A_958 = tpu.dynamic_gather %scan3A_497#7[%gather3A_957] in [0] : vector<16xf32>, vector<16xi32> -> vector<16xf32>
      %add3A_959 = arith.addf %scan3A_497#7, %gather3A_958 : vector<16xf32>
      %xor3A_960 = arith.constant 4 : i32
      %xor3A_961 = vector.broadcast %xor3A_960 : i32 to vector<16xi32>
      %xor3A_962 = arith.xori %iota3A, %xor3A_961 : vector<16xi32>
      %lt3A_963 = arith.constant 0 : i32
      %lt3A_964 = vector.broadcast %lt3A_963 : i32 to vector<16xi32>
      %lt3A_965 = arith.cmpi slt, %xor3A_962, %lt3A_964 : vector<16xi32>
      %add3A_966 = arith.constant 16 : i32
      %add3A_967 = vector.broadcast %add3A_966 : i32 to vector<16xi32>
      %add3A_968 = arith.addi %xor3A_962, %add3A_967 : vector<16xi32>
      %select_n3A_969 = arith.select %lt3A_965, %add3A_968, %xor3A_962 : vector<16xi1>, vector<16xi32>
      %broadcast_in_dim3A_970 = vector.shape_cast %select_n3A_969 : vector<16xi32> to vector<16x1xi32>
      %gather3A_971 = vector.shape_cast %broadcast_in_dim3A_970 : vector<16x1xi32> to vector<16xi32>
      %gather3A_972 = tpu.dynamic_gather %add3A_959[%gather3A_971] in [0] : vector<16xf32>, vector<16xi32> -> vector<16xf32>
      %add3A_973 = arith.addf %add3A_959, %gather3A_972 : vector<16xf32>
      %xor3A_974 = arith.constant 2 : i32
      %xor3A_975 = vector.broadcast %xor3A_974 : i32 to vector<16xi32>
      %xor3A_976 = arith.xori %iota3A, %xor3A_975 : vector<16xi32>
      %lt3A_977 = arith.constant 0 : i32
      %lt3A_978 = vector.broadcast %lt3A_977 : i32 to vector<16xi32>
      %lt3A_979 = arith.cmpi slt, %xor3A_976, %lt3A_978 : vector<16xi32>
      %add3A_980 = arith.constant 16 : i32
      %add3A_981 = vector.broadcast %add3A_980 : i32 to vector<16xi32>
      %add3A_982 = arith.addi %xor3A_976, %add3A_981 : vector<16xi32>
      %select_n3A_983 = arith.select %lt3A_979, %add3A_982, %xor3A_976 : vector<16xi1>, vector<16xi32>
      %broadcast_in_dim3A_984 = vector.shape_cast %select_n3A_983 : vector<16xi32> to vector<16x1xi32>
      %gather3A_985 = vector.shape_cast %broadcast_in_dim3A_984 : vector<16x1xi32> to vector<16xi32>
      %gather3A_986 = tpu.dynamic_gather %add3A_973[%gather3A_985] in [0] : vector<16xf32>, vector<16xi32> -> vector<16xf32>
      %add3A_987 = arith.addf %add3A_973, %gather3A_986 : vector<16xf32>
      %xor3A_988 = arith.constant 1 : i32
      %xor3A_989 = vector.broadcast %xor3A_988 : i32 to vector<16xi32>
      %xor3A_990 = arith.xori %iota3A, %xor3A_989 : vector<16xi32>
      %lt3A_991 = arith.constant 0 : i32
      %lt3A_992 = vector.broadcast %lt3A_991 : i32 to vector<16xi32>
      %lt3A_993 = arith.cmpi slt, %xor3A_990, %lt3A_992 : vector<16xi32>
      %add3A_994 = arith.constant 16 : i32
      %add3A_995 = vector.broadcast %add3A_994 : i32 to vector<16xi32>
      %add3A_996 = arith.addi %xor3A_990, %add3A_995 : vector<16xi32>
      %select_n3A_997 = arith.select %lt3A_993, %add3A_996, %xor3A_990 : vector<16xi1>, vector<16xi32>
      %broadcast_in_dim3A_998 = vector.shape_cast %select_n3A_997 : vector<16xi32> to vector<16x1xi32>
      %gather3A_999 = vector.shape_cast %broadcast_in_dim3A_998 : vector<16x1xi32> to vector<16xi32>
      %gather3A_1000 = tpu.dynamic_gather %add3A_987[%gather3A_999] in [0] : vector<16xf32>, vector<16xi32> -> vector<16xf32>
      %add3A_1001 = arith.addf %add3A_987, %gather3A_1000 : vector<16xf32>
      %eq3A_1002 = arith.constant 7 : i32
      %eq3A_1003 = vector.broadcast %eq3A_1002 : i32 to vector<16xi32>
      %eq3A_1004 = arith.cmpi eq, %iota3A, %eq3A_1003 : vector<16xi32>
      %select_n3A_1005 = arith.select %eq3A_1004, %max3A_492, %select_n3A_941 : vector<16xi1>, vector<16xf32>
      %eq3A_1006 = arith.constant 7 : i32
      %eq3A_1007 = vector.broadcast %eq3A_1006 : i32 to vector<16xi32>
      %eq3A_1008 = arith.cmpi eq, %iota3A, %eq3A_1007 : vector<16xi32>
      %select_n3A_1009 = arith.select %eq3A_1008, %add3A_1001, %select_n3A_945 : vector<16xi1>, vector<16xf32>
      %slice3A_1010 = vector.extract_strided_slice %get3A_13 {offsets = [8], sizes = [1], strides = [1]} : vector<16xf32> to vector<1xf32>
      %squeeze3A_1011 = vector.extract %slice3A_1010[0] : f32 from vector<1xf32>
      %slice3A_1012 = vector.extract_strided_slice %get3A_13 {offsets = [9], sizes = [1], strides = [1]} : vector<16xf32> to vector<1xf32>
      %squeeze3A_1013 = vector.extract %slice3A_1012[0] : f32 from vector<1xf32>
      %slice3A_1014 = vector.extract_strided_slice %get3A_13 {offsets = [10], sizes = [1], strides = [1]} : vector<16xf32> to vector<1xf32>
      %squeeze3A_1015 = vector.extract %slice3A_1014[0] : f32 from vector<1xf32>
      %slice3A_1016 = vector.extract_strided_slice %get3A_13 {offsets = [11], sizes = [1], strides = [1]} : vector<16xf32> to vector<1xf32>
      %squeeze3A_1017 = vector.extract %slice3A_1016[0] : f32 from vector<1xf32>
      %slice3A_1018 = vector.extract_strided_slice %get3A_13 {offsets = [12], sizes = [1], strides = [1]} : vector<16xf32> to vector<1xf32>
      %squeeze3A_1019 = vector.extract %slice3A_1018[0] : f32 from vector<1xf32>
      %slice3A_1020 = vector.extract_strided_slice %get3A_13 {offsets = [13], sizes = [1], strides = [1]} : vector<16xf32> to vector<1xf32>
      %squeeze3A_1021 = vector.extract %slice3A_1020[0] : f32 from vector<1xf32>
      %slice3A_1022 = vector.extract_strided_slice %get3A_13 {offsets = [14], sizes = [1], strides = [1]} : vector<16xf32> to vector<1xf32>
      %squeeze3A_1023 = vector.extract %slice3A_1022[0] : f32 from vector<1xf32>
      %slice3A_1024 = vector.extract_strided_slice %get3A_13 {offsets = [15], sizes = [1], strides = [1]} : vector<16xf32> to vector<1xf32>
      %squeeze3A_1025 = vector.extract %slice3A_1024[0] : f32 from vector<1xf32>
      %broadcast_in_dim3A_1026 = vector.broadcast %squeeze3A_1011 : f32 to vector<16xf32>
      %broadcast_in_dim3A_1027 = vector.broadcast %squeeze3A_1013 : f32 to vector<16xf32>
      %broadcast_in_dim3A_1028 = vector.broadcast %squeeze3A_1015 : f32 to vector<16xf32>
      %broadcast_in_dim3A_1029 = vector.broadcast %squeeze3A_1017 : f32 to vector<16xf32>
      %broadcast_in_dim3A_1030 = vector.broadcast %squeeze3A_1019 : f32 to vector<16xf32>
      %broadcast_in_dim3A_1031 = vector.broadcast %squeeze3A_1021 : f32 to vector<16xf32>
      %broadcast_in_dim3A_1032 = vector.broadcast %squeeze3A_1023 : f32 to vector<16xf32>
      %broadcast_in_dim3A_1033 = vector.broadcast %squeeze3A_1025 : f32 to vector<16xf32>
      %mul3A_1034 = arith.mulf %broadcast_in_dim3A_1026, %broadcast_in_dim3A_1026 : vector<16xf32>
      %mul3A_1035 = arith.mulf %broadcast_in_dim3A_1027, %broadcast_in_dim3A_1027 : vector<16xf32>
      %mul3A_1036 = arith.mulf %broadcast_in_dim3A_1028, %broadcast_in_dim3A_1028 : vector<16xf32>
      %mul3A_1037 = arith.mulf %broadcast_in_dim3A_1029, %broadcast_in_dim3A_1029 : vector<16xf32>
      %mul3A_1038 = arith.mulf %broadcast_in_dim3A_1030, %broadcast_in_dim3A_1030 : vector<16xf32>
      %mul3A_1039 = arith.mulf %broadcast_in_dim3A_1031, %broadcast_in_dim3A_1031 : vector<16xf32>
      %mul3A_1040 = arith.mulf %broadcast_in_dim3A_1032, %broadcast_in_dim3A_1032 : vector<16xf32>
      %mul3A_1041 = arith.mulf %broadcast_in_dim3A_1033, %broadcast_in_dim3A_1033 : vector<16xf32>
      %scan3A_1042 = arith.constant 0 : i32
      %scan3A_1043 = arith.constant 24 : i32
      %scan3A_1044 = arith.addi %scan3A_1042, %scan3A_1043 : i32
      %scan3A_1045 = arith.constant 1 : i32
      %scan3A_1046:8 = scf.for %scan3A_2025 = %scan3A_1042 to %scan3A_1044 step %scan3A_1045 iter_args(%scan3A_2026 = %broadcast_in_dim3A_1, %scan3A_2027 = %broadcast_in_dim3A_1, %scan3A_2028 = %broadcast_in_dim3A_1, %scan3A_2029 = %broadcast_in_dim3A_1, %scan3A_2030 = %broadcast_in_dim3A_1, %scan3A_2031 = %broadcast_in_dim3A_1, %scan3A_2032 = %broadcast_in_dim3A_1, %scan3A_2033 = %broadcast_in_dim3A_1) -> (vector<16xf32>, vector<16xf32>, vector<16xf32>, vector<16xf32>, vector<16xf32>, vector<16xf32>, vector<16xf32>, vector<16xf32>)  : i32 {
        %mul3A_2034 = arith.constant 16 : i32
        %mul3A_2035 = arith.muli %scan3A_2025, %mul3A_2034 : i32
        %get3A_2036 = arith.index_cast %mul3A_2035 : i32 to index
        %get3A_2037 = tpu.vector_load %arg8[%get3A_2036] {strides = array<i32>} : memref<384xf32, #tpu.memory_space<vmem>>, vector<16xf32>,
        %get3A_2038 = vector.shape_cast %get3A_2037 : vector<16xf32> to vector<16xf32>
        %get3A_2039 = arith.index_cast %mul3A_2035 : i32 to index
        %get3A_2040 = tpu.vector_load %arg9[%get3A_2039] {strides = array<i32>} : memref<384xf32, #tpu.memory_space<vmem>>, vector<16xf32>,
        %get3A_2041 = vector.shape_cast %get3A_2040 : vector<16xf32> to vector<16xf32>
        %get3A_2042 = arith.index_cast %mul3A_2035 : i32 to index
        %get3A_2043 = tpu.vector_load %arg10[%get3A_2042] {strides = array<i32>} : memref<384xf32, #tpu.memory_space<vmem>>, vector<16xf32>,
        %get3A_2044 = vector.shape_cast %get3A_2043 : vector<16xf32> to vector<16xf32>
        %mul3A_2045 = arith.mulf %get3A_2038, %mul3A_1034 : vector<16xf32>
        %mul3A_2046 = arith.mulf %get3A_2041, %broadcast_in_dim3A_1026 : vector<16xf32>
        %add3A_2047 = arith.addf %mul3A_2045, %mul3A_2046 : vector<16xf32>
        %add3A_2048 = arith.addf %add3A_2047, %get3A_2044 : vector<16xf32>
        %swap3A_2049 = arith.index_cast %mul3A_2035 : i32 to index
        %swap3A_2050 = tpu.vector_load %arg14[%swap3A_2049] {strides = array<i32>} : memref<384xf32, #tpu.memory_space<vmem>>, vector<16xf32>,
        %swap3A_2051 = vector.shape_cast %swap3A_2050 : vector<16xf32> to vector<16xf32>
        %swap3A_2052 = vector.shape_cast %add3A_2048 : vector<16xf32> to vector<16xf32>
        tpu.vector_store %arg14[%swap3A_2049], %swap3A_2052 {strides = array<i32>} : memref<384xf32, #tpu.memory_space<vmem>>, vector<16xf32>,
        %max3A_2053 = arith.maximumf %scan3A_2026, %add3A_2048 : vector<16xf32>
        %mul3A_2054 = arith.mulf %get3A_2038, %mul3A_1035 : vector<16xf32>
        %mul3A_2055 = arith.mulf %get3A_2041, %broadcast_in_dim3A_1027 : vector<16xf32>
        %add3A_2056 = arith.addf %mul3A_2054, %mul3A_2055 : vector<16xf32>
        %add3A_2057 = arith.addf %add3A_2056, %get3A_2044 : vector<16xf32>
        %swap3A_2058 = arith.index_cast %mul3A_2035 : i32 to index
        %swap3A_2059 = tpu.vector_load %arg15[%swap3A_2058] {strides = array<i32>} : memref<384xf32, #tpu.memory_space<vmem>>, vector<16xf32>,
        %swap3A_2060 = vector.shape_cast %swap3A_2059 : vector<16xf32> to vector<16xf32>
        %swap3A_2061 = vector.shape_cast %add3A_2057 : vector<16xf32> to vector<16xf32>
        tpu.vector_store %arg15[%swap3A_2058], %swap3A_2061 {strides = array<i32>} : memref<384xf32, #tpu.memory_space<vmem>>, vector<16xf32>,
        %max3A_2062 = arith.maximumf %scan3A_2027, %add3A_2057 : vector<16xf32>
        %mul3A_2063 = arith.mulf %get3A_2038, %mul3A_1036 : vector<16xf32>
        %mul3A_2064 = arith.mulf %get3A_2041, %broadcast_in_dim3A_1028 : vector<16xf32>
        %add3A_2065 = arith.addf %mul3A_2063, %mul3A_2064 : vector<16xf32>
        %add3A_2066 = arith.addf %add3A_2065, %get3A_2044 : vector<16xf32>
        %swap3A_2067 = arith.index_cast %mul3A_2035 : i32 to index
        %swap3A_2068 = tpu.vector_load %arg16[%swap3A_2067] {strides = array<i32>} : memref<384xf32, #tpu.memory_space<vmem>>, vector<16xf32>,
        %swap3A_2069 = vector.shape_cast %swap3A_2068 : vector<16xf32> to vector<16xf32>
        %swap3A_2070 = vector.shape_cast %add3A_2066 : vector<16xf32> to vector<16xf32>
        tpu.vector_store %arg16[%swap3A_2067], %swap3A_2070 {strides = array<i32>} : memref<384xf32, #tpu.memory_space<vmem>>, vector<16xf32>,
        %max3A_2071 = arith.maximumf %scan3A_2028, %add3A_2066 : vector<16xf32>
        %mul3A_2072 = arith.mulf %get3A_2038, %mul3A_1037 : vector<16xf32>
        %mul3A_2073 = arith.mulf %get3A_2041, %broadcast_in_dim3A_1029 : vector<16xf32>
        %add3A_2074 = arith.addf %mul3A_2072, %mul3A_2073 : vector<16xf32>
        %add3A_2075 = arith.addf %add3A_2074, %get3A_2044 : vector<16xf32>
        %swap3A_2076 = arith.index_cast %mul3A_2035 : i32 to index
        %swap3A_2077 = tpu.vector_load %arg17[%swap3A_2076] {strides = array<i32>} : memref<384xf32, #tpu.memory_space<vmem>>, vector<16xf32>,
        %swap3A_2078 = vector.shape_cast %swap3A_2077 : vector<16xf32> to vector<16xf32>
        %swap3A_2079 = vector.shape_cast %add3A_2075 : vector<16xf32> to vector<16xf32>
        tpu.vector_store %arg17[%swap3A_2076], %swap3A_2079 {strides = array<i32>} : memref<384xf32, #tpu.memory_space<vmem>>, vector<16xf32>,
        %max3A_2080 = arith.maximumf %scan3A_2029, %add3A_2075 : vector<16xf32>
        %mul3A_2081 = arith.mulf %get3A_2038, %mul3A_1038 : vector<16xf32>
        %mul3A_2082 = arith.mulf %get3A_2041, %broadcast_in_dim3A_1030 : vector<16xf32>
        %add3A_2083 = arith.addf %mul3A_2081, %mul3A_2082 : vector<16xf32>
        %add3A_2084 = arith.addf %add3A_2083, %get3A_2044 : vector<16xf32>
        %swap3A_2085 = arith.index_cast %mul3A_2035 : i32 to index
        %swap3A_2086 = tpu.vector_load %arg18[%swap3A_2085] {strides = array<i32>} : memref<384xf32, #tpu.memory_space<vmem>>, vector<16xf32>,
        %swap3A_2087 = vector.shape_cast %swap3A_2086 : vector<16xf32> to vector<16xf32>
        %swap3A_2088 = vector.shape_cast %add3A_2084 : vector<16xf32> to vector<16xf32>
        tpu.vector_store %arg18[%swap3A_2085], %swap3A_2088 {strides = array<i32>} : memref<384xf32, #tpu.memory_space<vmem>>, vector<16xf32>,
        %max3A_2089 = arith.maximumf %scan3A_2030, %add3A_2084 : vector<16xf32>
        %mul3A_2090 = arith.mulf %get3A_2038, %mul3A_1039 : vector<16xf32>
        %mul3A_2091 = arith.mulf %get3A_2041, %broadcast_in_dim3A_1031 : vector<16xf32>
        %add3A_2092 = arith.addf %mul3A_2090, %mul3A_2091 : vector<16xf32>
        %add3A_2093 = arith.addf %add3A_2092, %get3A_2044 : vector<16xf32>
        %swap3A_2094 = arith.index_cast %mul3A_2035 : i32 to index
        %swap3A_2095 = tpu.vector_load %arg19[%swap3A_2094] {strides = array<i32>} : memref<384xf32, #tpu.memory_space<vmem>>, vector<16xf32>,
        %swap3A_2096 = vector.shape_cast %swap3A_2095 : vector<16xf32> to vector<16xf32>
        %swap3A_2097 = vector.shape_cast %add3A_2093 : vector<16xf32> to vector<16xf32>
        tpu.vector_store %arg19[%swap3A_2094], %swap3A_2097 {strides = array<i32>} : memref<384xf32, #tpu.memory_space<vmem>>, vector<16xf32>,
        %max3A_2098 = arith.maximumf %scan3A_2031, %add3A_2093 : vector<16xf32>
        %mul3A_2099 = arith.mulf %get3A_2038, %mul3A_1040 : vector<16xf32>
        %mul3A_2100 = arith.mulf %get3A_2041, %broadcast_in_dim3A_1032 : vector<16xf32>
        %add3A_2101 = arith.addf %mul3A_2099, %mul3A_2100 : vector<16xf32>
        %add3A_2102 = arith.addf %add3A_2101, %get3A_2044 : vector<16xf32>
        %swap3A_2103 = arith.index_cast %mul3A_2035 : i32 to index
        %swap3A_2104 = tpu.vector_load %arg20[%swap3A_2103] {strides = array<i32>} : memref<384xf32, #tpu.memory_space<vmem>>, vector<16xf32>,
        %swap3A_2105 = vector.shape_cast %swap3A_2104 : vector<16xf32> to vector<16xf32>
        %swap3A_2106 = vector.shape_cast %add3A_2102 : vector<16xf32> to vector<16xf32>
        tpu.vector_store %arg20[%swap3A_2103], %swap3A_2106 {strides = array<i32>} : memref<384xf32, #tpu.memory_space<vmem>>, vector<16xf32>,
        %max3A_2107 = arith.maximumf %scan3A_2032, %add3A_2102 : vector<16xf32>
        %mul3A_2108 = arith.mulf %get3A_2038, %mul3A_1041 : vector<16xf32>
        %mul3A_2109 = arith.mulf %get3A_2041, %broadcast_in_dim3A_1033 : vector<16xf32>
        %add3A_2110 = arith.addf %mul3A_2108, %mul3A_2109 : vector<16xf32>
        %add3A_2111 = arith.addf %add3A_2110, %get3A_2044 : vector<16xf32>
        %swap3A_2112 = arith.index_cast %mul3A_2035 : i32 to index
        %swap3A_2113 = tpu.vector_load %arg21[%swap3A_2112] {strides = array<i32>} : memref<384xf32, #tpu.memory_space<vmem>>, vector<16xf32>,
        %swap3A_2114 = vector.shape_cast %swap3A_2113 : vector<16xf32> to vector<16xf32>
        %swap3A_2115 = vector.shape_cast %add3A_2111 : vector<16xf32> to vector<16xf32>
        tpu.vector_store %arg21[%swap3A_2112], %swap3A_2115 {strides = array<i32>} : memref<384xf32, #tpu.memory_space<vmem>>, vector<16xf32>,
        %max3A_2116 = arith.maximumf %scan3A_2033, %add3A_2111 : vector<16xf32>
        scf.yield %max3A_2053, %max3A_2062, %max3A_2071, %max3A_2080, %max3A_2089, %max3A_2098, %max3A_2107, %max3A_2116 : vector<16xf32>, vector<16xf32>, vector<16xf32>, vector<16xf32>, vector<16xf32>, vector<16xf32>, vector<16xf32>, vector<16xf32>
      }
      %scan3A_1047 = arith.constant 24 : i32
      %xor3A_1048 = arith.constant 8 : i32
      %xor3A_1049 = vector.broadcast %xor3A_1048 : i32 to vector<16xi32>
      %xor3A_1050 = arith.xori %iota3A, %xor3A_1049 : vector<16xi32>
      %lt3A_1051 = arith.constant 0 : i32
      %lt3A_1052 = vector.broadcast %lt3A_1051 : i32 to vector<16xi32>
      %lt3A_1053 = arith.cmpi slt, %xor3A_1050, %lt3A_1052 : vector<16xi32>
      %add3A_1054 = arith.constant 16 : i32
      %add3A_1055 = vector.broadcast %add3A_1054 : i32 to vector<16xi32>
      %add3A_1056 = arith.addi %xor3A_1050, %add3A_1055 : vector<16xi32>
      %select_n3A_1057 = arith.select %lt3A_1053, %add3A_1056, %xor3A_1050 : vector<16xi1>, vector<16xi32>
      %broadcast_in_dim3A_1058 = vector.shape_cast %select_n3A_1057 : vector<16xi32> to vector<16x1xi32>
      %gather3A_1059 = vector.shape_cast %broadcast_in_dim3A_1058 : vector<16x1xi32> to vector<16xi32>
      %gather3A_1060 = tpu.dynamic_gather %scan3A_1046#0[%gather3A_1059] in [0] : vector<16xf32>, vector<16xi32> -> vector<16xf32>
      %max3A_1061 = arith.maximumf %scan3A_1046#0, %gather3A_1060 : vector<16xf32>
      %xor3A_1062 = arith.constant 4 : i32
      %xor3A_1063 = vector.broadcast %xor3A_1062 : i32 to vector<16xi32>
      %xor3A_1064 = arith.xori %iota3A, %xor3A_1063 : vector<16xi32>
      %lt3A_1065 = arith.constant 0 : i32
      %lt3A_1066 = vector.broadcast %lt3A_1065 : i32 to vector<16xi32>
      %lt3A_1067 = arith.cmpi slt, %xor3A_1064, %lt3A_1066 : vector<16xi32>
      %add3A_1068 = arith.constant 16 : i32
      %add3A_1069 = vector.broadcast %add3A_1068 : i32 to vector<16xi32>
      %add3A_1070 = arith.addi %xor3A_1064, %add3A_1069 : vector<16xi32>
      %select_n3A_1071 = arith.select %lt3A_1067, %add3A_1070, %xor3A_1064 : vector<16xi1>, vector<16xi32>
      %broadcast_in_dim3A_1072 = vector.shape_cast %select_n3A_1071 : vector<16xi32> to vector<16x1xi32>
      %gather3A_1073 = vector.shape_cast %broadcast_in_dim3A_1072 : vector<16x1xi32> to vector<16xi32>
      %gather3A_1074 = tpu.dynamic_gather %max3A_1061[%gather3A_1073] in [0] : vector<16xf32>, vector<16xi32> -> vector<16xf32>
      %max3A_1075 = arith.maximumf %max3A_1061, %gather3A_1074 : vector<16xf32>
      %xor3A_1076 = arith.constant 2 : i32
      %xor3A_1077 = vector.broadcast %xor3A_1076 : i32 to vector<16xi32>
      %xor3A_1078 = arith.xori %iota3A, %xor3A_1077 : vector<16xi32>
      %lt3A_1079 = arith.constant 0 : i32
      %lt3A_1080 = vector.broadcast %lt3A_1079 : i32 to vector<16xi32>
      %lt3A_1081 = arith.cmpi slt, %xor3A_1078, %lt3A_1080 : vector<16xi32>
      %add3A_1082 = arith.constant 16 : i32
      %add3A_1083 = vector.broadcast %add3A_1082 : i32 to vector<16xi32>
      %add3A_1084 = arith.addi %xor3A_1078, %add3A_1083 : vector<16xi32>
      %select_n3A_1085 = arith.select %lt3A_1081, %add3A_1084, %xor3A_1078 : vector<16xi1>, vector<16xi32>
      %broadcast_in_dim3A_1086 = vector.shape_cast %select_n3A_1085 : vector<16xi32> to vector<16x1xi32>
      %gather3A_1087 = vector.shape_cast %broadcast_in_dim3A_1086 : vector<16x1xi32> to vector<16xi32>
      %gather3A_1088 = tpu.dynamic_gather %max3A_1075[%gather3A_1087] in [0] : vector<16xf32>, vector<16xi32> -> vector<16xf32>
      %max3A_1089 = arith.maximumf %max3A_1075, %gather3A_1088 : vector<16xf32>
      %xor3A_1090 = arith.constant 1 : i32
      %xor3A_1091 = vector.broadcast %xor3A_1090 : i32 to vector<16xi32>
      %xor3A_1092 = arith.xori %iota3A, %xor3A_1091 : vector<16xi32>
      %lt3A_1093 = arith.constant 0 : i32
      %lt3A_1094 = vector.broadcast %lt3A_1093 : i32 to vector<16xi32>
      %lt3A_1095 = arith.cmpi slt, %xor3A_1092, %lt3A_1094 : vector<16xi32>
      %add3A_1096 = arith.constant 16 : i32
      %add3A_1097 = vector.broadcast %add3A_1096 : i32 to vector<16xi32>
      %add3A_1098 = arith.addi %xor3A_1092, %add3A_1097 : vector<16xi32>
      %select_n3A_1099 = arith.select %lt3A_1095, %add3A_1098, %xor3A_1092 : vector<16xi1>, vector<16xi32>
      %broadcast_in_dim3A_1100 = vector.shape_cast %select_n3A_1099 : vector<16xi32> to vector<16x1xi32>
      %gather3A_1101 = vector.shape_cast %broadcast_in_dim3A_1100 : vector<16x1xi32> to vector<16xi32>
      %gather3A_1102 = tpu.dynamic_gather %max3A_1089[%gather3A_1101] in [0] : vector<16xf32>, vector<16xi32> -> vector<16xf32>
      %max3A_1103 = arith.maximumf %max3A_1089, %gather3A_1102 : vector<16xf32>
      %xor3A_1104 = arith.constant 8 : i32
      %xor3A_1105 = vector.broadcast %xor3A_1104 : i32 to vector<16xi32>
      %xor3A_1106 = arith.xori %iota3A, %xor3A_1105 : vector<16xi32>
      %lt3A_1107 = arith.constant 0 : i32
      %lt3A_1108 = vector.broadcast %lt3A_1107 : i32 to vector<16xi32>
      %lt3A_1109 = arith.cmpi slt, %xor3A_1106, %lt3A_1108 : vector<16xi32>
      %add3A_1110 = arith.constant 16 : i32
      %add3A_1111 = vector.broadcast %add3A_1110 : i32 to vector<16xi32>
      %add3A_1112 = arith.addi %xor3A_1106, %add3A_1111 : vector<16xi32>
      %select_n3A_1113 = arith.select %lt3A_1109, %add3A_1112, %xor3A_1106 : vector<16xi1>, vector<16xi32>
      %broadcast_in_dim3A_1114 = vector.shape_cast %select_n3A_1113 : vector<16xi32> to vector<16x1xi32>
      %gather3A_1115 = vector.shape_cast %broadcast_in_dim3A_1114 : vector<16x1xi32> to vector<16xi32>
      %gather3A_1116 = tpu.dynamic_gather %scan3A_1046#1[%gather3A_1115] in [0] : vector<16xf32>, vector<16xi32> -> vector<16xf32>
      %max3A_1117 = arith.maximumf %scan3A_1046#1, %gather3A_1116 : vector<16xf32>
      %xor3A_1118 = arith.constant 4 : i32
      %xor3A_1119 = vector.broadcast %xor3A_1118 : i32 to vector<16xi32>
      %xor3A_1120 = arith.xori %iota3A, %xor3A_1119 : vector<16xi32>
      %lt3A_1121 = arith.constant 0 : i32
      %lt3A_1122 = vector.broadcast %lt3A_1121 : i32 to vector<16xi32>
      %lt3A_1123 = arith.cmpi slt, %xor3A_1120, %lt3A_1122 : vector<16xi32>
      %add3A_1124 = arith.constant 16 : i32
      %add3A_1125 = vector.broadcast %add3A_1124 : i32 to vector<16xi32>
      %add3A_1126 = arith.addi %xor3A_1120, %add3A_1125 : vector<16xi32>
      %select_n3A_1127 = arith.select %lt3A_1123, %add3A_1126, %xor3A_1120 : vector<16xi1>, vector<16xi32>
      %broadcast_in_dim3A_1128 = vector.shape_cast %select_n3A_1127 : vector<16xi32> to vector<16x1xi32>
      %gather3A_1129 = vector.shape_cast %broadcast_in_dim3A_1128 : vector<16x1xi32> to vector<16xi32>
      %gather3A_1130 = tpu.dynamic_gather %max3A_1117[%gather3A_1129] in [0] : vector<16xf32>, vector<16xi32> -> vector<16xf32>
      %max3A_1131 = arith.maximumf %max3A_1117, %gather3A_1130 : vector<16xf32>
      %xor3A_1132 = arith.constant 2 : i32
      %xor3A_1133 = vector.broadcast %xor3A_1132 : i32 to vector<16xi32>
      %xor3A_1134 = arith.xori %iota3A, %xor3A_1133 : vector<16xi32>
      %lt3A_1135 = arith.constant 0 : i32
      %lt3A_1136 = vector.broadcast %lt3A_1135 : i32 to vector<16xi32>
      %lt3A_1137 = arith.cmpi slt, %xor3A_1134, %lt3A_1136 : vector<16xi32>
      %add3A_1138 = arith.constant 16 : i32
      %add3A_1139 = vector.broadcast %add3A_1138 : i32 to vector<16xi32>
      %add3A_1140 = arith.addi %xor3A_1134, %add3A_1139 : vector<16xi32>
      %select_n3A_1141 = arith.select %lt3A_1137, %add3A_1140, %xor3A_1134 : vector<16xi1>, vector<16xi32>
      %broadcast_in_dim3A_1142 = vector.shape_cast %select_n3A_1141 : vector<16xi32> to vector<16x1xi32>
      %gather3A_1143 = vector.shape_cast %broadcast_in_dim3A_1142 : vector<16x1xi32> to vector<16xi32>
      %gather3A_1144 = tpu.dynamic_gather %max3A_1131[%gather3A_1143] in [0] : vector<16xf32>, vector<16xi32> -> vector<16xf32>
      %max3A_1145 = arith.maximumf %max3A_1131, %gather3A_1144 : vector<16xf32>
      %xor3A_1146 = arith.constant 1 : i32
      %xor3A_1147 = vector.broadcast %xor3A_1146 : i32 to vector<16xi32>
      %xor3A_1148 = arith.xori %iota3A, %xor3A_1147 : vector<16xi32>
      %lt3A_1149 = arith.constant 0 : i32
      %lt3A_1150 = vector.broadcast %lt3A_1149 : i32 to vector<16xi32>
      %lt3A_1151 = arith.cmpi slt, %xor3A_1148, %lt3A_1150 : vector<16xi32>
      %add3A_1152 = arith.constant 16 : i32
      %add3A_1153 = vector.broadcast %add3A_1152 : i32 to vector<16xi32>
      %add3A_1154 = arith.addi %xor3A_1148, %add3A_1153 : vector<16xi32>
      %select_n3A_1155 = arith.select %lt3A_1151, %add3A_1154, %xor3A_1148 : vector<16xi1>, vector<16xi32>
      %broadcast_in_dim3A_1156 = vector.shape_cast %select_n3A_1155 : vector<16xi32> to vector<16x1xi32>
      %gather3A_1157 = vector.shape_cast %broadcast_in_dim3A_1156 : vector<16x1xi32> to vector<16xi32>
      %gather3A_1158 = tpu.dynamic_gather %max3A_1145[%gather3A_1157] in [0] : vector<16xf32>, vector<16xi32> -> vector<16xf32>
      %max3A_1159 = arith.maximumf %max3A_1145, %gather3A_1158 : vector<16xf32>
      %xor3A_1160 = arith.constant 8 : i32
      %xor3A_1161 = vector.broadcast %xor3A_1160 : i32 to vector<16xi32>
      %xor3A_1162 = arith.xori %iota3A, %xor3A_1161 : vector<16xi32>
      %lt3A_1163 = arith.constant 0 : i32
      %lt3A_1164 = vector.broadcast %lt3A_1163 : i32 to vector<16xi32>
      %lt3A_1165 = arith.cmpi slt, %xor3A_1162, %lt3A_1164 : vector<16xi32>
      %add3A_1166 = arith.constant 16 : i32
      %add3A_1167 = vector.broadcast %add3A_1166 : i32 to vector<16xi32>
      %add3A_1168 = arith.addi %xor3A_1162, %add3A_1167 : vector<16xi32>
      %select_n3A_1169 = arith.select %lt3A_1165, %add3A_1168, %xor3A_1162 : vector<16xi1>, vector<16xi32>
      %broadcast_in_dim3A_1170 = vector.shape_cast %select_n3A_1169 : vector<16xi32> to vector<16x1xi32>
      %gather3A_1171 = vector.shape_cast %broadcast_in_dim3A_1170 : vector<16x1xi32> to vector<16xi32>
      %gather3A_1172 = tpu.dynamic_gather %scan3A_1046#2[%gather3A_1171] in [0] : vector<16xf32>, vector<16xi32> -> vector<16xf32>
      %max3A_1173 = arith.maximumf %scan3A_1046#2, %gather3A_1172 : vector<16xf32>
      %xor3A_1174 = arith.constant 4 : i32
      %xor3A_1175 = vector.broadcast %xor3A_1174 : i32 to vector<16xi32>
      %xor3A_1176 = arith.xori %iota3A, %xor3A_1175 : vector<16xi32>
      %lt3A_1177 = arith.constant 0 : i32
      %lt3A_1178 = vector.broadcast %lt3A_1177 : i32 to vector<16xi32>
      %lt3A_1179 = arith.cmpi slt, %xor3A_1176, %lt3A_1178 : vector<16xi32>
      %add3A_1180 = arith.constant 16 : i32
      %add3A_1181 = vector.broadcast %add3A_1180 : i32 to vector<16xi32>
      %add3A_1182 = arith.addi %xor3A_1176, %add3A_1181 : vector<16xi32>
      %select_n3A_1183 = arith.select %lt3A_1179, %add3A_1182, %xor3A_1176 : vector<16xi1>, vector<16xi32>
      %broadcast_in_dim3A_1184 = vector.shape_cast %select_n3A_1183 : vector<16xi32> to vector<16x1xi32>
      %gather3A_1185 = vector.shape_cast %broadcast_in_dim3A_1184 : vector<16x1xi32> to vector<16xi32>
      %gather3A_1186 = tpu.dynamic_gather %max3A_1173[%gather3A_1185] in [0] : vector<16xf32>, vector<16xi32> -> vector<16xf32>
      %max3A_1187 = arith.maximumf %max3A_1173, %gather3A_1186 : vector<16xf32>
      %xor3A_1188 = arith.constant 2 : i32
      %xor3A_1189 = vector.broadcast %xor3A_1188 : i32 to vector<16xi32>
      %xor3A_1190 = arith.xori %iota3A, %xor3A_1189 : vector<16xi32>
      %lt3A_1191 = arith.constant 0 : i32
      %lt3A_1192 = vector.broadcast %lt3A_1191 : i32 to vector<16xi32>
      %lt3A_1193 = arith.cmpi slt, %xor3A_1190, %lt3A_1192 : vector<16xi32>
      %add3A_1194 = arith.constant 16 : i32
      %add3A_1195 = vector.broadcast %add3A_1194 : i32 to vector<16xi32>
      %add3A_1196 = arith.addi %xor3A_1190, %add3A_1195 : vector<16xi32>
      %select_n3A_1197 = arith.select %lt3A_1193, %add3A_1196, %xor3A_1190 : vector<16xi1>, vector<16xi32>
      %broadcast_in_dim3A_1198 = vector.shape_cast %select_n3A_1197 : vector<16xi32> to vector<16x1xi32>
      %gather3A_1199 = vector.shape_cast %broadcast_in_dim3A_1198 : vector<16x1xi32> to vector<16xi32>
      %gather3A_1200 = tpu.dynamic_gather %max3A_1187[%gather3A_1199] in [0] : vector<16xf32>, vector<16xi32> -> vector<16xf32>
      %max3A_1201 = arith.maximumf %max3A_1187, %gather3A_1200 : vector<16xf32>
      %xor3A_1202 = arith.constant 1 : i32
      %xor3A_1203 = vector.broadcast %xor3A_1202 : i32 to vector<16xi32>
      %xor3A_1204 = arith.xori %iota3A, %xor3A_1203 : vector<16xi32>
      %lt3A_1205 = arith.constant 0 : i32
      %lt3A_1206 = vector.broadcast %lt3A_1205 : i32 to vector<16xi32>
      %lt3A_1207 = arith.cmpi slt, %xor3A_1204, %lt3A_1206 : vector<16xi32>
      %add3A_1208 = arith.constant 16 : i32
      %add3A_1209 = vector.broadcast %add3A_1208 : i32 to vector<16xi32>
      %add3A_1210 = arith.addi %xor3A_1204, %add3A_1209 : vector<16xi32>
      %select_n3A_1211 = arith.select %lt3A_1207, %add3A_1210, %xor3A_1204 : vector<16xi1>, vector<16xi32>
      %broadcast_in_dim3A_1212 = vector.shape_cast %select_n3A_1211 : vector<16xi32> to vector<16x1xi32>
      %gather3A_1213 = vector.shape_cast %broadcast_in_dim3A_1212 : vector<16x1xi32> to vector<16xi32>
      %gather3A_1214 = tpu.dynamic_gather %max3A_1201[%gather3A_1213] in [0] : vector<16xf32>, vector<16xi32> -> vector<16xf32>
      %max3A_1215 = arith.maximumf %max3A_1201, %gather3A_1214 : vector<16xf32>
      %xor3A_1216 = arith.constant 8 : i32
      %xor3A_1217 = vector.broadcast %xor3A_1216 : i32 to vector<16xi32>
      %xor3A_1218 = arith.xori %iota3A, %xor3A_1217 : vector<16xi32>
      %lt3A_1219 = arith.constant 0 : i32
      %lt3A_1220 = vector.broadcast %lt3A_1219 : i32 to vector<16xi32>
      %lt3A_1221 = arith.cmpi slt, %xor3A_1218, %lt3A_1220 : vector<16xi32>
      %add3A_1222 = arith.constant 16 : i32
      %add3A_1223 = vector.broadcast %add3A_1222 : i32 to vector<16xi32>
      %add3A_1224 = arith.addi %xor3A_1218, %add3A_1223 : vector<16xi32>
      %select_n3A_1225 = arith.select %lt3A_1221, %add3A_1224, %xor3A_1218 : vector<16xi1>, vector<16xi32>
      %broadcast_in_dim3A_1226 = vector.shape_cast %select_n3A_1225 : vector<16xi32> to vector<16x1xi32>
      %gather3A_1227 = vector.shape_cast %broadcast_in_dim3A_1226 : vector<16x1xi32> to vector<16xi32>
      %gather3A_1228 = tpu.dynamic_gather %scan3A_1046#3[%gather3A_1227] in [0] : vector<16xf32>, vector<16xi32> -> vector<16xf32>
      %max3A_1229 = arith.maximumf %scan3A_1046#3, %gather3A_1228 : vector<16xf32>
      %xor3A_1230 = arith.constant 4 : i32
      %xor3A_1231 = vector.broadcast %xor3A_1230 : i32 to vector<16xi32>
      %xor3A_1232 = arith.xori %iota3A, %xor3A_1231 : vector<16xi32>
      %lt3A_1233 = arith.constant 0 : i32
      %lt3A_1234 = vector.broadcast %lt3A_1233 : i32 to vector<16xi32>
      %lt3A_1235 = arith.cmpi slt, %xor3A_1232, %lt3A_1234 : vector<16xi32>
      %add3A_1236 = arith.constant 16 : i32
      %add3A_1237 = vector.broadcast %add3A_1236 : i32 to vector<16xi32>
      %add3A_1238 = arith.addi %xor3A_1232, %add3A_1237 : vector<16xi32>
      %select_n3A_1239 = arith.select %lt3A_1235, %add3A_1238, %xor3A_1232 : vector<16xi1>, vector<16xi32>
      %broadcast_in_dim3A_1240 = vector.shape_cast %select_n3A_1239 : vector<16xi32> to vector<16x1xi32>
      %gather3A_1241 = vector.shape_cast %broadcast_in_dim3A_1240 : vector<16x1xi32> to vector<16xi32>
      %gather3A_1242 = tpu.dynamic_gather %max3A_1229[%gather3A_1241] in [0] : vector<16xf32>, vector<16xi32> -> vector<16xf32>
      %max3A_1243 = arith.maximumf %max3A_1229, %gather3A_1242 : vector<16xf32>
      %xor3A_1244 = arith.constant 2 : i32
      %xor3A_1245 = vector.broadcast %xor3A_1244 : i32 to vector<16xi32>
      %xor3A_1246 = arith.xori %iota3A, %xor3A_1245 : vector<16xi32>
      %lt3A_1247 = arith.constant 0 : i32
      %lt3A_1248 = vector.broadcast %lt3A_1247 : i32 to vector<16xi32>
      %lt3A_1249 = arith.cmpi slt, %xor3A_1246, %lt3A_1248 : vector<16xi32>
      %add3A_1250 = arith.constant 16 : i32
      %add3A_1251 = vector.broadcast %add3A_1250 : i32 to vector<16xi32>
      %add3A_1252 = arith.addi %xor3A_1246, %add3A_1251 : vector<16xi32>
      %select_n3A_1253 = arith.select %lt3A_1249, %add3A_1252, %xor3A_1246 : vector<16xi1>, vector<16xi32>
      %broadcast_in_dim3A_1254 = vector.shape_cast %select_n3A_1253 : vector<16xi32> to vector<16x1xi32>
      %gather3A_1255 = vector.shape_cast %broadcast_in_dim3A_1254 : vector<16x1xi32> to vector<16xi32>
      %gather3A_1256 = tpu.dynamic_gather %max3A_1243[%gather3A_1255] in [0] : vector<16xf32>, vector<16xi32> -> vector<16xf32>
      %max3A_1257 = arith.maximumf %max3A_1243, %gather3A_1256 : vector<16xf32>
      %xor3A_1258 = arith.constant 1 : i32
      %xor3A_1259 = vector.broadcast %xor3A_1258 : i32 to vector<16xi32>
      %xor3A_1260 = arith.xori %iota3A, %xor3A_1259 : vector<16xi32>
      %lt3A_1261 = arith.constant 0 : i32
      %lt3A_1262 = vector.broadcast %lt3A_1261 : i32 to vector<16xi32>
      %lt3A_1263 = arith.cmpi slt, %xor3A_1260, %lt3A_1262 : vector<16xi32>
      %add3A_1264 = arith.constant 16 : i32
      %add3A_1265 = vector.broadcast %add3A_1264 : i32 to vector<16xi32>
      %add3A_1266 = arith.addi %xor3A_1260, %add3A_1265 : vector<16xi32>
      %select_n3A_1267 = arith.select %lt3A_1263, %add3A_1266, %xor3A_1260 : vector<16xi1>, vector<16xi32>
      %broadcast_in_dim3A_1268 = vector.shape_cast %select_n3A_1267 : vector<16xi32> to vector<16x1xi32>
      %gather3A_1269 = vector.shape_cast %broadcast_in_dim3A_1268 : vector<16x1xi32> to vector<16xi32>
      %gather3A_1270 = tpu.dynamic_gather %max3A_1257[%gather3A_1269] in [0] : vector<16xf32>, vector<16xi32> -> vector<16xf32>
      %max3A_1271 = arith.maximumf %max3A_1257, %gather3A_1270 : vector<16xf32>
      %xor3A_1272 = arith.constant 8 : i32
      %xor3A_1273 = vector.broadcast %xor3A_1272 : i32 to vector<16xi32>
      %xor3A_1274 = arith.xori %iota3A, %xor3A_1273 : vector<16xi32>
      %lt3A_1275 = arith.constant 0 : i32
      %lt3A_1276 = vector.broadcast %lt3A_1275 : i32 to vector<16xi32>
      %lt3A_1277 = arith.cmpi slt, %xor3A_1274, %lt3A_1276 : vector<16xi32>
      %add3A_1278 = arith.constant 16 : i32
      %add3A_1279 = vector.broadcast %add3A_1278 : i32 to vector<16xi32>
      %add3A_1280 = arith.addi %xor3A_1274, %add3A_1279 : vector<16xi32>
      %select_n3A_1281 = arith.select %lt3A_1277, %add3A_1280, %xor3A_1274 : vector<16xi1>, vector<16xi32>
      %broadcast_in_dim3A_1282 = vector.shape_cast %select_n3A_1281 : vector<16xi32> to vector<16x1xi32>
      %gather3A_1283 = vector.shape_cast %broadcast_in_dim3A_1282 : vector<16x1xi32> to vector<16xi32>
      %gather3A_1284 = tpu.dynamic_gather %scan3A_1046#4[%gather3A_1283] in [0] : vector<16xf32>, vector<16xi32> -> vector<16xf32>
      %max3A_1285 = arith.maximumf %scan3A_1046#4, %gather3A_1284 : vector<16xf32>
      %xor3A_1286 = arith.constant 4 : i32
      %xor3A_1287 = vector.broadcast %xor3A_1286 : i32 to vector<16xi32>
      %xor3A_1288 = arith.xori %iota3A, %xor3A_1287 : vector<16xi32>
      %lt3A_1289 = arith.constant 0 : i32
      %lt3A_1290 = vector.broadcast %lt3A_1289 : i32 to vector<16xi32>
      %lt3A_1291 = arith.cmpi slt, %xor3A_1288, %lt3A_1290 : vector<16xi32>
      %add3A_1292 = arith.constant 16 : i32
      %add3A_1293 = vector.broadcast %add3A_1292 : i32 to vector<16xi32>
      %add3A_1294 = arith.addi %xor3A_1288, %add3A_1293 : vector<16xi32>
      %select_n3A_1295 = arith.select %lt3A_1291, %add3A_1294, %xor3A_1288 : vector<16xi1>, vector<16xi32>
      %broadcast_in_dim3A_1296 = vector.shape_cast %select_n3A_1295 : vector<16xi32> to vector<16x1xi32>
      %gather3A_1297 = vector.shape_cast %broadcast_in_dim3A_1296 : vector<16x1xi32> to vector<16xi32>
      %gather3A_1298 = tpu.dynamic_gather %max3A_1285[%gather3A_1297] in [0] : vector<16xf32>, vector<16xi32> -> vector<16xf32>
      %max3A_1299 = arith.maximumf %max3A_1285, %gather3A_1298 : vector<16xf32>
      %xor3A_1300 = arith.constant 2 : i32
      %xor3A_1301 = vector.broadcast %xor3A_1300 : i32 to vector<16xi32>
      %xor3A_1302 = arith.xori %iota3A, %xor3A_1301 : vector<16xi32>
      %lt3A_1303 = arith.constant 0 : i32
      %lt3A_1304 = vector.broadcast %lt3A_1303 : i32 to vector<16xi32>
      %lt3A_1305 = arith.cmpi slt, %xor3A_1302, %lt3A_1304 : vector<16xi32>
      %add3A_1306 = arith.constant 16 : i32
      %add3A_1307 = vector.broadcast %add3A_1306 : i32 to vector<16xi32>
      %add3A_1308 = arith.addi %xor3A_1302, %add3A_1307 : vector<16xi32>
      %select_n3A_1309 = arith.select %lt3A_1305, %add3A_1308, %xor3A_1302 : vector<16xi1>, vector<16xi32>
      %broadcast_in_dim3A_1310 = vector.shape_cast %select_n3A_1309 : vector<16xi32> to vector<16x1xi32>
      %gather3A_1311 = vector.shape_cast %broadcast_in_dim3A_1310 : vector<16x1xi32> to vector<16xi32>
      %gather3A_1312 = tpu.dynamic_gather %max3A_1299[%gather3A_1311] in [0] : vector<16xf32>, vector<16xi32> -> vector<16xf32>
      %max3A_1313 = arith.maximumf %max3A_1299, %gather3A_1312 : vector<16xf32>
      %xor3A_1314 = arith.constant 1 : i32
      %xor3A_1315 = vector.broadcast %xor3A_1314 : i32 to vector<16xi32>
      %xor3A_1316 = arith.xori %iota3A, %xor3A_1315 : vector<16xi32>
      %lt3A_1317 = arith.constant 0 : i32
      %lt3A_1318 = vector.broadcast %lt3A_1317 : i32 to vector<16xi32>
      %lt3A_1319 = arith.cmpi slt, %xor3A_1316, %lt3A_1318 : vector<16xi32>
      %add3A_1320 = arith.constant 16 : i32
      %add3A_1321 = vector.broadcast %add3A_1320 : i32 to vector<16xi32>
      %add3A_1322 = arith.addi %xor3A_1316, %add3A_1321 : vector<16xi32>
      %select_n3A_1323 = arith.select %lt3A_1319, %add3A_1322, %xor3A_1316 : vector<16xi1>, vector<16xi32>
      %broadcast_in_dim3A_1324 = vector.shape_cast %select_n3A_1323 : vector<16xi32> to vector<16x1xi32>
      %gather3A_1325 = vector.shape_cast %broadcast_in_dim3A_1324 : vector<16x1xi32> to vector<16xi32>
      %gather3A_1326 = tpu.dynamic_gather %max3A_1313[%gather3A_1325] in [0] : vector<16xf32>, vector<16xi32> -> vector<16xf32>
      %max3A_1327 = arith.maximumf %max3A_1313, %gather3A_1326 : vector<16xf32>
      %xor3A_1328 = arith.constant 8 : i32
      %xor3A_1329 = vector.broadcast %xor3A_1328 : i32 to vector<16xi32>
      %xor3A_1330 = arith.xori %iota3A, %xor3A_1329 : vector<16xi32>
      %lt3A_1331 = arith.constant 0 : i32
      %lt3A_1332 = vector.broadcast %lt3A_1331 : i32 to vector<16xi32>
      %lt3A_1333 = arith.cmpi slt, %xor3A_1330, %lt3A_1332 : vector<16xi32>
      %add3A_1334 = arith.constant 16 : i32
      %add3A_1335 = vector.broadcast %add3A_1334 : i32 to vector<16xi32>
      %add3A_1336 = arith.addi %xor3A_1330, %add3A_1335 : vector<16xi32>
      %select_n3A_1337 = arith.select %lt3A_1333, %add3A_1336, %xor3A_1330 : vector<16xi1>, vector<16xi32>
      %broadcast_in_dim3A_1338 = vector.shape_cast %select_n3A_1337 : vector<16xi32> to vector<16x1xi32>
      %gather3A_1339 = vector.shape_cast %broadcast_in_dim3A_1338 : vector<16x1xi32> to vector<16xi32>
      %gather3A_1340 = tpu.dynamic_gather %scan3A_1046#5[%gather3A_1339] in [0] : vector<16xf32>, vector<16xi32> -> vector<16xf32>
      %max3A_1341 = arith.maximumf %scan3A_1046#5, %gather3A_1340 : vector<16xf32>
      %xor3A_1342 = arith.constant 4 : i32
      %xor3A_1343 = vector.broadcast %xor3A_1342 : i32 to vector<16xi32>
      %xor3A_1344 = arith.xori %iota3A, %xor3A_1343 : vector<16xi32>
      %lt3A_1345 = arith.constant 0 : i32
      %lt3A_1346 = vector.broadcast %lt3A_1345 : i32 to vector<16xi32>
      %lt3A_1347 = arith.cmpi slt, %xor3A_1344, %lt3A_1346 : vector<16xi32>
      %add3A_1348 = arith.constant 16 : i32
      %add3A_1349 = vector.broadcast %add3A_1348 : i32 to vector<16xi32>
      %add3A_1350 = arith.addi %xor3A_1344, %add3A_1349 : vector<16xi32>
      %select_n3A_1351 = arith.select %lt3A_1347, %add3A_1350, %xor3A_1344 : vector<16xi1>, vector<16xi32>
      %broadcast_in_dim3A_1352 = vector.shape_cast %select_n3A_1351 : vector<16xi32> to vector<16x1xi32>
      %gather3A_1353 = vector.shape_cast %broadcast_in_dim3A_1352 : vector<16x1xi32> to vector<16xi32>
      %gather3A_1354 = tpu.dynamic_gather %max3A_1341[%gather3A_1353] in [0] : vector<16xf32>, vector<16xi32> -> vector<16xf32>
      %max3A_1355 = arith.maximumf %max3A_1341, %gather3A_1354 : vector<16xf32>
      %xor3A_1356 = arith.constant 2 : i32
      %xor3A_1357 = vector.broadcast %xor3A_1356 : i32 to vector<16xi32>
      %xor3A_1358 = arith.xori %iota3A, %xor3A_1357 : vector<16xi32>
      %lt3A_1359 = arith.constant 0 : i32
      %lt3A_1360 = vector.broadcast %lt3A_1359 : i32 to vector<16xi32>
      %lt3A_1361 = arith.cmpi slt, %xor3A_1358, %lt3A_1360 : vector<16xi32>
      %add3A_1362 = arith.constant 16 : i32
      %add3A_1363 = vector.broadcast %add3A_1362 : i32 to vector<16xi32>
      %add3A_1364 = arith.addi %xor3A_1358, %add3A_1363 : vector<16xi32>
      %select_n3A_1365 = arith.select %lt3A_1361, %add3A_1364, %xor3A_1358 : vector<16xi1>, vector<16xi32>
      %broadcast_in_dim3A_1366 = vector.shape_cast %select_n3A_1365 : vector<16xi32> to vector<16x1xi32>
      %gather3A_1367 = vector.shape_cast %broadcast_in_dim3A_1366 : vector<16x1xi32> to vector<16xi32>
      %gather3A_1368 = tpu.dynamic_gather %max3A_1355[%gather3A_1367] in [0] : vector<16xf32>, vector<16xi32> -> vector<16xf32>
      %max3A_1369 = arith.maximumf %max3A_1355, %gather3A_1368 : vector<16xf32>
      %xor3A_1370 = arith.constant 1 : i32
      %xor3A_1371 = vector.broadcast %xor3A_1370 : i32 to vector<16xi32>
      %xor3A_1372 = arith.xori %iota3A, %xor3A_1371 : vector<16xi32>
      %lt3A_1373 = arith.constant 0 : i32
      %lt3A_1374 = vector.broadcast %lt3A_1373 : i32 to vector<16xi32>
      %lt3A_1375 = arith.cmpi slt, %xor3A_1372, %lt3A_1374 : vector<16xi32>
      %add3A_1376 = arith.constant 16 : i32
      %add3A_1377 = vector.broadcast %add3A_1376 : i32 to vector<16xi32>
      %add3A_1378 = arith.addi %xor3A_1372, %add3A_1377 : vector<16xi32>
      %select_n3A_1379 = arith.select %lt3A_1375, %add3A_1378, %xor3A_1372 : vector<16xi1>, vector<16xi32>
      %broadcast_in_dim3A_1380 = vector.shape_cast %select_n3A_1379 : vector<16xi32> to vector<16x1xi32>
      %gather3A_1381 = vector.shape_cast %broadcast_in_dim3A_1380 : vector<16x1xi32> to vector<16xi32>
      %gather3A_1382 = tpu.dynamic_gather %max3A_1369[%gather3A_1381] in [0] : vector<16xf32>, vector<16xi32> -> vector<16xf32>
      %max3A_1383 = arith.maximumf %max3A_1369, %gather3A_1382 : vector<16xf32>
      %xor3A_1384 = arith.constant 8 : i32
      %xor3A_1385 = vector.broadcast %xor3A_1384 : i32 to vector<16xi32>
      %xor3A_1386 = arith.xori %iota3A, %xor3A_1385 : vector<16xi32>
      %lt3A_1387 = arith.constant 0 : i32
      %lt3A_1388 = vector.broadcast %lt3A_1387 : i32 to vector<16xi32>
      %lt3A_1389 = arith.cmpi slt, %xor3A_1386, %lt3A_1388 : vector<16xi32>
      %add3A_1390 = arith.constant 16 : i32
      %add3A_1391 = vector.broadcast %add3A_1390 : i32 to vector<16xi32>
      %add3A_1392 = arith.addi %xor3A_1386, %add3A_1391 : vector<16xi32>
      %select_n3A_1393 = arith.select %lt3A_1389, %add3A_1392, %xor3A_1386 : vector<16xi1>, vector<16xi32>
      %broadcast_in_dim3A_1394 = vector.shape_cast %select_n3A_1393 : vector<16xi32> to vector<16x1xi32>
      %gather3A_1395 = vector.shape_cast %broadcast_in_dim3A_1394 : vector<16x1xi32> to vector<16xi32>
      %gather3A_1396 = tpu.dynamic_gather %scan3A_1046#6[%gather3A_1395] in [0] : vector<16xf32>, vector<16xi32> -> vector<16xf32>
      %max3A_1397 = arith.maximumf %scan3A_1046#6, %gather3A_1396 : vector<16xf32>
      %xor3A_1398 = arith.constant 4 : i32
      %xor3A_1399 = vector.broadcast %xor3A_1398 : i32 to vector<16xi32>
      %xor3A_1400 = arith.xori %iota3A, %xor3A_1399 : vector<16xi32>
      %lt3A_1401 = arith.constant 0 : i32
      %lt3A_1402 = vector.broadcast %lt3A_1401 : i32 to vector<16xi32>
      %lt3A_1403 = arith.cmpi slt, %xor3A_1400, %lt3A_1402 : vector<16xi32>
      %add3A_1404 = arith.constant 16 : i32
      %add3A_1405 = vector.broadcast %add3A_1404 : i32 to vector<16xi32>
      %add3A_1406 = arith.addi %xor3A_1400, %add3A_1405 : vector<16xi32>
      %select_n3A_1407 = arith.select %lt3A_1403, %add3A_1406, %xor3A_1400 : vector<16xi1>, vector<16xi32>
      %broadcast_in_dim3A_1408 = vector.shape_cast %select_n3A_1407 : vector<16xi32> to vector<16x1xi32>
      %gather3A_1409 = vector.shape_cast %broadcast_in_dim3A_1408 : vector<16x1xi32> to vector<16xi32>
      %gather3A_1410 = tpu.dynamic_gather %max3A_1397[%gather3A_1409] in [0] : vector<16xf32>, vector<16xi32> -> vector<16xf32>
      %max3A_1411 = arith.maximumf %max3A_1397, %gather3A_1410 : vector<16xf32>
      %xor3A_1412 = arith.constant 2 : i32
      %xor3A_1413 = vector.broadcast %xor3A_1412 : i32 to vector<16xi32>
      %xor3A_1414 = arith.xori %iota3A, %xor3A_1413 : vector<16xi32>
      %lt3A_1415 = arith.constant 0 : i32
      %lt3A_1416 = vector.broadcast %lt3A_1415 : i32 to vector<16xi32>
      %lt3A_1417 = arith.cmpi slt, %xor3A_1414, %lt3A_1416 : vector<16xi32>
      %add3A_1418 = arith.constant 16 : i32
      %add3A_1419 = vector.broadcast %add3A_1418 : i32 to vector<16xi32>
      %add3A_1420 = arith.addi %xor3A_1414, %add3A_1419 : vector<16xi32>
      %select_n3A_1421 = arith.select %lt3A_1417, %add3A_1420, %xor3A_1414 : vector<16xi1>, vector<16xi32>
      %broadcast_in_dim3A_1422 = vector.shape_cast %select_n3A_1421 : vector<16xi32> to vector<16x1xi32>
      %gather3A_1423 = vector.shape_cast %broadcast_in_dim3A_1422 : vector<16x1xi32> to vector<16xi32>
      %gather3A_1424 = tpu.dynamic_gather %max3A_1411[%gather3A_1423] in [0] : vector<16xf32>, vector<16xi32> -> vector<16xf32>
      %max3A_1425 = arith.maximumf %max3A_1411, %gather3A_1424 : vector<16xf32>
      %xor3A_1426 = arith.constant 1 : i32
      %xor3A_1427 = vector.broadcast %xor3A_1426 : i32 to vector<16xi32>
      %xor3A_1428 = arith.xori %iota3A, %xor3A_1427 : vector<16xi32>
      %lt3A_1429 = arith.constant 0 : i32
      %lt3A_1430 = vector.broadcast %lt3A_1429 : i32 to vector<16xi32>
      %lt3A_1431 = arith.cmpi slt, %xor3A_1428, %lt3A_1430 : vector<16xi32>
      %add3A_1432 = arith.constant 16 : i32
      %add3A_1433 = vector.broadcast %add3A_1432 : i32 to vector<16xi32>
      %add3A_1434 = arith.addi %xor3A_1428, %add3A_1433 : vector<16xi32>
      %select_n3A_1435 = arith.select %lt3A_1431, %add3A_1434, %xor3A_1428 : vector<16xi1>, vector<16xi32>
      %broadcast_in_dim3A_1436 = vector.shape_cast %select_n3A_1435 : vector<16xi32> to vector<16x1xi32>
      %gather3A_1437 = vector.shape_cast %broadcast_in_dim3A_1436 : vector<16x1xi32> to vector<16xi32>
      %gather3A_1438 = tpu.dynamic_gather %max3A_1425[%gather3A_1437] in [0] : vector<16xf32>, vector<16xi32> -> vector<16xf32>
      %max3A_1439 = arith.maximumf %max3A_1425, %gather3A_1438 : vector<16xf32>
      %xor3A_1440 = arith.constant 8 : i32
      %xor3A_1441 = vector.broadcast %xor3A_1440 : i32 to vector<16xi32>
      %xor3A_1442 = arith.xori %iota3A, %xor3A_1441 : vector<16xi32>
      %lt3A_1443 = arith.constant 0 : i32
      %lt3A_1444 = vector.broadcast %lt3A_1443 : i32 to vector<16xi32>
      %lt3A_1445 = arith.cmpi slt, %xor3A_1442, %lt3A_1444 : vector<16xi32>
      %add3A_1446 = arith.constant 16 : i32
      %add3A_1447 = vector.broadcast %add3A_1446 : i32 to vector<16xi32>
      %add3A_1448 = arith.addi %xor3A_1442, %add3A_1447 : vector<16xi32>
      %select_n3A_1449 = arith.select %lt3A_1445, %add3A_1448, %xor3A_1442 : vector<16xi1>, vector<16xi32>
      %broadcast_in_dim3A_1450 = vector.shape_cast %select_n3A_1449 : vector<16xi32> to vector<16x1xi32>
      %gather3A_1451 = vector.shape_cast %broadcast_in_dim3A_1450 : vector<16x1xi32> to vector<16xi32>
      %gather3A_1452 = tpu.dynamic_gather %scan3A_1046#7[%gather3A_1451] in [0] : vector<16xf32>, vector<16xi32> -> vector<16xf32>
      %max3A_1453 = arith.maximumf %scan3A_1046#7, %gather3A_1452 : vector<16xf32>
      %xor3A_1454 = arith.constant 4 : i32
      %xor3A_1455 = vector.broadcast %xor3A_1454 : i32 to vector<16xi32>
      %xor3A_1456 = arith.xori %iota3A, %xor3A_1455 : vector<16xi32>
      %lt3A_1457 = arith.constant 0 : i32
      %lt3A_1458 = vector.broadcast %lt3A_1457 : i32 to vector<16xi32>
      %lt3A_1459 = arith.cmpi slt, %xor3A_1456, %lt3A_1458 : vector<16xi32>
      %add3A_1460 = arith.constant 16 : i32
      %add3A_1461 = vector.broadcast %add3A_1460 : i32 to vector<16xi32>
      %add3A_1462 = arith.addi %xor3A_1456, %add3A_1461 : vector<16xi32>
      %select_n3A_1463 = arith.select %lt3A_1459, %add3A_1462, %xor3A_1456 : vector<16xi1>, vector<16xi32>
      %broadcast_in_dim3A_1464 = vector.shape_cast %select_n3A_1463 : vector<16xi32> to vector<16x1xi32>
      %gather3A_1465 = vector.shape_cast %broadcast_in_dim3A_1464 : vector<16x1xi32> to vector<16xi32>
      %gather3A_1466 = tpu.dynamic_gather %max3A_1453[%gather3A_1465] in [0] : vector<16xf32>, vector<16xi32> -> vector<16xf32>
      %max3A_1467 = arith.maximumf %max3A_1453, %gather3A_1466 : vector<16xf32>
      %xor3A_1468 = arith.constant 2 : i32
      %xor3A_1469 = vector.broadcast %xor3A_1468 : i32 to vector<16xi32>
      %xor3A_1470 = arith.xori %iota3A, %xor3A_1469 : vector<16xi32>
      %lt3A_1471 = arith.constant 0 : i32
      %lt3A_1472 = vector.broadcast %lt3A_1471 : i32 to vector<16xi32>
      %lt3A_1473 = arith.cmpi slt, %xor3A_1470, %lt3A_1472 : vector<16xi32>
      %add3A_1474 = arith.constant 16 : i32
      %add3A_1475 = vector.broadcast %add3A_1474 : i32 to vector<16xi32>
      %add3A_1476 = arith.addi %xor3A_1470, %add3A_1475 : vector<16xi32>
      %select_n3A_1477 = arith.select %lt3A_1473, %add3A_1476, %xor3A_1470 : vector<16xi1>, vector<16xi32>
      %broadcast_in_dim3A_1478 = vector.shape_cast %select_n3A_1477 : vector<16xi32> to vector<16x1xi32>
      %gather3A_1479 = vector.shape_cast %broadcast_in_dim3A_1478 : vector<16x1xi32> to vector<16xi32>
      %gather3A_1480 = tpu.dynamic_gather %max3A_1467[%gather3A_1479] in [0] : vector<16xf32>, vector<16xi32> -> vector<16xf32>
      %max3A_1481 = arith.maximumf %max3A_1467, %gather3A_1480 : vector<16xf32>
      %xor3A_1482 = arith.constant 1 : i32
      %xor3A_1483 = vector.broadcast %xor3A_1482 : i32 to vector<16xi32>
      %xor3A_1484 = arith.xori %iota3A, %xor3A_1483 : vector<16xi32>
      %lt3A_1485 = arith.constant 0 : i32
      %lt3A_1486 = vector.broadcast %lt3A_1485 : i32 to vector<16xi32>
      %lt3A_1487 = arith.cmpi slt, %xor3A_1484, %lt3A_1486 : vector<16xi32>
      %add3A_1488 = arith.constant 16 : i32
      %add3A_1489 = vector.broadcast %add3A_1488 : i32 to vector<16xi32>
      %add3A_1490 = arith.addi %xor3A_1484, %add3A_1489 : vector<16xi32>
      %select_n3A_1491 = arith.select %lt3A_1487, %add3A_1490, %xor3A_1484 : vector<16xi1>, vector<16xi32>
      %broadcast_in_dim3A_1492 = vector.shape_cast %select_n3A_1491 : vector<16xi32> to vector<16x1xi32>
      %gather3A_1493 = vector.shape_cast %broadcast_in_dim3A_1492 : vector<16x1xi32> to vector<16xi32>
      %gather3A_1494 = tpu.dynamic_gather %max3A_1481[%gather3A_1493] in [0] : vector<16xf32>, vector<16xi32> -> vector<16xf32>
      %max3A_1495 = arith.maximumf %max3A_1481, %gather3A_1494 : vector<16xf32>
      %scan3A_1496 = arith.constant 0 : i32
      %scan3A_1497 = arith.constant 24 : i32
      %scan3A_1498 = arith.addi %scan3A_1496, %scan3A_1497 : i32
      %scan3A_1499 = arith.constant 1 : i32
      %scan3A_1500:8 = scf.for %scan3A_2025 = %scan3A_1496 to %scan3A_1498 step %scan3A_1499 iter_args(%scan3A_2026 = %broadcast_in_dim3A_3, %scan3A_2027 = %broadcast_in_dim3A_3, %scan3A_2028 = %broadcast_in_dim3A_3, %scan3A_2029 = %broadcast_in_dim3A_3, %scan3A_2030 = %broadcast_in_dim3A_3, %scan3A_2031 = %broadcast_in_dim3A_3, %scan3A_2032 = %broadcast_in_dim3A_3, %scan3A_2033 = %broadcast_in_dim3A_3) -> (vector<16xf32>, vector<16xf32>, vector<16xf32>, vector<16xf32>, vector<16xf32>, vector<16xf32>, vector<16xf32>, vector<16xf32>)  : i32 {
        %mul3A_2034 = arith.constant 16 : i32
        %mul3A_2035 = arith.muli %scan3A_2025, %mul3A_2034 : i32
        %get3A_2036 = arith.index_cast %mul3A_2035 : i32 to index
        %get3A_2037 = tpu.vector_load %arg14[%get3A_2036] {strides = array<i32>} : memref<384xf32, #tpu.memory_space<vmem>>, vector<16xf32>,
        %get3A_2038 = vector.shape_cast %get3A_2037 : vector<16xf32> to vector<16xf32>
        %sub3A = arith.subf %get3A_2038, %max3A_1103 : vector<16xf32>
        %exp3A = math.exp %sub3A : vector<16xf32>
        %add3A_2039 = arith.addf %scan3A_2026, %exp3A : vector<16xf32>
        %get3A_2040 = arith.index_cast %mul3A_2035 : i32 to index
        %get3A_2041 = tpu.vector_load %arg15[%get3A_2040] {strides = array<i32>} : memref<384xf32, #tpu.memory_space<vmem>>, vector<16xf32>,
        %get3A_2042 = vector.shape_cast %get3A_2041 : vector<16xf32> to vector<16xf32>
        %sub3A_2043 = arith.subf %get3A_2042, %max3A_1159 : vector<16xf32>
        %exp3A_2044 = math.exp %sub3A_2043 : vector<16xf32>
        %add3A_2045 = arith.addf %scan3A_2027, %exp3A_2044 : vector<16xf32>
        %get3A_2046 = arith.index_cast %mul3A_2035 : i32 to index
        %get3A_2047 = tpu.vector_load %arg16[%get3A_2046] {strides = array<i32>} : memref<384xf32, #tpu.memory_space<vmem>>, vector<16xf32>,
        %get3A_2048 = vector.shape_cast %get3A_2047 : vector<16xf32> to vector<16xf32>
        %sub3A_2049 = arith.subf %get3A_2048, %max3A_1215 : vector<16xf32>
        %exp3A_2050 = math.exp %sub3A_2049 : vector<16xf32>
        %add3A_2051 = arith.addf %scan3A_2028, %exp3A_2050 : vector<16xf32>
        %get3A_2052 = arith.index_cast %mul3A_2035 : i32 to index
        %get3A_2053 = tpu.vector_load %arg17[%get3A_2052] {strides = array<i32>} : memref<384xf32, #tpu.memory_space<vmem>>, vector<16xf32>,
        %get3A_2054 = vector.shape_cast %get3A_2053 : vector<16xf32> to vector<16xf32>
        %sub3A_2055 = arith.subf %get3A_2054, %max3A_1271 : vector<16xf32>
        %exp3A_2056 = math.exp %sub3A_2055 : vector<16xf32>
        %add3A_2057 = arith.addf %scan3A_2029, %exp3A_2056 : vector<16xf32>
        %get3A_2058 = arith.index_cast %mul3A_2035 : i32 to index
        %get3A_2059 = tpu.vector_load %arg18[%get3A_2058] {strides = array<i32>} : memref<384xf32, #tpu.memory_space<vmem>>, vector<16xf32>,
        %get3A_2060 = vector.shape_cast %get3A_2059 : vector<16xf32> to vector<16xf32>
        %sub3A_2061 = arith.subf %get3A_2060, %max3A_1327 : vector<16xf32>
        %exp3A_2062 = math.exp %sub3A_2061 : vector<16xf32>
        %add3A_2063 = arith.addf %scan3A_2030, %exp3A_2062 : vector<16xf32>
        %get3A_2064 = arith.index_cast %mul3A_2035 : i32 to index
        %get3A_2065 = tpu.vector_load %arg19[%get3A_2064] {strides = array<i32>} : memref<384xf32, #tpu.memory_space<vmem>>, vector<16xf32>,
        %get3A_2066 = vector.shape_cast %get3A_2065 : vector<16xf32> to vector<16xf32>
        %sub3A_2067 = arith.subf %get3A_2066, %max3A_1383 : vector<16xf32>
        %exp3A_2068 = math.exp %sub3A_2067 : vector<16xf32>
        %add3A_2069 = arith.addf %scan3A_2031, %exp3A_2068 : vector<16xf32>
        %get3A_2070 = arith.index_cast %mul3A_2035 : i32 to index
        %get3A_2071 = tpu.vector_load %arg20[%get3A_2070] {strides = array<i32>} : memref<384xf32, #tpu.memory_space<vmem>>, vector<16xf32>,
        %get3A_2072 = vector.shape_cast %get3A_2071 : vector<16xf32> to vector<16xf32>
        %sub3A_2073 = arith.subf %get3A_2072, %max3A_1439 : vector<16xf32>
        %exp3A_2074 = math.exp %sub3A_2073 : vector<16xf32>
        %add3A_2075 = arith.addf %scan3A_2032, %exp3A_2074 : vector<16xf32>
        %get3A_2076 = arith.index_cast %mul3A_2035 : i32 to index
        %get3A_2077 = tpu.vector_load %arg21[%get3A_2076] {strides = array<i32>} : memref<384xf32, #tpu.memory_space<vmem>>, vector<16xf32>,
        %get3A_2078 = vector.shape_cast %get3A_2077 : vector<16xf32> to vector<16xf32>
        %sub3A_2079 = arith.subf %get3A_2078, %max3A_1495 : vector<16xf32>
        %exp3A_2080 = math.exp %sub3A_2079 : vector<16xf32>
        %add3A_2081 = arith.addf %scan3A_2033, %exp3A_2080 : vector<16xf32>
        scf.yield %add3A_2039, %add3A_2045, %add3A_2051, %add3A_2057, %add3A_2063, %add3A_2069, %add3A_2075, %add3A_2081 : vector<16xf32>, vector<16xf32>, vector<16xf32>, vector<16xf32>, vector<16xf32>, vector<16xf32>, vector<16xf32>, vector<16xf32>
      }
      %scan3A_1501 = arith.constant 24 : i32
      %xor3A_1502 = arith.constant 8 : i32
      %xor3A_1503 = vector.broadcast %xor3A_1502 : i32 to vector<16xi32>
      %xor3A_1504 = arith.xori %iota3A, %xor3A_1503 : vector<16xi32>
      %lt3A_1505 = arith.constant 0 : i32
      %lt3A_1506 = vector.broadcast %lt3A_1505 : i32 to vector<16xi32>
      %lt3A_1507 = arith.cmpi slt, %xor3A_1504, %lt3A_1506 : vector<16xi32>
      %add3A_1508 = arith.constant 16 : i32
      %add3A_1509 = vector.broadcast %add3A_1508 : i32 to vector<16xi32>
      %add3A_1510 = arith.addi %xor3A_1504, %add3A_1509 : vector<16xi32>
      %select_n3A_1511 = arith.select %lt3A_1507, %add3A_1510, %xor3A_1504 : vector<16xi1>, vector<16xi32>
      %broadcast_in_dim3A_1512 = vector.shape_cast %select_n3A_1511 : vector<16xi32> to vector<16x1xi32>
      %gather3A_1513 = vector.shape_cast %broadcast_in_dim3A_1512 : vector<16x1xi32> to vector<16xi32>
      %gather3A_1514 = tpu.dynamic_gather %scan3A_1500#0[%gather3A_1513] in [0] : vector<16xf32>, vector<16xi32> -> vector<16xf32>
      %add3A_1515 = arith.addf %scan3A_1500#0, %gather3A_1514 : vector<16xf32>
      %xor3A_1516 = arith.constant 4 : i32
      %xor3A_1517 = vector.broadcast %xor3A_1516 : i32 to vector<16xi32>
      %xor3A_1518 = arith.xori %iota3A, %xor3A_1517 : vector<16xi32>
      %lt3A_1519 = arith.constant 0 : i32
      %lt3A_1520 = vector.broadcast %lt3A_1519 : i32 to vector<16xi32>
      %lt3A_1521 = arith.cmpi slt, %xor3A_1518, %lt3A_1520 : vector<16xi32>
      %add3A_1522 = arith.constant 16 : i32
      %add3A_1523 = vector.broadcast %add3A_1522 : i32 to vector<16xi32>
      %add3A_1524 = arith.addi %xor3A_1518, %add3A_1523 : vector<16xi32>
      %select_n3A_1525 = arith.select %lt3A_1521, %add3A_1524, %xor3A_1518 : vector<16xi1>, vector<16xi32>
      %broadcast_in_dim3A_1526 = vector.shape_cast %select_n3A_1525 : vector<16xi32> to vector<16x1xi32>
      %gather3A_1527 = vector.shape_cast %broadcast_in_dim3A_1526 : vector<16x1xi32> to vector<16xi32>
      %gather3A_1528 = tpu.dynamic_gather %add3A_1515[%gather3A_1527] in [0] : vector<16xf32>, vector<16xi32> -> vector<16xf32>
      %add3A_1529 = arith.addf %add3A_1515, %gather3A_1528 : vector<16xf32>
      %xor3A_1530 = arith.constant 2 : i32
      %xor3A_1531 = vector.broadcast %xor3A_1530 : i32 to vector<16xi32>
      %xor3A_1532 = arith.xori %iota3A, %xor3A_1531 : vector<16xi32>
      %lt3A_1533 = arith.constant 0 : i32
      %lt3A_1534 = vector.broadcast %lt3A_1533 : i32 to vector<16xi32>
      %lt3A_1535 = arith.cmpi slt, %xor3A_1532, %lt3A_1534 : vector<16xi32>
      %add3A_1536 = arith.constant 16 : i32
      %add3A_1537 = vector.broadcast %add3A_1536 : i32 to vector<16xi32>
      %add3A_1538 = arith.addi %xor3A_1532, %add3A_1537 : vector<16xi32>
      %select_n3A_1539 = arith.select %lt3A_1535, %add3A_1538, %xor3A_1532 : vector<16xi1>, vector<16xi32>
      %broadcast_in_dim3A_1540 = vector.shape_cast %select_n3A_1539 : vector<16xi32> to vector<16x1xi32>
      %gather3A_1541 = vector.shape_cast %broadcast_in_dim3A_1540 : vector<16x1xi32> to vector<16xi32>
      %gather3A_1542 = tpu.dynamic_gather %add3A_1529[%gather3A_1541] in [0] : vector<16xf32>, vector<16xi32> -> vector<16xf32>
      %add3A_1543 = arith.addf %add3A_1529, %gather3A_1542 : vector<16xf32>
      %xor3A_1544 = arith.constant 1 : i32
      %xor3A_1545 = vector.broadcast %xor3A_1544 : i32 to vector<16xi32>
      %xor3A_1546 = arith.xori %iota3A, %xor3A_1545 : vector<16xi32>
      %lt3A_1547 = arith.constant 0 : i32
      %lt3A_1548 = vector.broadcast %lt3A_1547 : i32 to vector<16xi32>
      %lt3A_1549 = arith.cmpi slt, %xor3A_1546, %lt3A_1548 : vector<16xi32>
      %add3A_1550 = arith.constant 16 : i32
      %add3A_1551 = vector.broadcast %add3A_1550 : i32 to vector<16xi32>
      %add3A_1552 = arith.addi %xor3A_1546, %add3A_1551 : vector<16xi32>
      %select_n3A_1553 = arith.select %lt3A_1549, %add3A_1552, %xor3A_1546 : vector<16xi1>, vector<16xi32>
      %broadcast_in_dim3A_1554 = vector.shape_cast %select_n3A_1553 : vector<16xi32> to vector<16x1xi32>
      %gather3A_1555 = vector.shape_cast %broadcast_in_dim3A_1554 : vector<16x1xi32> to vector<16xi32>
      %gather3A_1556 = tpu.dynamic_gather %add3A_1543[%gather3A_1555] in [0] : vector<16xf32>, vector<16xi32> -> vector<16xf32>
      %add3A_1557 = arith.addf %add3A_1543, %gather3A_1556 : vector<16xf32>
      %eq3A_1558 = arith.constant 8 : i32
      %eq3A_1559 = vector.broadcast %eq3A_1558 : i32 to vector<16xi32>
      %eq3A_1560 = arith.cmpi eq, %iota3A, %eq3A_1559 : vector<16xi32>
      %select_n3A_1561 = arith.select %eq3A_1560, %max3A_1103, %select_n3A_1005 : vector<16xi1>, vector<16xf32>
      %eq3A_1562 = arith.constant 8 : i32
      %eq3A_1563 = vector.broadcast %eq3A_1562 : i32 to vector<16xi32>
      %eq3A_1564 = arith.cmpi eq, %iota3A, %eq3A_1563 : vector<16xi32>
      %select_n3A_1565 = arith.select %eq3A_1564, %add3A_1557, %select_n3A_1009 : vector<16xi1>, vector<16xf32>
      %xor3A_1566 = arith.constant 8 : i32
      %xor3A_1567 = vector.broadcast %xor3A_1566 : i32 to vector<16xi32>
      %xor3A_1568 = arith.xori %iota3A, %xor3A_1567 : vector<16xi32>
      %lt3A_1569 = arith.constant 0 : i32
      %lt3A_1570 = vector.broadcast %lt3A_1569 : i32 to vector<16xi32>
      %lt3A_1571 = arith.cmpi slt, %xor3A_1568, %lt3A_1570 : vector<16xi32>
      %add3A_1572 = arith.constant 16 : i32
      %add3A_1573 = vector.broadcast %add3A_1572 : i32 to vector<16xi32>
      %add3A_1574 = arith.addi %xor3A_1568, %add3A_1573 : vector<16xi32>
      %select_n3A_1575 = arith.select %lt3A_1571, %add3A_1574, %xor3A_1568 : vector<16xi1>, vector<16xi32>
      %broadcast_in_dim3A_1576 = vector.shape_cast %select_n3A_1575 : vector<16xi32> to vector<16x1xi32>
      %gather3A_1577 = vector.shape_cast %broadcast_in_dim3A_1576 : vector<16x1xi32> to vector<16xi32>
      %gather3A_1578 = tpu.dynamic_gather %scan3A_1500#1[%gather3A_1577] in [0] : vector<16xf32>, vector<16xi32> -> vector<16xf32>
      %add3A_1579 = arith.addf %scan3A_1500#1, %gather3A_1578 : vector<16xf32>
      %xor3A_1580 = arith.constant 4 : i32
      %xor3A_1581 = vector.broadcast %xor3A_1580 : i32 to vector<16xi32>
      %xor3A_1582 = arith.xori %iota3A, %xor3A_1581 : vector<16xi32>
      %lt3A_1583 = arith.constant 0 : i32
      %lt3A_1584 = vector.broadcast %lt3A_1583 : i32 to vector<16xi32>
      %lt3A_1585 = arith.cmpi slt, %xor3A_1582, %lt3A_1584 : vector<16xi32>
      %add3A_1586 = arith.constant 16 : i32
      %add3A_1587 = vector.broadcast %add3A_1586 : i32 to vector<16xi32>
      %add3A_1588 = arith.addi %xor3A_1582, %add3A_1587 : vector<16xi32>
      %select_n3A_1589 = arith.select %lt3A_1585, %add3A_1588, %xor3A_1582 : vector<16xi1>, vector<16xi32>
      %broadcast_in_dim3A_1590 = vector.shape_cast %select_n3A_1589 : vector<16xi32> to vector<16x1xi32>
      %gather3A_1591 = vector.shape_cast %broadcast_in_dim3A_1590 : vector<16x1xi32> to vector<16xi32>
      %gather3A_1592 = tpu.dynamic_gather %add3A_1579[%gather3A_1591] in [0] : vector<16xf32>, vector<16xi32> -> vector<16xf32>
      %add3A_1593 = arith.addf %add3A_1579, %gather3A_1592 : vector<16xf32>
      %xor3A_1594 = arith.constant 2 : i32
      %xor3A_1595 = vector.broadcast %xor3A_1594 : i32 to vector<16xi32>
      %xor3A_1596 = arith.xori %iota3A, %xor3A_1595 : vector<16xi32>
      %lt3A_1597 = arith.constant 0 : i32
      %lt3A_1598 = vector.broadcast %lt3A_1597 : i32 to vector<16xi32>
      %lt3A_1599 = arith.cmpi slt, %xor3A_1596, %lt3A_1598 : vector<16xi32>
      %add3A_1600 = arith.constant 16 : i32
      %add3A_1601 = vector.broadcast %add3A_1600 : i32 to vector<16xi32>
      %add3A_1602 = arith.addi %xor3A_1596, %add3A_1601 : vector<16xi32>
      %select_n3A_1603 = arith.select %lt3A_1599, %add3A_1602, %xor3A_1596 : vector<16xi1>, vector<16xi32>
      %broadcast_in_dim3A_1604 = vector.shape_cast %select_n3A_1603 : vector<16xi32> to vector<16x1xi32>
      %gather3A_1605 = vector.shape_cast %broadcast_in_dim3A_1604 : vector<16x1xi32> to vector<16xi32>
      %gather3A_1606 = tpu.dynamic_gather %add3A_1593[%gather3A_1605] in [0] : vector<16xf32>, vector<16xi32> -> vector<16xf32>
      %add3A_1607 = arith.addf %add3A_1593, %gather3A_1606 : vector<16xf32>
      %xor3A_1608 = arith.constant 1 : i32
      %xor3A_1609 = vector.broadcast %xor3A_1608 : i32 to vector<16xi32>
      %xor3A_1610 = arith.xori %iota3A, %xor3A_1609 : vector<16xi32>
      %lt3A_1611 = arith.constant 0 : i32
      %lt3A_1612 = vector.broadcast %lt3A_1611 : i32 to vector<16xi32>
      %lt3A_1613 = arith.cmpi slt, %xor3A_1610, %lt3A_1612 : vector<16xi32>
      %add3A_1614 = arith.constant 16 : i32
      %add3A_1615 = vector.broadcast %add3A_1614 : i32 to vector<16xi32>
      %add3A_1616 = arith.addi %xor3A_1610, %add3A_1615 : vector<16xi32>
      %select_n3A_1617 = arith.select %lt3A_1613, %add3A_1616, %xor3A_1610 : vector<16xi1>, vector<16xi32>
      %broadcast_in_dim3A_1618 = vector.shape_cast %select_n3A_1617 : vector<16xi32> to vector<16x1xi32>
      %gather3A_1619 = vector.shape_cast %broadcast_in_dim3A_1618 : vector<16x1xi32> to vector<16xi32>
      %gather3A_1620 = tpu.dynamic_gather %add3A_1607[%gather3A_1619] in [0] : vector<16xf32>, vector<16xi32> -> vector<16xf32>
      %add3A_1621 = arith.addf %add3A_1607, %gather3A_1620 : vector<16xf32>
      %eq3A_1622 = arith.constant 9 : i32
      %eq3A_1623 = vector.broadcast %eq3A_1622 : i32 to vector<16xi32>
      %eq3A_1624 = arith.cmpi eq, %iota3A, %eq3A_1623 : vector<16xi32>
      %select_n3A_1625 = arith.select %eq3A_1624, %max3A_1159, %select_n3A_1561 : vector<16xi1>, vector<16xf32>
      %eq3A_1626 = arith.constant 9 : i32
      %eq3A_1627 = vector.broadcast %eq3A_1626 : i32 to vector<16xi32>
      %eq3A_1628 = arith.cmpi eq, %iota3A, %eq3A_1627 : vector<16xi32>
      %select_n3A_1629 = arith.select %eq3A_1628, %add3A_1621, %select_n3A_1565 : vector<16xi1>, vector<16xf32>
      %xor3A_1630 = arith.constant 8 : i32
      %xor3A_1631 = vector.broadcast %xor3A_1630 : i32 to vector<16xi32>
      %xor3A_1632 = arith.xori %iota3A, %xor3A_1631 : vector<16xi32>
      %lt3A_1633 = arith.constant 0 : i32
      %lt3A_1634 = vector.broadcast %lt3A_1633 : i32 to vector<16xi32>
      %lt3A_1635 = arith.cmpi slt, %xor3A_1632, %lt3A_1634 : vector<16xi32>
      %add3A_1636 = arith.constant 16 : i32
      %add3A_1637 = vector.broadcast %add3A_1636 : i32 to vector<16xi32>
      %add3A_1638 = arith.addi %xor3A_1632, %add3A_1637 : vector<16xi32>
      %select_n3A_1639 = arith.select %lt3A_1635, %add3A_1638, %xor3A_1632 : vector<16xi1>, vector<16xi32>
      %broadcast_in_dim3A_1640 = vector.shape_cast %select_n3A_1639 : vector<16xi32> to vector<16x1xi32>
      %gather3A_1641 = vector.shape_cast %broadcast_in_dim3A_1640 : vector<16x1xi32> to vector<16xi32>
      %gather3A_1642 = tpu.dynamic_gather %scan3A_1500#2[%gather3A_1641] in [0] : vector<16xf32>, vector<16xi32> -> vector<16xf32>
      %add3A_1643 = arith.addf %scan3A_1500#2, %gather3A_1642 : vector<16xf32>
      %xor3A_1644 = arith.constant 4 : i32
      %xor3A_1645 = vector.broadcast %xor3A_1644 : i32 to vector<16xi32>
      %xor3A_1646 = arith.xori %iota3A, %xor3A_1645 : vector<16xi32>
      %lt3A_1647 = arith.constant 0 : i32
      %lt3A_1648 = vector.broadcast %lt3A_1647 : i32 to vector<16xi32>
      %lt3A_1649 = arith.cmpi slt, %xor3A_1646, %lt3A_1648 : vector<16xi32>
      %add3A_1650 = arith.constant 16 : i32
      %add3A_1651 = vector.broadcast %add3A_1650 : i32 to vector<16xi32>
      %add3A_1652 = arith.addi %xor3A_1646, %add3A_1651 : vector<16xi32>
      %select_n3A_1653 = arith.select %lt3A_1649, %add3A_1652, %xor3A_1646 : vector<16xi1>, vector<16xi32>
      %broadcast_in_dim3A_1654 = vector.shape_cast %select_n3A_1653 : vector<16xi32> to vector<16x1xi32>
      %gather3A_1655 = vector.shape_cast %broadcast_in_dim3A_1654 : vector<16x1xi32> to vector<16xi32>
      %gather3A_1656 = tpu.dynamic_gather %add3A_1643[%gather3A_1655] in [0] : vector<16xf32>, vector<16xi32> -> vector<16xf32>
      %add3A_1657 = arith.addf %add3A_1643, %gather3A_1656 : vector<16xf32>
      %xor3A_1658 = arith.constant 2 : i32
      %xor3A_1659 = vector.broadcast %xor3A_1658 : i32 to vector<16xi32>
      %xor3A_1660 = arith.xori %iota3A, %xor3A_1659 : vector<16xi32>
      %lt3A_1661 = arith.constant 0 : i32
      %lt3A_1662 = vector.broadcast %lt3A_1661 : i32 to vector<16xi32>
      %lt3A_1663 = arith.cmpi slt, %xor3A_1660, %lt3A_1662 : vector<16xi32>
      %add3A_1664 = arith.constant 16 : i32
      %add3A_1665 = vector.broadcast %add3A_1664 : i32 to vector<16xi32>
      %add3A_1666 = arith.addi %xor3A_1660, %add3A_1665 : vector<16xi32>
      %select_n3A_1667 = arith.select %lt3A_1663, %add3A_1666, %xor3A_1660 : vector<16xi1>, vector<16xi32>
      %broadcast_in_dim3A_1668 = vector.shape_cast %select_n3A_1667 : vector<16xi32> to vector<16x1xi32>
      %gather3A_1669 = vector.shape_cast %broadcast_in_dim3A_1668 : vector<16x1xi32> to vector<16xi32>
      %gather3A_1670 = tpu.dynamic_gather %add3A_1657[%gather3A_1669] in [0] : vector<16xf32>, vector<16xi32> -> vector<16xf32>
      %add3A_1671 = arith.addf %add3A_1657, %gather3A_1670 : vector<16xf32>
      %xor3A_1672 = arith.constant 1 : i32
      %xor3A_1673 = vector.broadcast %xor3A_1672 : i32 to vector<16xi32>
      %xor3A_1674 = arith.xori %iota3A, %xor3A_1673 : vector<16xi32>
      %lt3A_1675 = arith.constant 0 : i32
      %lt3A_1676 = vector.broadcast %lt3A_1675 : i32 to vector<16xi32>
      %lt3A_1677 = arith.cmpi slt, %xor3A_1674, %lt3A_1676 : vector<16xi32>
      %add3A_1678 = arith.constant 16 : i32
      %add3A_1679 = vector.broadcast %add3A_1678 : i32 to vector<16xi32>
      %add3A_1680 = arith.addi %xor3A_1674, %add3A_1679 : vector<16xi32>
      %select_n3A_1681 = arith.select %lt3A_1677, %add3A_1680, %xor3A_1674 : vector<16xi1>, vector<16xi32>
      %broadcast_in_dim3A_1682 = vector.shape_cast %select_n3A_1681 : vector<16xi32> to vector<16x1xi32>
      %gather3A_1683 = vector.shape_cast %broadcast_in_dim3A_1682 : vector<16x1xi32> to vector<16xi32>
      %gather3A_1684 = tpu.dynamic_gather %add3A_1671[%gather3A_1683] in [0] : vector<16xf32>, vector<16xi32> -> vector<16xf32>
      %add3A_1685 = arith.addf %add3A_1671, %gather3A_1684 : vector<16xf32>
      %eq3A_1686 = arith.constant 10 : i32
      %eq3A_1687 = vector.broadcast %eq3A_1686 : i32 to vector<16xi32>
      %eq3A_1688 = arith.cmpi eq, %iota3A, %eq3A_1687 : vector<16xi32>
      %select_n3A_1689 = arith.select %eq3A_1688, %max3A_1215, %select_n3A_1625 : vector<16xi1>, vector<16xf32>
      %eq3A_1690 = arith.constant 10 : i32
      %eq3A_1691 = vector.broadcast %eq3A_1690 : i32 to vector<16xi32>
      %eq3A_1692 = arith.cmpi eq, %iota3A, %eq3A_1691 : vector<16xi32>
      %select_n3A_1693 = arith.select %eq3A_1692, %add3A_1685, %select_n3A_1629 : vector<16xi1>, vector<16xf32>
      %xor3A_1694 = arith.constant 8 : i32
      %xor3A_1695 = vector.broadcast %xor3A_1694 : i32 to vector<16xi32>
      %xor3A_1696 = arith.xori %iota3A, %xor3A_1695 : vector<16xi32>
      %lt3A_1697 = arith.constant 0 : i32
      %lt3A_1698 = vector.broadcast %lt3A_1697 : i32 to vector<16xi32>
      %lt3A_1699 = arith.cmpi slt, %xor3A_1696, %lt3A_1698 : vector<16xi32>
      %add3A_1700 = arith.constant 16 : i32
      %add3A_1701 = vector.broadcast %add3A_1700 : i32 to vector<16xi32>
      %add3A_1702 = arith.addi %xor3A_1696, %add3A_1701 : vector<16xi32>
      %select_n3A_1703 = arith.select %lt3A_1699, %add3A_1702, %xor3A_1696 : vector<16xi1>, vector<16xi32>
      %broadcast_in_dim3A_1704 = vector.shape_cast %select_n3A_1703 : vector<16xi32> to vector<16x1xi32>
      %gather3A_1705 = vector.shape_cast %broadcast_in_dim3A_1704 : vector<16x1xi32> to vector<16xi32>
      %gather3A_1706 = tpu.dynamic_gather %scan3A_1500#3[%gather3A_1705] in [0] : vector<16xf32>, vector<16xi32> -> vector<16xf32>
      %add3A_1707 = arith.addf %scan3A_1500#3, %gather3A_1706 : vector<16xf32>
      %xor3A_1708 = arith.constant 4 : i32
      %xor3A_1709 = vector.broadcast %xor3A_1708 : i32 to vector<16xi32>
      %xor3A_1710 = arith.xori %iota3A, %xor3A_1709 : vector<16xi32>
      %lt3A_1711 = arith.constant 0 : i32
      %lt3A_1712 = vector.broadcast %lt3A_1711 : i32 to vector<16xi32>
      %lt3A_1713 = arith.cmpi slt, %xor3A_1710, %lt3A_1712 : vector<16xi32>
      %add3A_1714 = arith.constant 16 : i32
      %add3A_1715 = vector.broadcast %add3A_1714 : i32 to vector<16xi32>
      %add3A_1716 = arith.addi %xor3A_1710, %add3A_1715 : vector<16xi32>
      %select_n3A_1717 = arith.select %lt3A_1713, %add3A_1716, %xor3A_1710 : vector<16xi1>, vector<16xi32>
      %broadcast_in_dim3A_1718 = vector.shape_cast %select_n3A_1717 : vector<16xi32> to vector<16x1xi32>
      %gather3A_1719 = vector.shape_cast %broadcast_in_dim3A_1718 : vector<16x1xi32> to vector<16xi32>
      %gather3A_1720 = tpu.dynamic_gather %add3A_1707[%gather3A_1719] in [0] : vector<16xf32>, vector<16xi32> -> vector<16xf32>
      %add3A_1721 = arith.addf %add3A_1707, %gather3A_1720 : vector<16xf32>
      %xor3A_1722 = arith.constant 2 : i32
      %xor3A_1723 = vector.broadcast %xor3A_1722 : i32 to vector<16xi32>
      %xor3A_1724 = arith.xori %iota3A, %xor3A_1723 : vector<16xi32>
      %lt3A_1725 = arith.constant 0 : i32
      %lt3A_1726 = vector.broadcast %lt3A_1725 : i32 to vector<16xi32>
      %lt3A_1727 = arith.cmpi slt, %xor3A_1724, %lt3A_1726 : vector<16xi32>
      %add3A_1728 = arith.constant 16 : i32
      %add3A_1729 = vector.broadcast %add3A_1728 : i32 to vector<16xi32>
      %add3A_1730 = arith.addi %xor3A_1724, %add3A_1729 : vector<16xi32>
      %select_n3A_1731 = arith.select %lt3A_1727, %add3A_1730, %xor3A_1724 : vector<16xi1>, vector<16xi32>
      %broadcast_in_dim3A_1732 = vector.shape_cast %select_n3A_1731 : vector<16xi32> to vector<16x1xi32>
      %gather3A_1733 = vector.shape_cast %broadcast_in_dim3A_1732 : vector<16x1xi32> to vector<16xi32>
      %gather3A_1734 = tpu.dynamic_gather %add3A_1721[%gather3A_1733] in [0] : vector<16xf32>, vector<16xi32> -> vector<16xf32>
      %add3A_1735 = arith.addf %add3A_1721, %gather3A_1734 : vector<16xf32>
      %xor3A_1736 = arith.constant 1 : i32
      %xor3A_1737 = vector.broadcast %xor3A_1736 : i32 to vector<16xi32>
      %xor3A_1738 = arith.xori %iota3A, %xor3A_1737 : vector<16xi32>
      %lt3A_1739 = arith.constant 0 : i32
      %lt3A_1740 = vector.broadcast %lt3A_1739 : i32 to vector<16xi32>
      %lt3A_1741 = arith.cmpi slt, %xor3A_1738, %lt3A_1740 : vector<16xi32>
      %add3A_1742 = arith.constant 16 : i32
      %add3A_1743 = vector.broadcast %add3A_1742 : i32 to vector<16xi32>
      %add3A_1744 = arith.addi %xor3A_1738, %add3A_1743 : vector<16xi32>
      %select_n3A_1745 = arith.select %lt3A_1741, %add3A_1744, %xor3A_1738 : vector<16xi1>, vector<16xi32>
      %broadcast_in_dim3A_1746 = vector.shape_cast %select_n3A_1745 : vector<16xi32> to vector<16x1xi32>
      %gather3A_1747 = vector.shape_cast %broadcast_in_dim3A_1746 : vector<16x1xi32> to vector<16xi32>
      %gather3A_1748 = tpu.dynamic_gather %add3A_1735[%gather3A_1747] in [0] : vector<16xf32>, vector<16xi32> -> vector<16xf32>
      %add3A_1749 = arith.addf %add3A_1735, %gather3A_1748 : vector<16xf32>
      %eq3A_1750 = arith.constant 11 : i32
      %eq3A_1751 = vector.broadcast %eq3A_1750 : i32 to vector<16xi32>
      %eq3A_1752 = arith.cmpi eq, %iota3A, %eq3A_1751 : vector<16xi32>
      %select_n3A_1753 = arith.select %eq3A_1752, %max3A_1271, %select_n3A_1689 : vector<16xi1>, vector<16xf32>
      %eq3A_1754 = arith.constant 11 : i32
      %eq3A_1755 = vector.broadcast %eq3A_1754 : i32 to vector<16xi32>
      %eq3A_1756 = arith.cmpi eq, %iota3A, %eq3A_1755 : vector<16xi32>
      %select_n3A_1757 = arith.select %eq3A_1756, %add3A_1749, %select_n3A_1693 : vector<16xi1>, vector<16xf32>
      %xor3A_1758 = arith.constant 8 : i32
      %xor3A_1759 = vector.broadcast %xor3A_1758 : i32 to vector<16xi32>
      %xor3A_1760 = arith.xori %iota3A, %xor3A_1759 : vector<16xi32>
      %lt3A_1761 = arith.constant 0 : i32
      %lt3A_1762 = vector.broadcast %lt3A_1761 : i32 to vector<16xi32>
      %lt3A_1763 = arith.cmpi slt, %xor3A_1760, %lt3A_1762 : vector<16xi32>
      %add3A_1764 = arith.constant 16 : i32
      %add3A_1765 = vector.broadcast %add3A_1764 : i32 to vector<16xi32>
      %add3A_1766 = arith.addi %xor3A_1760, %add3A_1765 : vector<16xi32>
      %select_n3A_1767 = arith.select %lt3A_1763, %add3A_1766, %xor3A_1760 : vector<16xi1>, vector<16xi32>
      %broadcast_in_dim3A_1768 = vector.shape_cast %select_n3A_1767 : vector<16xi32> to vector<16x1xi32>
      %gather3A_1769 = vector.shape_cast %broadcast_in_dim3A_1768 : vector<16x1xi32> to vector<16xi32>
      %gather3A_1770 = tpu.dynamic_gather %scan3A_1500#4[%gather3A_1769] in [0] : vector<16xf32>, vector<16xi32> -> vector<16xf32>
      %add3A_1771 = arith.addf %scan3A_1500#4, %gather3A_1770 : vector<16xf32>
      %xor3A_1772 = arith.constant 4 : i32
      %xor3A_1773 = vector.broadcast %xor3A_1772 : i32 to vector<16xi32>
      %xor3A_1774 = arith.xori %iota3A, %xor3A_1773 : vector<16xi32>
      %lt3A_1775 = arith.constant 0 : i32
      %lt3A_1776 = vector.broadcast %lt3A_1775 : i32 to vector<16xi32>
      %lt3A_1777 = arith.cmpi slt, %xor3A_1774, %lt3A_1776 : vector<16xi32>
      %add3A_1778 = arith.constant 16 : i32
      %add3A_1779 = vector.broadcast %add3A_1778 : i32 to vector<16xi32>
      %add3A_1780 = arith.addi %xor3A_1774, %add3A_1779 : vector<16xi32>
      %select_n3A_1781 = arith.select %lt3A_1777, %add3A_1780, %xor3A_1774 : vector<16xi1>, vector<16xi32>
      %broadcast_in_dim3A_1782 = vector.shape_cast %select_n3A_1781 : vector<16xi32> to vector<16x1xi32>
      %gather3A_1783 = vector.shape_cast %broadcast_in_dim3A_1782 : vector<16x1xi32> to vector<16xi32>
      %gather3A_1784 = tpu.dynamic_gather %add3A_1771[%gather3A_1783] in [0] : vector<16xf32>, vector<16xi32> -> vector<16xf32>
      %add3A_1785 = arith.addf %add3A_1771, %gather3A_1784 : vector<16xf32>
      %xor3A_1786 = arith.constant 2 : i32
      %xor3A_1787 = vector.broadcast %xor3A_1786 : i32 to vector<16xi32>
      %xor3A_1788 = arith.xori %iota3A, %xor3A_1787 : vector<16xi32>
      %lt3A_1789 = arith.constant 0 : i32
      %lt3A_1790 = vector.broadcast %lt3A_1789 : i32 to vector<16xi32>
      %lt3A_1791 = arith.cmpi slt, %xor3A_1788, %lt3A_1790 : vector<16xi32>
      %add3A_1792 = arith.constant 16 : i32
      %add3A_1793 = vector.broadcast %add3A_1792 : i32 to vector<16xi32>
      %add3A_1794 = arith.addi %xor3A_1788, %add3A_1793 : vector<16xi32>
      %select_n3A_1795 = arith.select %lt3A_1791, %add3A_1794, %xor3A_1788 : vector<16xi1>, vector<16xi32>
      %broadcast_in_dim3A_1796 = vector.shape_cast %select_n3A_1795 : vector<16xi32> to vector<16x1xi32>
      %gather3A_1797 = vector.shape_cast %broadcast_in_dim3A_1796 : vector<16x1xi32> to vector<16xi32>
      %gather3A_1798 = tpu.dynamic_gather %add3A_1785[%gather3A_1797] in [0] : vector<16xf32>, vector<16xi32> -> vector<16xf32>
      %add3A_1799 = arith.addf %add3A_1785, %gather3A_1798 : vector<16xf32>
      %xor3A_1800 = arith.constant 1 : i32
      %xor3A_1801 = vector.broadcast %xor3A_1800 : i32 to vector<16xi32>
      %xor3A_1802 = arith.xori %iota3A, %xor3A_1801 : vector<16xi32>
      %lt3A_1803 = arith.constant 0 : i32
      %lt3A_1804 = vector.broadcast %lt3A_1803 : i32 to vector<16xi32>
      %lt3A_1805 = arith.cmpi slt, %xor3A_1802, %lt3A_1804 : vector<16xi32>
      %add3A_1806 = arith.constant 16 : i32
      %add3A_1807 = vector.broadcast %add3A_1806 : i32 to vector<16xi32>
      %add3A_1808 = arith.addi %xor3A_1802, %add3A_1807 : vector<16xi32>
      %select_n3A_1809 = arith.select %lt3A_1805, %add3A_1808, %xor3A_1802 : vector<16xi1>, vector<16xi32>
      %broadcast_in_dim3A_1810 = vector.shape_cast %select_n3A_1809 : vector<16xi32> to vector<16x1xi32>
      %gather3A_1811 = vector.shape_cast %broadcast_in_dim3A_1810 : vector<16x1xi32> to vector<16xi32>
      %gather3A_1812 = tpu.dynamic_gather %add3A_1799[%gather3A_1811] in [0] : vector<16xf32>, vector<16xi32> -> vector<16xf32>
      %add3A_1813 = arith.addf %add3A_1799, %gather3A_1812 : vector<16xf32>
      %eq3A_1814 = arith.constant 12 : i32
      %eq3A_1815 = vector.broadcast %eq3A_1814 : i32 to vector<16xi32>
      %eq3A_1816 = arith.cmpi eq, %iota3A, %eq3A_1815 : vector<16xi32>
      %select_n3A_1817 = arith.select %eq3A_1816, %max3A_1327, %select_n3A_1753 : vector<16xi1>, vector<16xf32>
      %eq3A_1818 = arith.constant 12 : i32
      %eq3A_1819 = vector.broadcast %eq3A_1818 : i32 to vector<16xi32>
      %eq3A_1820 = arith.cmpi eq, %iota3A, %eq3A_1819 : vector<16xi32>
      %select_n3A_1821 = arith.select %eq3A_1820, %add3A_1813, %select_n3A_1757 : vector<16xi1>, vector<16xf32>
      %xor3A_1822 = arith.constant 8 : i32
      %xor3A_1823 = vector.broadcast %xor3A_1822 : i32 to vector<16xi32>
      %xor3A_1824 = arith.xori %iota3A, %xor3A_1823 : vector<16xi32>
      %lt3A_1825 = arith.constant 0 : i32
      %lt3A_1826 = vector.broadcast %lt3A_1825 : i32 to vector<16xi32>
      %lt3A_1827 = arith.cmpi slt, %xor3A_1824, %lt3A_1826 : vector<16xi32>
      %add3A_1828 = arith.constant 16 : i32
      %add3A_1829 = vector.broadcast %add3A_1828 : i32 to vector<16xi32>
      %add3A_1830 = arith.addi %xor3A_1824, %add3A_1829 : vector<16xi32>
      %select_n3A_1831 = arith.select %lt3A_1827, %add3A_1830, %xor3A_1824 : vector<16xi1>, vector<16xi32>
      %broadcast_in_dim3A_1832 = vector.shape_cast %select_n3A_1831 : vector<16xi32> to vector<16x1xi32>
      %gather3A_1833 = vector.shape_cast %broadcast_in_dim3A_1832 : vector<16x1xi32> to vector<16xi32>
      %gather3A_1834 = tpu.dynamic_gather %scan3A_1500#5[%gather3A_1833] in [0] : vector<16xf32>, vector<16xi32> -> vector<16xf32>
      %add3A_1835 = arith.addf %scan3A_1500#5, %gather3A_1834 : vector<16xf32>
      %xor3A_1836 = arith.constant 4 : i32
      %xor3A_1837 = vector.broadcast %xor3A_1836 : i32 to vector<16xi32>
      %xor3A_1838 = arith.xori %iota3A, %xor3A_1837 : vector<16xi32>
      %lt3A_1839 = arith.constant 0 : i32
      %lt3A_1840 = vector.broadcast %lt3A_1839 : i32 to vector<16xi32>
      %lt3A_1841 = arith.cmpi slt, %xor3A_1838, %lt3A_1840 : vector<16xi32>
      %add3A_1842 = arith.constant 16 : i32
      %add3A_1843 = vector.broadcast %add3A_1842 : i32 to vector<16xi32>
      %add3A_1844 = arith.addi %xor3A_1838, %add3A_1843 : vector<16xi32>
      %select_n3A_1845 = arith.select %lt3A_1841, %add3A_1844, %xor3A_1838 : vector<16xi1>, vector<16xi32>
      %broadcast_in_dim3A_1846 = vector.shape_cast %select_n3A_1845 : vector<16xi32> to vector<16x1xi32>
      %gather3A_1847 = vector.shape_cast %broadcast_in_dim3A_1846 : vector<16x1xi32> to vector<16xi32>
      %gather3A_1848 = tpu.dynamic_gather %add3A_1835[%gather3A_1847] in [0] : vector<16xf32>, vector<16xi32> -> vector<16xf32>
      %add3A_1849 = arith.addf %add3A_1835, %gather3A_1848 : vector<16xf32>
      %xor3A_1850 = arith.constant 2 : i32
      %xor3A_1851 = vector.broadcast %xor3A_1850 : i32 to vector<16xi32>
      %xor3A_1852 = arith.xori %iota3A, %xor3A_1851 : vector<16xi32>
      %lt3A_1853 = arith.constant 0 : i32
      %lt3A_1854 = vector.broadcast %lt3A_1853 : i32 to vector<16xi32>
      %lt3A_1855 = arith.cmpi slt, %xor3A_1852, %lt3A_1854 : vector<16xi32>
      %add3A_1856 = arith.constant 16 : i32
      %add3A_1857 = vector.broadcast %add3A_1856 : i32 to vector<16xi32>
      %add3A_1858 = arith.addi %xor3A_1852, %add3A_1857 : vector<16xi32>
      %select_n3A_1859 = arith.select %lt3A_1855, %add3A_1858, %xor3A_1852 : vector<16xi1>, vector<16xi32>
      %broadcast_in_dim3A_1860 = vector.shape_cast %select_n3A_1859 : vector<16xi32> to vector<16x1xi32>
      %gather3A_1861 = vector.shape_cast %broadcast_in_dim3A_1860 : vector<16x1xi32> to vector<16xi32>
      %gather3A_1862 = tpu.dynamic_gather %add3A_1849[%gather3A_1861] in [0] : vector<16xf32>, vector<16xi32> -> vector<16xf32>
      %add3A_1863 = arith.addf %add3A_1849, %gather3A_1862 : vector<16xf32>
      %xor3A_1864 = arith.constant 1 : i32
      %xor3A_1865 = vector.broadcast %xor3A_1864 : i32 to vector<16xi32>
      %xor3A_1866 = arith.xori %iota3A, %xor3A_1865 : vector<16xi32>
      %lt3A_1867 = arith.constant 0 : i32
      %lt3A_1868 = vector.broadcast %lt3A_1867 : i32 to vector<16xi32>
      %lt3A_1869 = arith.cmpi slt, %xor3A_1866, %lt3A_1868 : vector<16xi32>
      %add3A_1870 = arith.constant 16 : i32
      %add3A_1871 = vector.broadcast %add3A_1870 : i32 to vector<16xi32>
      %add3A_1872 = arith.addi %xor3A_1866, %add3A_1871 : vector<16xi32>
      %select_n3A_1873 = arith.select %lt3A_1869, %add3A_1872, %xor3A_1866 : vector<16xi1>, vector<16xi32>
      %broadcast_in_dim3A_1874 = vector.shape_cast %select_n3A_1873 : vector<16xi32> to vector<16x1xi32>
      %gather3A_1875 = vector.shape_cast %broadcast_in_dim3A_1874 : vector<16x1xi32> to vector<16xi32>
      %gather3A_1876 = tpu.dynamic_gather %add3A_1863[%gather3A_1875] in [0] : vector<16xf32>, vector<16xi32> -> vector<16xf32>
      %add3A_1877 = arith.addf %add3A_1863, %gather3A_1876 : vector<16xf32>
      %eq3A_1878 = arith.constant 13 : i32
      %eq3A_1879 = vector.broadcast %eq3A_1878 : i32 to vector<16xi32>
      %eq3A_1880 = arith.cmpi eq, %iota3A, %eq3A_1879 : vector<16xi32>
      %select_n3A_1881 = arith.select %eq3A_1880, %max3A_1383, %select_n3A_1817 : vector<16xi1>, vector<16xf32>
      %eq3A_1882 = arith.constant 13 : i32
      %eq3A_1883 = vector.broadcast %eq3A_1882 : i32 to vector<16xi32>
      %eq3A_1884 = arith.cmpi eq, %iota3A, %eq3A_1883 : vector<16xi32>
      %select_n3A_1885 = arith.select %eq3A_1884, %add3A_1877, %select_n3A_1821 : vector<16xi1>, vector<16xf32>
      %xor3A_1886 = arith.constant 8 : i32
      %xor3A_1887 = vector.broadcast %xor3A_1886 : i32 to vector<16xi32>
      %xor3A_1888 = arith.xori %iota3A, %xor3A_1887 : vector<16xi32>
      %lt3A_1889 = arith.constant 0 : i32
      %lt3A_1890 = vector.broadcast %lt3A_1889 : i32 to vector<16xi32>
      %lt3A_1891 = arith.cmpi slt, %xor3A_1888, %lt3A_1890 : vector<16xi32>
      %add3A_1892 = arith.constant 16 : i32
      %add3A_1893 = vector.broadcast %add3A_1892 : i32 to vector<16xi32>
      %add3A_1894 = arith.addi %xor3A_1888, %add3A_1893 : vector<16xi32>
      %select_n3A_1895 = arith.select %lt3A_1891, %add3A_1894, %xor3A_1888 : vector<16xi1>, vector<16xi32>
      %broadcast_in_dim3A_1896 = vector.shape_cast %select_n3A_1895 : vector<16xi32> to vector<16x1xi32>
      %gather3A_1897 = vector.shape_cast %broadcast_in_dim3A_1896 : vector<16x1xi32> to vector<16xi32>
      %gather3A_1898 = tpu.dynamic_gather %scan3A_1500#6[%gather3A_1897] in [0] : vector<16xf32>, vector<16xi32> -> vector<16xf32>
      %add3A_1899 = arith.addf %scan3A_1500#6, %gather3A_1898 : vector<16xf32>
      %xor3A_1900 = arith.constant 4 : i32
      %xor3A_1901 = vector.broadcast %xor3A_1900 : i32 to vector<16xi32>
      %xor3A_1902 = arith.xori %iota3A, %xor3A_1901 : vector<16xi32>
      %lt3A_1903 = arith.constant 0 : i32
      %lt3A_1904 = vector.broadcast %lt3A_1903 : i32 to vector<16xi32>
      %lt3A_1905 = arith.cmpi slt, %xor3A_1902, %lt3A_1904 : vector<16xi32>
      %add3A_1906 = arith.constant 16 : i32
      %add3A_1907 = vector.broadcast %add3A_1906 : i32 to vector<16xi32>
      %add3A_1908 = arith.addi %xor3A_1902, %add3A_1907 : vector<16xi32>
      %select_n3A_1909 = arith.select %lt3A_1905, %add3A_1908, %xor3A_1902 : vector<16xi1>, vector<16xi32>
      %broadcast_in_dim3A_1910 = vector.shape_cast %select_n3A_1909 : vector<16xi32> to vector<16x1xi32>
      %gather3A_1911 = vector.shape_cast %broadcast_in_dim3A_1910 : vector<16x1xi32> to vector<16xi32>
      %gather3A_1912 = tpu.dynamic_gather %add3A_1899[%gather3A_1911] in [0] : vector<16xf32>, vector<16xi32> -> vector<16xf32>
      %add3A_1913 = arith.addf %add3A_1899, %gather3A_1912 : vector<16xf32>
      %xor3A_1914 = arith.constant 2 : i32
      %xor3A_1915 = vector.broadcast %xor3A_1914 : i32 to vector<16xi32>
      %xor3A_1916 = arith.xori %iota3A, %xor3A_1915 : vector<16xi32>
      %lt3A_1917 = arith.constant 0 : i32
      %lt3A_1918 = vector.broadcast %lt3A_1917 : i32 to vector<16xi32>
      %lt3A_1919 = arith.cmpi slt, %xor3A_1916, %lt3A_1918 : vector<16xi32>
      %add3A_1920 = arith.constant 16 : i32
      %add3A_1921 = vector.broadcast %add3A_1920 : i32 to vector<16xi32>
      %add3A_1922 = arith.addi %xor3A_1916, %add3A_1921 : vector<16xi32>
      %select_n3A_1923 = arith.select %lt3A_1919, %add3A_1922, %xor3A_1916 : vector<16xi1>, vector<16xi32>
      %broadcast_in_dim3A_1924 = vector.shape_cast %select_n3A_1923 : vector<16xi32> to vector<16x1xi32>
      %gather3A_1925 = vector.shape_cast %broadcast_in_dim3A_1924 : vector<16x1xi32> to vector<16xi32>
      %gather3A_1926 = tpu.dynamic_gather %add3A_1913[%gather3A_1925] in [0] : vector<16xf32>, vector<16xi32> -> vector<16xf32>
      %add3A_1927 = arith.addf %add3A_1913, %gather3A_1926 : vector<16xf32>
      %xor3A_1928 = arith.constant 1 : i32
      %xor3A_1929 = vector.broadcast %xor3A_1928 : i32 to vector<16xi32>
      %xor3A_1930 = arith.xori %iota3A, %xor3A_1929 : vector<16xi32>
      %lt3A_1931 = arith.constant 0 : i32
      %lt3A_1932 = vector.broadcast %lt3A_1931 : i32 to vector<16xi32>
      %lt3A_1933 = arith.cmpi slt, %xor3A_1930, %lt3A_1932 : vector<16xi32>
      %add3A_1934 = arith.constant 16 : i32
      %add3A_1935 = vector.broadcast %add3A_1934 : i32 to vector<16xi32>
      %add3A_1936 = arith.addi %xor3A_1930, %add3A_1935 : vector<16xi32>
      %select_n3A_1937 = arith.select %lt3A_1933, %add3A_1936, %xor3A_1930 : vector<16xi1>, vector<16xi32>
      %broadcast_in_dim3A_1938 = vector.shape_cast %select_n3A_1937 : vector<16xi32> to vector<16x1xi32>
      %gather3A_1939 = vector.shape_cast %broadcast_in_dim3A_1938 : vector<16x1xi32> to vector<16xi32>
      %gather3A_1940 = tpu.dynamic_gather %add3A_1927[%gather3A_1939] in [0] : vector<16xf32>, vector<16xi32> -> vector<16xf32>
      %add3A_1941 = arith.addf %add3A_1927, %gather3A_1940 : vector<16xf32>
      %eq3A_1942 = arith.constant 14 : i32
      %eq3A_1943 = vector.broadcast %eq3A_1942 : i32 to vector<16xi32>
      %eq3A_1944 = arith.cmpi eq, %iota3A, %eq3A_1943 : vector<16xi32>
      %select_n3A_1945 = arith.select %eq3A_1944, %max3A_1439, %select_n3A_1881 : vector<16xi1>, vector<16xf32>
      %eq3A_1946 = arith.constant 14 : i32
      %eq3A_1947 = vector.broadcast %eq3A_1946 : i32 to vector<16xi32>
      %eq3A_1948 = arith.cmpi eq, %iota3A, %eq3A_1947 : vector<16xi32>
      %select_n3A_1949 = arith.select %eq3A_1948, %add3A_1941, %select_n3A_1885 : vector<16xi1>, vector<16xf32>
      %xor3A_1950 = arith.constant 8 : i32
      %xor3A_1951 = vector.broadcast %xor3A_1950 : i32 to vector<16xi32>
      %xor3A_1952 = arith.xori %iota3A, %xor3A_1951 : vector<16xi32>
      %lt3A_1953 = arith.constant 0 : i32
      %lt3A_1954 = vector.broadcast %lt3A_1953 : i32 to vector<16xi32>
      %lt3A_1955 = arith.cmpi slt, %xor3A_1952, %lt3A_1954 : vector<16xi32>
      %add3A_1956 = arith.constant 16 : i32
      %add3A_1957 = vector.broadcast %add3A_1956 : i32 to vector<16xi32>
      %add3A_1958 = arith.addi %xor3A_1952, %add3A_1957 : vector<16xi32>
      %select_n3A_1959 = arith.select %lt3A_1955, %add3A_1958, %xor3A_1952 : vector<16xi1>, vector<16xi32>
      %broadcast_in_dim3A_1960 = vector.shape_cast %select_n3A_1959 : vector<16xi32> to vector<16x1xi32>
      %gather3A_1961 = vector.shape_cast %broadcast_in_dim3A_1960 : vector<16x1xi32> to vector<16xi32>
      %gather3A_1962 = tpu.dynamic_gather %scan3A_1500#7[%gather3A_1961] in [0] : vector<16xf32>, vector<16xi32> -> vector<16xf32>
      %add3A_1963 = arith.addf %scan3A_1500#7, %gather3A_1962 : vector<16xf32>
      %xor3A_1964 = arith.constant 4 : i32
      %xor3A_1965 = vector.broadcast %xor3A_1964 : i32 to vector<16xi32>
      %xor3A_1966 = arith.xori %iota3A, %xor3A_1965 : vector<16xi32>
      %lt3A_1967 = arith.constant 0 : i32
      %lt3A_1968 = vector.broadcast %lt3A_1967 : i32 to vector<16xi32>
      %lt3A_1969 = arith.cmpi slt, %xor3A_1966, %lt3A_1968 : vector<16xi32>
      %add3A_1970 = arith.constant 16 : i32
      %add3A_1971 = vector.broadcast %add3A_1970 : i32 to vector<16xi32>
      %add3A_1972 = arith.addi %xor3A_1966, %add3A_1971 : vector<16xi32>
      %select_n3A_1973 = arith.select %lt3A_1969, %add3A_1972, %xor3A_1966 : vector<16xi1>, vector<16xi32>
      %broadcast_in_dim3A_1974 = vector.shape_cast %select_n3A_1973 : vector<16xi32> to vector<16x1xi32>
      %gather3A_1975 = vector.shape_cast %broadcast_in_dim3A_1974 : vector<16x1xi32> to vector<16xi32>
      %gather3A_1976 = tpu.dynamic_gather %add3A_1963[%gather3A_1975] in [0] : vector<16xf32>, vector<16xi32> -> vector<16xf32>
      %add3A_1977 = arith.addf %add3A_1963, %gather3A_1976 : vector<16xf32>
      %xor3A_1978 = arith.constant 2 : i32
      %xor3A_1979 = vector.broadcast %xor3A_1978 : i32 to vector<16xi32>
      %xor3A_1980 = arith.xori %iota3A, %xor3A_1979 : vector<16xi32>
      %lt3A_1981 = arith.constant 0 : i32
      %lt3A_1982 = vector.broadcast %lt3A_1981 : i32 to vector<16xi32>
      %lt3A_1983 = arith.cmpi slt, %xor3A_1980, %lt3A_1982 : vector<16xi32>
      %add3A_1984 = arith.constant 16 : i32
      %add3A_1985 = vector.broadcast %add3A_1984 : i32 to vector<16xi32>
      %add3A_1986 = arith.addi %xor3A_1980, %add3A_1985 : vector<16xi32>
      %select_n3A_1987 = arith.select %lt3A_1983, %add3A_1986, %xor3A_1980 : vector<16xi1>, vector<16xi32>
      %broadcast_in_dim3A_1988 = vector.shape_cast %select_n3A_1987 : vector<16xi32> to vector<16x1xi32>
      %gather3A_1989 = vector.shape_cast %broadcast_in_dim3A_1988 : vector<16x1xi32> to vector<16xi32>
      %gather3A_1990 = tpu.dynamic_gather %add3A_1977[%gather3A_1989] in [0] : vector<16xf32>, vector<16xi32> -> vector<16xf32>
      %add3A_1991 = arith.addf %add3A_1977, %gather3A_1990 : vector<16xf32>
      %xor3A_1992 = arith.constant 1 : i32
      %xor3A_1993 = vector.broadcast %xor3A_1992 : i32 to vector<16xi32>
      %xor3A_1994 = arith.xori %iota3A, %xor3A_1993 : vector<16xi32>
      %lt3A_1995 = arith.constant 0 : i32
      %lt3A_1996 = vector.broadcast %lt3A_1995 : i32 to vector<16xi32>
      %lt3A_1997 = arith.cmpi slt, %xor3A_1994, %lt3A_1996 : vector<16xi32>
      %add3A_1998 = arith.constant 16 : i32
      %add3A_1999 = vector.broadcast %add3A_1998 : i32 to vector<16xi32>
      %add3A_2000 = arith.addi %xor3A_1994, %add3A_1999 : vector<16xi32>
      %select_n3A_2001 = arith.select %lt3A_1997, %add3A_2000, %xor3A_1994 : vector<16xi1>, vector<16xi32>
      %broadcast_in_dim3A_2002 = vector.shape_cast %select_n3A_2001 : vector<16xi32> to vector<16x1xi32>
      %gather3A_2003 = vector.shape_cast %broadcast_in_dim3A_2002 : vector<16x1xi32> to vector<16xi32>
      %gather3A_2004 = tpu.dynamic_gather %add3A_1991[%gather3A_2003] in [0] : vector<16xf32>, vector<16xi32> -> vector<16xf32>
      %add3A_2005 = arith.addf %add3A_1991, %gather3A_2004 : vector<16xf32>
      %eq3A_2006 = arith.constant 15 : i32
      %eq3A_2007 = vector.broadcast %eq3A_2006 : i32 to vector<16xi32>
      %eq3A_2008 = arith.cmpi eq, %iota3A, %eq3A_2007 : vector<16xi32>
      %select_n3A_2009 = arith.select %eq3A_2008, %max3A_1495, %select_n3A_1945 : vector<16xi1>, vector<16xf32>
      %eq3A_2010 = arith.constant 15 : i32
      %eq3A_2011 = vector.broadcast %eq3A_2010 : i32 to vector<16xi32>
      %eq3A_2012 = arith.cmpi eq, %iota3A, %eq3A_2011 : vector<16xi32>
      %select_n3A_2013 = arith.select %eq3A_2012, %add3A_2005, %select_n3A_1949 : vector<16xi1>, vector<16xf32>
      %mul3A_2014 = arith.constant 16 : i32
      %mul3A_2015 = arith.muli %scan3A_9, %mul3A_2014 : i32
      %swap3A = arith.index_cast %mul3A_2015 : i32 to index
      %swap3A_2016 = tpu.vector_load %arg12[%swap3A] {strides = array<i32>} : memref<4096xf32, #tpu.memory_space<vmem>>, vector<16xf32>,
      %swap3A_2017 = vector.shape_cast %swap3A_2016 : vector<16xf32> to vector<16xf32>
      %swap3A_2018 = vector.shape_cast %select_n3A_2009 : vector<16xf32> to vector<16xf32>
      tpu.vector_store %arg12[%swap3A], %swap3A_2018 {strides = array<i32>} : memref<4096xf32, #tpu.memory_space<vmem>>, vector<16xf32>,
      %mul3A_2019 = arith.constant 16 : i32
      %mul3A_2020 = arith.muli %scan3A_9, %mul3A_2019 : i32
      %swap3A_2021 = arith.index_cast %mul3A_2020 : i32 to index
      %swap3A_2022 = tpu.vector_load %arg13[%swap3A_2021] {strides = array<i32>} : memref<4096xf32, #tpu.memory_space<vmem>>, vector<16xf32>,
      %swap3A_2023 = vector.shape_cast %swap3A_2022 : vector<16xf32> to vector<16xf32>
      %swap3A_2024 = vector.shape_cast %select_n3A_2013 : vector<16xf32> to vector<16xf32>
      tpu.vector_store %arg13[%swap3A_2021], %swap3A_2024 {strides = array<i32>} : memref<4096xf32, #tpu.memory_space<vmem>>, vector<16xf32>,
    }
    %scan3A_8 = arith.constant 256 : i32
    "tpu.region"() ({
      %run_scoped3A = tpu.sem_alloc : memref<!tpu.dma_semaphore, #tpu.memory_space<semaphore_mem>>
      %dma_start3A = arith.constant 0 : i32
      %dma_start3A_9 = tpu.memref_slice %arg6[%add3A, %dma_start3A] : memref<32x4096xf32, #tpu.memory_space<hbm>> -> memref<1x4096xf32, #tpu.memory_space<hbm>>
      %dma_start3A_10 = tpu.memref_squeeze %dma_start3A_9 : memref<1x4096xf32, #tpu.memory_space<hbm>> -> memref<4096xf32, #tpu.memory_space<hbm>>
      %dma_start3A_11 = arith.constant 0 : i32
      %dma_start3A_12 = tpu.memref_slice %arg6[%add3A, %dma_start3A_11] : memref<32x4096xf32, #tpu.memory_space<hbm>> -> memref<1x4096xf32, #tpu.memory_space<hbm>>
      %dma_start3A_13 = tpu.memref_squeeze %dma_start3A_12 : memref<1x4096xf32, #tpu.memory_space<hbm>> -> memref<4096xf32, #tpu.memory_space<hbm>>
      tpu.enqueue_dma source(%arg12 : memref<4096xf32, #tpu.memory_space<vmem>>) target(%dma_start3A_13 : memref<4096xf32, #tpu.memory_space<hbm>>) target_semaphore(%run_scoped3A : memref<!tpu.dma_semaphore, #tpu.memory_space<semaphore_mem>>)
      %dma_wait3A = arith.constant 0 : i32
      %dma_wait3A_14 = tpu.memref_slice %arg6[%add3A, %dma_wait3A] : memref<32x4096xf32, #tpu.memory_space<hbm>> -> memref<1x4096xf32, #tpu.memory_space<hbm>>
      %dma_wait3A_15 = tpu.memref_squeeze %dma_wait3A_14 : memref<1x4096xf32, #tpu.memory_space<hbm>> -> memref<4096xf32, #tpu.memory_space<hbm>>
      %dma_wait3A_16 = arith.constant 0 : i32
      %dma_wait3A_17 = tpu.memref_slice %arg6[%add3A, %dma_wait3A_16] : memref<32x4096xf32, #tpu.memory_space<hbm>> -> memref<1x4096xf32, #tpu.memory_space<hbm>>
      %dma_wait3A_18 = tpu.memref_squeeze %dma_wait3A_17 : memref<1x4096xf32, #tpu.memory_space<hbm>> -> memref<4096xf32, #tpu.memory_space<hbm>>
      tpu.wait_dma2 semaphore(%run_scoped3A : memref<!tpu.dma_semaphore, #tpu.memory_space<semaphore_mem>>) src(%arg12 : memref<4096xf32, #tpu.memory_space<vmem>>) dst(%dma_wait3A_18 : memref<4096xf32, #tpu.memory_space<hbm>>)
      tpu.yield
    }) : () -> ()
    "tpu.region"() ({
      %run_scoped3A = tpu.sem_alloc : memref<!tpu.dma_semaphore, #tpu.memory_space<semaphore_mem>>
      %dma_start3A = arith.constant 0 : i32
      %dma_start3A_9 = tpu.memref_slice %arg7[%add3A, %dma_start3A] : memref<32x4096xf32, #tpu.memory_space<hbm>> -> memref<1x4096xf32, #tpu.memory_space<hbm>>
      %dma_start3A_10 = tpu.memref_squeeze %dma_start3A_9 : memref<1x4096xf32, #tpu.memory_space<hbm>> -> memref<4096xf32, #tpu.memory_space<hbm>>
      %dma_start3A_11 = arith.constant 0 : i32
      %dma_start3A_12 = tpu.memref_slice %arg7[%add3A, %dma_start3A_11] : memref<32x4096xf32, #tpu.memory_space<hbm>> -> memref<1x4096xf32, #tpu.memory_space<hbm>>
      %dma_start3A_13 = tpu.memref_squeeze %dma_start3A_12 : memref<1x4096xf32, #tpu.memory_space<hbm>> -> memref<4096xf32, #tpu.memory_space<hbm>>
      tpu.enqueue_dma source(%arg13 : memref<4096xf32, #tpu.memory_space<vmem>>) target(%dma_start3A_13 : memref<4096xf32, #tpu.memory_space<hbm>>) target_semaphore(%run_scoped3A : memref<!tpu.dma_semaphore, #tpu.memory_space<semaphore_mem>>)
      %dma_wait3A = arith.constant 0 : i32
      %dma_wait3A_14 = tpu.memref_slice %arg7[%add3A, %dma_wait3A] : memref<32x4096xf32, #tpu.memory_space<hbm>> -> memref<1x4096xf32, #tpu.memory_space<hbm>>
      %dma_wait3A_15 = tpu.memref_squeeze %dma_wait3A_14 : memref<1x4096xf32, #tpu.memory_space<hbm>> -> memref<4096xf32, #tpu.memory_space<hbm>>
      %dma_wait3A_16 = arith.constant 0 : i32
      %dma_wait3A_17 = tpu.memref_slice %arg7[%add3A, %dma_wait3A_16] : memref<32x4096xf32, #tpu.memory_space<hbm>> -> memref<1x4096xf32, #tpu.memory_space<hbm>>
      %dma_wait3A_18 = tpu.memref_squeeze %dma_wait3A_17 : memref<1x4096xf32, #tpu.memory_space<hbm>> -> memref<4096xf32, #tpu.memory_space<hbm>>
      tpu.wait_dma2 semaphore(%run_scoped3A : memref<!tpu.dma_semaphore, #tpu.memory_space<semaphore_mem>>) src(%arg13 : memref<4096xf32, #tpu.memory_space<vmem>>) dst(%dma_wait3A_18 : memref<4096xf32, #tpu.memory_space<hbm>>)
      tpu.yield
    }) : () -> ()
    return
  }
}

module attributes {stable_mosaic.version = 14 : i64} {
  func.func @_prep_body(%arg0: memref<32x1024xf32, #tpu.memory_space<vmem>>, %arg1: memref<32x1024xf32, #tpu.memory_space<vmem>>, %arg2: memref<1x1024xf32, #tpu.memory_space<vmem>>, %arg3: memref<4096x32xf32, #tpu.memory_space<vmem>>, %arg4: memref<32x1024xf32, #tpu.memory_space<vmem>>, %arg5: memref<32x1024xf32, #tpu.memory_space<vmem>>, %arg6: memref<32x1024xf32, #tpu.memory_space<vmem>>, %arg7: memref<32x384xf32, #tpu.memory_space<vmem>>, %arg8: memref<32x384xf32, #tpu.memory_space<vmem>>, %arg9: memref<32x384xf32, #tpu.memory_space<vmem>>, %arg10: memref<32x4096xf32, #tpu.memory_space<vmem>>) attributes {dimension_semantics = [], scalar_prefetch = 0 : i64, scratch_operands = 0 : i64, tpu.core_type = #tpu.core_type<tc>} {
    %get3A = arith.constant 0 : index
    %get3A_0 = arith.constant 0 : index
    %get3A_1 = vector.load %arg0[%get3A, %get3A_0] : memref<32x1024xf32, #tpu.memory_space<vmem>>, vector<32x1024xf32>
    %get3A_2 = arith.constant 0 : index
    %get3A_3 = arith.constant 0 : index
    %get3A_4 = vector.load %arg1[%get3A_2, %get3A_3] : memref<32x1024xf32, #tpu.memory_space<vmem>>, vector<32x1024xf32>
    %get3A_5 = arith.constant 0 : index
    %get3A_6 = arith.constant 0 : index
    %get3A_7 = vector.load %arg2[%get3A_5, %get3A_6] : memref<1x1024xf32, #tpu.memory_space<vmem>>, vector<1x1024xf32>
    %reduce_max3A = vector.shape_cast %get3A_7 : vector<1x1024xf32> to vector<1x1x1024xf32>
    %reduce_max3A_8 = arith.constant dense<0xFF800000> : vector<1xf32>
    %reduce_max3A_9 = vector.multi_reduction <maximumf>, %reduce_max3A, %reduce_max3A_8 [1, 2] : vector<1x1x1024xf32> to vector<1xf32>
    %reduce_max3A_10 = vector.shape_cast %reduce_max3A_9 : vector<1xf32> to vector<1x1x1xf32>
    %reduce_max3A_11 = vector.extract %reduce_max3A_10[0, 0, 0] : f32 from vector<1x1x1xf32>
    %sub3A = vector.broadcast %reduce_max3A_11 : f32 to vector<1x1024xf32>
    %sub3A_12 = arith.subf %get3A_7, %sub3A : vector<1x1024xf32>
    %exp3A = math.exp %sub3A_12 : vector<1x1024xf32>
    %reduce_sum3A = vector.shape_cast %exp3A : vector<1x1024xf32> to vector<1x1x1024xf32>
    %reduce_sum3A_13 = arith.constant dense<0.000000e+00> : vector<1xf32>
    %reduce_sum3A_14 = vector.multi_reduction <add>, %reduce_sum3A, %reduce_sum3A_13 [1, 2] : vector<1x1x1024xf32> to vector<1xf32>
    %reduce_sum3A_15 = vector.shape_cast %reduce_sum3A_14 : vector<1xf32> to vector<1x1x1xf32>
    %reduce_sum3A_16 = vector.extract %reduce_sum3A_15[0, 0, 0] : f32 from vector<1x1x1xf32>
    %log3A = math.log %reduce_sum3A_16 : f32
    %add3A = arith.addf %reduce_max3A_11, %log3A : f32
    %sub3A_17 = vector.broadcast %add3A : f32 to vector<1x1024xf32>
    %sub3A_18 = arith.subf %get3A_7, %sub3A_17 : vector<1x1024xf32>
    %neg3A = arith.constant 0.000000e+00 : f32
    %neg3A_19 = vector.broadcast %neg3A : f32 to vector<32x1024xf32>
    %neg3A_20 = arith.subf %neg3A_19, %get3A_4 : vector<32x1024xf32>
    %exp3A_21 = math.exp %neg3A_20 : vector<32x1024xf32>
    %mul3A = arith.constant -5.000000e-01 : f32
    %mul3A_22 = vector.broadcast %mul3A : f32 to vector<32x1024xf32>
    %mul3A_23 = arith.mulf %mul3A_22, %exp3A_21 : vector<32x1024xf32>
    %mul3A_24 = arith.mulf %exp3A_21, %get3A_1 : vector<32x1024xf32>
    %add3A_25 = arith.constant 1.83787704 : f32
    %add3A_26 = vector.broadcast %add3A_25 : f32 to vector<32x1024xf32>
    %add3A_27 = arith.addf %add3A_26, %get3A_4 : vector<32x1024xf32>
    %mul3A_28 = arith.mulf %exp3A_21, %get3A_1 : vector<32x1024xf32>
    %mul3A_29 = arith.mulf %mul3A_28, %get3A_1 : vector<32x1024xf32>
    %add3A_30 = arith.addf %add3A_27, %mul3A_29 : vector<32x1024xf32>
    %mul3A_31 = arith.constant -5.000000e-01 : f32
    %mul3A_32 = vector.broadcast %mul3A_31 : f32 to vector<32x1024xf32>
    %mul3A_33 = arith.mulf %mul3A_32, %add3A_30 : vector<32x1024xf32>
    %add3A_34 = vector.broadcast %sub3A_18 : vector<1x1024xf32> to vector<32x1024xf32>
    %add3A_35 = arith.addf %mul3A_33, %add3A_34 : vector<32x1024xf32>
    %swap3A = arith.constant 0 : index
    %swap3A_36 = arith.constant 0 : index
    %swap3A_37 = vector.load %arg4[%swap3A, %swap3A_36] : memref<32x1024xf32, #tpu.memory_space<vmem>>, vector<32x1024xf32>
    tpu.vector_store %arg4[%swap3A, %swap3A_36], %mul3A_23 {strides = array<i32>} : memref<32x1024xf32, #tpu.memory_space<vmem>>, vector<32x1024xf32>,
    %swap3A_38 = arith.constant 0 : index
    %swap3A_39 = arith.constant 0 : index
    %swap3A_40 = vector.load %arg5[%swap3A_38, %swap3A_39] : memref<32x1024xf32, #tpu.memory_space<vmem>>, vector<32x1024xf32>
    tpu.vector_store %arg5[%swap3A_38, %swap3A_39], %mul3A_24 {strides = array<i32>} : memref<32x1024xf32, #tpu.memory_space<vmem>>, vector<32x1024xf32>,
    %swap3A_41 = arith.constant 0 : index
    %swap3A_42 = arith.constant 0 : index
    %swap3A_43 = vector.load %arg6[%swap3A_41, %swap3A_42] : memref<32x1024xf32, #tpu.memory_space<vmem>>, vector<32x1024xf32>
    tpu.vector_store %arg6[%swap3A_41, %swap3A_42], %add3A_35 {strides = array<i32>} : memref<32x1024xf32, #tpu.memory_space<vmem>>, vector<32x1024xf32>,
    %slice3A = vector.extract_strided_slice %mul3A_23 {offsets = [0, 640], sizes = [32, 384], strides = [1, 1]} : vector<32x1024xf32> to vector<32x384xf32>
    %swap3A_44 = arith.constant 0 : index
    %swap3A_45 = arith.constant 0 : index
    %swap3A_46 = vector.load %arg7[%swap3A_44, %swap3A_45] : memref<32x384xf32, #tpu.memory_space<vmem>>, vector<32x384xf32>
    tpu.vector_store %arg7[%swap3A_44, %swap3A_45], %slice3A {strides = array<i32>} : memref<32x384xf32, #tpu.memory_space<vmem>>, vector<32x384xf32>,
    %slice3A_47 = vector.extract_strided_slice %mul3A_24 {offsets = [0, 640], sizes = [32, 384], strides = [1, 1]} : vector<32x1024xf32> to vector<32x384xf32>
    %swap3A_48 = arith.constant 0 : index
    %swap3A_49 = arith.constant 0 : index
    %swap3A_50 = vector.load %arg8[%swap3A_48, %swap3A_49] : memref<32x384xf32, #tpu.memory_space<vmem>>, vector<32x384xf32>
    tpu.vector_store %arg8[%swap3A_48, %swap3A_49], %slice3A_47 {strides = array<i32>} : memref<32x384xf32, #tpu.memory_space<vmem>>, vector<32x384xf32>,
    %slice3A_51 = vector.extract_strided_slice %add3A_35 {offsets = [0, 640], sizes = [32, 384], strides = [1, 1]} : vector<32x1024xf32> to vector<32x384xf32>
    %swap3A_52 = arith.constant 0 : index
    %swap3A_53 = arith.constant 0 : index
    %swap3A_54 = vector.load %arg9[%swap3A_52, %swap3A_53] : memref<32x384xf32, #tpu.memory_space<vmem>>, vector<32x384xf32>
    tpu.vector_store %arg9[%swap3A_52, %swap3A_53], %slice3A_51 {strides = array<i32>} : memref<32x384xf32, #tpu.memory_space<vmem>>, vector<32x384xf32>,
    %get3A_55 = arith.constant 0 : index
    %get3A_56 = arith.constant 0 : index
    %get3A_57 = vector.load %arg3[%get3A_55, %get3A_56] : memref<4096x32xf32, #tpu.memory_space<vmem>>, vector<4096x32xf32>
    %transpose3A = tpu.transpose %get3A_57, [1, 0] : vector<4096x32xf32> -> vector<32x4096xf32>
    %swap3A_58 = arith.constant 0 : index
    %swap3A_59 = arith.constant 0 : index
    %swap3A_60 = vector.load %arg10[%swap3A_58, %swap3A_59] : memref<32x4096xf32, #tpu.memory_space<vmem>>, vector<32x4096xf32>
    tpu.vector_store %arg10[%swap3A_58, %swap3A_59], %transpose3A {strides = array<i32>} : memref<32x4096xf32, #tpu.memory_space<vmem>>, vector<32x4096xf32>,
    return
  }
}

module attributes {stable_mosaic.version = 14 : i64} {
  func.func @_merge_body(%arg0: i32, %arg1: memref<512x32xf32, #tpu.memory_space<vmem>>, %arg2: memref<512x32xf32, #tpu.memory_space<vmem>>, %arg3: memref<32x512xf32, #tpu.memory_space<vmem>>, %arg4: memref<32x512xf32, #tpu.memory_space<vmem>>, %arg5: memref<512x32xf32, #tpu.memory_space<vmem>>) attributes {dimension_semantics = [#tpu.dimension_semantics<arbitrary>], iteration_bounds = array<i64: 8>, scalar_prefetch = 0 : i64, scratch_operands = 0 : i64, tpu.core_type = #tpu.core_type<tc>, window_params = [{transform_indices = @transform_0, window_bounds = array<i64: 512, 32>}, {transform_indices = @transform_1, window_bounds = array<i64: 512, 32>}, {transform_indices = @transform_2, window_bounds = array<i64: 32, 512>}, {transform_indices = @transform_3, window_bounds = array<i64: 32, 512>}, {transform_indices = @transform_4, window_bounds = array<i64: 512, 32>}]} {
    %get3A = arith.constant 0 : index
    %get3A_0 = arith.constant 0 : index
    %get3A_1 = vector.load %arg1[%get3A, %get3A_0] : memref<512x32xf32, #tpu.memory_space<vmem>>, vector<512x32xf32>
    %get3A_2 = arith.constant 0 : index
    %get3A_3 = arith.constant 0 : index
    %get3A_4 = vector.load %arg2[%get3A_2, %get3A_3] : memref<512x32xf32, #tpu.memory_space<vmem>>, vector<512x32xf32>
    %get3A_5 = arith.constant 0 : index
    %get3A_6 = arith.constant 0 : index
    %get3A_7 = vector.load %arg3[%get3A_5, %get3A_6] : memref<32x512xf32, #tpu.memory_space<vmem>>, vector<32x512xf32>
    %transpose3A = tpu.transpose %get3A_7, [1, 0] : vector<32x512xf32> -> vector<512x32xf32>
    %get3A_8 = arith.constant 0 : index
    %get3A_9 = arith.constant 0 : index
    %get3A_10 = vector.load %arg4[%get3A_8, %get3A_9] : memref<32x512xf32, #tpu.memory_space<vmem>>, vector<32x512xf32>
    %transpose3A_11 = tpu.transpose %get3A_10, [1, 0] : vector<32x512xf32> -> vector<512x32xf32>
    %max3A = arith.maximumf %get3A_1, %transpose3A : vector<512x32xf32>
    %sub3A = arith.subf %get3A_1, %max3A : vector<512x32xf32>
    %exp3A = math.exp %sub3A : vector<512x32xf32>
    %mul3A = arith.mulf %get3A_4, %exp3A : vector<512x32xf32>
    %sub3A_12 = arith.subf %transpose3A, %max3A : vector<512x32xf32>
    %exp3A_13 = math.exp %sub3A_12 : vector<512x32xf32>
    %mul3A_14 = arith.mulf %transpose3A_11, %exp3A_13 : vector<512x32xf32>
    %add3A = arith.addf %mul3A, %mul3A_14 : vector<512x32xf32>
    %log3A = math.log %add3A : vector<512x32xf32>
    %add3A_15 = arith.addf %max3A, %log3A : vector<512x32xf32>
    %swap3A = arith.constant 0 : index
    %swap3A_16 = arith.constant 0 : index
    %swap3A_17 = vector.load %arg5[%swap3A, %swap3A_16] : memref<512x32xf32, #tpu.memory_space<vmem>>, vector<512x32xf32>
    tpu.vector_store %arg5[%swap3A, %swap3A_16], %add3A_15 {strides = array<i32>} : memref<512x32xf32, #tpu.memory_space<vmem>>, vector<512x32xf32>,
    return
  }
  func.func @transform_0(%arg0: i32) -> (i32, i32) {
    %c0_i32 = arith.constant 0 : i32
    %c0_i32_0 = arith.constant 0 : i32
    return %arg0, %c0_i32 : i32, i32
  }
  func.func @transform_1(%arg0: i32) -> (i32, i32) {
    %c0_i32 = arith.constant 0 : i32
    %c0_i32_0 = arith.constant 0 : i32
    return %arg0, %c0_i32 : i32, i32
  }
  func.func @transform_2(%arg0: i32) -> (i32, i32) {
    %c0_i32 = arith.constant 0 : i32
    %c0_i32_0 = arith.constant 0 : i32
    return %c0_i32, %arg0 : i32, i32
  }
  func.func @transform_3(%arg0: i32) -> (i32, i32) {
    %c0_i32 = arith.constant 0 : i32
    %c0_i32_0 = arith.constant 0 : i32
    return %c0_i32, %arg0 : i32, i32
  }
  func.func @transform_4(%arg0: i32) -> (i32, i32) {
    %c0_i32 = arith.constant 0 : i32
    %c0_i32_0 = arith.constant 0 : i32
    return %arg0, %c0_i32 : i32, i32
  }
}

module attributes {stable_mosaic.version = 14 : i64} {
  func.func @_tc_body(%arg0: i32, %arg1: memref<128x32xf32, #tpu.memory_space<vmem>>, %arg2: memref<32x640xf32, #tpu.memory_space<vmem>>, %arg3: memref<32x640xf32, #tpu.memory_space<vmem>>, %arg4: memref<32x640xf32, #tpu.memory_space<vmem>>, %arg5: memref<128x32xf32, #tpu.memory_space<vmem>>, %arg6: memref<128x32xf32, #tpu.memory_space<vmem>>, %arg7: memref<128x640xf32, #tpu.memory_space<vmem>>) attributes {dimension_semantics = [#tpu.dimension_semantics<arbitrary>], iteration_bounds = array<i64: 32>, scalar_prefetch = 0 : i64, scratch_operands = 1 : i64, tpu.core_type = #tpu.core_type<tc>, window_params = [{transform_indices = @transform_0, window_bounds = array<i64: 128, 32>}, {transform_indices = @transform_1, window_bounds = array<i64: 32, 640>}, {transform_indices = @transform_2, window_bounds = array<i64: 32, 640>}, {transform_indices = @transform_3, window_bounds = array<i64: 32, 640>}, {transform_indices = @transform_4, window_bounds = array<i64: 128, 32>}, {transform_indices = @transform_5, window_bounds = array<i64: 128, 32>}]} {
    %get3A = arith.constant 0 : index
    %get3A_0 = arith.constant 0 : index
    %get3A_1 = vector.load %arg1[%get3A, %get3A_0] : memref<128x32xf32, #tpu.memory_space<vmem>>, vector<128x1xf32>
    %get3A_2 = arith.constant 0 : index
    %get3A_3 = arith.constant 0 : index
    %get3A_4 = vector.load %arg2[%get3A_2, %get3A_3] : memref<32x640xf32, #tpu.memory_space<vmem>>, vector<1x640xf32>
    %get3A_5 = arith.constant 0 : index
    %get3A_6 = arith.constant 0 : index
    %get3A_7 = vector.load %arg3[%get3A_5, %get3A_6] : memref<32x640xf32, #tpu.memory_space<vmem>>, vector<1x640xf32>
    %get3A_8 = arith.constant 0 : index
    %get3A_9 = arith.constant 0 : index
    %get3A_10 = vector.load %arg4[%get3A_8, %get3A_9] : memref<32x640xf32, #tpu.memory_space<vmem>>, vector<1x640xf32>
    %mul3A = vector.broadcast %get3A_4 : vector<1x640xf32> to vector<128x640xf32>
    %mul3A_11 = vector.broadcast %get3A_1 : vector<128x1xf32> to vector<128x640xf32>
    %mul3A_12 = arith.mulf %mul3A, %mul3A_11 : vector<128x640xf32>
    %add3A = vector.broadcast %get3A_7 : vector<1x640xf32> to vector<128x640xf32>
    %add3A_13 = arith.addf %mul3A_12, %add3A : vector<128x640xf32>
    %mul3A_14 = vector.broadcast %get3A_1 : vector<128x1xf32> to vector<128x640xf32>
    %mul3A_15 = arith.mulf %add3A_13, %mul3A_14 : vector<128x640xf32>
    %add3A_16 = vector.broadcast %get3A_10 : vector<1x640xf32> to vector<128x640xf32>
    %add3A_17 = arith.addf %mul3A_15, %add3A_16 : vector<128x640xf32>
    %swap3A = arith.constant 0 : index
    %swap3A_18 = arith.constant 0 : index
    %swap3A_19 = vector.load %arg7[%swap3A, %swap3A_18] : memref<128x640xf32, #tpu.memory_space<vmem>>, vector<128x640xf32>
    tpu.vector_store %arg7[%swap3A, %swap3A_18], %add3A_17 {strides = array<i32>} : memref<128x640xf32, #tpu.memory_space<vmem>>, vector<128x640xf32>,
    %reduce_max3A = arith.constant dense<0xFF800000> : vector<128xf32>
    %reduce_max3A_20 = vector.multi_reduction <maximumf>, %add3A_17, %reduce_max3A [1] : vector<128x640xf32> to vector<128xf32>
    %broadcast_in_dim3A = vector.shape_cast %reduce_max3A_20 : vector<128xf32> to vector<128x1xf32>
    %get3A_21 = arith.constant 0 : index
    %get3A_22 = arith.constant 0 : index
    %get3A_23 = vector.load %arg7[%get3A_21, %get3A_22] : memref<128x640xf32, #tpu.memory_space<vmem>>, vector<128x640xf32>
    %sub3A = vector.broadcast %broadcast_in_dim3A : vector<128x1xf32> to vector<128x640xf32>
    %sub3A_24 = arith.subf %get3A_23, %sub3A : vector<128x640xf32>
    %exp3A = math.exp %sub3A_24 : vector<128x640xf32>
    %reduce_sum3A = arith.constant dense<0.000000e+00> : vector<128xf32>
    %reduce_sum3A_25 = vector.multi_reduction <add>, %exp3A, %reduce_sum3A [1] : vector<128x640xf32> to vector<128xf32>
    %broadcast_in_dim3A_26 = vector.shape_cast %reduce_sum3A_25 : vector<128xf32> to vector<128x1xf32>
    %swap3A_27 = arith.constant 0 : index
    %swap3A_28 = arith.constant 0 : index
    %swap3A_29 = vector.load %arg5[%swap3A_27, %swap3A_28] : memref<128x32xf32, #tpu.memory_space<vmem>>, vector<128x1xf32>
    tpu.vector_store %arg5[%swap3A_27, %swap3A_28], %broadcast_in_dim3A {strides = array<i32>} : memref<128x32xf32, #tpu.memory_space<vmem>>, vector<128x1xf32>,
    %swap3A_30 = arith.constant 0 : index
    %swap3A_31 = arith.constant 0 : index
    %swap3A_32 = vector.load %arg6[%swap3A_30, %swap3A_31] : memref<128x32xf32, #tpu.memory_space<vmem>>, vector<128x1xf32>
    tpu.vector_store %arg6[%swap3A_30, %swap3A_31], %broadcast_in_dim3A_26 {strides = array<i32>} : memref<128x32xf32, #tpu.memory_space<vmem>>, vector<128x1xf32>,
    %get3A_33 = arith.constant 0 : index
    %get3A_34 = arith.constant 1 : index
    %get3A_35 = vector.load %arg1[%get3A_33, %get3A_34] : memref<128x32xf32, #tpu.memory_space<vmem>>, vector<128x1xf32>
    %get3A_36 = arith.constant 1 : index
    %get3A_37 = arith.constant 0 : index
    %get3A_38 = vector.load %arg2[%get3A_36, %get3A_37] : memref<32x640xf32, #tpu.memory_space<vmem>>, vector<1x640xf32>
    %get3A_39 = arith.constant 1 : index
    %get3A_40 = arith.constant 0 : index
    %get3A_41 = vector.load %arg3[%get3A_39, %get3A_40] : memref<32x640xf32, #tpu.memory_space<vmem>>, vector<1x640xf32>
    %get3A_42 = arith.constant 1 : index
    %get3A_43 = arith.constant 0 : index
    %get3A_44 = vector.load %arg4[%get3A_42, %get3A_43] : memref<32x640xf32, #tpu.memory_space<vmem>>, vector<1x640xf32>
    %mul3A_45 = vector.broadcast %get3A_38 : vector<1x640xf32> to vector<128x640xf32>
    %mul3A_46 = vector.broadcast %get3A_35 : vector<128x1xf32> to vector<128x640xf32>
    %mul3A_47 = arith.mulf %mul3A_45, %mul3A_46 : vector<128x640xf32>
    %add3A_48 = vector.broadcast %get3A_41 : vector<1x640xf32> to vector<128x640xf32>
    %add3A_49 = arith.addf %mul3A_47, %add3A_48 : vector<128x640xf32>
    %mul3A_50 = vector.broadcast %get3A_35 : vector<128x1xf32> to vector<128x640xf32>
    %mul3A_51 = arith.mulf %add3A_49, %mul3A_50 : vector<128x640xf32>
    %add3A_52 = vector.broadcast %get3A_44 : vector<1x640xf32> to vector<128x640xf32>
    %add3A_53 = arith.addf %mul3A_51, %add3A_52 : vector<128x640xf32>
    %swap3A_54 = arith.constant 0 : index
    %swap3A_55 = arith.constant 0 : index
    %swap3A_56 = vector.load %arg7[%swap3A_54, %swap3A_55] : memref<128x640xf32, #tpu.memory_space<vmem>>, vector<128x640xf32>
    tpu.vector_store %arg7[%swap3A_54, %swap3A_55], %add3A_53 {strides = array<i32>} : memref<128x640xf32, #tpu.memory_space<vmem>>, vector<128x640xf32>,
    %reduce_max3A_57 = arith.constant dense<0xFF800000> : vector<128xf32>
    %reduce_max3A_58 = vector.multi_reduction <maximumf>, %add3A_53, %reduce_max3A_57 [1] : vector<128x640xf32> to vector<128xf32>
    %broadcast_in_dim3A_59 = vector.shape_cast %reduce_max3A_58 : vector<128xf32> to vector<128x1xf32>
    %get3A_60 = arith.constant 0 : index
    %get3A_61 = arith.constant 0 : index
    %get3A_62 = vector.load %arg7[%get3A_60, %get3A_61] : memref<128x640xf32, #tpu.memory_space<vmem>>, vector<128x640xf32>
    %sub3A_63 = vector.broadcast %broadcast_in_dim3A_59 : vector<128x1xf32> to vector<128x640xf32>
    %sub3A_64 = arith.subf %get3A_62, %sub3A_63 : vector<128x640xf32>
    %exp3A_65 = math.exp %sub3A_64 : vector<128x640xf32>
    %reduce_sum3A_66 = arith.constant dense<0.000000e+00> : vector<128xf32>
    %reduce_sum3A_67 = vector.multi_reduction <add>, %exp3A_65, %reduce_sum3A_66 [1] : vector<128x640xf32> to vector<128xf32>
    %broadcast_in_dim3A_68 = vector.shape_cast %reduce_sum3A_67 : vector<128xf32> to vector<128x1xf32>
    %swap3A_69 = arith.constant 0 : index
    %swap3A_70 = arith.constant 1 : index
    %swap3A_71 = vector.load %arg5[%swap3A_69, %swap3A_70] : memref<128x32xf32, #tpu.memory_space<vmem>>, vector<128x1xf32>
    tpu.vector_store %arg5[%swap3A_69, %swap3A_70], %broadcast_in_dim3A_59 {strides = array<i32>} : memref<128x32xf32, #tpu.memory_space<vmem>>, vector<128x1xf32>,
    %swap3A_72 = arith.constant 0 : index
    %swap3A_73 = arith.constant 1 : index
    %swap3A_74 = vector.load %arg6[%swap3A_72, %swap3A_73] : memref<128x32xf32, #tpu.memory_space<vmem>>, vector<128x1xf32>
    tpu.vector_store %arg6[%swap3A_72, %swap3A_73], %broadcast_in_dim3A_68 {strides = array<i32>} : memref<128x32xf32, #tpu.memory_space<vmem>>, vector<128x1xf32>,
    %get3A_75 = arith.constant 0 : index
    %get3A_76 = arith.constant 2 : index
    %get3A_77 = vector.load %arg1[%get3A_75, %get3A_76] : memref<128x32xf32, #tpu.memory_space<vmem>>, vector<128x1xf32>
    %get3A_78 = arith.constant 2 : index
    %get3A_79 = arith.constant 0 : index
    %get3A_80 = vector.load %arg2[%get3A_78, %get3A_79] : memref<32x640xf32, #tpu.memory_space<vmem>>, vector<1x640xf32>
    %get3A_81 = arith.constant 2 : index
    %get3A_82 = arith.constant 0 : index
    %get3A_83 = vector.load %arg3[%get3A_81, %get3A_82] : memref<32x640xf32, #tpu.memory_space<vmem>>, vector<1x640xf32>
    %get3A_84 = arith.constant 2 : index
    %get3A_85 = arith.constant 0 : index
    %get3A_86 = vector.load %arg4[%get3A_84, %get3A_85] : memref<32x640xf32, #tpu.memory_space<vmem>>, vector<1x640xf32>
    %mul3A_87 = vector.broadcast %get3A_80 : vector<1x640xf32> to vector<128x640xf32>
    %mul3A_88 = vector.broadcast %get3A_77 : vector<128x1xf32> to vector<128x640xf32>
    %mul3A_89 = arith.mulf %mul3A_87, %mul3A_88 : vector<128x640xf32>
    %add3A_90 = vector.broadcast %get3A_83 : vector<1x640xf32> to vector<128x640xf32>
    %add3A_91 = arith.addf %mul3A_89, %add3A_90 : vector<128x640xf32>
    %mul3A_92 = vector.broadcast %get3A_77 : vector<128x1xf32> to vector<128x640xf32>
    %mul3A_93 = arith.mulf %add3A_91, %mul3A_92 : vector<128x640xf32>
    %add3A_94 = vector.broadcast %get3A_86 : vector<1x640xf32> to vector<128x640xf32>
    %add3A_95 = arith.addf %mul3A_93, %add3A_94 : vector<128x640xf32>
    %swap3A_96 = arith.constant 0 : index
    %swap3A_97 = arith.constant 0 : index
    %swap3A_98 = vector.load %arg7[%swap3A_96, %swap3A_97] : memref<128x640xf32, #tpu.memory_space<vmem>>, vector<128x640xf32>
    tpu.vector_store %arg7[%swap3A_96, %swap3A_97], %add3A_95 {strides = array<i32>} : memref<128x640xf32, #tpu.memory_space<vmem>>, vector<128x640xf32>,
    %reduce_max3A_99 = arith.constant dense<0xFF800000> : vector<128xf32>
    %reduce_max3A_100 = vector.multi_reduction <maximumf>, %add3A_95, %reduce_max3A_99 [1] : vector<128x640xf32> to vector<128xf32>
    %broadcast_in_dim3A_101 = vector.shape_cast %reduce_max3A_100 : vector<128xf32> to vector<128x1xf32>
    %get3A_102 = arith.constant 0 : index
    %get3A_103 = arith.constant 0 : index
    %get3A_104 = vector.load %arg7[%get3A_102, %get3A_103] : memref<128x640xf32, #tpu.memory_space<vmem>>, vector<128x640xf32>
    %sub3A_105 = vector.broadcast %broadcast_in_dim3A_101 : vector<128x1xf32> to vector<128x640xf32>
    %sub3A_106 = arith.subf %get3A_104, %sub3A_105 : vector<128x640xf32>
    %exp3A_107 = math.exp %sub3A_106 : vector<128x640xf32>
    %reduce_sum3A_108 = arith.constant dense<0.000000e+00> : vector<128xf32>
    %reduce_sum3A_109 = vector.multi_reduction <add>, %exp3A_107, %reduce_sum3A_108 [1] : vector<128x640xf32> to vector<128xf32>
    %broadcast_in_dim3A_110 = vector.shape_cast %reduce_sum3A_109 : vector<128xf32> to vector<128x1xf32>
    %swap3A_111 = arith.constant 0 : index
    %swap3A_112 = arith.constant 2 : index
    %swap3A_113 = vector.load %arg5[%swap3A_111, %swap3A_112] : memref<128x32xf32, #tpu.memory_space<vmem>>, vector<128x1xf32>
    tpu.vector_store %arg5[%swap3A_111, %swap3A_112], %broadcast_in_dim3A_101 {strides = array<i32>} : memref<128x32xf32, #tpu.memory_space<vmem>>, vector<128x1xf32>,
    %swap3A_114 = arith.constant 0 : index
    %swap3A_115 = arith.constant 2 : index
    %swap3A_116 = vector.load %arg6[%swap3A_114, %swap3A_115] : memref<128x32xf32, #tpu.memory_space<vmem>>, vector<128x1xf32>
    tpu.vector_store %arg6[%swap3A_114, %swap3A_115], %broadcast_in_dim3A_110 {strides = array<i32>} : memref<128x32xf32, #tpu.memory_space<vmem>>, vector<128x1xf32>,
    %get3A_117 = arith.constant 0 : index
    %get3A_118 = arith.constant 3 : index
    %get3A_119 = vector.load %arg1[%get3A_117, %get3A_118] : memref<128x32xf32, #tpu.memory_space<vmem>>, vector<128x1xf32>
    %get3A_120 = arith.constant 3 : index
    %get3A_121 = arith.constant 0 : index
    %get3A_122 = vector.load %arg2[%get3A_120, %get3A_121] : memref<32x640xf32, #tpu.memory_space<vmem>>, vector<1x640xf32>
    %get3A_123 = arith.constant 3 : index
    %get3A_124 = arith.constant 0 : index
    %get3A_125 = vector.load %arg3[%get3A_123, %get3A_124] : memref<32x640xf32, #tpu.memory_space<vmem>>, vector<1x640xf32>
    %get3A_126 = arith.constant 3 : index
    %get3A_127 = arith.constant 0 : index
    %get3A_128 = vector.load %arg4[%get3A_126, %get3A_127] : memref<32x640xf32, #tpu.memory_space<vmem>>, vector<1x640xf32>
    %mul3A_129 = vector.broadcast %get3A_122 : vector<1x640xf32> to vector<128x640xf32>
    %mul3A_130 = vector.broadcast %get3A_119 : vector<128x1xf32> to vector<128x640xf32>
    %mul3A_131 = arith.mulf %mul3A_129, %mul3A_130 : vector<128x640xf32>
    %add3A_132 = vector.broadcast %get3A_125 : vector<1x640xf32> to vector<128x640xf32>
    %add3A_133 = arith.addf %mul3A_131, %add3A_132 : vector<128x640xf32>
    %mul3A_134 = vector.broadcast %get3A_119 : vector<128x1xf32> to vector<128x640xf32>
    %mul3A_135 = arith.mulf %add3A_133, %mul3A_134 : vector<128x640xf32>
    %add3A_136 = vector.broadcast %get3A_128 : vector<1x640xf32> to vector<128x640xf32>
    %add3A_137 = arith.addf %mul3A_135, %add3A_136 : vector<128x640xf32>
    %swap3A_138 = arith.constant 0 : index
    %swap3A_139 = arith.constant 0 : index
    %swap3A_140 = vector.load %arg7[%swap3A_138, %swap3A_139] : memref<128x640xf32, #tpu.memory_space<vmem>>, vector<128x640xf32>
    tpu.vector_store %arg7[%swap3A_138, %swap3A_139], %add3A_137 {strides = array<i32>} : memref<128x640xf32, #tpu.memory_space<vmem>>, vector<128x640xf32>,
    %reduce_max3A_141 = arith.constant dense<0xFF800000> : vector<128xf32>
    %reduce_max3A_142 = vector.multi_reduction <maximumf>, %add3A_137, %reduce_max3A_141 [1] : vector<128x640xf32> to vector<128xf32>
    %broadcast_in_dim3A_143 = vector.shape_cast %reduce_max3A_142 : vector<128xf32> to vector<128x1xf32>
    %get3A_144 = arith.constant 0 : index
    %get3A_145 = arith.constant 0 : index
    %get3A_146 = vector.load %arg7[%get3A_144, %get3A_145] : memref<128x640xf32, #tpu.memory_space<vmem>>, vector<128x640xf32>
    %sub3A_147 = vector.broadcast %broadcast_in_dim3A_143 : vector<128x1xf32> to vector<128x640xf32>
    %sub3A_148 = arith.subf %get3A_146, %sub3A_147 : vector<128x640xf32>
    %exp3A_149 = math.exp %sub3A_148 : vector<128x640xf32>
    %reduce_sum3A_150 = arith.constant dense<0.000000e+00> : vector<128xf32>
    %reduce_sum3A_151 = vector.multi_reduction <add>, %exp3A_149, %reduce_sum3A_150 [1] : vector<128x640xf32> to vector<128xf32>
    %broadcast_in_dim3A_152 = vector.shape_cast %reduce_sum3A_151 : vector<128xf32> to vector<128x1xf32>
    %swap3A_153 = arith.constant 0 : index
    %swap3A_154 = arith.constant 3 : index
    %swap3A_155 = vector.load %arg5[%swap3A_153, %swap3A_154] : memref<128x32xf32, #tpu.memory_space<vmem>>, vector<128x1xf32>
    tpu.vector_store %arg5[%swap3A_153, %swap3A_154], %broadcast_in_dim3A_143 {strides = array<i32>} : memref<128x32xf32, #tpu.memory_space<vmem>>, vector<128x1xf32>,
    %swap3A_156 = arith.constant 0 : index
    %swap3A_157 = arith.constant 3 : index
    %swap3A_158 = vector.load %arg6[%swap3A_156, %swap3A_157] : memref<128x32xf32, #tpu.memory_space<vmem>>, vector<128x1xf32>
    tpu.vector_store %arg6[%swap3A_156, %swap3A_157], %broadcast_in_dim3A_152 {strides = array<i32>} : memref<128x32xf32, #tpu.memory_space<vmem>>, vector<128x1xf32>,
    %get3A_159 = arith.constant 0 : index
    %get3A_160 = arith.constant 4 : index
    %get3A_161 = vector.load %arg1[%get3A_159, %get3A_160] : memref<128x32xf32, #tpu.memory_space<vmem>>, vector<128x1xf32>
    %get3A_162 = arith.constant 4 : index
    %get3A_163 = arith.constant 0 : index
    %get3A_164 = vector.load %arg2[%get3A_162, %get3A_163] : memref<32x640xf32, #tpu.memory_space<vmem>>, vector<1x640xf32>
    %get3A_165 = arith.constant 4 : index
    %get3A_166 = arith.constant 0 : index
    %get3A_167 = vector.load %arg3[%get3A_165, %get3A_166] : memref<32x640xf32, #tpu.memory_space<vmem>>, vector<1x640xf32>
    %get3A_168 = arith.constant 4 : index
    %get3A_169 = arith.constant 0 : index
    %get3A_170 = vector.load %arg4[%get3A_168, %get3A_169] : memref<32x640xf32, #tpu.memory_space<vmem>>, vector<1x640xf32>
    %mul3A_171 = vector.broadcast %get3A_164 : vector<1x640xf32> to vector<128x640xf32>
    %mul3A_172 = vector.broadcast %get3A_161 : vector<128x1xf32> to vector<128x640xf32>
    %mul3A_173 = arith.mulf %mul3A_171, %mul3A_172 : vector<128x640xf32>
    %add3A_174 = vector.broadcast %get3A_167 : vector<1x640xf32> to vector<128x640xf32>
    %add3A_175 = arith.addf %mul3A_173, %add3A_174 : vector<128x640xf32>
    %mul3A_176 = vector.broadcast %get3A_161 : vector<128x1xf32> to vector<128x640xf32>
    %mul3A_177 = arith.mulf %add3A_175, %mul3A_176 : vector<128x640xf32>
    %add3A_178 = vector.broadcast %get3A_170 : vector<1x640xf32> to vector<128x640xf32>
    %add3A_179 = arith.addf %mul3A_177, %add3A_178 : vector<128x640xf32>
    %swap3A_180 = arith.constant 0 : index
    %swap3A_181 = arith.constant 0 : index
    %swap3A_182 = vector.load %arg7[%swap3A_180, %swap3A_181] : memref<128x640xf32, #tpu.memory_space<vmem>>, vector<128x640xf32>
    tpu.vector_store %arg7[%swap3A_180, %swap3A_181], %add3A_179 {strides = array<i32>} : memref<128x640xf32, #tpu.memory_space<vmem>>, vector<128x640xf32>,
    %reduce_max3A_183 = arith.constant dense<0xFF800000> : vector<128xf32>
    %reduce_max3A_184 = vector.multi_reduction <maximumf>, %add3A_179, %reduce_max3A_183 [1] : vector<128x640xf32> to vector<128xf32>
    %broadcast_in_dim3A_185 = vector.shape_cast %reduce_max3A_184 : vector<128xf32> to vector<128x1xf32>
    %get3A_186 = arith.constant 0 : index
    %get3A_187 = arith.constant 0 : index
    %get3A_188 = vector.load %arg7[%get3A_186, %get3A_187] : memref<128x640xf32, #tpu.memory_space<vmem>>, vector<128x640xf32>
    %sub3A_189 = vector.broadcast %broadcast_in_dim3A_185 : vector<128x1xf32> to vector<128x640xf32>
    %sub3A_190 = arith.subf %get3A_188, %sub3A_189 : vector<128x640xf32>
    %exp3A_191 = math.exp %sub3A_190 : vector<128x640xf32>
    %reduce_sum3A_192 = arith.constant dense<0.000000e+00> : vector<128xf32>
    %reduce_sum3A_193 = vector.multi_reduction <add>, %exp3A_191, %reduce_sum3A_192 [1] : vector<128x640xf32> to vector<128xf32>
    %broadcast_in_dim3A_194 = vector.shape_cast %reduce_sum3A_193 : vector<128xf32> to vector<128x1xf32>
    %swap3A_195 = arith.constant 0 : index
    %swap3A_196 = arith.constant 4 : index
    %swap3A_197 = vector.load %arg5[%swap3A_195, %swap3A_196] : memref<128x32xf32, #tpu.memory_space<vmem>>, vector<128x1xf32>
    tpu.vector_store %arg5[%swap3A_195, %swap3A_196], %broadcast_in_dim3A_185 {strides = array<i32>} : memref<128x32xf32, #tpu.memory_space<vmem>>, vector<128x1xf32>,
    %swap3A_198 = arith.constant 0 : index
    %swap3A_199 = arith.constant 4 : index
    %swap3A_200 = vector.load %arg6[%swap3A_198, %swap3A_199] : memref<128x32xf32, #tpu.memory_space<vmem>>, vector<128x1xf32>
    tpu.vector_store %arg6[%swap3A_198, %swap3A_199], %broadcast_in_dim3A_194 {strides = array<i32>} : memref<128x32xf32, #tpu.memory_space<vmem>>, vector<128x1xf32>,
    %get3A_201 = arith.constant 0 : index
    %get3A_202 = arith.constant 5 : index
    %get3A_203 = vector.load %arg1[%get3A_201, %get3A_202] : memref<128x32xf32, #tpu.memory_space<vmem>>, vector<128x1xf32>
    %get3A_204 = arith.constant 5 : index
    %get3A_205 = arith.constant 0 : index
    %get3A_206 = vector.load %arg2[%get3A_204, %get3A_205] : memref<32x640xf32, #tpu.memory_space<vmem>>, vector<1x640xf32>
    %get3A_207 = arith.constant 5 : index
    %get3A_208 = arith.constant 0 : index
    %get3A_209 = vector.load %arg3[%get3A_207, %get3A_208] : memref<32x640xf32, #tpu.memory_space<vmem>>, vector<1x640xf32>
    %get3A_210 = arith.constant 5 : index
    %get3A_211 = arith.constant 0 : index
    %get3A_212 = vector.load %arg4[%get3A_210, %get3A_211] : memref<32x640xf32, #tpu.memory_space<vmem>>, vector<1x640xf32>
    %mul3A_213 = vector.broadcast %get3A_206 : vector<1x640xf32> to vector<128x640xf32>
    %mul3A_214 = vector.broadcast %get3A_203 : vector<128x1xf32> to vector<128x640xf32>
    %mul3A_215 = arith.mulf %mul3A_213, %mul3A_214 : vector<128x640xf32>
    %add3A_216 = vector.broadcast %get3A_209 : vector<1x640xf32> to vector<128x640xf32>
    %add3A_217 = arith.addf %mul3A_215, %add3A_216 : vector<128x640xf32>
    %mul3A_218 = vector.broadcast %get3A_203 : vector<128x1xf32> to vector<128x640xf32>
    %mul3A_219 = arith.mulf %add3A_217, %mul3A_218 : vector<128x640xf32>
    %add3A_220 = vector.broadcast %get3A_212 : vector<1x640xf32> to vector<128x640xf32>
    %add3A_221 = arith.addf %mul3A_219, %add3A_220 : vector<128x640xf32>
    %swap3A_222 = arith.constant 0 : index
    %swap3A_223 = arith.constant 0 : index
    %swap3A_224 = vector.load %arg7[%swap3A_222, %swap3A_223] : memref<128x640xf32, #tpu.memory_space<vmem>>, vector<128x640xf32>
    tpu.vector_store %arg7[%swap3A_222, %swap3A_223], %add3A_221 {strides = array<i32>} : memref<128x640xf32, #tpu.memory_space<vmem>>, vector<128x640xf32>,
    %reduce_max3A_225 = arith.constant dense<0xFF800000> : vector<128xf32>
    %reduce_max3A_226 = vector.multi_reduction <maximumf>, %add3A_221, %reduce_max3A_225 [1] : vector<128x640xf32> to vector<128xf32>
    %broadcast_in_dim3A_227 = vector.shape_cast %reduce_max3A_226 : vector<128xf32> to vector<128x1xf32>
    %get3A_228 = arith.constant 0 : index
    %get3A_229 = arith.constant 0 : index
    %get3A_230 = vector.load %arg7[%get3A_228, %get3A_229] : memref<128x640xf32, #tpu.memory_space<vmem>>, vector<128x640xf32>
    %sub3A_231 = vector.broadcast %broadcast_in_dim3A_227 : vector<128x1xf32> to vector<128x640xf32>
    %sub3A_232 = arith.subf %get3A_230, %sub3A_231 : vector<128x640xf32>
    %exp3A_233 = math.exp %sub3A_232 : vector<128x640xf32>
    %reduce_sum3A_234 = arith.constant dense<0.000000e+00> : vector<128xf32>
    %reduce_sum3A_235 = vector.multi_reduction <add>, %exp3A_233, %reduce_sum3A_234 [1] : vector<128x640xf32> to vector<128xf32>
    %broadcast_in_dim3A_236 = vector.shape_cast %reduce_sum3A_235 : vector<128xf32> to vector<128x1xf32>
    %swap3A_237 = arith.constant 0 : index
    %swap3A_238 = arith.constant 5 : index
    %swap3A_239 = vector.load %arg5[%swap3A_237, %swap3A_238] : memref<128x32xf32, #tpu.memory_space<vmem>>, vector<128x1xf32>
    tpu.vector_store %arg5[%swap3A_237, %swap3A_238], %broadcast_in_dim3A_227 {strides = array<i32>} : memref<128x32xf32, #tpu.memory_space<vmem>>, vector<128x1xf32>,
    %swap3A_240 = arith.constant 0 : index
    %swap3A_241 = arith.constant 5 : index
    %swap3A_242 = vector.load %arg6[%swap3A_240, %swap3A_241] : memref<128x32xf32, #tpu.memory_space<vmem>>, vector<128x1xf32>
    tpu.vector_store %arg6[%swap3A_240, %swap3A_241], %broadcast_in_dim3A_236 {strides = array<i32>} : memref<128x32xf32, #tpu.memory_space<vmem>>, vector<128x1xf32>,
    %get3A_243 = arith.constant 0 : index
    %get3A_244 = arith.constant 6 : index
    %get3A_245 = vector.load %arg1[%get3A_243, %get3A_244] : memref<128x32xf32, #tpu.memory_space<vmem>>, vector<128x1xf32>
    %get3A_246 = arith.constant 6 : index
    %get3A_247 = arith.constant 0 : index
    %get3A_248 = vector.load %arg2[%get3A_246, %get3A_247] : memref<32x640xf32, #tpu.memory_space<vmem>>, vector<1x640xf32>
    %get3A_249 = arith.constant 6 : index
    %get3A_250 = arith.constant 0 : index
    %get3A_251 = vector.load %arg3[%get3A_249, %get3A_250] : memref<32x640xf32, #tpu.memory_space<vmem>>, vector<1x640xf32>
    %get3A_252 = arith.constant 6 : index
    %get3A_253 = arith.constant 0 : index
    %get3A_254 = vector.load %arg4[%get3A_252, %get3A_253] : memref<32x640xf32, #tpu.memory_space<vmem>>, vector<1x640xf32>
    %mul3A_255 = vector.broadcast %get3A_248 : vector<1x640xf32> to vector<128x640xf32>
    %mul3A_256 = vector.broadcast %get3A_245 : vector<128x1xf32> to vector<128x640xf32>
    %mul3A_257 = arith.mulf %mul3A_255, %mul3A_256 : vector<128x640xf32>
    %add3A_258 = vector.broadcast %get3A_251 : vector<1x640xf32> to vector<128x640xf32>
    %add3A_259 = arith.addf %mul3A_257, %add3A_258 : vector<128x640xf32>
    %mul3A_260 = vector.broadcast %get3A_245 : vector<128x1xf32> to vector<128x640xf32>
    %mul3A_261 = arith.mulf %add3A_259, %mul3A_260 : vector<128x640xf32>
    %add3A_262 = vector.broadcast %get3A_254 : vector<1x640xf32> to vector<128x640xf32>
    %add3A_263 = arith.addf %mul3A_261, %add3A_262 : vector<128x640xf32>
    %swap3A_264 = arith.constant 0 : index
    %swap3A_265 = arith.constant 0 : index
    %swap3A_266 = vector.load %arg7[%swap3A_264, %swap3A_265] : memref<128x640xf32, #tpu.memory_space<vmem>>, vector<128x640xf32>
    tpu.vector_store %arg7[%swap3A_264, %swap3A_265], %add3A_263 {strides = array<i32>} : memref<128x640xf32, #tpu.memory_space<vmem>>, vector<128x640xf32>,
    %reduce_max3A_267 = arith.constant dense<0xFF800000> : vector<128xf32>
    %reduce_max3A_268 = vector.multi_reduction <maximumf>, %add3A_263, %reduce_max3A_267 [1] : vector<128x640xf32> to vector<128xf32>
    %broadcast_in_dim3A_269 = vector.shape_cast %reduce_max3A_268 : vector<128xf32> to vector<128x1xf32>
    %get3A_270 = arith.constant 0 : index
    %get3A_271 = arith.constant 0 : index
    %get3A_272 = vector.load %arg7[%get3A_270, %get3A_271] : memref<128x640xf32, #tpu.memory_space<vmem>>, vector<128x640xf32>
    %sub3A_273 = vector.broadcast %broadcast_in_dim3A_269 : vector<128x1xf32> to vector<128x640xf32>
    %sub3A_274 = arith.subf %get3A_272, %sub3A_273 : vector<128x640xf32>
    %exp3A_275 = math.exp %sub3A_274 : vector<128x640xf32>
    %reduce_sum3A_276 = arith.constant dense<0.000000e+00> : vector<128xf32>
    %reduce_sum3A_277 = vector.multi_reduction <add>, %exp3A_275, %reduce_sum3A_276 [1] : vector<128x640xf32> to vector<128xf32>
    %broadcast_in_dim3A_278 = vector.shape_cast %reduce_sum3A_277 : vector<128xf32> to vector<128x1xf32>
    %swap3A_279 = arith.constant 0 : index
    %swap3A_280 = arith.constant 6 : index
    %swap3A_281 = vector.load %arg5[%swap3A_279, %swap3A_280] : memref<128x32xf32, #tpu.memory_space<vmem>>, vector<128x1xf32>
    tpu.vector_store %arg5[%swap3A_279, %swap3A_280], %broadcast_in_dim3A_269 {strides = array<i32>} : memref<128x32xf32, #tpu.memory_space<vmem>>, vector<128x1xf32>,
    %swap3A_282 = arith.constant 0 : index
    %swap3A_283 = arith.constant 6 : index
    %swap3A_284 = vector.load %arg6[%swap3A_282, %swap3A_283] : memref<128x32xf32, #tpu.memory_space<vmem>>, vector<128x1xf32>
    tpu.vector_store %arg6[%swap3A_282, %swap3A_283], %broadcast_in_dim3A_278 {strides = array<i32>} : memref<128x32xf32, #tpu.memory_space<vmem>>, vector<128x1xf32>,
    %get3A_285 = arith.constant 0 : index
    %get3A_286 = arith.constant 7 : index
    %get3A_287 = vector.load %arg1[%get3A_285, %get3A_286] : memref<128x32xf32, #tpu.memory_space<vmem>>, vector<128x1xf32>
    %get3A_288 = arith.constant 7 : index
    %get3A_289 = arith.constant 0 : index
    %get3A_290 = vector.load %arg2[%get3A_288, %get3A_289] : memref<32x640xf32, #tpu.memory_space<vmem>>, vector<1x640xf32>
    %get3A_291 = arith.constant 7 : index
    %get3A_292 = arith.constant 0 : index
    %get3A_293 = vector.load %arg3[%get3A_291, %get3A_292] : memref<32x640xf32, #tpu.memory_space<vmem>>, vector<1x640xf32>
    %get3A_294 = arith.constant 7 : index
    %get3A_295 = arith.constant 0 : index
    %get3A_296 = vector.load %arg4[%get3A_294, %get3A_295] : memref<32x640xf32, #tpu.memory_space<vmem>>, vector<1x640xf32>
    %mul3A_297 = vector.broadcast %get3A_290 : vector<1x640xf32> to vector<128x640xf32>
    %mul3A_298 = vector.broadcast %get3A_287 : vector<128x1xf32> to vector<128x640xf32>
    %mul3A_299 = arith.mulf %mul3A_297, %mul3A_298 : vector<128x640xf32>
    %add3A_300 = vector.broadcast %get3A_293 : vector<1x640xf32> to vector<128x640xf32>
    %add3A_301 = arith.addf %mul3A_299, %add3A_300 : vector<128x640xf32>
    %mul3A_302 = vector.broadcast %get3A_287 : vector<128x1xf32> to vector<128x640xf32>
    %mul3A_303 = arith.mulf %add3A_301, %mul3A_302 : vector<128x640xf32>
    %add3A_304 = vector.broadcast %get3A_296 : vector<1x640xf32> to vector<128x640xf32>
    %add3A_305 = arith.addf %mul3A_303, %add3A_304 : vector<128x640xf32>
    %swap3A_306 = arith.constant 0 : index
    %swap3A_307 = arith.constant 0 : index
    %swap3A_308 = vector.load %arg7[%swap3A_306, %swap3A_307] : memref<128x640xf32, #tpu.memory_space<vmem>>, vector<128x640xf32>
    tpu.vector_store %arg7[%swap3A_306, %swap3A_307], %add3A_305 {strides = array<i32>} : memref<128x640xf32, #tpu.memory_space<vmem>>, vector<128x640xf32>,
    %reduce_max3A_309 = arith.constant dense<0xFF800000> : vector<128xf32>
    %reduce_max3A_310 = vector.multi_reduction <maximumf>, %add3A_305, %reduce_max3A_309 [1] : vector<128x640xf32> to vector<128xf32>
    %broadcast_in_dim3A_311 = vector.shape_cast %reduce_max3A_310 : vector<128xf32> to vector<128x1xf32>
    %get3A_312 = arith.constant 0 : index
    %get3A_313 = arith.constant 0 : index
    %get3A_314 = vector.load %arg7[%get3A_312, %get3A_313] : memref<128x640xf32, #tpu.memory_space<vmem>>, vector<128x640xf32>
    %sub3A_315 = vector.broadcast %broadcast_in_dim3A_311 : vector<128x1xf32> to vector<128x640xf32>
    %sub3A_316 = arith.subf %get3A_314, %sub3A_315 : vector<128x640xf32>
    %exp3A_317 = math.exp %sub3A_316 : vector<128x640xf32>
    %reduce_sum3A_318 = arith.constant dense<0.000000e+00> : vector<128xf32>
    %reduce_sum3A_319 = vector.multi_reduction <add>, %exp3A_317, %reduce_sum3A_318 [1] : vector<128x640xf32> to vector<128xf32>
    %broadcast_in_dim3A_320 = vector.shape_cast %reduce_sum3A_319 : vector<128xf32> to vector<128x1xf32>
    %swap3A_321 = arith.constant 0 : index
    %swap3A_322 = arith.constant 7 : index
    %swap3A_323 = vector.load %arg5[%swap3A_321, %swap3A_322] : memref<128x32xf32, #tpu.memory_space<vmem>>, vector<128x1xf32>
    tpu.vector_store %arg5[%swap3A_321, %swap3A_322], %broadcast_in_dim3A_311 {strides = array<i32>} : memref<128x32xf32, #tpu.memory_space<vmem>>, vector<128x1xf32>,
    %swap3A_324 = arith.constant 0 : index
    %swap3A_325 = arith.constant 7 : index
    %swap3A_326 = vector.load %arg6[%swap3A_324, %swap3A_325] : memref<128x32xf32, #tpu.memory_space<vmem>>, vector<128x1xf32>
    tpu.vector_store %arg6[%swap3A_324, %swap3A_325], %broadcast_in_dim3A_320 {strides = array<i32>} : memref<128x32xf32, #tpu.memory_space<vmem>>, vector<128x1xf32>,
    %get3A_327 = arith.constant 0 : index
    %get3A_328 = arith.constant 8 : index
    %get3A_329 = vector.load %arg1[%get3A_327, %get3A_328] : memref<128x32xf32, #tpu.memory_space<vmem>>, vector<128x1xf32>
    %get3A_330 = arith.constant 8 : index
    %get3A_331 = arith.constant 0 : index
    %get3A_332 = vector.load %arg2[%get3A_330, %get3A_331] : memref<32x640xf32, #tpu.memory_space<vmem>>, vector<1x640xf32>
    %get3A_333 = arith.constant 8 : index
    %get3A_334 = arith.constant 0 : index
    %get3A_335 = vector.load %arg3[%get3A_333, %get3A_334] : memref<32x640xf32, #tpu.memory_space<vmem>>, vector<1x640xf32>
    %get3A_336 = arith.constant 8 : index
    %get3A_337 = arith.constant 0 : index
    %get3A_338 = vector.load %arg4[%get3A_336, %get3A_337] : memref<32x640xf32, #tpu.memory_space<vmem>>, vector<1x640xf32>
    %mul3A_339 = vector.broadcast %get3A_332 : vector<1x640xf32> to vector<128x640xf32>
    %mul3A_340 = vector.broadcast %get3A_329 : vector<128x1xf32> to vector<128x640xf32>
    %mul3A_341 = arith.mulf %mul3A_339, %mul3A_340 : vector<128x640xf32>
    %add3A_342 = vector.broadcast %get3A_335 : vector<1x640xf32> to vector<128x640xf32>
    %add3A_343 = arith.addf %mul3A_341, %add3A_342 : vector<128x640xf32>
    %mul3A_344 = vector.broadcast %get3A_329 : vector<128x1xf32> to vector<128x640xf32>
    %mul3A_345 = arith.mulf %add3A_343, %mul3A_344 : vector<128x640xf32>
    %add3A_346 = vector.broadcast %get3A_338 : vector<1x640xf32> to vector<128x640xf32>
    %add3A_347 = arith.addf %mul3A_345, %add3A_346 : vector<128x640xf32>
    %swap3A_348 = arith.constant 0 : index
    %swap3A_349 = arith.constant 0 : index
    %swap3A_350 = vector.load %arg7[%swap3A_348, %swap3A_349] : memref<128x640xf32, #tpu.memory_space<vmem>>, vector<128x640xf32>
    tpu.vector_store %arg7[%swap3A_348, %swap3A_349], %add3A_347 {strides = array<i32>} : memref<128x640xf32, #tpu.memory_space<vmem>>, vector<128x640xf32>,
    %reduce_max3A_351 = arith.constant dense<0xFF800000> : vector<128xf32>
    %reduce_max3A_352 = vector.multi_reduction <maximumf>, %add3A_347, %reduce_max3A_351 [1] : vector<128x640xf32> to vector<128xf32>
    %broadcast_in_dim3A_353 = vector.shape_cast %reduce_max3A_352 : vector<128xf32> to vector<128x1xf32>
    %get3A_354 = arith.constant 0 : index
    %get3A_355 = arith.constant 0 : index
    %get3A_356 = vector.load %arg7[%get3A_354, %get3A_355] : memref<128x640xf32, #tpu.memory_space<vmem>>, vector<128x640xf32>
    %sub3A_357 = vector.broadcast %broadcast_in_dim3A_353 : vector<128x1xf32> to vector<128x640xf32>
    %sub3A_358 = arith.subf %get3A_356, %sub3A_357 : vector<128x640xf32>
    %exp3A_359 = math.exp %sub3A_358 : vector<128x640xf32>
    %reduce_sum3A_360 = arith.constant dense<0.000000e+00> : vector<128xf32>
    %reduce_sum3A_361 = vector.multi_reduction <add>, %exp3A_359, %reduce_sum3A_360 [1] : vector<128x640xf32> to vector<128xf32>
    %broadcast_in_dim3A_362 = vector.shape_cast %reduce_sum3A_361 : vector<128xf32> to vector<128x1xf32>
    %swap3A_363 = arith.constant 0 : index
    %swap3A_364 = arith.constant 8 : index
    %swap3A_365 = vector.load %arg5[%swap3A_363, %swap3A_364] : memref<128x32xf32, #tpu.memory_space<vmem>>, vector<128x1xf32>
    tpu.vector_store %arg5[%swap3A_363, %swap3A_364], %broadcast_in_dim3A_353 {strides = array<i32>} : memref<128x32xf32, #tpu.memory_space<vmem>>, vector<128x1xf32>,
    %swap3A_366 = arith.constant 0 : index
    %swap3A_367 = arith.constant 8 : index
    %swap3A_368 = vector.load %arg6[%swap3A_366, %swap3A_367] : memref<128x32xf32, #tpu.memory_space<vmem>>, vector<128x1xf32>
    tpu.vector_store %arg6[%swap3A_366, %swap3A_367], %broadcast_in_dim3A_362 {strides = array<i32>} : memref<128x32xf32, #tpu.memory_space<vmem>>, vector<128x1xf32>,
    %get3A_369 = arith.constant 0 : index
    %get3A_370 = arith.constant 9 : index
    %get3A_371 = vector.load %arg1[%get3A_369, %get3A_370] : memref<128x32xf32, #tpu.memory_space<vmem>>, vector<128x1xf32>
    %get3A_372 = arith.constant 9 : index
    %get3A_373 = arith.constant 0 : index
    %get3A_374 = vector.load %arg2[%get3A_372, %get3A_373] : memref<32x640xf32, #tpu.memory_space<vmem>>, vector<1x640xf32>
    %get3A_375 = arith.constant 9 : index
    %get3A_376 = arith.constant 0 : index
    %get3A_377 = vector.load %arg3[%get3A_375, %get3A_376] : memref<32x640xf32, #tpu.memory_space<vmem>>, vector<1x640xf32>
    %get3A_378 = arith.constant 9 : index
    %get3A_379 = arith.constant 0 : index
    %get3A_380 = vector.load %arg4[%get3A_378, %get3A_379] : memref<32x640xf32, #tpu.memory_space<vmem>>, vector<1x640xf32>
    %mul3A_381 = vector.broadcast %get3A_374 : vector<1x640xf32> to vector<128x640xf32>
    %mul3A_382 = vector.broadcast %get3A_371 : vector<128x1xf32> to vector<128x640xf32>
    %mul3A_383 = arith.mulf %mul3A_381, %mul3A_382 : vector<128x640xf32>
    %add3A_384 = vector.broadcast %get3A_377 : vector<1x640xf32> to vector<128x640xf32>
    %add3A_385 = arith.addf %mul3A_383, %add3A_384 : vector<128x640xf32>
    %mul3A_386 = vector.broadcast %get3A_371 : vector<128x1xf32> to vector<128x640xf32>
    %mul3A_387 = arith.mulf %add3A_385, %mul3A_386 : vector<128x640xf32>
    %add3A_388 = vector.broadcast %get3A_380 : vector<1x640xf32> to vector<128x640xf32>
    %add3A_389 = arith.addf %mul3A_387, %add3A_388 : vector<128x640xf32>
    %swap3A_390 = arith.constant 0 : index
    %swap3A_391 = arith.constant 0 : index
    %swap3A_392 = vector.load %arg7[%swap3A_390, %swap3A_391] : memref<128x640xf32, #tpu.memory_space<vmem>>, vector<128x640xf32>
    tpu.vector_store %arg7[%swap3A_390, %swap3A_391], %add3A_389 {strides = array<i32>} : memref<128x640xf32, #tpu.memory_space<vmem>>, vector<128x640xf32>,
    %reduce_max3A_393 = arith.constant dense<0xFF800000> : vector<128xf32>
    %reduce_max3A_394 = vector.multi_reduction <maximumf>, %add3A_389, %reduce_max3A_393 [1] : vector<128x640xf32> to vector<128xf32>
    %broadcast_in_dim3A_395 = vector.shape_cast %reduce_max3A_394 : vector<128xf32> to vector<128x1xf32>
    %get3A_396 = arith.constant 0 : index
    %get3A_397 = arith.constant 0 : index
    %get3A_398 = vector.load %arg7[%get3A_396, %get3A_397] : memref<128x640xf32, #tpu.memory_space<vmem>>, vector<128x640xf32>
    %sub3A_399 = vector.broadcast %broadcast_in_dim3A_395 : vector<128x1xf32> to vector<128x640xf32>
    %sub3A_400 = arith.subf %get3A_398, %sub3A_399 : vector<128x640xf32>
    %exp3A_401 = math.exp %sub3A_400 : vector<128x640xf32>
    %reduce_sum3A_402 = arith.constant dense<0.000000e+00> : vector<128xf32>
    %reduce_sum3A_403 = vector.multi_reduction <add>, %exp3A_401, %reduce_sum3A_402 [1] : vector<128x640xf32> to vector<128xf32>
    %broadcast_in_dim3A_404 = vector.shape_cast %reduce_sum3A_403 : vector<128xf32> to vector<128x1xf32>
    %swap3A_405 = arith.constant 0 : index
    %swap3A_406 = arith.constant 9 : index
    %swap3A_407 = vector.load %arg5[%swap3A_405, %swap3A_406] : memref<128x32xf32, #tpu.memory_space<vmem>>, vector<128x1xf32>
    tpu.vector_store %arg5[%swap3A_405, %swap3A_406], %broadcast_in_dim3A_395 {strides = array<i32>} : memref<128x32xf32, #tpu.memory_space<vmem>>, vector<128x1xf32>,
    %swap3A_408 = arith.constant 0 : index
    %swap3A_409 = arith.constant 9 : index
    %swap3A_410 = vector.load %arg6[%swap3A_408, %swap3A_409] : memref<128x32xf32, #tpu.memory_space<vmem>>, vector<128x1xf32>
    tpu.vector_store %arg6[%swap3A_408, %swap3A_409], %broadcast_in_dim3A_404 {strides = array<i32>} : memref<128x32xf32, #tpu.memory_space<vmem>>, vector<128x1xf32>,
    %get3A_411 = arith.constant 0 : index
    %get3A_412 = arith.constant 10 : index
    %get3A_413 = vector.load %arg1[%get3A_411, %get3A_412] : memref<128x32xf32, #tpu.memory_space<vmem>>, vector<128x1xf32>
    %get3A_414 = arith.constant 10 : index
    %get3A_415 = arith.constant 0 : index
    %get3A_416 = vector.load %arg2[%get3A_414, %get3A_415] : memref<32x640xf32, #tpu.memory_space<vmem>>, vector<1x640xf32>
    %get3A_417 = arith.constant 10 : index
    %get3A_418 = arith.constant 0 : index
    %get3A_419 = vector.load %arg3[%get3A_417, %get3A_418] : memref<32x640xf32, #tpu.memory_space<vmem>>, vector<1x640xf32>
    %get3A_420 = arith.constant 10 : index
    %get3A_421 = arith.constant 0 : index
    %get3A_422 = vector.load %arg4[%get3A_420, %get3A_421] : memref<32x640xf32, #tpu.memory_space<vmem>>, vector<1x640xf32>
    %mul3A_423 = vector.broadcast %get3A_416 : vector<1x640xf32> to vector<128x640xf32>
    %mul3A_424 = vector.broadcast %get3A_413 : vector<128x1xf32> to vector<128x640xf32>
    %mul3A_425 = arith.mulf %mul3A_423, %mul3A_424 : vector<128x640xf32>
    %add3A_426 = vector.broadcast %get3A_419 : vector<1x640xf32> to vector<128x640xf32>
    %add3A_427 = arith.addf %mul3A_425, %add3A_426 : vector<128x640xf32>
    %mul3A_428 = vector.broadcast %get3A_413 : vector<128x1xf32> to vector<128x640xf32>
    %mul3A_429 = arith.mulf %add3A_427, %mul3A_428 : vector<128x640xf32>
    %add3A_430 = vector.broadcast %get3A_422 : vector<1x640xf32> to vector<128x640xf32>
    %add3A_431 = arith.addf %mul3A_429, %add3A_430 : vector<128x640xf32>
    %swap3A_432 = arith.constant 0 : index
    %swap3A_433 = arith.constant 0 : index
    %swap3A_434 = vector.load %arg7[%swap3A_432, %swap3A_433] : memref<128x640xf32, #tpu.memory_space<vmem>>, vector<128x640xf32>
    tpu.vector_store %arg7[%swap3A_432, %swap3A_433], %add3A_431 {strides = array<i32>} : memref<128x640xf32, #tpu.memory_space<vmem>>, vector<128x640xf32>,
    %reduce_max3A_435 = arith.constant dense<0xFF800000> : vector<128xf32>
    %reduce_max3A_436 = vector.multi_reduction <maximumf>, %add3A_431, %reduce_max3A_435 [1] : vector<128x640xf32> to vector<128xf32>
    %broadcast_in_dim3A_437 = vector.shape_cast %reduce_max3A_436 : vector<128xf32> to vector<128x1xf32>
    %get3A_438 = arith.constant 0 : index
    %get3A_439 = arith.constant 0 : index
    %get3A_440 = vector.load %arg7[%get3A_438, %get3A_439] : memref<128x640xf32, #tpu.memory_space<vmem>>, vector<128x640xf32>
    %sub3A_441 = vector.broadcast %broadcast_in_dim3A_437 : vector<128x1xf32> to vector<128x640xf32>
    %sub3A_442 = arith.subf %get3A_440, %sub3A_441 : vector<128x640xf32>
    %exp3A_443 = math.exp %sub3A_442 : vector<128x640xf32>
    %reduce_sum3A_444 = arith.constant dense<0.000000e+00> : vector<128xf32>
    %reduce_sum3A_445 = vector.multi_reduction <add>, %exp3A_443, %reduce_sum3A_444 [1] : vector<128x640xf32> to vector<128xf32>
    %broadcast_in_dim3A_446 = vector.shape_cast %reduce_sum3A_445 : vector<128xf32> to vector<128x1xf32>
    %swap3A_447 = arith.constant 0 : index
    %swap3A_448 = arith.constant 10 : index
    %swap3A_449 = vector.load %arg5[%swap3A_447, %swap3A_448] : memref<128x32xf32, #tpu.memory_space<vmem>>, vector<128x1xf32>
    tpu.vector_store %arg5[%swap3A_447, %swap3A_448], %broadcast_in_dim3A_437 {strides = array<i32>} : memref<128x32xf32, #tpu.memory_space<vmem>>, vector<128x1xf32>,
    %swap3A_450 = arith.constant 0 : index
    %swap3A_451 = arith.constant 10 : index
    %swap3A_452 = vector.load %arg6[%swap3A_450, %swap3A_451] : memref<128x32xf32, #tpu.memory_space<vmem>>, vector<128x1xf32>
    tpu.vector_store %arg6[%swap3A_450, %swap3A_451], %broadcast_in_dim3A_446 {strides = array<i32>} : memref<128x32xf32, #tpu.memory_space<vmem>>, vector<128x1xf32>,
    %get3A_453 = arith.constant 0 : index
    %get3A_454 = arith.constant 11 : index
    %get3A_455 = vector.load %arg1[%get3A_453, %get3A_454] : memref<128x32xf32, #tpu.memory_space<vmem>>, vector<128x1xf32>
    %get3A_456 = arith.constant 11 : index
    %get3A_457 = arith.constant 0 : index
    %get3A_458 = vector.load %arg2[%get3A_456, %get3A_457] : memref<32x640xf32, #tpu.memory_space<vmem>>, vector<1x640xf32>
    %get3A_459 = arith.constant 11 : index
    %get3A_460 = arith.constant 0 : index
    %get3A_461 = vector.load %arg3[%get3A_459, %get3A_460] : memref<32x640xf32, #tpu.memory_space<vmem>>, vector<1x640xf32>
    %get3A_462 = arith.constant 11 : index
    %get3A_463 = arith.constant 0 : index
    %get3A_464 = vector.load %arg4[%get3A_462, %get3A_463] : memref<32x640xf32, #tpu.memory_space<vmem>>, vector<1x640xf32>
    %mul3A_465 = vector.broadcast %get3A_458 : vector<1x640xf32> to vector<128x640xf32>
    %mul3A_466 = vector.broadcast %get3A_455 : vector<128x1xf32> to vector<128x640xf32>
    %mul3A_467 = arith.mulf %mul3A_465, %mul3A_466 : vector<128x640xf32>
    %add3A_468 = vector.broadcast %get3A_461 : vector<1x640xf32> to vector<128x640xf32>
    %add3A_469 = arith.addf %mul3A_467, %add3A_468 : vector<128x640xf32>
    %mul3A_470 = vector.broadcast %get3A_455 : vector<128x1xf32> to vector<128x640xf32>
    %mul3A_471 = arith.mulf %add3A_469, %mul3A_470 : vector<128x640xf32>
    %add3A_472 = vector.broadcast %get3A_464 : vector<1x640xf32> to vector<128x640xf32>
    %add3A_473 = arith.addf %mul3A_471, %add3A_472 : vector<128x640xf32>
    %swap3A_474 = arith.constant 0 : index
    %swap3A_475 = arith.constant 0 : index
    %swap3A_476 = vector.load %arg7[%swap3A_474, %swap3A_475] : memref<128x640xf32, #tpu.memory_space<vmem>>, vector<128x640xf32>
    tpu.vector_store %arg7[%swap3A_474, %swap3A_475], %add3A_473 {strides = array<i32>} : memref<128x640xf32, #tpu.memory_space<vmem>>, vector<128x640xf32>,
    %reduce_max3A_477 = arith.constant dense<0xFF800000> : vector<128xf32>
    %reduce_max3A_478 = vector.multi_reduction <maximumf>, %add3A_473, %reduce_max3A_477 [1] : vector<128x640xf32> to vector<128xf32>
    %broadcast_in_dim3A_479 = vector.shape_cast %reduce_max3A_478 : vector<128xf32> to vector<128x1xf32>
    %get3A_480 = arith.constant 0 : index
    %get3A_481 = arith.constant 0 : index
    %get3A_482 = vector.load %arg7[%get3A_480, %get3A_481] : memref<128x640xf32, #tpu.memory_space<vmem>>, vector<128x640xf32>
    %sub3A_483 = vector.broadcast %broadcast_in_dim3A_479 : vector<128x1xf32> to vector<128x640xf32>
    %sub3A_484 = arith.subf %get3A_482, %sub3A_483 : vector<128x640xf32>
    %exp3A_485 = math.exp %sub3A_484 : vector<128x640xf32>
    %reduce_sum3A_486 = arith.constant dense<0.000000e+00> : vector<128xf32>
    %reduce_sum3A_487 = vector.multi_reduction <add>, %exp3A_485, %reduce_sum3A_486 [1] : vector<128x640xf32> to vector<128xf32>
    %broadcast_in_dim3A_488 = vector.shape_cast %reduce_sum3A_487 : vector<128xf32> to vector<128x1xf32>
    %swap3A_489 = arith.constant 0 : index
    %swap3A_490 = arith.constant 11 : index
    %swap3A_491 = vector.load %arg5[%swap3A_489, %swap3A_490] : memref<128x32xf32, #tpu.memory_space<vmem>>, vector<128x1xf32>
    tpu.vector_store %arg5[%swap3A_489, %swap3A_490], %broadcast_in_dim3A_479 {strides = array<i32>} : memref<128x32xf32, #tpu.memory_space<vmem>>, vector<128x1xf32>,
    %swap3A_492 = arith.constant 0 : index
    %swap3A_493 = arith.constant 11 : index
    %swap3A_494 = vector.load %arg6[%swap3A_492, %swap3A_493] : memref<128x32xf32, #tpu.memory_space<vmem>>, vector<128x1xf32>
    tpu.vector_store %arg6[%swap3A_492, %swap3A_493], %broadcast_in_dim3A_488 {strides = array<i32>} : memref<128x32xf32, #tpu.memory_space<vmem>>, vector<128x1xf32>,
    %get3A_495 = arith.constant 0 : index
    %get3A_496 = arith.constant 12 : index
    %get3A_497 = vector.load %arg1[%get3A_495, %get3A_496] : memref<128x32xf32, #tpu.memory_space<vmem>>, vector<128x1xf32>
    %get3A_498 = arith.constant 12 : index
    %get3A_499 = arith.constant 0 : index
    %get3A_500 = vector.load %arg2[%get3A_498, %get3A_499] : memref<32x640xf32, #tpu.memory_space<vmem>>, vector<1x640xf32>
    %get3A_501 = arith.constant 12 : index
    %get3A_502 = arith.constant 0 : index
    %get3A_503 = vector.load %arg3[%get3A_501, %get3A_502] : memref<32x640xf32, #tpu.memory_space<vmem>>, vector<1x640xf32>
    %get3A_504 = arith.constant 12 : index
    %get3A_505 = arith.constant 0 : index
    %get3A_506 = vector.load %arg4[%get3A_504, %get3A_505] : memref<32x640xf32, #tpu.memory_space<vmem>>, vector<1x640xf32>
    %mul3A_507 = vector.broadcast %get3A_500 : vector<1x640xf32> to vector<128x640xf32>
    %mul3A_508 = vector.broadcast %get3A_497 : vector<128x1xf32> to vector<128x640xf32>
    %mul3A_509 = arith.mulf %mul3A_507, %mul3A_508 : vector<128x640xf32>
    %add3A_510 = vector.broadcast %get3A_503 : vector<1x640xf32> to vector<128x640xf32>
    %add3A_511 = arith.addf %mul3A_509, %add3A_510 : vector<128x640xf32>
    %mul3A_512 = vector.broadcast %get3A_497 : vector<128x1xf32> to vector<128x640xf32>
    %mul3A_513 = arith.mulf %add3A_511, %mul3A_512 : vector<128x640xf32>
    %add3A_514 = vector.broadcast %get3A_506 : vector<1x640xf32> to vector<128x640xf32>
    %add3A_515 = arith.addf %mul3A_513, %add3A_514 : vector<128x640xf32>
    %swap3A_516 = arith.constant 0 : index
    %swap3A_517 = arith.constant 0 : index
    %swap3A_518 = vector.load %arg7[%swap3A_516, %swap3A_517] : memref<128x640xf32, #tpu.memory_space<vmem>>, vector<128x640xf32>
    tpu.vector_store %arg7[%swap3A_516, %swap3A_517], %add3A_515 {strides = array<i32>} : memref<128x640xf32, #tpu.memory_space<vmem>>, vector<128x640xf32>,
    %reduce_max3A_519 = arith.constant dense<0xFF800000> : vector<128xf32>
    %reduce_max3A_520 = vector.multi_reduction <maximumf>, %add3A_515, %reduce_max3A_519 [1] : vector<128x640xf32> to vector<128xf32>
    %broadcast_in_dim3A_521 = vector.shape_cast %reduce_max3A_520 : vector<128xf32> to vector<128x1xf32>
    %get3A_522 = arith.constant 0 : index
    %get3A_523 = arith.constant 0 : index
    %get3A_524 = vector.load %arg7[%get3A_522, %get3A_523] : memref<128x640xf32, #tpu.memory_space<vmem>>, vector<128x640xf32>
    %sub3A_525 = vector.broadcast %broadcast_in_dim3A_521 : vector<128x1xf32> to vector<128x640xf32>
    %sub3A_526 = arith.subf %get3A_524, %sub3A_525 : vector<128x640xf32>
    %exp3A_527 = math.exp %sub3A_526 : vector<128x640xf32>
    %reduce_sum3A_528 = arith.constant dense<0.000000e+00> : vector<128xf32>
    %reduce_sum3A_529 = vector.multi_reduction <add>, %exp3A_527, %reduce_sum3A_528 [1] : vector<128x640xf32> to vector<128xf32>
    %broadcast_in_dim3A_530 = vector.shape_cast %reduce_sum3A_529 : vector<128xf32> to vector<128x1xf32>
    %swap3A_531 = arith.constant 0 : index
    %swap3A_532 = arith.constant 12 : index
    %swap3A_533 = vector.load %arg5[%swap3A_531, %swap3A_532] : memref<128x32xf32, #tpu.memory_space<vmem>>, vector<128x1xf32>
    tpu.vector_store %arg5[%swap3A_531, %swap3A_532], %broadcast_in_dim3A_521 {strides = array<i32>} : memref<128x32xf32, #tpu.memory_space<vmem>>, vector<128x1xf32>,
    %swap3A_534 = arith.constant 0 : index
    %swap3A_535 = arith.constant 12 : index
    %swap3A_536 = vector.load %arg6[%swap3A_534, %swap3A_535] : memref<128x32xf32, #tpu.memory_space<vmem>>, vector<128x1xf32>
    tpu.vector_store %arg6[%swap3A_534, %swap3A_535], %broadcast_in_dim3A_530 {strides = array<i32>} : memref<128x32xf32, #tpu.memory_space<vmem>>, vector<128x1xf32>,
    %get3A_537 = arith.constant 0 : index
    %get3A_538 = arith.constant 13 : index
    %get3A_539 = vector.load %arg1[%get3A_537, %get3A_538] : memref<128x32xf32, #tpu.memory_space<vmem>>, vector<128x1xf32>
    %get3A_540 = arith.constant 13 : index
    %get3A_541 = arith.constant 0 : index
    %get3A_542 = vector.load %arg2[%get3A_540, %get3A_541] : memref<32x640xf32, #tpu.memory_space<vmem>>, vector<1x640xf32>
    %get3A_543 = arith.constant 13 : index
    %get3A_544 = arith.constant 0 : index
    %get3A_545 = vector.load %arg3[%get3A_543, %get3A_544] : memref<32x640xf32, #tpu.memory_space<vmem>>, vector<1x640xf32>
    %get3A_546 = arith.constant 13 : index
    %get3A_547 = arith.constant 0 : index
    %get3A_548 = vector.load %arg4[%get3A_546, %get3A_547] : memref<32x640xf32, #tpu.memory_space<vmem>>, vector<1x640xf32>
    %mul3A_549 = vector.broadcast %get3A_542 : vector<1x640xf32> to vector<128x640xf32>
    %mul3A_550 = vector.broadcast %get3A_539 : vector<128x1xf32> to vector<128x640xf32>
    %mul3A_551 = arith.mulf %mul3A_549, %mul3A_550 : vector<128x640xf32>
    %add3A_552 = vector.broadcast %get3A_545 : vector<1x640xf32> to vector<128x640xf32>
    %add3A_553 = arith.addf %mul3A_551, %add3A_552 : vector<128x640xf32>
    %mul3A_554 = vector.broadcast %get3A_539 : vector<128x1xf32> to vector<128x640xf32>
    %mul3A_555 = arith.mulf %add3A_553, %mul3A_554 : vector<128x640xf32>
    %add3A_556 = vector.broadcast %get3A_548 : vector<1x640xf32> to vector<128x640xf32>
    %add3A_557 = arith.addf %mul3A_555, %add3A_556 : vector<128x640xf32>
    %swap3A_558 = arith.constant 0 : index
    %swap3A_559 = arith.constant 0 : index
    %swap3A_560 = vector.load %arg7[%swap3A_558, %swap3A_559] : memref<128x640xf32, #tpu.memory_space<vmem>>, vector<128x640xf32>
    tpu.vector_store %arg7[%swap3A_558, %swap3A_559], %add3A_557 {strides = array<i32>} : memref<128x640xf32, #tpu.memory_space<vmem>>, vector<128x640xf32>,
    %reduce_max3A_561 = arith.constant dense<0xFF800000> : vector<128xf32>
    %reduce_max3A_562 = vector.multi_reduction <maximumf>, %add3A_557, %reduce_max3A_561 [1] : vector<128x640xf32> to vector<128xf32>
    %broadcast_in_dim3A_563 = vector.shape_cast %reduce_max3A_562 : vector<128xf32> to vector<128x1xf32>
    %get3A_564 = arith.constant 0 : index
    %get3A_565 = arith.constant 0 : index
    %get3A_566 = vector.load %arg7[%get3A_564, %get3A_565] : memref<128x640xf32, #tpu.memory_space<vmem>>, vector<128x640xf32>
    %sub3A_567 = vector.broadcast %broadcast_in_dim3A_563 : vector<128x1xf32> to vector<128x640xf32>
    %sub3A_568 = arith.subf %get3A_566, %sub3A_567 : vector<128x640xf32>
    %exp3A_569 = math.exp %sub3A_568 : vector<128x640xf32>
    %reduce_sum3A_570 = arith.constant dense<0.000000e+00> : vector<128xf32>
    %reduce_sum3A_571 = vector.multi_reduction <add>, %exp3A_569, %reduce_sum3A_570 [1] : vector<128x640xf32> to vector<128xf32>
    %broadcast_in_dim3A_572 = vector.shape_cast %reduce_sum3A_571 : vector<128xf32> to vector<128x1xf32>
    %swap3A_573 = arith.constant 0 : index
    %swap3A_574 = arith.constant 13 : index
    %swap3A_575 = vector.load %arg5[%swap3A_573, %swap3A_574] : memref<128x32xf32, #tpu.memory_space<vmem>>, vector<128x1xf32>
    tpu.vector_store %arg5[%swap3A_573, %swap3A_574], %broadcast_in_dim3A_563 {strides = array<i32>} : memref<128x32xf32, #tpu.memory_space<vmem>>, vector<128x1xf32>,
    %swap3A_576 = arith.constant 0 : index
    %swap3A_577 = arith.constant 13 : index
    %swap3A_578 = vector.load %arg6[%swap3A_576, %swap3A_577] : memref<128x32xf32, #tpu.memory_space<vmem>>, vector<128x1xf32>
    tpu.vector_store %arg6[%swap3A_576, %swap3A_577], %broadcast_in_dim3A_572 {strides = array<i32>} : memref<128x32xf32, #tpu.memory_space<vmem>>, vector<128x1xf32>,
    %get3A_579 = arith.constant 0 : index
    %get3A_580 = arith.constant 14 : index
    %get3A_581 = vector.load %arg1[%get3A_579, %get3A_580] : memref<128x32xf32, #tpu.memory_space<vmem>>, vector<128x1xf32>
    %get3A_582 = arith.constant 14 : index
    %get3A_583 = arith.constant 0 : index
    %get3A_584 = vector.load %arg2[%get3A_582, %get3A_583] : memref<32x640xf32, #tpu.memory_space<vmem>>, vector<1x640xf32>
    %get3A_585 = arith.constant 14 : index
    %get3A_586 = arith.constant 0 : index
    %get3A_587 = vector.load %arg3[%get3A_585, %get3A_586] : memref<32x640xf32, #tpu.memory_space<vmem>>, vector<1x640xf32>
    %get3A_588 = arith.constant 14 : index
    %get3A_589 = arith.constant 0 : index
    %get3A_590 = vector.load %arg4[%get3A_588, %get3A_589] : memref<32x640xf32, #tpu.memory_space<vmem>>, vector<1x640xf32>
    %mul3A_591 = vector.broadcast %get3A_584 : vector<1x640xf32> to vector<128x640xf32>
    %mul3A_592 = vector.broadcast %get3A_581 : vector<128x1xf32> to vector<128x640xf32>
    %mul3A_593 = arith.mulf %mul3A_591, %mul3A_592 : vector<128x640xf32>
    %add3A_594 = vector.broadcast %get3A_587 : vector<1x640xf32> to vector<128x640xf32>
    %add3A_595 = arith.addf %mul3A_593, %add3A_594 : vector<128x640xf32>
    %mul3A_596 = vector.broadcast %get3A_581 : vector<128x1xf32> to vector<128x640xf32>
    %mul3A_597 = arith.mulf %add3A_595, %mul3A_596 : vector<128x640xf32>
    %add3A_598 = vector.broadcast %get3A_590 : vector<1x640xf32> to vector<128x640xf32>
    %add3A_599 = arith.addf %mul3A_597, %add3A_598 : vector<128x640xf32>
    %swap3A_600 = arith.constant 0 : index
    %swap3A_601 = arith.constant 0 : index
    %swap3A_602 = vector.load %arg7[%swap3A_600, %swap3A_601] : memref<128x640xf32, #tpu.memory_space<vmem>>, vector<128x640xf32>
    tpu.vector_store %arg7[%swap3A_600, %swap3A_601], %add3A_599 {strides = array<i32>} : memref<128x640xf32, #tpu.memory_space<vmem>>, vector<128x640xf32>,
    %reduce_max3A_603 = arith.constant dense<0xFF800000> : vector<128xf32>
    %reduce_max3A_604 = vector.multi_reduction <maximumf>, %add3A_599, %reduce_max3A_603 [1] : vector<128x640xf32> to vector<128xf32>
    %broadcast_in_dim3A_605 = vector.shape_cast %reduce_max3A_604 : vector<128xf32> to vector<128x1xf32>
    %get3A_606 = arith.constant 0 : index
    %get3A_607 = arith.constant 0 : index
    %get3A_608 = vector.load %arg7[%get3A_606, %get3A_607] : memref<128x640xf32, #tpu.memory_space<vmem>>, vector<128x640xf32>
    %sub3A_609 = vector.broadcast %broadcast_in_dim3A_605 : vector<128x1xf32> to vector<128x640xf32>
    %sub3A_610 = arith.subf %get3A_608, %sub3A_609 : vector<128x640xf32>
    %exp3A_611 = math.exp %sub3A_610 : vector<128x640xf32>
    %reduce_sum3A_612 = arith.constant dense<0.000000e+00> : vector<128xf32>
    %reduce_sum3A_613 = vector.multi_reduction <add>, %exp3A_611, %reduce_sum3A_612 [1] : vector<128x640xf32> to vector<128xf32>
    %broadcast_in_dim3A_614 = vector.shape_cast %reduce_sum3A_613 : vector<128xf32> to vector<128x1xf32>
    %swap3A_615 = arith.constant 0 : index
    %swap3A_616 = arith.constant 14 : index
    %swap3A_617 = vector.load %arg5[%swap3A_615, %swap3A_616] : memref<128x32xf32, #tpu.memory_space<vmem>>, vector<128x1xf32>
    tpu.vector_store %arg5[%swap3A_615, %swap3A_616], %broadcast_in_dim3A_605 {strides = array<i32>} : memref<128x32xf32, #tpu.memory_space<vmem>>, vector<128x1xf32>,
    %swap3A_618 = arith.constant 0 : index
    %swap3A_619 = arith.constant 14 : index
    %swap3A_620 = vector.load %arg6[%swap3A_618, %swap3A_619] : memref<128x32xf32, #tpu.memory_space<vmem>>, vector<128x1xf32>
    tpu.vector_store %arg6[%swap3A_618, %swap3A_619], %broadcast_in_dim3A_614 {strides = array<i32>} : memref<128x32xf32, #tpu.memory_space<vmem>>, vector<128x1xf32>,
    %get3A_621 = arith.constant 0 : index
    %get3A_622 = arith.constant 15 : index
    %get3A_623 = vector.load %arg1[%get3A_621, %get3A_622] : memref<128x32xf32, #tpu.memory_space<vmem>>, vector<128x1xf32>
    %get3A_624 = arith.constant 15 : index
    %get3A_625 = arith.constant 0 : index
    %get3A_626 = vector.load %arg2[%get3A_624, %get3A_625] : memref<32x640xf32, #tpu.memory_space<vmem>>, vector<1x640xf32>
    %get3A_627 = arith.constant 15 : index
    %get3A_628 = arith.constant 0 : index
    %get3A_629 = vector.load %arg3[%get3A_627, %get3A_628] : memref<32x640xf32, #tpu.memory_space<vmem>>, vector<1x640xf32>
    %get3A_630 = arith.constant 15 : index
    %get3A_631 = arith.constant 0 : index
    %get3A_632 = vector.load %arg4[%get3A_630, %get3A_631] : memref<32x640xf32, #tpu.memory_space<vmem>>, vector<1x640xf32>
    %mul3A_633 = vector.broadcast %get3A_626 : vector<1x640xf32> to vector<128x640xf32>
    %mul3A_634 = vector.broadcast %get3A_623 : vector<128x1xf32> to vector<128x640xf32>
    %mul3A_635 = arith.mulf %mul3A_633, %mul3A_634 : vector<128x640xf32>
    %add3A_636 = vector.broadcast %get3A_629 : vector<1x640xf32> to vector<128x640xf32>
    %add3A_637 = arith.addf %mul3A_635, %add3A_636 : vector<128x640xf32>
    %mul3A_638 = vector.broadcast %get3A_623 : vector<128x1xf32> to vector<128x640xf32>
    %mul3A_639 = arith.mulf %add3A_637, %mul3A_638 : vector<128x640xf32>
    %add3A_640 = vector.broadcast %get3A_632 : vector<1x640xf32> to vector<128x640xf32>
    %add3A_641 = arith.addf %mul3A_639, %add3A_640 : vector<128x640xf32>
    %swap3A_642 = arith.constant 0 : index
    %swap3A_643 = arith.constant 0 : index
    %swap3A_644 = vector.load %arg7[%swap3A_642, %swap3A_643] : memref<128x640xf32, #tpu.memory_space<vmem>>, vector<128x640xf32>
    tpu.vector_store %arg7[%swap3A_642, %swap3A_643], %add3A_641 {strides = array<i32>} : memref<128x640xf32, #tpu.memory_space<vmem>>, vector<128x640xf32>,
    %reduce_max3A_645 = arith.constant dense<0xFF800000> : vector<128xf32>
    %reduce_max3A_646 = vector.multi_reduction <maximumf>, %add3A_641, %reduce_max3A_645 [1] : vector<128x640xf32> to vector<128xf32>
    %broadcast_in_dim3A_647 = vector.shape_cast %reduce_max3A_646 : vector<128xf32> to vector<128x1xf32>
    %get3A_648 = arith.constant 0 : index
    %get3A_649 = arith.constant 0 : index
    %get3A_650 = vector.load %arg7[%get3A_648, %get3A_649] : memref<128x640xf32, #tpu.memory_space<vmem>>, vector<128x640xf32>
    %sub3A_651 = vector.broadcast %broadcast_in_dim3A_647 : vector<128x1xf32> to vector<128x640xf32>
    %sub3A_652 = arith.subf %get3A_650, %sub3A_651 : vector<128x640xf32>
    %exp3A_653 = math.exp %sub3A_652 : vector<128x640xf32>
    %reduce_sum3A_654 = arith.constant dense<0.000000e+00> : vector<128xf32>
    %reduce_sum3A_655 = vector.multi_reduction <add>, %exp3A_653, %reduce_sum3A_654 [1] : vector<128x640xf32> to vector<128xf32>
    %broadcast_in_dim3A_656 = vector.shape_cast %reduce_sum3A_655 : vector<128xf32> to vector<128x1xf32>
    %swap3A_657 = arith.constant 0 : index
    %swap3A_658 = arith.constant 15 : index
    %swap3A_659 = vector.load %arg5[%swap3A_657, %swap3A_658] : memref<128x32xf32, #tpu.memory_space<vmem>>, vector<128x1xf32>
    tpu.vector_store %arg5[%swap3A_657, %swap3A_658], %broadcast_in_dim3A_647 {strides = array<i32>} : memref<128x32xf32, #tpu.memory_space<vmem>>, vector<128x1xf32>,
    %swap3A_660 = arith.constant 0 : index
    %swap3A_661 = arith.constant 15 : index
    %swap3A_662 = vector.load %arg6[%swap3A_660, %swap3A_661] : memref<128x32xf32, #tpu.memory_space<vmem>>, vector<128x1xf32>
    tpu.vector_store %arg6[%swap3A_660, %swap3A_661], %broadcast_in_dim3A_656 {strides = array<i32>} : memref<128x32xf32, #tpu.memory_space<vmem>>, vector<128x1xf32>,
    %get3A_663 = arith.constant 0 : index
    %get3A_664 = arith.constant 16 : index
    %get3A_665 = vector.load %arg1[%get3A_663, %get3A_664] : memref<128x32xf32, #tpu.memory_space<vmem>>, vector<128x1xf32>
    %get3A_666 = arith.constant 16 : index
    %get3A_667 = arith.constant 0 : index
    %get3A_668 = vector.load %arg2[%get3A_666, %get3A_667] : memref<32x640xf32, #tpu.memory_space<vmem>>, vector<1x640xf32>
    %get3A_669 = arith.constant 16 : index
    %get3A_670 = arith.constant 0 : index
    %get3A_671 = vector.load %arg3[%get3A_669, %get3A_670] : memref<32x640xf32, #tpu.memory_space<vmem>>, vector<1x640xf32>
    %get3A_672 = arith.constant 16 : index
    %get3A_673 = arith.constant 0 : index
    %get3A_674 = vector.load %arg4[%get3A_672, %get3A_673] : memref<32x640xf32, #tpu.memory_space<vmem>>, vector<1x640xf32>
    %mul3A_675 = vector.broadcast %get3A_668 : vector<1x640xf32> to vector<128x640xf32>
    %mul3A_676 = vector.broadcast %get3A_665 : vector<128x1xf32> to vector<128x640xf32>
    %mul3A_677 = arith.mulf %mul3A_675, %mul3A_676 : vector<128x640xf32>
    %add3A_678 = vector.broadcast %get3A_671 : vector<1x640xf32> to vector<128x640xf32>
    %add3A_679 = arith.addf %mul3A_677, %add3A_678 : vector<128x640xf32>
    %mul3A_680 = vector.broadcast %get3A_665 : vector<128x1xf32> to vector<128x640xf32>
    %mul3A_681 = arith.mulf %add3A_679, %mul3A_680 : vector<128x640xf32>
    %add3A_682 = vector.broadcast %get3A_674 : vector<1x640xf32> to vector<128x640xf32>
    %add3A_683 = arith.addf %mul3A_681, %add3A_682 : vector<128x640xf32>
    %swap3A_684 = arith.constant 0 : index
    %swap3A_685 = arith.constant 0 : index
    %swap3A_686 = vector.load %arg7[%swap3A_684, %swap3A_685] : memref<128x640xf32, #tpu.memory_space<vmem>>, vector<128x640xf32>
    tpu.vector_store %arg7[%swap3A_684, %swap3A_685], %add3A_683 {strides = array<i32>} : memref<128x640xf32, #tpu.memory_space<vmem>>, vector<128x640xf32>,
    %reduce_max3A_687 = arith.constant dense<0xFF800000> : vector<128xf32>
    %reduce_max3A_688 = vector.multi_reduction <maximumf>, %add3A_683, %reduce_max3A_687 [1] : vector<128x640xf32> to vector<128xf32>
    %broadcast_in_dim3A_689 = vector.shape_cast %reduce_max3A_688 : vector<128xf32> to vector<128x1xf32>
    %get3A_690 = arith.constant 0 : index
    %get3A_691 = arith.constant 0 : index
    %get3A_692 = vector.load %arg7[%get3A_690, %get3A_691] : memref<128x640xf32, #tpu.memory_space<vmem>>, vector<128x640xf32>
    %sub3A_693 = vector.broadcast %broadcast_in_dim3A_689 : vector<128x1xf32> to vector<128x640xf32>
    %sub3A_694 = arith.subf %get3A_692, %sub3A_693 : vector<128x640xf32>
    %exp3A_695 = math.exp %sub3A_694 : vector<128x640xf32>
    %reduce_sum3A_696 = arith.constant dense<0.000000e+00> : vector<128xf32>
    %reduce_sum3A_697 = vector.multi_reduction <add>, %exp3A_695, %reduce_sum3A_696 [1] : vector<128x640xf32> to vector<128xf32>
    %broadcast_in_dim3A_698 = vector.shape_cast %reduce_sum3A_697 : vector<128xf32> to vector<128x1xf32>
    %swap3A_699 = arith.constant 0 : index
    %swap3A_700 = arith.constant 16 : index
    %swap3A_701 = vector.load %arg5[%swap3A_699, %swap3A_700] : memref<128x32xf32, #tpu.memory_space<vmem>>, vector<128x1xf32>
    tpu.vector_store %arg5[%swap3A_699, %swap3A_700], %broadcast_in_dim3A_689 {strides = array<i32>} : memref<128x32xf32, #tpu.memory_space<vmem>>, vector<128x1xf32>,
    %swap3A_702 = arith.constant 0 : index
    %swap3A_703 = arith.constant 16 : index
    %swap3A_704 = vector.load %arg6[%swap3A_702, %swap3A_703] : memref<128x32xf32, #tpu.memory_space<vmem>>, vector<128x1xf32>
    tpu.vector_store %arg6[%swap3A_702, %swap3A_703], %broadcast_in_dim3A_698 {strides = array<i32>} : memref<128x32xf32, #tpu.memory_space<vmem>>, vector<128x1xf32>,
    %get3A_705 = arith.constant 0 : index
    %get3A_706 = arith.constant 17 : index
    %get3A_707 = vector.load %arg1[%get3A_705, %get3A_706] : memref<128x32xf32, #tpu.memory_space<vmem>>, vector<128x1xf32>
    %get3A_708 = arith.constant 17 : index
    %get3A_709 = arith.constant 0 : index
    %get3A_710 = vector.load %arg2[%get3A_708, %get3A_709] : memref<32x640xf32, #tpu.memory_space<vmem>>, vector<1x640xf32>
    %get3A_711 = arith.constant 17 : index
    %get3A_712 = arith.constant 0 : index
    %get3A_713 = vector.load %arg3[%get3A_711, %get3A_712] : memref<32x640xf32, #tpu.memory_space<vmem>>, vector<1x640xf32>
    %get3A_714 = arith.constant 17 : index
    %get3A_715 = arith.constant 0 : index
    %get3A_716 = vector.load %arg4[%get3A_714, %get3A_715] : memref<32x640xf32, #tpu.memory_space<vmem>>, vector<1x640xf32>
    %mul3A_717 = vector.broadcast %get3A_710 : vector<1x640xf32> to vector<128x640xf32>
    %mul3A_718 = vector.broadcast %get3A_707 : vector<128x1xf32> to vector<128x640xf32>
    %mul3A_719 = arith.mulf %mul3A_717, %mul3A_718 : vector<128x640xf32>
    %add3A_720 = vector.broadcast %get3A_713 : vector<1x640xf32> to vector<128x640xf32>
    %add3A_721 = arith.addf %mul3A_719, %add3A_720 : vector<128x640xf32>
    %mul3A_722 = vector.broadcast %get3A_707 : vector<128x1xf32> to vector<128x640xf32>
    %mul3A_723 = arith.mulf %add3A_721, %mul3A_722 : vector<128x640xf32>
    %add3A_724 = vector.broadcast %get3A_716 : vector<1x640xf32> to vector<128x640xf32>
    %add3A_725 = arith.addf %mul3A_723, %add3A_724 : vector<128x640xf32>
    %swap3A_726 = arith.constant 0 : index
    %swap3A_727 = arith.constant 0 : index
    %swap3A_728 = vector.load %arg7[%swap3A_726, %swap3A_727] : memref<128x640xf32, #tpu.memory_space<vmem>>, vector<128x640xf32>
    tpu.vector_store %arg7[%swap3A_726, %swap3A_727], %add3A_725 {strides = array<i32>} : memref<128x640xf32, #tpu.memory_space<vmem>>, vector<128x640xf32>,
    %reduce_max3A_729 = arith.constant dense<0xFF800000> : vector<128xf32>
    %reduce_max3A_730 = vector.multi_reduction <maximumf>, %add3A_725, %reduce_max3A_729 [1] : vector<128x640xf32> to vector<128xf32>
    %broadcast_in_dim3A_731 = vector.shape_cast %reduce_max3A_730 : vector<128xf32> to vector<128x1xf32>
    %get3A_732 = arith.constant 0 : index
    %get3A_733 = arith.constant 0 : index
    %get3A_734 = vector.load %arg7[%get3A_732, %get3A_733] : memref<128x640xf32, #tpu.memory_space<vmem>>, vector<128x640xf32>
    %sub3A_735 = vector.broadcast %broadcast_in_dim3A_731 : vector<128x1xf32> to vector<128x640xf32>
    %sub3A_736 = arith.subf %get3A_734, %sub3A_735 : vector<128x640xf32>
    %exp3A_737 = math.exp %sub3A_736 : vector<128x640xf32>
    %reduce_sum3A_738 = arith.constant dense<0.000000e+00> : vector<128xf32>
    %reduce_sum3A_739 = vector.multi_reduction <add>, %exp3A_737, %reduce_sum3A_738 [1] : vector<128x640xf32> to vector<128xf32>
    %broadcast_in_dim3A_740 = vector.shape_cast %reduce_sum3A_739 : vector<128xf32> to vector<128x1xf32>
    %swap3A_741 = arith.constant 0 : index
    %swap3A_742 = arith.constant 17 : index
    %swap3A_743 = vector.load %arg5[%swap3A_741, %swap3A_742] : memref<128x32xf32, #tpu.memory_space<vmem>>, vector<128x1xf32>
    tpu.vector_store %arg5[%swap3A_741, %swap3A_742], %broadcast_in_dim3A_731 {strides = array<i32>} : memref<128x32xf32, #tpu.memory_space<vmem>>, vector<128x1xf32>,
    %swap3A_744 = arith.constant 0 : index
    %swap3A_745 = arith.constant 17 : index
    %swap3A_746 = vector.load %arg6[%swap3A_744, %swap3A_745] : memref<128x32xf32, #tpu.memory_space<vmem>>, vector<128x1xf32>
    tpu.vector_store %arg6[%swap3A_744, %swap3A_745], %broadcast_in_dim3A_740 {strides = array<i32>} : memref<128x32xf32, #tpu.memory_space<vmem>>, vector<128x1xf32>,
    %get3A_747 = arith.constant 0 : index
    %get3A_748 = arith.constant 18 : index
    %get3A_749 = vector.load %arg1[%get3A_747, %get3A_748] : memref<128x32xf32, #tpu.memory_space<vmem>>, vector<128x1xf32>
    %get3A_750 = arith.constant 18 : index
    %get3A_751 = arith.constant 0 : index
    %get3A_752 = vector.load %arg2[%get3A_750, %get3A_751] : memref<32x640xf32, #tpu.memory_space<vmem>>, vector<1x640xf32>
    %get3A_753 = arith.constant 18 : index
    %get3A_754 = arith.constant 0 : index
    %get3A_755 = vector.load %arg3[%get3A_753, %get3A_754] : memref<32x640xf32, #tpu.memory_space<vmem>>, vector<1x640xf32>
    %get3A_756 = arith.constant 18 : index
    %get3A_757 = arith.constant 0 : index
    %get3A_758 = vector.load %arg4[%get3A_756, %get3A_757] : memref<32x640xf32, #tpu.memory_space<vmem>>, vector<1x640xf32>
    %mul3A_759 = vector.broadcast %get3A_752 : vector<1x640xf32> to vector<128x640xf32>
    %mul3A_760 = vector.broadcast %get3A_749 : vector<128x1xf32> to vector<128x640xf32>
    %mul3A_761 = arith.mulf %mul3A_759, %mul3A_760 : vector<128x640xf32>
    %add3A_762 = vector.broadcast %get3A_755 : vector<1x640xf32> to vector<128x640xf32>
    %add3A_763 = arith.addf %mul3A_761, %add3A_762 : vector<128x640xf32>
    %mul3A_764 = vector.broadcast %get3A_749 : vector<128x1xf32> to vector<128x640xf32>
    %mul3A_765 = arith.mulf %add3A_763, %mul3A_764 : vector<128x640xf32>
    %add3A_766 = vector.broadcast %get3A_758 : vector<1x640xf32> to vector<128x640xf32>
    %add3A_767 = arith.addf %mul3A_765, %add3A_766 : vector<128x640xf32>
    %swap3A_768 = arith.constant 0 : index
    %swap3A_769 = arith.constant 0 : index
    %swap3A_770 = vector.load %arg7[%swap3A_768, %swap3A_769] : memref<128x640xf32, #tpu.memory_space<vmem>>, vector<128x640xf32>
    tpu.vector_store %arg7[%swap3A_768, %swap3A_769], %add3A_767 {strides = array<i32>} : memref<128x640xf32, #tpu.memory_space<vmem>>, vector<128x640xf32>,
    %reduce_max3A_771 = arith.constant dense<0xFF800000> : vector<128xf32>
    %reduce_max3A_772 = vector.multi_reduction <maximumf>, %add3A_767, %reduce_max3A_771 [1] : vector<128x640xf32> to vector<128xf32>
    %broadcast_in_dim3A_773 = vector.shape_cast %reduce_max3A_772 : vector<128xf32> to vector<128x1xf32>
    %get3A_774 = arith.constant 0 : index
    %get3A_775 = arith.constant 0 : index
    %get3A_776 = vector.load %arg7[%get3A_774, %get3A_775] : memref<128x640xf32, #tpu.memory_space<vmem>>, vector<128x640xf32>
    %sub3A_777 = vector.broadcast %broadcast_in_dim3A_773 : vector<128x1xf32> to vector<128x640xf32>
    %sub3A_778 = arith.subf %get3A_776, %sub3A_777 : vector<128x640xf32>
    %exp3A_779 = math.exp %sub3A_778 : vector<128x640xf32>
    %reduce_sum3A_780 = arith.constant dense<0.000000e+00> : vector<128xf32>
    %reduce_sum3A_781 = vector.multi_reduction <add>, %exp3A_779, %reduce_sum3A_780 [1] : vector<128x640xf32> to vector<128xf32>
    %broadcast_in_dim3A_782 = vector.shape_cast %reduce_sum3A_781 : vector<128xf32> to vector<128x1xf32>
    %swap3A_783 = arith.constant 0 : index
    %swap3A_784 = arith.constant 18 : index
    %swap3A_785 = vector.load %arg5[%swap3A_783, %swap3A_784] : memref<128x32xf32, #tpu.memory_space<vmem>>, vector<128x1xf32>
    tpu.vector_store %arg5[%swap3A_783, %swap3A_784], %broadcast_in_dim3A_773 {strides = array<i32>} : memref<128x32xf32, #tpu.memory_space<vmem>>, vector<128x1xf32>,
    %swap3A_786 = arith.constant 0 : index
    %swap3A_787 = arith.constant 18 : index
    %swap3A_788 = vector.load %arg6[%swap3A_786, %swap3A_787] : memref<128x32xf32, #tpu.memory_space<vmem>>, vector<128x1xf32>
    tpu.vector_store %arg6[%swap3A_786, %swap3A_787], %broadcast_in_dim3A_782 {strides = array<i32>} : memref<128x32xf32, #tpu.memory_space<vmem>>, vector<128x1xf32>,
    %get3A_789 = arith.constant 0 : index
    %get3A_790 = arith.constant 19 : index
    %get3A_791 = vector.load %arg1[%get3A_789, %get3A_790] : memref<128x32xf32, #tpu.memory_space<vmem>>, vector<128x1xf32>
    %get3A_792 = arith.constant 19 : index
    %get3A_793 = arith.constant 0 : index
    %get3A_794 = vector.load %arg2[%get3A_792, %get3A_793] : memref<32x640xf32, #tpu.memory_space<vmem>>, vector<1x640xf32>
    %get3A_795 = arith.constant 19 : index
    %get3A_796 = arith.constant 0 : index
    %get3A_797 = vector.load %arg3[%get3A_795, %get3A_796] : memref<32x640xf32, #tpu.memory_space<vmem>>, vector<1x640xf32>
    %get3A_798 = arith.constant 19 : index
    %get3A_799 = arith.constant 0 : index
    %get3A_800 = vector.load %arg4[%get3A_798, %get3A_799] : memref<32x640xf32, #tpu.memory_space<vmem>>, vector<1x640xf32>
    %mul3A_801 = vector.broadcast %get3A_794 : vector<1x640xf32> to vector<128x640xf32>
    %mul3A_802 = vector.broadcast %get3A_791 : vector<128x1xf32> to vector<128x640xf32>
    %mul3A_803 = arith.mulf %mul3A_801, %mul3A_802 : vector<128x640xf32>
    %add3A_804 = vector.broadcast %get3A_797 : vector<1x640xf32> to vector<128x640xf32>
    %add3A_805 = arith.addf %mul3A_803, %add3A_804 : vector<128x640xf32>
    %mul3A_806 = vector.broadcast %get3A_791 : vector<128x1xf32> to vector<128x640xf32>
    %mul3A_807 = arith.mulf %add3A_805, %mul3A_806 : vector<128x640xf32>
    %add3A_808 = vector.broadcast %get3A_800 : vector<1x640xf32> to vector<128x640xf32>
    %add3A_809 = arith.addf %mul3A_807, %add3A_808 : vector<128x640xf32>
    %swap3A_810 = arith.constant 0 : index
    %swap3A_811 = arith.constant 0 : index
    %swap3A_812 = vector.load %arg7[%swap3A_810, %swap3A_811] : memref<128x640xf32, #tpu.memory_space<vmem>>, vector<128x640xf32>
    tpu.vector_store %arg7[%swap3A_810, %swap3A_811], %add3A_809 {strides = array<i32>} : memref<128x640xf32, #tpu.memory_space<vmem>>, vector<128x640xf32>,
    %reduce_max3A_813 = arith.constant dense<0xFF800000> : vector<128xf32>
    %reduce_max3A_814 = vector.multi_reduction <maximumf>, %add3A_809, %reduce_max3A_813 [1] : vector<128x640xf32> to vector<128xf32>
    %broadcast_in_dim3A_815 = vector.shape_cast %reduce_max3A_814 : vector<128xf32> to vector<128x1xf32>
    %get3A_816 = arith.constant 0 : index
    %get3A_817 = arith.constant 0 : index
    %get3A_818 = vector.load %arg7[%get3A_816, %get3A_817] : memref<128x640xf32, #tpu.memory_space<vmem>>, vector<128x640xf32>
    %sub3A_819 = vector.broadcast %broadcast_in_dim3A_815 : vector<128x1xf32> to vector<128x640xf32>
    %sub3A_820 = arith.subf %get3A_818, %sub3A_819 : vector<128x640xf32>
    %exp3A_821 = math.exp %sub3A_820 : vector<128x640xf32>
    %reduce_sum3A_822 = arith.constant dense<0.000000e+00> : vector<128xf32>
    %reduce_sum3A_823 = vector.multi_reduction <add>, %exp3A_821, %reduce_sum3A_822 [1] : vector<128x640xf32> to vector<128xf32>
    %broadcast_in_dim3A_824 = vector.shape_cast %reduce_sum3A_823 : vector<128xf32> to vector<128x1xf32>
    %swap3A_825 = arith.constant 0 : index
    %swap3A_826 = arith.constant 19 : index
    %swap3A_827 = vector.load %arg5[%swap3A_825, %swap3A_826] : memref<128x32xf32, #tpu.memory_space<vmem>>, vector<128x1xf32>
    tpu.vector_store %arg5[%swap3A_825, %swap3A_826], %broadcast_in_dim3A_815 {strides = array<i32>} : memref<128x32xf32, #tpu.memory_space<vmem>>, vector<128x1xf32>,
    %swap3A_828 = arith.constant 0 : index
    %swap3A_829 = arith.constant 19 : index
    %swap3A_830 = vector.load %arg6[%swap3A_828, %swap3A_829] : memref<128x32xf32, #tpu.memory_space<vmem>>, vector<128x1xf32>
    tpu.vector_store %arg6[%swap3A_828, %swap3A_829], %broadcast_in_dim3A_824 {strides = array<i32>} : memref<128x32xf32, #tpu.memory_space<vmem>>, vector<128x1xf32>,
    %get3A_831 = arith.constant 0 : index
    %get3A_832 = arith.constant 20 : index
    %get3A_833 = vector.load %arg1[%get3A_831, %get3A_832] : memref<128x32xf32, #tpu.memory_space<vmem>>, vector<128x1xf32>
    %get3A_834 = arith.constant 20 : index
    %get3A_835 = arith.constant 0 : index
    %get3A_836 = vector.load %arg2[%get3A_834, %get3A_835] : memref<32x640xf32, #tpu.memory_space<vmem>>, vector<1x640xf32>
    %get3A_837 = arith.constant 20 : index
    %get3A_838 = arith.constant 0 : index
    %get3A_839 = vector.load %arg3[%get3A_837, %get3A_838] : memref<32x640xf32, #tpu.memory_space<vmem>>, vector<1x640xf32>
    %get3A_840 = arith.constant 20 : index
    %get3A_841 = arith.constant 0 : index
    %get3A_842 = vector.load %arg4[%get3A_840, %get3A_841] : memref<32x640xf32, #tpu.memory_space<vmem>>, vector<1x640xf32>
    %mul3A_843 = vector.broadcast %get3A_836 : vector<1x640xf32> to vector<128x640xf32>
    %mul3A_844 = vector.broadcast %get3A_833 : vector<128x1xf32> to vector<128x640xf32>
    %mul3A_845 = arith.mulf %mul3A_843, %mul3A_844 : vector<128x640xf32>
    %add3A_846 = vector.broadcast %get3A_839 : vector<1x640xf32> to vector<128x640xf32>
    %add3A_847 = arith.addf %mul3A_845, %add3A_846 : vector<128x640xf32>
    %mul3A_848 = vector.broadcast %get3A_833 : vector<128x1xf32> to vector<128x640xf32>
    %mul3A_849 = arith.mulf %add3A_847, %mul3A_848 : vector<128x640xf32>
    %add3A_850 = vector.broadcast %get3A_842 : vector<1x640xf32> to vector<128x640xf32>
    %add3A_851 = arith.addf %mul3A_849, %add3A_850 : vector<128x640xf32>
    %swap3A_852 = arith.constant 0 : index
    %swap3A_853 = arith.constant 0 : index
    %swap3A_854 = vector.load %arg7[%swap3A_852, %swap3A_853] : memref<128x640xf32, #tpu.memory_space<vmem>>, vector<128x640xf32>
    tpu.vector_store %arg7[%swap3A_852, %swap3A_853], %add3A_851 {strides = array<i32>} : memref<128x640xf32, #tpu.memory_space<vmem>>, vector<128x640xf32>,
    %reduce_max3A_855 = arith.constant dense<0xFF800000> : vector<128xf32>
    %reduce_max3A_856 = vector.multi_reduction <maximumf>, %add3A_851, %reduce_max3A_855 [1] : vector<128x640xf32> to vector<128xf32>
    %broadcast_in_dim3A_857 = vector.shape_cast %reduce_max3A_856 : vector<128xf32> to vector<128x1xf32>
    %get3A_858 = arith.constant 0 : index
    %get3A_859 = arith.constant 0 : index
    %get3A_860 = vector.load %arg7[%get3A_858, %get3A_859] : memref<128x640xf32, #tpu.memory_space<vmem>>, vector<128x640xf32>
    %sub3A_861 = vector.broadcast %broadcast_in_dim3A_857 : vector<128x1xf32> to vector<128x640xf32>
    %sub3A_862 = arith.subf %get3A_860, %sub3A_861 : vector<128x640xf32>
    %exp3A_863 = math.exp %sub3A_862 : vector<128x640xf32>
    %reduce_sum3A_864 = arith.constant dense<0.000000e+00> : vector<128xf32>
    %reduce_sum3A_865 = vector.multi_reduction <add>, %exp3A_863, %reduce_sum3A_864 [1] : vector<128x640xf32> to vector<128xf32>
    %broadcast_in_dim3A_866 = vector.shape_cast %reduce_sum3A_865 : vector<128xf32> to vector<128x1xf32>
    %swap3A_867 = arith.constant 0 : index
    %swap3A_868 = arith.constant 20 : index
    %swap3A_869 = vector.load %arg5[%swap3A_867, %swap3A_868] : memref<128x32xf32, #tpu.memory_space<vmem>>, vector<128x1xf32>
    tpu.vector_store %arg5[%swap3A_867, %swap3A_868], %broadcast_in_dim3A_857 {strides = array<i32>} : memref<128x32xf32, #tpu.memory_space<vmem>>, vector<128x1xf32>,
    %swap3A_870 = arith.constant 0 : index
    %swap3A_871 = arith.constant 20 : index
    %swap3A_872 = vector.load %arg6[%swap3A_870, %swap3A_871] : memref<128x32xf32, #tpu.memory_space<vmem>>, vector<128x1xf32>
    tpu.vector_store %arg6[%swap3A_870, %swap3A_871], %broadcast_in_dim3A_866 {strides = array<i32>} : memref<128x32xf32, #tpu.memory_space<vmem>>, vector<128x1xf32>,
    %get3A_873 = arith.constant 0 : index
    %get3A_874 = arith.constant 21 : index
    %get3A_875 = vector.load %arg1[%get3A_873, %get3A_874] : memref<128x32xf32, #tpu.memory_space<vmem>>, vector<128x1xf32>
    %get3A_876 = arith.constant 21 : index
    %get3A_877 = arith.constant 0 : index
    %get3A_878 = vector.load %arg2[%get3A_876, %get3A_877] : memref<32x640xf32, #tpu.memory_space<vmem>>, vector<1x640xf32>
    %get3A_879 = arith.constant 21 : index
    %get3A_880 = arith.constant 0 : index
    %get3A_881 = vector.load %arg3[%get3A_879, %get3A_880] : memref<32x640xf32, #tpu.memory_space<vmem>>, vector<1x640xf32>
    %get3A_882 = arith.constant 21 : index
    %get3A_883 = arith.constant 0 : index
    %get3A_884 = vector.load %arg4[%get3A_882, %get3A_883] : memref<32x640xf32, #tpu.memory_space<vmem>>, vector<1x640xf32>
    %mul3A_885 = vector.broadcast %get3A_878 : vector<1x640xf32> to vector<128x640xf32>
    %mul3A_886 = vector.broadcast %get3A_875 : vector<128x1xf32> to vector<128x640xf32>
    %mul3A_887 = arith.mulf %mul3A_885, %mul3A_886 : vector<128x640xf32>
    %add3A_888 = vector.broadcast %get3A_881 : vector<1x640xf32> to vector<128x640xf32>
    %add3A_889 = arith.addf %mul3A_887, %add3A_888 : vector<128x640xf32>
    %mul3A_890 = vector.broadcast %get3A_875 : vector<128x1xf32> to vector<128x640xf32>
    %mul3A_891 = arith.mulf %add3A_889, %mul3A_890 : vector<128x640xf32>
    %add3A_892 = vector.broadcast %get3A_884 : vector<1x640xf32> to vector<128x640xf32>
    %add3A_893 = arith.addf %mul3A_891, %add3A_892 : vector<128x640xf32>
    %swap3A_894 = arith.constant 0 : index
    %swap3A_895 = arith.constant 0 : index
    %swap3A_896 = vector.load %arg7[%swap3A_894, %swap3A_895] : memref<128x640xf32, #tpu.memory_space<vmem>>, vector<128x640xf32>
    tpu.vector_store %arg7[%swap3A_894, %swap3A_895], %add3A_893 {strides = array<i32>} : memref<128x640xf32, #tpu.memory_space<vmem>>, vector<128x640xf32>,
    %reduce_max3A_897 = arith.constant dense<0xFF800000> : vector<128xf32>
    %reduce_max3A_898 = vector.multi_reduction <maximumf>, %add3A_893, %reduce_max3A_897 [1] : vector<128x640xf32> to vector<128xf32>
    %broadcast_in_dim3A_899 = vector.shape_cast %reduce_max3A_898 : vector<128xf32> to vector<128x1xf32>
    %get3A_900 = arith.constant 0 : index
    %get3A_901 = arith.constant 0 : index
    %get3A_902 = vector.load %arg7[%get3A_900, %get3A_901] : memref<128x640xf32, #tpu.memory_space<vmem>>, vector<128x640xf32>
    %sub3A_903 = vector.broadcast %broadcast_in_dim3A_899 : vector<128x1xf32> to vector<128x640xf32>
    %sub3A_904 = arith.subf %get3A_902, %sub3A_903 : vector<128x640xf32>
    %exp3A_905 = math.exp %sub3A_904 : vector<128x640xf32>
    %reduce_sum3A_906 = arith.constant dense<0.000000e+00> : vector<128xf32>
    %reduce_sum3A_907 = vector.multi_reduction <add>, %exp3A_905, %reduce_sum3A_906 [1] : vector<128x640xf32> to vector<128xf32>
    %broadcast_in_dim3A_908 = vector.shape_cast %reduce_sum3A_907 : vector<128xf32> to vector<128x1xf32>
    %swap3A_909 = arith.constant 0 : index
    %swap3A_910 = arith.constant 21 : index
    %swap3A_911 = vector.load %arg5[%swap3A_909, %swap3A_910] : memref<128x32xf32, #tpu.memory_space<vmem>>, vector<128x1xf32>
    tpu.vector_store %arg5[%swap3A_909, %swap3A_910], %broadcast_in_dim3A_899 {strides = array<i32>} : memref<128x32xf32, #tpu.memory_space<vmem>>, vector<128x1xf32>,
    %swap3A_912 = arith.constant 0 : index
    %swap3A_913 = arith.constant 21 : index
    %swap3A_914 = vector.load %arg6[%swap3A_912, %swap3A_913] : memref<128x32xf32, #tpu.memory_space<vmem>>, vector<128x1xf32>
    tpu.vector_store %arg6[%swap3A_912, %swap3A_913], %broadcast_in_dim3A_908 {strides = array<i32>} : memref<128x32xf32, #tpu.memory_space<vmem>>, vector<128x1xf32>,
    %get3A_915 = arith.constant 0 : index
    %get3A_916 = arith.constant 22 : index
    %get3A_917 = vector.load %arg1[%get3A_915, %get3A_916] : memref<128x32xf32, #tpu.memory_space<vmem>>, vector<128x1xf32>
    %get3A_918 = arith.constant 22 : index
    %get3A_919 = arith.constant 0 : index
    %get3A_920 = vector.load %arg2[%get3A_918, %get3A_919] : memref<32x640xf32, #tpu.memory_space<vmem>>, vector<1x640xf32>
    %get3A_921 = arith.constant 22 : index
    %get3A_922 = arith.constant 0 : index
    %get3A_923 = vector.load %arg3[%get3A_921, %get3A_922] : memref<32x640xf32, #tpu.memory_space<vmem>>, vector<1x640xf32>
    %get3A_924 = arith.constant 22 : index
    %get3A_925 = arith.constant 0 : index
    %get3A_926 = vector.load %arg4[%get3A_924, %get3A_925] : memref<32x640xf32, #tpu.memory_space<vmem>>, vector<1x640xf32>
    %mul3A_927 = vector.broadcast %get3A_920 : vector<1x640xf32> to vector<128x640xf32>
    %mul3A_928 = vector.broadcast %get3A_917 : vector<128x1xf32> to vector<128x640xf32>
    %mul3A_929 = arith.mulf %mul3A_927, %mul3A_928 : vector<128x640xf32>
    %add3A_930 = vector.broadcast %get3A_923 : vector<1x640xf32> to vector<128x640xf32>
    %add3A_931 = arith.addf %mul3A_929, %add3A_930 : vector<128x640xf32>
    %mul3A_932 = vector.broadcast %get3A_917 : vector<128x1xf32> to vector<128x640xf32>
    %mul3A_933 = arith.mulf %add3A_931, %mul3A_932 : vector<128x640xf32>
    %add3A_934 = vector.broadcast %get3A_926 : vector<1x640xf32> to vector<128x640xf32>
    %add3A_935 = arith.addf %mul3A_933, %add3A_934 : vector<128x640xf32>
    %swap3A_936 = arith.constant 0 : index
    %swap3A_937 = arith.constant 0 : index
    %swap3A_938 = vector.load %arg7[%swap3A_936, %swap3A_937] : memref<128x640xf32, #tpu.memory_space<vmem>>, vector<128x640xf32>
    tpu.vector_store %arg7[%swap3A_936, %swap3A_937], %add3A_935 {strides = array<i32>} : memref<128x640xf32, #tpu.memory_space<vmem>>, vector<128x640xf32>,
    %reduce_max3A_939 = arith.constant dense<0xFF800000> : vector<128xf32>
    %reduce_max3A_940 = vector.multi_reduction <maximumf>, %add3A_935, %reduce_max3A_939 [1] : vector<128x640xf32> to vector<128xf32>
    %broadcast_in_dim3A_941 = vector.shape_cast %reduce_max3A_940 : vector<128xf32> to vector<128x1xf32>
    %get3A_942 = arith.constant 0 : index
    %get3A_943 = arith.constant 0 : index
    %get3A_944 = vector.load %arg7[%get3A_942, %get3A_943] : memref<128x640xf32, #tpu.memory_space<vmem>>, vector<128x640xf32>
    %sub3A_945 = vector.broadcast %broadcast_in_dim3A_941 : vector<128x1xf32> to vector<128x640xf32>
    %sub3A_946 = arith.subf %get3A_944, %sub3A_945 : vector<128x640xf32>
    %exp3A_947 = math.exp %sub3A_946 : vector<128x640xf32>
    %reduce_sum3A_948 = arith.constant dense<0.000000e+00> : vector<128xf32>
    %reduce_sum3A_949 = vector.multi_reduction <add>, %exp3A_947, %reduce_sum3A_948 [1] : vector<128x640xf32> to vector<128xf32>
    %broadcast_in_dim3A_950 = vector.shape_cast %reduce_sum3A_949 : vector<128xf32> to vector<128x1xf32>
    %swap3A_951 = arith.constant 0 : index
    %swap3A_952 = arith.constant 22 : index
    %swap3A_953 = vector.load %arg5[%swap3A_951, %swap3A_952] : memref<128x32xf32, #tpu.memory_space<vmem>>, vector<128x1xf32>
    tpu.vector_store %arg5[%swap3A_951, %swap3A_952], %broadcast_in_dim3A_941 {strides = array<i32>} : memref<128x32xf32, #tpu.memory_space<vmem>>, vector<128x1xf32>,
    %swap3A_954 = arith.constant 0 : index
    %swap3A_955 = arith.constant 22 : index
    %swap3A_956 = vector.load %arg6[%swap3A_954, %swap3A_955] : memref<128x32xf32, #tpu.memory_space<vmem>>, vector<128x1xf32>
    tpu.vector_store %arg6[%swap3A_954, %swap3A_955], %broadcast_in_dim3A_950 {strides = array<i32>} : memref<128x32xf32, #tpu.memory_space<vmem>>, vector<128x1xf32>,
    %get3A_957 = arith.constant 0 : index
    %get3A_958 = arith.constant 23 : index
    %get3A_959 = vector.load %arg1[%get3A_957, %get3A_958] : memref<128x32xf32, #tpu.memory_space<vmem>>, vector<128x1xf32>
    %get3A_960 = arith.constant 23 : index
    %get3A_961 = arith.constant 0 : index
    %get3A_962 = vector.load %arg2[%get3A_960, %get3A_961] : memref<32x640xf32, #tpu.memory_space<vmem>>, vector<1x640xf32>
    %get3A_963 = arith.constant 23 : index
    %get3A_964 = arith.constant 0 : index
    %get3A_965 = vector.load %arg3[%get3A_963, %get3A_964] : memref<32x640xf32, #tpu.memory_space<vmem>>, vector<1x640xf32>
    %get3A_966 = arith.constant 23 : index
    %get3A_967 = arith.constant 0 : index
    %get3A_968 = vector.load %arg4[%get3A_966, %get3A_967] : memref<32x640xf32, #tpu.memory_space<vmem>>, vector<1x640xf32>
    %mul3A_969 = vector.broadcast %get3A_962 : vector<1x640xf32> to vector<128x640xf32>
    %mul3A_970 = vector.broadcast %get3A_959 : vector<128x1xf32> to vector<128x640xf32>
    %mul3A_971 = arith.mulf %mul3A_969, %mul3A_970 : vector<128x640xf32>
    %add3A_972 = vector.broadcast %get3A_965 : vector<1x640xf32> to vector<128x640xf32>
    %add3A_973 = arith.addf %mul3A_971, %add3A_972 : vector<128x640xf32>
    %mul3A_974 = vector.broadcast %get3A_959 : vector<128x1xf32> to vector<128x640xf32>
    %mul3A_975 = arith.mulf %add3A_973, %mul3A_974 : vector<128x640xf32>
    %add3A_976 = vector.broadcast %get3A_968 : vector<1x640xf32> to vector<128x640xf32>
    %add3A_977 = arith.addf %mul3A_975, %add3A_976 : vector<128x640xf32>
    %swap3A_978 = arith.constant 0 : index
    %swap3A_979 = arith.constant 0 : index
    %swap3A_980 = vector.load %arg7[%swap3A_978, %swap3A_979] : memref<128x640xf32, #tpu.memory_space<vmem>>, vector<128x640xf32>
    tpu.vector_store %arg7[%swap3A_978, %swap3A_979], %add3A_977 {strides = array<i32>} : memref<128x640xf32, #tpu.memory_space<vmem>>, vector<128x640xf32>,
    %reduce_max3A_981 = arith.constant dense<0xFF800000> : vector<128xf32>
    %reduce_max3A_982 = vector.multi_reduction <maximumf>, %add3A_977, %reduce_max3A_981 [1] : vector<128x640xf32> to vector<128xf32>
    %broadcast_in_dim3A_983 = vector.shape_cast %reduce_max3A_982 : vector<128xf32> to vector<128x1xf32>
    %get3A_984 = arith.constant 0 : index
    %get3A_985 = arith.constant 0 : index
    %get3A_986 = vector.load %arg7[%get3A_984, %get3A_985] : memref<128x640xf32, #tpu.memory_space<vmem>>, vector<128x640xf32>
    %sub3A_987 = vector.broadcast %broadcast_in_dim3A_983 : vector<128x1xf32> to vector<128x640xf32>
    %sub3A_988 = arith.subf %get3A_986, %sub3A_987 : vector<128x640xf32>
    %exp3A_989 = math.exp %sub3A_988 : vector<128x640xf32>
    %reduce_sum3A_990 = arith.constant dense<0.000000e+00> : vector<128xf32>
    %reduce_sum3A_991 = vector.multi_reduction <add>, %exp3A_989, %reduce_sum3A_990 [1] : vector<128x640xf32> to vector<128xf32>
    %broadcast_in_dim3A_992 = vector.shape_cast %reduce_sum3A_991 : vector<128xf32> to vector<128x1xf32>
    %swap3A_993 = arith.constant 0 : index
    %swap3A_994 = arith.constant 23 : index
    %swap3A_995 = vector.load %arg5[%swap3A_993, %swap3A_994] : memref<128x32xf32, #tpu.memory_space<vmem>>, vector<128x1xf32>
    tpu.vector_store %arg5[%swap3A_993, %swap3A_994], %broadcast_in_dim3A_983 {strides = array<i32>} : memref<128x32xf32, #tpu.memory_space<vmem>>, vector<128x1xf32>,
    %swap3A_996 = arith.constant 0 : index
    %swap3A_997 = arith.constant 23 : index
    %swap3A_998 = vector.load %arg6[%swap3A_996, %swap3A_997] : memref<128x32xf32, #tpu.memory_space<vmem>>, vector<128x1xf32>
    tpu.vector_store %arg6[%swap3A_996, %swap3A_997], %broadcast_in_dim3A_992 {strides = array<i32>} : memref<128x32xf32, #tpu.memory_space<vmem>>, vector<128x1xf32>,
    %get3A_999 = arith.constant 0 : index
    %get3A_1000 = arith.constant 24 : index
    %get3A_1001 = vector.load %arg1[%get3A_999, %get3A_1000] : memref<128x32xf32, #tpu.memory_space<vmem>>, vector<128x1xf32>
    %get3A_1002 = arith.constant 24 : index
    %get3A_1003 = arith.constant 0 : index
    %get3A_1004 = vector.load %arg2[%get3A_1002, %get3A_1003] : memref<32x640xf32, #tpu.memory_space<vmem>>, vector<1x640xf32>
    %get3A_1005 = arith.constant 24 : index
    %get3A_1006 = arith.constant 0 : index
    %get3A_1007 = vector.load %arg3[%get3A_1005, %get3A_1006] : memref<32x640xf32, #tpu.memory_space<vmem>>, vector<1x640xf32>
    %get3A_1008 = arith.constant 24 : index
    %get3A_1009 = arith.constant 0 : index
    %get3A_1010 = vector.load %arg4[%get3A_1008, %get3A_1009] : memref<32x640xf32, #tpu.memory_space<vmem>>, vector<1x640xf32>
    %mul3A_1011 = vector.broadcast %get3A_1004 : vector<1x640xf32> to vector<128x640xf32>
    %mul3A_1012 = vector.broadcast %get3A_1001 : vector<128x1xf32> to vector<128x640xf32>
    %mul3A_1013 = arith.mulf %mul3A_1011, %mul3A_1012 : vector<128x640xf32>
    %add3A_1014 = vector.broadcast %get3A_1007 : vector<1x640xf32> to vector<128x640xf32>
    %add3A_1015 = arith.addf %mul3A_1013, %add3A_1014 : vector<128x640xf32>
    %mul3A_1016 = vector.broadcast %get3A_1001 : vector<128x1xf32> to vector<128x640xf32>
    %mul3A_1017 = arith.mulf %add3A_1015, %mul3A_1016 : vector<128x640xf32>
    %add3A_1018 = vector.broadcast %get3A_1010 : vector<1x640xf32> to vector<128x640xf32>
    %add3A_1019 = arith.addf %mul3A_1017, %add3A_1018 : vector<128x640xf32>
    %swap3A_1020 = arith.constant 0 : index
    %swap3A_1021 = arith.constant 0 : index
    %swap3A_1022 = vector.load %arg7[%swap3A_1020, %swap3A_1021] : memref<128x640xf32, #tpu.memory_space<vmem>>, vector<128x640xf32>
    tpu.vector_store %arg7[%swap3A_1020, %swap3A_1021], %add3A_1019 {strides = array<i32>} : memref<128x640xf32, #tpu.memory_space<vmem>>, vector<128x640xf32>,
    %reduce_max3A_1023 = arith.constant dense<0xFF800000> : vector<128xf32>
    %reduce_max3A_1024 = vector.multi_reduction <maximumf>, %add3A_1019, %reduce_max3A_1023 [1] : vector<128x640xf32> to vector<128xf32>
    %broadcast_in_dim3A_1025 = vector.shape_cast %reduce_max3A_1024 : vector<128xf32> to vector<128x1xf32>
    %get3A_1026 = arith.constant 0 : index
    %get3A_1027 = arith.constant 0 : index
    %get3A_1028 = vector.load %arg7[%get3A_1026, %get3A_1027] : memref<128x640xf32, #tpu.memory_space<vmem>>, vector<128x640xf32>
    %sub3A_1029 = vector.broadcast %broadcast_in_dim3A_1025 : vector<128x1xf32> to vector<128x640xf32>
    %sub3A_1030 = arith.subf %get3A_1028, %sub3A_1029 : vector<128x640xf32>
    %exp3A_1031 = math.exp %sub3A_1030 : vector<128x640xf32>
    %reduce_sum3A_1032 = arith.constant dense<0.000000e+00> : vector<128xf32>
    %reduce_sum3A_1033 = vector.multi_reduction <add>, %exp3A_1031, %reduce_sum3A_1032 [1] : vector<128x640xf32> to vector<128xf32>
    %broadcast_in_dim3A_1034 = vector.shape_cast %reduce_sum3A_1033 : vector<128xf32> to vector<128x1xf32>
    %swap3A_1035 = arith.constant 0 : index
    %swap3A_1036 = arith.constant 24 : index
    %swap3A_1037 = vector.load %arg5[%swap3A_1035, %swap3A_1036] : memref<128x32xf32, #tpu.memory_space<vmem>>, vector<128x1xf32>
    tpu.vector_store %arg5[%swap3A_1035, %swap3A_1036], %broadcast_in_dim3A_1025 {strides = array<i32>} : memref<128x32xf32, #tpu.memory_space<vmem>>, vector<128x1xf32>,
    %swap3A_1038 = arith.constant 0 : index
    %swap3A_1039 = arith.constant 24 : index
    %swap3A_1040 = vector.load %arg6[%swap3A_1038, %swap3A_1039] : memref<128x32xf32, #tpu.memory_space<vmem>>, vector<128x1xf32>
    tpu.vector_store %arg6[%swap3A_1038, %swap3A_1039], %broadcast_in_dim3A_1034 {strides = array<i32>} : memref<128x32xf32, #tpu.memory_space<vmem>>, vector<128x1xf32>,
    %get3A_1041 = arith.constant 0 : index
    %get3A_1042 = arith.constant 25 : index
    %get3A_1043 = vector.load %arg1[%get3A_1041, %get3A_1042] : memref<128x32xf32, #tpu.memory_space<vmem>>, vector<128x1xf32>
    %get3A_1044 = arith.constant 25 : index
    %get3A_1045 = arith.constant 0 : index
    %get3A_1046 = vector.load %arg2[%get3A_1044, %get3A_1045] : memref<32x640xf32, #tpu.memory_space<vmem>>, vector<1x640xf32>
    %get3A_1047 = arith.constant 25 : index
    %get3A_1048 = arith.constant 0 : index
    %get3A_1049 = vector.load %arg3[%get3A_1047, %get3A_1048] : memref<32x640xf32, #tpu.memory_space<vmem>>, vector<1x640xf32>
    %get3A_1050 = arith.constant 25 : index
    %get3A_1051 = arith.constant 0 : index
    %get3A_1052 = vector.load %arg4[%get3A_1050, %get3A_1051] : memref<32x640xf32, #tpu.memory_space<vmem>>, vector<1x640xf32>
    %mul3A_1053 = vector.broadcast %get3A_1046 : vector<1x640xf32> to vector<128x640xf32>
    %mul3A_1054 = vector.broadcast %get3A_1043 : vector<128x1xf32> to vector<128x640xf32>
    %mul3A_1055 = arith.mulf %mul3A_1053, %mul3A_1054 : vector<128x640xf32>
    %add3A_1056 = vector.broadcast %get3A_1049 : vector<1x640xf32> to vector<128x640xf32>
    %add3A_1057 = arith.addf %mul3A_1055, %add3A_1056 : vector<128x640xf32>
    %mul3A_1058 = vector.broadcast %get3A_1043 : vector<128x1xf32> to vector<128x640xf32>
    %mul3A_1059 = arith.mulf %add3A_1057, %mul3A_1058 : vector<128x640xf32>
    %add3A_1060 = vector.broadcast %get3A_1052 : vector<1x640xf32> to vector<128x640xf32>
    %add3A_1061 = arith.addf %mul3A_1059, %add3A_1060 : vector<128x640xf32>
    %swap3A_1062 = arith.constant 0 : index
    %swap3A_1063 = arith.constant 0 : index
    %swap3A_1064 = vector.load %arg7[%swap3A_1062, %swap3A_1063] : memref<128x640xf32, #tpu.memory_space<vmem>>, vector<128x640xf32>
    tpu.vector_store %arg7[%swap3A_1062, %swap3A_1063], %add3A_1061 {strides = array<i32>} : memref<128x640xf32, #tpu.memory_space<vmem>>, vector<128x640xf32>,
    %reduce_max3A_1065 = arith.constant dense<0xFF800000> : vector<128xf32>
    %reduce_max3A_1066 = vector.multi_reduction <maximumf>, %add3A_1061, %reduce_max3A_1065 [1] : vector<128x640xf32> to vector<128xf32>
    %broadcast_in_dim3A_1067 = vector.shape_cast %reduce_max3A_1066 : vector<128xf32> to vector<128x1xf32>
    %get3A_1068 = arith.constant 0 : index
    %get3A_1069 = arith.constant 0 : index
    %get3A_1070 = vector.load %arg7[%get3A_1068, %get3A_1069] : memref<128x640xf32, #tpu.memory_space<vmem>>, vector<128x640xf32>
    %sub3A_1071 = vector.broadcast %broadcast_in_dim3A_1067 : vector<128x1xf32> to vector<128x640xf32>
    %sub3A_1072 = arith.subf %get3A_1070, %sub3A_1071 : vector<128x640xf32>
    %exp3A_1073 = math.exp %sub3A_1072 : vector<128x640xf32>
    %reduce_sum3A_1074 = arith.constant dense<0.000000e+00> : vector<128xf32>
    %reduce_sum3A_1075 = vector.multi_reduction <add>, %exp3A_1073, %reduce_sum3A_1074 [1] : vector<128x640xf32> to vector<128xf32>
    %broadcast_in_dim3A_1076 = vector.shape_cast %reduce_sum3A_1075 : vector<128xf32> to vector<128x1xf32>
    %swap3A_1077 = arith.constant 0 : index
    %swap3A_1078 = arith.constant 25 : index
    %swap3A_1079 = vector.load %arg5[%swap3A_1077, %swap3A_1078] : memref<128x32xf32, #tpu.memory_space<vmem>>, vector<128x1xf32>
    tpu.vector_store %arg5[%swap3A_1077, %swap3A_1078], %broadcast_in_dim3A_1067 {strides = array<i32>} : memref<128x32xf32, #tpu.memory_space<vmem>>, vector<128x1xf32>,
    %swap3A_1080 = arith.constant 0 : index
    %swap3A_1081 = arith.constant 25 : index
    %swap3A_1082 = vector.load %arg6[%swap3A_1080, %swap3A_1081] : memref<128x32xf32, #tpu.memory_space<vmem>>, vector<128x1xf32>
    tpu.vector_store %arg6[%swap3A_1080, %swap3A_1081], %broadcast_in_dim3A_1076 {strides = array<i32>} : memref<128x32xf32, #tpu.memory_space<vmem>>, vector<128x1xf32>,
    %get3A_1083 = arith.constant 0 : index
    %get3A_1084 = arith.constant 26 : index
    %get3A_1085 = vector.load %arg1[%get3A_1083, %get3A_1084] : memref<128x32xf32, #tpu.memory_space<vmem>>, vector<128x1xf32>
    %get3A_1086 = arith.constant 26 : index
    %get3A_1087 = arith.constant 0 : index
    %get3A_1088 = vector.load %arg2[%get3A_1086, %get3A_1087] : memref<32x640xf32, #tpu.memory_space<vmem>>, vector<1x640xf32>
    %get3A_1089 = arith.constant 26 : index
    %get3A_1090 = arith.constant 0 : index
    %get3A_1091 = vector.load %arg3[%get3A_1089, %get3A_1090] : memref<32x640xf32, #tpu.memory_space<vmem>>, vector<1x640xf32>
    %get3A_1092 = arith.constant 26 : index
    %get3A_1093 = arith.constant 0 : index
    %get3A_1094 = vector.load %arg4[%get3A_1092, %get3A_1093] : memref<32x640xf32, #tpu.memory_space<vmem>>, vector<1x640xf32>
    %mul3A_1095 = vector.broadcast %get3A_1088 : vector<1x640xf32> to vector<128x640xf32>
    %mul3A_1096 = vector.broadcast %get3A_1085 : vector<128x1xf32> to vector<128x640xf32>
    %mul3A_1097 = arith.mulf %mul3A_1095, %mul3A_1096 : vector<128x640xf32>
    %add3A_1098 = vector.broadcast %get3A_1091 : vector<1x640xf32> to vector<128x640xf32>
    %add3A_1099 = arith.addf %mul3A_1097, %add3A_1098 : vector<128x640xf32>
    %mul3A_1100 = vector.broadcast %get3A_1085 : vector<128x1xf32> to vector<128x640xf32>
    %mul3A_1101 = arith.mulf %add3A_1099, %mul3A_1100 : vector<128x640xf32>
    %add3A_1102 = vector.broadcast %get3A_1094 : vector<1x640xf32> to vector<128x640xf32>
    %add3A_1103 = arith.addf %mul3A_1101, %add3A_1102 : vector<128x640xf32>
    %swap3A_1104 = arith.constant 0 : index
    %swap3A_1105 = arith.constant 0 : index
    %swap3A_1106 = vector.load %arg7[%swap3A_1104, %swap3A_1105] : memref<128x640xf32, #tpu.memory_space<vmem>>, vector<128x640xf32>
    tpu.vector_store %arg7[%swap3A_1104, %swap3A_1105], %add3A_1103 {strides = array<i32>} : memref<128x640xf32, #tpu.memory_space<vmem>>, vector<128x640xf32>,
    %reduce_max3A_1107 = arith.constant dense<0xFF800000> : vector<128xf32>
    %reduce_max3A_1108 = vector.multi_reduction <maximumf>, %add3A_1103, %reduce_max3A_1107 [1] : vector<128x640xf32> to vector<128xf32>
    %broadcast_in_dim3A_1109 = vector.shape_cast %reduce_max3A_1108 : vector<128xf32> to vector<128x1xf32>
    %get3A_1110 = arith.constant 0 : index
    %get3A_1111 = arith.constant 0 : index
    %get3A_1112 = vector.load %arg7[%get3A_1110, %get3A_1111] : memref<128x640xf32, #tpu.memory_space<vmem>>, vector<128x640xf32>
    %sub3A_1113 = vector.broadcast %broadcast_in_dim3A_1109 : vector<128x1xf32> to vector<128x640xf32>
    %sub3A_1114 = arith.subf %get3A_1112, %sub3A_1113 : vector<128x640xf32>
    %exp3A_1115 = math.exp %sub3A_1114 : vector<128x640xf32>
    %reduce_sum3A_1116 = arith.constant dense<0.000000e+00> : vector<128xf32>
    %reduce_sum3A_1117 = vector.multi_reduction <add>, %exp3A_1115, %reduce_sum3A_1116 [1] : vector<128x640xf32> to vector<128xf32>
    %broadcast_in_dim3A_1118 = vector.shape_cast %reduce_sum3A_1117 : vector<128xf32> to vector<128x1xf32>
    %swap3A_1119 = arith.constant 0 : index
    %swap3A_1120 = arith.constant 26 : index
    %swap3A_1121 = vector.load %arg5[%swap3A_1119, %swap3A_1120] : memref<128x32xf32, #tpu.memory_space<vmem>>, vector<128x1xf32>
    tpu.vector_store %arg5[%swap3A_1119, %swap3A_1120], %broadcast_in_dim3A_1109 {strides = array<i32>} : memref<128x32xf32, #tpu.memory_space<vmem>>, vector<128x1xf32>,
    %swap3A_1122 = arith.constant 0 : index
    %swap3A_1123 = arith.constant 26 : index
    %swap3A_1124 = vector.load %arg6[%swap3A_1122, %swap3A_1123] : memref<128x32xf32, #tpu.memory_space<vmem>>, vector<128x1xf32>
    tpu.vector_store %arg6[%swap3A_1122, %swap3A_1123], %broadcast_in_dim3A_1118 {strides = array<i32>} : memref<128x32xf32, #tpu.memory_space<vmem>>, vector<128x1xf32>,
    %get3A_1125 = arith.constant 0 : index
    %get3A_1126 = arith.constant 27 : index
    %get3A_1127 = vector.load %arg1[%get3A_1125, %get3A_1126] : memref<128x32xf32, #tpu.memory_space<vmem>>, vector<128x1xf32>
    %get3A_1128 = arith.constant 27 : index
    %get3A_1129 = arith.constant 0 : index
    %get3A_1130 = vector.load %arg2[%get3A_1128, %get3A_1129] : memref<32x640xf32, #tpu.memory_space<vmem>>, vector<1x640xf32>
    %get3A_1131 = arith.constant 27 : index
    %get3A_1132 = arith.constant 0 : index
    %get3A_1133 = vector.load %arg3[%get3A_1131, %get3A_1132] : memref<32x640xf32, #tpu.memory_space<vmem>>, vector<1x640xf32>
    %get3A_1134 = arith.constant 27 : index
    %get3A_1135 = arith.constant 0 : index
    %get3A_1136 = vector.load %arg4[%get3A_1134, %get3A_1135] : memref<32x640xf32, #tpu.memory_space<vmem>>, vector<1x640xf32>
    %mul3A_1137 = vector.broadcast %get3A_1130 : vector<1x640xf32> to vector<128x640xf32>
    %mul3A_1138 = vector.broadcast %get3A_1127 : vector<128x1xf32> to vector<128x640xf32>
    %mul3A_1139 = arith.mulf %mul3A_1137, %mul3A_1138 : vector<128x640xf32>
    %add3A_1140 = vector.broadcast %get3A_1133 : vector<1x640xf32> to vector<128x640xf32>
    %add3A_1141 = arith.addf %mul3A_1139, %add3A_1140 : vector<128x640xf32>
    %mul3A_1142 = vector.broadcast %get3A_1127 : vector<128x1xf32> to vector<128x640xf32>
    %mul3A_1143 = arith.mulf %add3A_1141, %mul3A_1142 : vector<128x640xf32>
    %add3A_1144 = vector.broadcast %get3A_1136 : vector<1x640xf32> to vector<128x640xf32>
    %add3A_1145 = arith.addf %mul3A_1143, %add3A_1144 : vector<128x640xf32>
    %swap3A_1146 = arith.constant 0 : index
    %swap3A_1147 = arith.constant 0 : index
    %swap3A_1148 = vector.load %arg7[%swap3A_1146, %swap3A_1147] : memref<128x640xf32, #tpu.memory_space<vmem>>, vector<128x640xf32>
    tpu.vector_store %arg7[%swap3A_1146, %swap3A_1147], %add3A_1145 {strides = array<i32>} : memref<128x640xf32, #tpu.memory_space<vmem>>, vector<128x640xf32>,
    %reduce_max3A_1149 = arith.constant dense<0xFF800000> : vector<128xf32>
    %reduce_max3A_1150 = vector.multi_reduction <maximumf>, %add3A_1145, %reduce_max3A_1149 [1] : vector<128x640xf32> to vector<128xf32>
    %broadcast_in_dim3A_1151 = vector.shape_cast %reduce_max3A_1150 : vector<128xf32> to vector<128x1xf32>
    %get3A_1152 = arith.constant 0 : index
    %get3A_1153 = arith.constant 0 : index
    %get3A_1154 = vector.load %arg7[%get3A_1152, %get3A_1153] : memref<128x640xf32, #tpu.memory_space<vmem>>, vector<128x640xf32>
    %sub3A_1155 = vector.broadcast %broadcast_in_dim3A_1151 : vector<128x1xf32> to vector<128x640xf32>
    %sub3A_1156 = arith.subf %get3A_1154, %sub3A_1155 : vector<128x640xf32>
    %exp3A_1157 = math.exp %sub3A_1156 : vector<128x640xf32>
    %reduce_sum3A_1158 = arith.constant dense<0.000000e+00> : vector<128xf32>
    %reduce_sum3A_1159 = vector.multi_reduction <add>, %exp3A_1157, %reduce_sum3A_1158 [1] : vector<128x640xf32> to vector<128xf32>
    %broadcast_in_dim3A_1160 = vector.shape_cast %reduce_sum3A_1159 : vector<128xf32> to vector<128x1xf32>
    %swap3A_1161 = arith.constant 0 : index
    %swap3A_1162 = arith.constant 27 : index
    %swap3A_1163 = vector.load %arg5[%swap3A_1161, %swap3A_1162] : memref<128x32xf32, #tpu.memory_space<vmem>>, vector<128x1xf32>
    tpu.vector_store %arg5[%swap3A_1161, %swap3A_1162], %broadcast_in_dim3A_1151 {strides = array<i32>} : memref<128x32xf32, #tpu.memory_space<vmem>>, vector<128x1xf32>,
    %swap3A_1164 = arith.constant 0 : index
    %swap3A_1165 = arith.constant 27 : index
    %swap3A_1166 = vector.load %arg6[%swap3A_1164, %swap3A_1165] : memref<128x32xf32, #tpu.memory_space<vmem>>, vector<128x1xf32>
    tpu.vector_store %arg6[%swap3A_1164, %swap3A_1165], %broadcast_in_dim3A_1160 {strides = array<i32>} : memref<128x32xf32, #tpu.memory_space<vmem>>, vector<128x1xf32>,
    %get3A_1167 = arith.constant 0 : index
    %get3A_1168 = arith.constant 28 : index
    %get3A_1169 = vector.load %arg1[%get3A_1167, %get3A_1168] : memref<128x32xf32, #tpu.memory_space<vmem>>, vector<128x1xf32>
    %get3A_1170 = arith.constant 28 : index
    %get3A_1171 = arith.constant 0 : index
    %get3A_1172 = vector.load %arg2[%get3A_1170, %get3A_1171] : memref<32x640xf32, #tpu.memory_space<vmem>>, vector<1x640xf32>
    %get3A_1173 = arith.constant 28 : index
    %get3A_1174 = arith.constant 0 : index
    %get3A_1175 = vector.load %arg3[%get3A_1173, %get3A_1174] : memref<32x640xf32, #tpu.memory_space<vmem>>, vector<1x640xf32>
    %get3A_1176 = arith.constant 28 : index
    %get3A_1177 = arith.constant 0 : index
    %get3A_1178 = vector.load %arg4[%get3A_1176, %get3A_1177] : memref<32x640xf32, #tpu.memory_space<vmem>>, vector<1x640xf32>
    %mul3A_1179 = vector.broadcast %get3A_1172 : vector<1x640xf32> to vector<128x640xf32>
    %mul3A_1180 = vector.broadcast %get3A_1169 : vector<128x1xf32> to vector<128x640xf32>
    %mul3A_1181 = arith.mulf %mul3A_1179, %mul3A_1180 : vector<128x640xf32>
    %add3A_1182 = vector.broadcast %get3A_1175 : vector<1x640xf32> to vector<128x640xf32>
    %add3A_1183 = arith.addf %mul3A_1181, %add3A_1182 : vector<128x640xf32>
    %mul3A_1184 = vector.broadcast %get3A_1169 : vector<128x1xf32> to vector<128x640xf32>
    %mul3A_1185 = arith.mulf %add3A_1183, %mul3A_1184 : vector<128x640xf32>
    %add3A_1186 = vector.broadcast %get3A_1178 : vector<1x640xf32> to vector<128x640xf32>
    %add3A_1187 = arith.addf %mul3A_1185, %add3A_1186 : vector<128x640xf32>
    %swap3A_1188 = arith.constant 0 : index
    %swap3A_1189 = arith.constant 0 : index
    %swap3A_1190 = vector.load %arg7[%swap3A_1188, %swap3A_1189] : memref<128x640xf32, #tpu.memory_space<vmem>>, vector<128x640xf32>
    tpu.vector_store %arg7[%swap3A_1188, %swap3A_1189], %add3A_1187 {strides = array<i32>} : memref<128x640xf32, #tpu.memory_space<vmem>>, vector<128x640xf32>,
    %reduce_max3A_1191 = arith.constant dense<0xFF800000> : vector<128xf32>
    %reduce_max3A_1192 = vector.multi_reduction <maximumf>, %add3A_1187, %reduce_max3A_1191 [1] : vector<128x640xf32> to vector<128xf32>
    %broadcast_in_dim3A_1193 = vector.shape_cast %reduce_max3A_1192 : vector<128xf32> to vector<128x1xf32>
    %get3A_1194 = arith.constant 0 : index
    %get3A_1195 = arith.constant 0 : index
    %get3A_1196 = vector.load %arg7[%get3A_1194, %get3A_1195] : memref<128x640xf32, #tpu.memory_space<vmem>>, vector<128x640xf32>
    %sub3A_1197 = vector.broadcast %broadcast_in_dim3A_1193 : vector<128x1xf32> to vector<128x640xf32>
    %sub3A_1198 = arith.subf %get3A_1196, %sub3A_1197 : vector<128x640xf32>
    %exp3A_1199 = math.exp %sub3A_1198 : vector<128x640xf32>
    %reduce_sum3A_1200 = arith.constant dense<0.000000e+00> : vector<128xf32>
    %reduce_sum3A_1201 = vector.multi_reduction <add>, %exp3A_1199, %reduce_sum3A_1200 [1] : vector<128x640xf32> to vector<128xf32>
    %broadcast_in_dim3A_1202 = vector.shape_cast %reduce_sum3A_1201 : vector<128xf32> to vector<128x1xf32>
    %swap3A_1203 = arith.constant 0 : index
    %swap3A_1204 = arith.constant 28 : index
    %swap3A_1205 = vector.load %arg5[%swap3A_1203, %swap3A_1204] : memref<128x32xf32, #tpu.memory_space<vmem>>, vector<128x1xf32>
    tpu.vector_store %arg5[%swap3A_1203, %swap3A_1204], %broadcast_in_dim3A_1193 {strides = array<i32>} : memref<128x32xf32, #tpu.memory_space<vmem>>, vector<128x1xf32>,
    %swap3A_1206 = arith.constant 0 : index
    %swap3A_1207 = arith.constant 28 : index
    %swap3A_1208 = vector.load %arg6[%swap3A_1206, %swap3A_1207] : memref<128x32xf32, #tpu.memory_space<vmem>>, vector<128x1xf32>
    tpu.vector_store %arg6[%swap3A_1206, %swap3A_1207], %broadcast_in_dim3A_1202 {strides = array<i32>} : memref<128x32xf32, #tpu.memory_space<vmem>>, vector<128x1xf32>,
    %get3A_1209 = arith.constant 0 : index
    %get3A_1210 = arith.constant 29 : index
    %get3A_1211 = vector.load %arg1[%get3A_1209, %get3A_1210] : memref<128x32xf32, #tpu.memory_space<vmem>>, vector<128x1xf32>
    %get3A_1212 = arith.constant 29 : index
    %get3A_1213 = arith.constant 0 : index
    %get3A_1214 = vector.load %arg2[%get3A_1212, %get3A_1213] : memref<32x640xf32, #tpu.memory_space<vmem>>, vector<1x640xf32>
    %get3A_1215 = arith.constant 29 : index
    %get3A_1216 = arith.constant 0 : index
    %get3A_1217 = vector.load %arg3[%get3A_1215, %get3A_1216] : memref<32x640xf32, #tpu.memory_space<vmem>>, vector<1x640xf32>
    %get3A_1218 = arith.constant 29 : index
    %get3A_1219 = arith.constant 0 : index
    %get3A_1220 = vector.load %arg4[%get3A_1218, %get3A_1219] : memref<32x640xf32, #tpu.memory_space<vmem>>, vector<1x640xf32>
    %mul3A_1221 = vector.broadcast %get3A_1214 : vector<1x640xf32> to vector<128x640xf32>
    %mul3A_1222 = vector.broadcast %get3A_1211 : vector<128x1xf32> to vector<128x640xf32>
    %mul3A_1223 = arith.mulf %mul3A_1221, %mul3A_1222 : vector<128x640xf32>
    %add3A_1224 = vector.broadcast %get3A_1217 : vector<1x640xf32> to vector<128x640xf32>
    %add3A_1225 = arith.addf %mul3A_1223, %add3A_1224 : vector<128x640xf32>
    %mul3A_1226 = vector.broadcast %get3A_1211 : vector<128x1xf32> to vector<128x640xf32>
    %mul3A_1227 = arith.mulf %add3A_1225, %mul3A_1226 : vector<128x640xf32>
    %add3A_1228 = vector.broadcast %get3A_1220 : vector<1x640xf32> to vector<128x640xf32>
    %add3A_1229 = arith.addf %mul3A_1227, %add3A_1228 : vector<128x640xf32>
    %swap3A_1230 = arith.constant 0 : index
    %swap3A_1231 = arith.constant 0 : index
    %swap3A_1232 = vector.load %arg7[%swap3A_1230, %swap3A_1231] : memref<128x640xf32, #tpu.memory_space<vmem>>, vector<128x640xf32>
    tpu.vector_store %arg7[%swap3A_1230, %swap3A_1231], %add3A_1229 {strides = array<i32>} : memref<128x640xf32, #tpu.memory_space<vmem>>, vector<128x640xf32>,
    %reduce_max3A_1233 = arith.constant dense<0xFF800000> : vector<128xf32>
    %reduce_max3A_1234 = vector.multi_reduction <maximumf>, %add3A_1229, %reduce_max3A_1233 [1] : vector<128x640xf32> to vector<128xf32>
    %broadcast_in_dim3A_1235 = vector.shape_cast %reduce_max3A_1234 : vector<128xf32> to vector<128x1xf32>
    %get3A_1236 = arith.constant 0 : index
    %get3A_1237 = arith.constant 0 : index
    %get3A_1238 = vector.load %arg7[%get3A_1236, %get3A_1237] : memref<128x640xf32, #tpu.memory_space<vmem>>, vector<128x640xf32>
    %sub3A_1239 = vector.broadcast %broadcast_in_dim3A_1235 : vector<128x1xf32> to vector<128x640xf32>
    %sub3A_1240 = arith.subf %get3A_1238, %sub3A_1239 : vector<128x640xf32>
    %exp3A_1241 = math.exp %sub3A_1240 : vector<128x640xf32>
    %reduce_sum3A_1242 = arith.constant dense<0.000000e+00> : vector<128xf32>
    %reduce_sum3A_1243 = vector.multi_reduction <add>, %exp3A_1241, %reduce_sum3A_1242 [1] : vector<128x640xf32> to vector<128xf32>
    %broadcast_in_dim3A_1244 = vector.shape_cast %reduce_sum3A_1243 : vector<128xf32> to vector<128x1xf32>
    %swap3A_1245 = arith.constant 0 : index
    %swap3A_1246 = arith.constant 29 : index
    %swap3A_1247 = vector.load %arg5[%swap3A_1245, %swap3A_1246] : memref<128x32xf32, #tpu.memory_space<vmem>>, vector<128x1xf32>
    tpu.vector_store %arg5[%swap3A_1245, %swap3A_1246], %broadcast_in_dim3A_1235 {strides = array<i32>} : memref<128x32xf32, #tpu.memory_space<vmem>>, vector<128x1xf32>,
    %swap3A_1248 = arith.constant 0 : index
    %swap3A_1249 = arith.constant 29 : index
    %swap3A_1250 = vector.load %arg6[%swap3A_1248, %swap3A_1249] : memref<128x32xf32, #tpu.memory_space<vmem>>, vector<128x1xf32>
    tpu.vector_store %arg6[%swap3A_1248, %swap3A_1249], %broadcast_in_dim3A_1244 {strides = array<i32>} : memref<128x32xf32, #tpu.memory_space<vmem>>, vector<128x1xf32>,
    %get3A_1251 = arith.constant 0 : index
    %get3A_1252 = arith.constant 30 : index
    %get3A_1253 = vector.load %arg1[%get3A_1251, %get3A_1252] : memref<128x32xf32, #tpu.memory_space<vmem>>, vector<128x1xf32>
    %get3A_1254 = arith.constant 30 : index
    %get3A_1255 = arith.constant 0 : index
    %get3A_1256 = vector.load %arg2[%get3A_1254, %get3A_1255] : memref<32x640xf32, #tpu.memory_space<vmem>>, vector<1x640xf32>
    %get3A_1257 = arith.constant 30 : index
    %get3A_1258 = arith.constant 0 : index
    %get3A_1259 = vector.load %arg3[%get3A_1257, %get3A_1258] : memref<32x640xf32, #tpu.memory_space<vmem>>, vector<1x640xf32>
    %get3A_1260 = arith.constant 30 : index
    %get3A_1261 = arith.constant 0 : index
    %get3A_1262 = vector.load %arg4[%get3A_1260, %get3A_1261] : memref<32x640xf32, #tpu.memory_space<vmem>>, vector<1x640xf32>
    %mul3A_1263 = vector.broadcast %get3A_1256 : vector<1x640xf32> to vector<128x640xf32>
    %mul3A_1264 = vector.broadcast %get3A_1253 : vector<128x1xf32> to vector<128x640xf32>
    %mul3A_1265 = arith.mulf %mul3A_1263, %mul3A_1264 : vector<128x640xf32>
    %add3A_1266 = vector.broadcast %get3A_1259 : vector<1x640xf32> to vector<128x640xf32>
    %add3A_1267 = arith.addf %mul3A_1265, %add3A_1266 : vector<128x640xf32>
    %mul3A_1268 = vector.broadcast %get3A_1253 : vector<128x1xf32> to vector<128x640xf32>
    %mul3A_1269 = arith.mulf %add3A_1267, %mul3A_1268 : vector<128x640xf32>
    %add3A_1270 = vector.broadcast %get3A_1262 : vector<1x640xf32> to vector<128x640xf32>
    %add3A_1271 = arith.addf %mul3A_1269, %add3A_1270 : vector<128x640xf32>
    %swap3A_1272 = arith.constant 0 : index
    %swap3A_1273 = arith.constant 0 : index
    %swap3A_1274 = vector.load %arg7[%swap3A_1272, %swap3A_1273] : memref<128x640xf32, #tpu.memory_space<vmem>>, vector<128x640xf32>
    tpu.vector_store %arg7[%swap3A_1272, %swap3A_1273], %add3A_1271 {strides = array<i32>} : memref<128x640xf32, #tpu.memory_space<vmem>>, vector<128x640xf32>,
    %reduce_max3A_1275 = arith.constant dense<0xFF800000> : vector<128xf32>
    %reduce_max3A_1276 = vector.multi_reduction <maximumf>, %add3A_1271, %reduce_max3A_1275 [1] : vector<128x640xf32> to vector<128xf32>
    %broadcast_in_dim3A_1277 = vector.shape_cast %reduce_max3A_1276 : vector<128xf32> to vector<128x1xf32>
    %get3A_1278 = arith.constant 0 : index
    %get3A_1279 = arith.constant 0 : index
    %get3A_1280 = vector.load %arg7[%get3A_1278, %get3A_1279] : memref<128x640xf32, #tpu.memory_space<vmem>>, vector<128x640xf32>
    %sub3A_1281 = vector.broadcast %broadcast_in_dim3A_1277 : vector<128x1xf32> to vector<128x640xf32>
    %sub3A_1282 = arith.subf %get3A_1280, %sub3A_1281 : vector<128x640xf32>
    %exp3A_1283 = math.exp %sub3A_1282 : vector<128x640xf32>
    %reduce_sum3A_1284 = arith.constant dense<0.000000e+00> : vector<128xf32>
    %reduce_sum3A_1285 = vector.multi_reduction <add>, %exp3A_1283, %reduce_sum3A_1284 [1] : vector<128x640xf32> to vector<128xf32>
    %broadcast_in_dim3A_1286 = vector.shape_cast %reduce_sum3A_1285 : vector<128xf32> to vector<128x1xf32>
    %swap3A_1287 = arith.constant 0 : index
    %swap3A_1288 = arith.constant 30 : index
    %swap3A_1289 = vector.load %arg5[%swap3A_1287, %swap3A_1288] : memref<128x32xf32, #tpu.memory_space<vmem>>, vector<128x1xf32>
    tpu.vector_store %arg5[%swap3A_1287, %swap3A_1288], %broadcast_in_dim3A_1277 {strides = array<i32>} : memref<128x32xf32, #tpu.memory_space<vmem>>, vector<128x1xf32>,
    %swap3A_1290 = arith.constant 0 : index
    %swap3A_1291 = arith.constant 30 : index
    %swap3A_1292 = vector.load %arg6[%swap3A_1290, %swap3A_1291] : memref<128x32xf32, #tpu.memory_space<vmem>>, vector<128x1xf32>
    tpu.vector_store %arg6[%swap3A_1290, %swap3A_1291], %broadcast_in_dim3A_1286 {strides = array<i32>} : memref<128x32xf32, #tpu.memory_space<vmem>>, vector<128x1xf32>,
    %get3A_1293 = arith.constant 0 : index
    %get3A_1294 = arith.constant 31 : index
    %get3A_1295 = vector.load %arg1[%get3A_1293, %get3A_1294] : memref<128x32xf32, #tpu.memory_space<vmem>>, vector<128x1xf32>
    %get3A_1296 = arith.constant 31 : index
    %get3A_1297 = arith.constant 0 : index
    %get3A_1298 = vector.load %arg2[%get3A_1296, %get3A_1297] : memref<32x640xf32, #tpu.memory_space<vmem>>, vector<1x640xf32>
    %get3A_1299 = arith.constant 31 : index
    %get3A_1300 = arith.constant 0 : index
    %get3A_1301 = vector.load %arg3[%get3A_1299, %get3A_1300] : memref<32x640xf32, #tpu.memory_space<vmem>>, vector<1x640xf32>
    %get3A_1302 = arith.constant 31 : index
    %get3A_1303 = arith.constant 0 : index
    %get3A_1304 = vector.load %arg4[%get3A_1302, %get3A_1303] : memref<32x640xf32, #tpu.memory_space<vmem>>, vector<1x640xf32>
    %mul3A_1305 = vector.broadcast %get3A_1298 : vector<1x640xf32> to vector<128x640xf32>
    %mul3A_1306 = vector.broadcast %get3A_1295 : vector<128x1xf32> to vector<128x640xf32>
    %mul3A_1307 = arith.mulf %mul3A_1305, %mul3A_1306 : vector<128x640xf32>
    %add3A_1308 = vector.broadcast %get3A_1301 : vector<1x640xf32> to vector<128x640xf32>
    %add3A_1309 = arith.addf %mul3A_1307, %add3A_1308 : vector<128x640xf32>
    %mul3A_1310 = vector.broadcast %get3A_1295 : vector<128x1xf32> to vector<128x640xf32>
    %mul3A_1311 = arith.mulf %add3A_1309, %mul3A_1310 : vector<128x640xf32>
    %add3A_1312 = vector.broadcast %get3A_1304 : vector<1x640xf32> to vector<128x640xf32>
    %add3A_1313 = arith.addf %mul3A_1311, %add3A_1312 : vector<128x640xf32>
    %swap3A_1314 = arith.constant 0 : index
    %swap3A_1315 = arith.constant 0 : index
    %swap3A_1316 = vector.load %arg7[%swap3A_1314, %swap3A_1315] : memref<128x640xf32, #tpu.memory_space<vmem>>, vector<128x640xf32>
    tpu.vector_store %arg7[%swap3A_1314, %swap3A_1315], %add3A_1313 {strides = array<i32>} : memref<128x640xf32, #tpu.memory_space<vmem>>, vector<128x640xf32>,
    %reduce_max3A_1317 = arith.constant dense<0xFF800000> : vector<128xf32>
    %reduce_max3A_1318 = vector.multi_reduction <maximumf>, %add3A_1313, %reduce_max3A_1317 [1] : vector<128x640xf32> to vector<128xf32>
    %broadcast_in_dim3A_1319 = vector.shape_cast %reduce_max3A_1318 : vector<128xf32> to vector<128x1xf32>
    %get3A_1320 = arith.constant 0 : index
    %get3A_1321 = arith.constant 0 : index
    %get3A_1322 = vector.load %arg7[%get3A_1320, %get3A_1321] : memref<128x640xf32, #tpu.memory_space<vmem>>, vector<128x640xf32>
    %sub3A_1323 = vector.broadcast %broadcast_in_dim3A_1319 : vector<128x1xf32> to vector<128x640xf32>
    %sub3A_1324 = arith.subf %get3A_1322, %sub3A_1323 : vector<128x640xf32>
    %exp3A_1325 = math.exp %sub3A_1324 : vector<128x640xf32>
    %reduce_sum3A_1326 = arith.constant dense<0.000000e+00> : vector<128xf32>
    %reduce_sum3A_1327 = vector.multi_reduction <add>, %exp3A_1325, %reduce_sum3A_1326 [1] : vector<128x640xf32> to vector<128xf32>
    %broadcast_in_dim3A_1328 = vector.shape_cast %reduce_sum3A_1327 : vector<128xf32> to vector<128x1xf32>
    %swap3A_1329 = arith.constant 0 : index
    %swap3A_1330 = arith.constant 31 : index
    %swap3A_1331 = vector.load %arg5[%swap3A_1329, %swap3A_1330] : memref<128x32xf32, #tpu.memory_space<vmem>>, vector<128x1xf32>
    tpu.vector_store %arg5[%swap3A_1329, %swap3A_1330], %broadcast_in_dim3A_1319 {strides = array<i32>} : memref<128x32xf32, #tpu.memory_space<vmem>>, vector<128x1xf32>,
    %swap3A_1332 = arith.constant 0 : index
    %swap3A_1333 = arith.constant 31 : index
    %swap3A_1334 = vector.load %arg6[%swap3A_1332, %swap3A_1333] : memref<128x32xf32, #tpu.memory_space<vmem>>, vector<128x1xf32>
    tpu.vector_store %arg6[%swap3A_1332, %swap3A_1333], %broadcast_in_dim3A_1328 {strides = array<i32>} : memref<128x32xf32, #tpu.memory_space<vmem>>, vector<128x1xf32>,
    return
  }
  func.func @transform_0(%arg0: i32) -> (i32, i32) {
    %c0_i32 = arith.constant 0 : i32
    %c0_i32_0 = arith.constant 0 : i32
    return %arg0, %c0_i32 : i32, i32
  }
  func.func @transform_1(%arg0: i32) -> (i32, i32) {
    %c0_i32 = arith.constant 0 : i32
    %c0_i32_0 = arith.constant 0 : i32
    %c0_i32_1 = arith.constant 0 : i32
    return %c0_i32, %c0_i32_0 : i32, i32
  }
  func.func @transform_2(%arg0: i32) -> (i32, i32) {
    %c0_i32 = arith.constant 0 : i32
    %c0_i32_0 = arith.constant 0 : i32
    %c0_i32_1 = arith.constant 0 : i32
    return %c0_i32, %c0_i32_0 : i32, i32
  }
  func.func @transform_3(%arg0: i32) -> (i32, i32) {
    %c0_i32 = arith.constant 0 : i32
    %c0_i32_0 = arith.constant 0 : i32
    %c0_i32_1 = arith.constant 0 : i32
    return %c0_i32, %c0_i32_0 : i32, i32
  }
  func.func @transform_4(%arg0: i32) -> (i32, i32) {
    %c0_i32 = arith.constant 0 : i32
    %c0_i32_0 = arith.constant 0 : i32
    return %arg0, %c0_i32 : i32, i32
  }
  func.func @transform_5(%arg0: i32) -> (i32, i32) {
    %c0_i32 = arith.constant 0 : i32
    %c0_i32_0 = arith.constant 0 : i32
    return %arg0, %c0_i32 : i32, i32
  }
}

</mosaic_0001>

<sc_bundles>
// kernel: kernel.6.cloned.1.call-start
scs
__scs_entry_jumppad:
0x0: {  	(pc) =	sbr.rel $0x88, $3  }
0x1: {  	(tag) =	ssettag $0x0;
	lr =	simm.s32 $0x1  }
0x2: {  	[smem:$0x3F9D] =	sst lr;
	_ =	strace $0xD0000000  }
0x3: {  	_ = 	snop  }
0x4: {  	_ = 	snop  }
0x5: {  	_ = 	snop  }
0x6: {  	_ = 	snop  }
0x7: {  	_ = 	snop  }
__scs_overlays_trampoline_lowered:
0x8: {  	[smem:$0x3FAC] =	sst s0  }
0x9: {  	[smem:$0x3FAD] =	sst s1  }
0xa: {  	[smem:$0x3FAE] =	sst s2  }
0xb: {  	[smem:$0x3FAF] =	sst s3  }
0xc: {  	[smem:$0x3FB0] =	sst s4  }
0xd: {  	[smem:$0x3FB1] =	sst s5  }
0xe: {  	[smem:$0x3FB2] =	sst s6  }
0xf: {  	[smem:$0x3FB3] =	sst s7  }
0x10: {  	[smem:$0x3FB4] =	sst s8  }
0x11: {  	[smem:$0x3FB5] =	sst s9;
	s0 =	simm.s32 @!p0 $0x0  }
0x12: {  	s1 =	sld [smem:$0x3F9B];
	s0 =	simm.s32 @p0 $0x1  }
0x13: {  	[smem:$0x3FB6] =	sst s0;
	s0 =	simm.s32 @!p1 $0x0  }
0x14: {  	s2 =	sld [smem:$0x3F9A];
	s0 =	simm.s32 @p1 $0x1  }
0x15: {  	[smem:$0x3FB7] =	sst s0;
	s0 =	simm.s32 @!p2 $0x0  }
0x16: {  	s3 =	sld [smem:$0x3FDB];
	s0 =	simm.s32 @p2 $0x1  }
0x17: {  	s4 =	simm.s32 $0x1BF5;
	[smem:$0x3FB9] =	sst s0  }
0x18: {  	s0 =	sld [smem:$0x3F9C];
	_ =	swait.ge [sflag:s4], $0x0  }
0x19: {  	s7 =	sld [smem:$0x3F9D]  }
0x1a: {  	s8 =	sadd.s32 $0xFFFFE003, lr  }
0x1b: {  	s9 =	sadd.s32 $0xFFFFFEF7, lr;
	s5 =	simm.s32 $0xFFFFFFFF;
	p2 =	slt.u32 s8, $0xFFFFF086  }
0x1c: {  	p1 =	slt.u32 s9, $0xF7A;
	s5 =	simm.s32 @!p2 $0x0  }
0x1d: {  	s5 =	simm.s32 @p1 $0x1;
	p0 =	seq.s32 s7, s2  }
0x1e: {  	s7 =	smul.u32 @!p0 $0xF7A, s2;
	p2 =	seq.s32 @!p0 s5, $0x0  }
0x1f: {  	s9 =	smul.u32 $0xF7A, s1;
	s8 =	simm.s32 @!p0 $0x1BF5;
	p2 =	por !p2, p0  }
0x20: {  	[sflag:s8] =	ssyncset.s32 @!p0 $0xFFFFF086;
	s6 =	sadd.s32 @!p0 s3, s7;
	s7 =	simm.s32 @!p0 $0x108  }
0x21: {  	s3 =	sadd.s32 s3, s9;
	s6 =	sadd.s32 @!p0 $0x88, s6;
	s7 =	simm.s32 @p2 $0x1082  }
0x22: {  	[simem:s7], [sflag:s8] =	dma.local @!p0 [hbm:s6], $0xF7A  }
0x23: {  	s9 =	sor.u32 $0xD0000000, s2;
	s6 =	simm.s32 $0x108;
	_ =	swait.ge @!p0 [sflag:s8], $0x0  }
0x24: {  	s3 =	sadd.s32 $0x88, s3;
	s6 =	simm.s32 @!p1 $0x1082;
	[sflag:s4] =	ssyncset.s32 $0xFFFFF086  }
0x25: {  	[simem:s6], [sflag:s4] =	dma.local [hbm:s3], $0xF7A  }
0x26: {  	[smem:$0x3F9D] =	sst s1;
	(tag) =	ssettag s2;
	_ =	strace s9  }
0x27: {  	s1 =	sld [smem:$0x3FAD]  }
0x28: {  	s2 =	sld [smem:$0x3FAE]  }
0x29: {  	s4 =	sld [smem:$0x3FB0]  }
0x2a: {  	p0 =	seq.s32 s5, $0x0;
	s5 =	sld [smem:$0x3FB1]  }
0x2b: {  	s6 =	sld [smem:$0x3FB2]  }
0x2c: {  	s7 =	sld [smem:$0x3FB3]  }
0x2d: {  	s3 =	simm.s32 $0x108;
	s8 =	sld [smem:$0x3FB4]  }
0x2e: {  	s3 =	simm.s32 @!p0 $0x1082;
	s9 =	sld [smem:$0x3FB5]  }
0x2f: {  	lr =	sadd.s32 s0, s3;
	s0 =	sld [smem:$0x3FAC]  }
0x30: {  	s3 =	sld [smem:$0x3FAF]  }
0x31: {  	[smem:$0x3FB8] =	sst s10  }
0x32: {  	s10 =	sld [smem:$0x3FB6];
	_ =	sdelay $0x3  }
0x33: {  	p0 =	seq.s32 s10, $0x1;
	s10 =	sld [smem:$0x3FB8];
	_ =	sdelay $0x3  }
0x34: {  	[smem:$0x3FB8] =	sst s10  }
0x35: {  	s10 =	sld [smem:$0x3FB7];
	_ =	sdelay $0x3  }
0x36: {  	p1 =	seq.s32 s10, $0x1;
	s10 =	sld [smem:$0x3FB8];
	_ =	sdelay $0x3  }
0x37: {  	[smem:$0x3FB8] =	sst s10  }
0x38: {  	s10 =	sld [smem:$0x3FB9]  }
0x39: {  	_ = 	snop;
	(pc) =	sbr.ind lr, $3  }
0x3a: {  	_ = 	snop  }
0x3b: {  	_ = 	snop  }
0x3c: {  	p2 =	seq.s32 s10, $0x1;
	s10 =	sld [smem:$0x3FB8]  }
0x3d: {  	_ =	shalt  }
0x3e: {  	_ =	shalt  }
0x3f: {  	_ =	shalt  }
0x40: {  	_ =	shalt  }
0x41: {  	_ =	shalt  }
0x42: {  	_ =	shalt  }
0x43: {  	_ =	shalt  }
0x44: {  	_ =	shalt  }
0x45: {  	_ =	shalt  }
0x46: {  	_ =	shalt  }
0x47: {  	_ =	shalt  }
0x48: {  	_ =	shalt  }
0x49: {  	_ =	shalt  }
0x4a: {  	_ =	shalt  }
0x4b: {  	_ =	shalt  }
0x4c: {  	_ =	shalt  }
0x4d: {  	_ =	shalt  }
0x4e: {  	_ =	shalt  }
0x4f: {  	_ =	shalt  }
0x50: {  	_ =	shalt  }
0x51: {  	_ =	shalt  }
0x52: {  	_ =	shalt  }
0x53: {  	_ =	shalt  }
0x54: {  	_ =	shalt  }
0x55: {  	_ =	shalt  }
0x56: {  	_ =	shalt  }
0x57: {  	_ =	shalt  }
0x58: {  	_ =	shalt  }
0x59: {  	_ =	shalt  }
0x5a: {  	_ =	shalt  }
0x5b: {  	_ =	shalt  }
0x5c: {  	_ =	shalt  }
0x5d: {  	_ =	shalt  }
0x5e: {  	_ =	shalt  }
0x5f: {  	_ =	shalt  }
0x60: {  	_ =	shalt  }
0x61: {  	_ =	shalt  }
0x62: {  	_ =	shalt  }
0x63: {  	_ =	shalt  }
0x64: {  	_ =	shalt  }
0x65: {  	_ =	shalt  }
0x66: {  	_ =	shalt  }
0x67: {  	_ =	shalt  }
0x68: {  	_ =	shalt  }
0x69: {  	_ =	shalt  }
0x6a: {  	_ =	shalt  }
0x6b: {  	_ =	shalt  }
0x6c: {  	_ =	shalt  }
0x6d: {  	_ =	shalt  }
0x6e: {  	_ =	shalt  }
0x6f: {  	_ =	shalt  }
0x70: {  	_ =	shalt  }
0x71: {  	_ =	shalt  }
0x72: {  	_ =	shalt  }
0x73: {  	_ =	shalt  }
0x74: {  	_ =	shalt  }
0x75: {  	_ =	shalt  }
0x76: {  	_ =	shalt  }
0x77: {  	_ =	shalt  }
0x78: {  	_ =	shalt  }
0x79: {  	_ =	shalt  }
0x7a: {  	_ =	shalt  }
0x7b: {  	_ =	shalt  }
0x7c: {  	_ =	shalt  }
0x7d: {  	_ =	shalt  }
0x7e: {  	_ =	shalt  }
0x7f: {  	_ =	shalt  }
0x80: {  	_ =	shalt  }
0x81: {  	_ =	shalt  }
0x82: {  	_ =	shalt  }
0x83: {  	_ =	shalt  }
0x84: {  	_ =	shalt  }
0x85: {  	_ =	shalt  }
0x86: {  	_ =	shalt  }
0x87: {  	_ =	shalt  }
.Lfunc_end0:
.L_simem_size_0:
called_computation_lowered:
.L_overlay_start_0:
0x88: {  	s2 =	sld [smem:$0x3FD9]  }
0x89: {  	s3 =	sld [smem:$0x3FFE];
	_ =	sdelay $0x1  }
0x8a: {  	s1 =	srdreg.scid  }
0x8b: {  	s0 =	sand.u32 $0x1, s1  }
0x8c: {  	s17 =	sshll.u32 s0, $0xA;
	s2 =	sadd.s32 s3, s2  }
0x8d: {  	s2 =	sadd.s32 s2, s17  }
0x8e: {  	[smem:$0x3FC4] =	sst s2  }
0x8f: {  	_ = 	snop  }
0x90: {  	s2 =	sld [smem:$0x3FD0];
	(tm) =	ssettm $0x1  }
0x91: {  	s18 =	sld [smem:$0x3FFB];
	_ =	sdelay $0x3  }
0x92: {  	_ =	strace s18  }
0x93: {  	s3 =	sld [smem:$0x3FFC];
	_ =	sdelay $0x3  }
0x94: {  	_ =	strace s3  }
0x95: {  	s3 =	sld [smem:$0x3FFD];
	_ =	sdelay $0x3  }
0x96: {  	_ =	strace s3  }
0x97: {  	_ =	strace $0x8FFFFFFF  }
0x98: {  	s19 =	sld [smem:$0x3FDB];
	_ =	sdelay $0x1  }
0x99: {  	s4 =	simm.s32 $_scs_section_size  }
0x9a: {  	s5 =	simm.s32 $_size__tile_overlayer_lowered;
	s6 =	simm.s32 $_tile_overlayer_lowered  }
0x9b: {  	s22 =	simm.s32 $0x1BFF;
	s21 =	sshll.u32 s6, $0x1;
	s3 =	sadd.s32 s4, s19  }
0x9c: {  	s7 =	simm.s32 $0x0;
	s20 =	sshll.u32 s5, $0x1;
	s5 =	sadd.s32 s21, s3  }
0x9d: {  	[timem:s7], [sflag:s22] =	dma.local [hbm:s5], s20  }
0x9e: {  	_ =	swait.ge [sflag:s22], s20  }
0x9f: {  	s4 =	ssub.s32 $0x0, s20;
	[sflag:s22] =	ssyncset.done $0x0  }
0xa0: {  	[sflag:s22] =	ssyncadd.s32 s4;
	_ =	sdelay $0x1  }
0xa1: {  	s23 =	simm.s32 $0x1B8B  }
0xa2: {  	_ =	swait.ge [sflag:s23], $0x1  }
0xa3: {  	[sflag:s23] =	ssyncset.done $0x0  }
0xa4: {  	s25 =	simm.s32 $0x1B8E;
	s24 =	sld [smem:$0x3FFE];
	[sflag:s23] =	ssyncadd.s32 $0xFFFFFFFF  }
0xa5: {  	s26 =	simm.s32 $execute0_lowered;
	[smem:$0x3FD2] =	sst s25  }
0xa6: {  	s5 =	sshll.u32 s26, $0x1;
	_ =	strace $0x80000046;
	[dreg:$0x1] =	wrdreg $0xFFFFFFFF  }
0xa7: {  	s28 =	simm.s32 $_size_execute0_lowered;
	s3 =	sadd.s32 s3, s5;
	[dreg:$0x0] =	wrdreg $0x0  }
0xa8: {  	s5 =	sshll.u32 s28, $0x1;
	[dreg:$0x2] =	wrdreg s3  }
0xa9: {  	[dreg:$0x3] =	wrdreg s5  }
0xaa: {  	[dreg:$0x4] =	wrdreg $0xC0  }
0xab: {  	_ =	task [dreg:s7], $0x5FFFF  }
0xac: {  	[dreg:$0x1] =	wrdreg $0xFFFFFFFF  }
0xad: {  	[dreg:$0x0] =	wrdreg $0x60  }
0xae: {  	[dreg:$0x2] =	wrdreg s24  }
0xaf: {  	[dreg:$0x3] =	wrdreg s2  }
0xb0: {  	[dreg:$0x4] =	wrdreg $0x9  }
0xb1: {  	_ =	task.clear_ibuf [dreg:s7], $0x5FFFF;
	_ =	strace $0x90000046  }
0xb2: {  	s29 =	simm.s32 $0x9;
	_ =	strace $0x80000048  }
0xb3: {  	_ =	swait.ge [sflag:s29], $0x1  }
0xb4: {  	[sflag:s29] =	ssyncadd.s32 $0xFFFFFFFF  }
0xb5: {  	_ =	strace $0x90000048  }
0xb6: {  	_ =	sfence  }
0xb7: {  	s30 =	sld [smem:$0x0];
	_ =	sdelay $0x2  }
0xb8: {  	s31 =	sshll.u32 s1, $0xD;
	s1 =	sshrl.u32 s1, $0x2  }
0xb9: {  	s3 =	sand.u32 $0x4000, s31;
	s1 =	sadd.s32 s1, s30  }
0xba: {  	s0 =	sor.u32 s3, s0;
	s1 =	sshll.u32 s1, $0x11  }
0xbb: {  	s0 =	sor.u32 s1, s0  }
0xbc: {  	s0 =	sadd.s32 $0x8F2B, s0  }
0xbd: {  	[sflag:s0] =	ssyncadd.remote.s32 $0x1  }
0xbe: {  	_ =	sfence.sel $0xFFFF  }
0xbf: {  	[dreg:$0x0] =	wrdreg $0xFFFFFFFF;
	(pc) =	sbr.abs _section_cstart, $3  }
0xc0: {  	[dreg:$0x1] =	wrdreg $0xFFFFFFFF  }
0xc1: {  	_ =	task.clear_ibuf [dreg:s7], $0x2FFFF;
	_ =	strace $0x9FFFFFFF  }
0xc2: {  	(tm) =	ssettm $0x7FFFFFFF  }
0xc3: {  	_ =	shalt  }
tec
execute0_lowered:
.L_overlay_start_1:
0x0: {  	(tag) =	ssettag $0x1  }
0x1: {  	s3 =	rddreg [dreg:$0x0]  }
0x2: {  	s6 =	rddreg [dreg:$0x1]  }
0x3: {  	s1 =	simm.s32 $0x0;
	v0 =	vimm.s32 $0xFEDCBA98;
	s2 =	srdreg.scid;
	s0 =	stileid.u32;
	v1 =	vimm.s32 $0x76543210;
	v2 =	vimm.s32 $0xBA98FEDC  }
0x4: {  	v3 =	vimm.s32 $0x32107654;
	v4 =	vimm.s32 $0xDCFE98BA;
	s11 =	simm.s32 $0x400;
	s12 =	simm.s32 $0x1;
	s13 =	simm.s32 $0x180  }
0x5: {  	v5 =	vimm.s32 $0x54761032;
	s14 =	simm.s32 $0x300;
	s15 =	simm.s32 $0x480;
	s16 =	simm.s32 $0x1480  }
0x6: {  	v6 =	vimm.s32 $0xEFCDAB89;
	v7 =	vimm.s32 $0x67452301;
	s17 =	simm.s32 $0x2480;
	s18 =	simm.s32 $0x0;
	[smem:$0x7FF] =	sst s1  }
0x7: {  	v0 =	vunpack.c.l.s4.s8 v0;
	s4 =	sand.u32 $0x1, s2;
	s5 =	sshrl.u32 s0, $0x2;
	s26 =	sshll.u32 s0, $0x8;
	v1 =	vunpack.c.l.s4.s8 v1;
	v2 =	vunpack.c.l.s4.s8 v2  }
0x8: {  	s2 =	rddreg [dreg:$0x2];
	v3 =	vunpack.c.l.s4.s8 v3;
	v4 =	vunpack.c.l.s4.s8 v4;
	v5 =	vunpack.c.l.s4.s8 v5;
	s7 =	sshll.u32 s4, $0x7;
	s8 =	sand.u32 $0x300, s26  }
0x9: {  	v6 =	vunpack.c.l.s4.s8 v6;
	v7 =	vunpack.c.l.s4.s8 v7;
	s9 =	smul.u32 $0xC00, s5;
	_ =	strace $0x80000047;
	s4 =	ssub.s32 $0x2, s4;
	v0 =	vunpack.c.0.s8.s32 v0  }
0xa: {  	s5 =	sshll.u32 s5, $0xF;
	s7 =	sor.u32 s7, s8;
	s30 =	sshrl.u32 s4, $0x1;
	v2 =	vunpack.c.0.s8.s32 v2;
	v3 =	vunpack.c.0.s8.s32 v3;
	v4 =	vunpack.c.0.s8.s32 v4  }
0xb: {  	v5 =	vunpack.c.0.s8.s32 v5;
	v6 =	vunpack.c.0.s8.s32 v6;
	v7 =	vunpack.c.0.s8.s32 v7;
	s8 =	sor.u32 s9, s7;
	s5 =	sor.u32 s5, s7;
	s10 =	ssub.s32 s4, s30  }
0xc: {  	v1 =	vunpack.c.0.s8.s32 v1;
	s8 =	sshrl.u32 s8, $0x3;
	s29 =	sshrl.u32 s5, $0x3;
	v2 =	vcombine.low v3, v2;
	s9 =	smax.u32 s10, $0x1  }
0xd: {  	v3 =	vcombine.low v5, v4;
	v4 =	vcombine.low v7, v6;
	s10 =	simm.s32 $0x80;
	v0 =	vand.u32 $0xF, v0;
	s28 =	sadd.s32 s8, s3;
	s31 =	sadd.s32 s29, s3  }
0xe: {  	s6 =	sadd.s32 s6, s29;
	v0 =	vcombine.low v0, v1;
	s3 =	sadd.s32 $0x1E00, s28;
	s4 =	sadd.s32 $0x2400, s28  }
0xf: {  	s5 =	sadd.s32 $0x2A00, s28;
	s7 =	sadd.s32 $0x3000, s31;
	s8 =	sadd.s32 $0x7000, s31;
	v1 =	vand.u32 $0xF, v2;
	v2 =	vand.u32 $0xF, v3;
	v3 =	vand.u32 $0xF, v4  }
.LBB2_1:
0x10: {  	[tilespmem:s1], [sflag:$0x1] =	stream.strided.gather [hbm4b:s3+s10], $0x180, s11, s10, $0x38;
	[tilespmem:$0x4080] =	vst v63  }
0x11: {  	_ =	swait.ge [sflag:s12], $0x180  }
0x12: {  	[sflag:s12] =	ssyncset.done $0x0  }
0x13: {  	[sflag:s12] =	ssyncadd.s32 $0xFFFFFE80  }
0x14: {  	[tilespmem:s13], [sflag:$0x1] =	stream.strided.gather [hbm4b:s4+s10], $0x180, s11, s10, $0x38;
	[tilespmem:$0x4080] =	vst v63  }
0x15: {  	_ =	swait.ge [sflag:s12], $0x180  }
0x16: {  	[sflag:s12] =	ssyncset.done $0x0  }
0x17: {  	[sflag:s12] =	ssyncadd.s32 $0xFFFFFE80  }
0x18: {  	[tilespmem:s14], [sflag:$0x1] =	stream.strided.gather [hbm4b:s5+s10], $0x180, s11, s10, $0x38;
	[tilespmem:$0x4080] =	vst v63  }
0x19: {  	_ =	swait.ge [sflag:s12], $0x180  }
0x1a: {  	[sflag:s12] =	ssyncset.done $0x0  }
0x1b: {  	[sflag:s12] =	ssyncadd.s32 $0xFFFFFE80  }
0x1c: {  	[tilespmem:s15], [sflag:$0x1] =	stream.strided.gather [hbm4b:s6+s10], $0x1000, s11, s10, $0x38;
	[tilespmem:$0x4080] =	vst v63  }
0x1d: {  	_ =	swait.ge [sflag:s12], $0x1000  }
0x1e: {  	[sflag:s12] =	ssyncset.done $0x0  }
0x1f: {  	s19 =	simm.s32 $0x0;
	[sflag:s12] =	ssyncadd.s32 $0xFFFFF000  }
.LBB2_2:
0x20: {  	s20 =	sshll.u32 s19, $0x4  }
0x21: {  	v13 =	vld [tilespmem:s20+$0x480];
	_ =	sdelay $0x4  }
0x22: {  	v9 =	vbroadcast v13, $0x0  }
0x23: {  	v10 =	vbroadcast v13, $0x1;
	v8 =	vbroadcast v13, $0x2  }
0x24: {  	v7 =	vbroadcast v13, $0x3;
	v6 =	vbroadcast v13, $0x4  }
0x25: {  	s21 =	simm.s32 $0x0;
	v12 =	vmul.f32 v13, v13;
	v5 =	vbroadcast v13, $0x5  }
0x26: {  	v23 =	vld [tilespmem:s21+$0x180];
	v4 =	vbroadcast v13, $0x6;
	v18 =	vbroadcast v13, $0x7  }
0x27: {  	v20 =	vbroadcast v12, $0x0;
	v19 =	vbroadcast v12, $0x1  }
0x28: {  	v17 =	vbroadcast v12, $0x2;
	v16 =	vbroadcast v12, $0x3  }
0x29: {  	v22 =	vld [tilespmem:s21+$0x0];
	v15 =	vbroadcast v12, $0x4;
	v14 =	vbroadcast v12, $0x5  }
0x2a: {  	v21 =	vbroadcast v12, $0x7;
	v11 =	vbroadcast v12, $0x6  }
0x2b: {  	v29 =	vmul.f32 v23, v18;
	v30 =	vmul.f32 v23, v9  }
0x2c: {  	v31 =	vmul.f32 v23, v10;
	v35 =	vmul.f32 v23, v8  }
0x2d: {  	v39 =	vmul.f32 v23, v6;
	v37 =	vmul.f32 v23, v4  }
0x2e: {  	v24 =	vld [tilespmem:s21+$0x300];
	v25 =	vmul.f32 v22, v20;
	v28 =	vmul.f32 v22, v21  }
0x2f: {  	v26 =	vimm.f32 $-3.000000010e+38;
	v27 =	vmul.f32 v22, v19;
	v34 =	vmul.f32 v22, v17  }
0x30: {  	v40 =	vmul.f32 v22, v14;
	v36 =	vmul.f32 v22, v11;
	v28 =	vadd.f32 v29, v28  }
0x31: {  	v29 =	vmul.f32 v22, v16;
	v32 =	vadd.f32 v30, v25;
	v25 =	vmul.f32 v23, v7  }
0x32: {  	v30 =	vmul.f32 v22, v15;
	v33 =	vadd.f32 v31, v27;
	v27 =	vmul.f32 v23, v5  }
0x33: {  	v38 =	vadd.f32 v35, v34;
	v31 =	vimm.f32 $-3.000000010e+38;
	v28 =	vadd.f32 v28, v24  }
0x34: {  	v23 =	vimm.f32 $-3.000000010e+38;
	v34 =	vadd.f32 v25, v29;
	v39 =	vadd.f32 v39, v30  }
0x35: {  	s22 =	simm.s32 $0x10;
	v35 =	vadd.f32 v27, v40;
	v30 =	vimm.f32 $-3.000000010e+38;
	v29 =	vimm.f32 $-3.000000010e+38;
	[tilespmem:s21+$0x3F00] =	vst v28  }
0x36: {  	s23 =	simm.s32 $0x80;
	v25 =	vimm.f32 $-3.000000010e+38;
	v22 =	vmax.f32 v26, v28;
	v28 =	vimm.f32 $-3.000000010e+38;
	v27 =	vld [tilespmem:s22+$0x0]  }
.LBB2_3:
0x37: {  	p0 =	sne.s32 s23, $0x5C0;
	v40 =	vld [tilespmem:s22+$0x180];
	v32 =	vadd.f32 v32, v24;
	v36 =	vadd.f32 v37, v36  }
0x38: {  	v33 =	vadd.f32 v33, v24;
	v37 =	vadd.f32 v38, v24  }
0x39: {  	[tilespmem:s21+$0x3480] =	vst v32;
	v26 =	vmax.f32 v26, v32;
	v32 =	vadd.f32 v34, v24;
	v34 =	vadd.f32 v39, v24  }
0x3a: {  	v35 =	vadd.f32 v35, v24;
	v31 =	vmax.f32 v31, v33;
	v41 =	vadd.f32 v36, v24;
	[tilespmem:s21+$0x3600] =	vst v33  }
0x3b: {  	v30 =	vmax.f32 v30, v37;
	v24 =	vld [tilespmem:s22+$0x300];
	v33 =	vmul.f32 v27, v20;
	v36 =	vmul.f32 v27, v19;
	[tilespmem:s21+$0x3780] =	vst v37  }
0x3c: {  	v37 =	vmul.f32 v27, v21;
	v28 =	vmax.f32 v28, v32;
	v38 =	vmul.f32 v40, v18;
	[tilespmem:s21+$0x3900] =	vst v32  }
0x3d: {  	v29 =	vmax.f32 v29, v34;
	v32 =	vmul.f32 v40, v9;
	v39 =	vmul.f32 v40, v10;
	[tilespmem:s21+$0x3A80] =	vst v34  }
0x3e: {  	v42 =	vmul.f32 v40, v8;
	v34 =	vmul.f32 v27, v17;
	v37 =	vadd.f32 v38, v37;
	[tilespmem:s21+$0x3C00] =	vst v35  }
0x3f: {  	v43 =	vmul.f32 v27, v16;
	v44 =	vmul.f32 v40, v7;
	v32 =	vadd.f32 v32, v33;
	[tilespmem:s21+$0x3D80] =	vst v41;
	s21 =	smov.u32 s22  }
.Ltmp0:
0x40: {  	v45 =	vmul.f32 v27, v15;
	v46 =	vmul.f32 v40, v6;
	v38 =	vadd.f32 v37, v24;
	(pc) =	sbr.rel @p0 .LBB2_3-.Ltmp0, $4  }
0x41: {  	v47 =	vmul.f32 v27, v14;
	v48 =	vmul.f32 v40, v5;
	v33 =	vadd.f32 v39, v36  }
0x42: {  	v36 =	vmul.f32 v27, v11;
	v37 =	vmul.f32 v40, v4;
	[tilespmem:s21+$0x3F00] =	vst v38;
	v22 =	vmax.f32 v22, v38  }
0x43: {  	v25 =	vmax.f32 v25, v35;
	s22 =	sshra.s32 s23, $0x2;
	v38 =	vadd.f32 v42, v34;
	v34 =	vadd.f32 v44, v43  }
0x44: {  	v23 =	vmax.f32 v23, v41;
	v39 =	vadd.f32 v46, v45;
	v35 =	vadd.f32 v48, v47;
	s23 =	sadd.s32 $0x40, s23;
	v27 =	vld [tilespmem:s22+$0x0]  }
0x45: {  	v32 =	vadd.f32 v32, v24  }
0x46: {  	v40 =	vld [tilespmem:s22+$0x180];
	v33 =	vadd.f32 v33, v24;
	v36 =	vadd.f32 v37, v36  }
0x47: {  	v59 =	vadd.f32 v38, v24;
	v60 =	vadd.f32 v34, v24  }
0x48: {  	v61 =	vadd.f32 v39, v24;
	v62 =	vadd.f32 v35, v24;
	v26 =	vmax.f32 v26, v32;
	[tilespmem:s21+$0x3480] =	vst v32  }
0x49: {  	v31 =	vmax.f32 v31, v33;
	[tilespmem:s21+$0x3600] =	vst v33;
	v20 =	vmul.f32 v27, v20;
	v19 =	vmul.f32 v27, v19  }
0x4a: {  	v24 =	vadd.f32 v36, v24;
	v63 =	vld [tilespmem:s22+$0x300];
	v21 =	vmul.f32 v27, v21;
	v17 =	vmul.f32 v27, v17  }
0x4b: {  	v30 =	vmax.f32 v30, v59;
	v16 =	vmul.f32 v27, v16;
	v9 =	vmul.f32 v40, v9  }
0x4c: {  	v28 =	vmax.f32 v28, v60;
	v15 =	vmul.f32 v27, v15;
	v14 =	vmul.f32 v27, v14  }
0x4d: {  	v11 =	vmul.f32 v27, v11;
	v18 =	vmul.f32 v40, v18;
	v9 =	vadd.f32 v9, v20  }
0x4e: {  	v29 =	vmax.f32 v29, v61;
	v10 =	vmul.f32 v40, v10;
	v8 =	vmul.f32 v40, v8  }
0x4f: {  	v7 =	vmul.f32 v40, v7;
	v6 =	vmul.f32 v40, v6;
	v9 =	vadd.f32 v9, v63  }
0x50: {  	v5 =	vmul.f32 v40, v5;
	v4 =	vmul.f32 v40, v4;
	v18 =	vadd.f32 v18, v21  }
0x51: {  	v10 =	vadd.f32 v10, v19;
	v7 =	vadd.f32 v7, v16;
	v16 =	vmax.f32 v26, v9  }
0x52: {  	v8 =	vadd.f32 v8, v17;
	v6 =	vadd.f32 v6, v15;
	v15 =	vperm.xlane v16, v0  }
0x53: {  	v17 =	vmax.f32 v25, v62;
	v5 =	vadd.f32 v5, v14;
	v14 =	vmax.f32 v23, v24  }
0x54: {  	v4 =	vadd.f32 v4, v11;
	v10 =	vadd.f32 v10, v63;
	v11 =	vmax.f32 v16, v15  }
0x55: {  	v18 =	vadd.f32 v18, v63;
	v8 =	vadd.f32 v8, v63;
	v16 =	vperm.xlane v11, v1  }
0x56: {  	v7 =	vadd.f32 v7, v63;
	v6 =	vadd.f32 v6, v63;
	v15 =	vmax.f32 v31, v10  }
0x57: {  	[tilespmem:s21+$0x3780] =	vst v59;
	v5 =	vadd.f32 v5, v63;
	v20 =	vperm.xlane v15, v0;
	v11 =	vmax.f32 v11, v16  }
0x58: {  	[tilespmem:s21+$0x3900] =	vst v60;
	v21 =	vadd.f32 v4, v63;
	v4 =	vmax.f32 v30, v8;
	v16 =	vperm.xlane v11, v2  }
0x59: {  	[tilespmem:s21+$0x3A80] =	vst v61;
	v19 =	vmax.f32 v22, v18;
	v15 =	vmax.f32 v15, v20;
	v20 =	vperm.xlane v4, v0  }
0x5a: {  	[tilespmem:s21+$0x3C00] =	vst v62;
	v22 =	vmax.f32 v28, v7;
	v25 =	vperm.xlane v15, v1;
	v11 =	vmax.f32 v11, v16  }
0x5b: {  	[tilespmem:s21+$0x3D80] =	vst v24;
	v23 =	vmax.f32 v29, v6;
	v16 =	vmax.f32 v4, v20;
	v4 =	vperm.xlane v11, v3  }
0x5c: {  	[tilespmem:s22+$0x3F00] =	vst v18;
	v24 =	vperm.xlane v22, v0;
	v15 =	vmax.f32 v15, v25;
	v20 =	vperm.xlane v16, v1  }
0x5d: {  	v17 =	vmax.f32 v17, v5;
	[tilespmem:s22+$0x3480] =	vst v9;
	v18 =	vperm.xlane v15, v2;
	v4 =	vmax.f32 v11, v4  }
0x5e: {  	[tilespmem:s22+$0x3600] =	vst v10;
	v9 =	vmax.f32 v16, v20;
	v11 =	vperm.xlane v19, v0;
	v16 =	vmax.f32 v22, v24  }
0x5f: {  	[tilespmem:s22+$0x3780] =	vst v8;
	v10 =	vmax.f32 v15, v18;
	v15 =	vperm.xlane v9, v2;
	v8 =	vperm.xlane v16, v1  }
0x60: {  	[tilespmem:s22+$0x3900] =	vst v7;
	v18 =	vperm.xlane v23, v0;
	v7 =	vperm.xlane v10, v3;
	v11 =	vmax.f32 v19, v11  }
0x61: {  	v9 =	vmax.f32 v9, v15;
	v15 =	vperm.xlane v11, v1;
	v8 =	vmax.f32 v16, v8  }
0x62: {  	[tilespmem:s22+$0x3A80] =	vst v6;
	v16 =	vmax.f32 v23, v18;
	v6 =	vmax.f32 v10, v7;
	v7 =	vperm.xlane v17, v0  }
0x63: {  	[tilespmem:s22+$0x3C00] =	vst v5;
	v5 =	vperm.xlane v8, v2;
	v18 =	vperm.xlane v16, v1;
	v11 =	vmax.f32 v11, v15  }
0x64: {  	s30 =	simm.s32 $0x0;
	v14 =	vmax.f32 v14, v21;
	[tilespmem:s22+$0x3D80] =	vst v21;
	v19 =	vperm.xlane v9, v3;
	v10 =	vperm.xlane v11, v2  }
0x65: {  	v15 =	vperm.xlane v14, v0;
	v8 =	vmax.f32 v8, v5;
	v5 =	vmax.f32 v16, v18;
	v16 =	vld [tilespmem:s30+$0x3F00]  }
0x66: {  	v7 =	vmax.f32 v17, v7;
	v18 =	vperm.xlane v5, v2;
	v10 =	vmax.f32 v11, v10  }
0x67: {  	v14 =	vmax.f32 v14, v15;
	v11 =	vperm.xlane v7, v1;
	v15 =	vperm.xlane v10, v3  }
0x68: {  	v21 =	vld [tilespmem:s30+$0x3480];
	v17 =	vperm.xlane v8, v3;
	v20 =	vperm.xlane v14, v1;
	v18 =	vmax.f32 v5, v18  }
0x69: {  	v22 =	vperm.xlane v18, v3;
	v7 =	vmax.f32 v7, v11;
	v5 =	vmax.f32 v10, v15;
	v10 =	vld [tilespmem:s30+$0x3600]  }
0x6a: {  	v14 =	vmax.f32 v14, v20;
	v20 =	vld [tilespmem:s30+$0x3780];
	v15 =	vperm.xlane v7, v2;
	v16 =	vsub.f32 v16, v5  }
0x6b: {  	v11 =	vmax.f32 v9, v19;
	v9 =	vmax.f32 v8, v17;
	v19 =	vld [tilespmem:s30+$0x3900];
	v17 =	vperm.xlane v14, v2  }
0x6c: {  	v8 =	vmax.f32 v18, v22;
	v7 =	vmax.f32 v7, v15;
	v15 =	vld [tilespmem:s30+$0x3A80];
	v16 =	vmul.f32 $1.442695020e+00, v16  }
0x6d: {  	v14 =	vmax.f32 v14, v17;
	v17 =	vsub.f32 v21, v4;
	v21 =	vld [tilespmem:s30+$0x3C00];
	v18 =	vperm.xlane v7, v3  }
0x6e: {  	v24 =	vld [tilespmem:s30+$0x3D80];
	v22 =	vperm.xlane v14, v3;
	v23 =	vsub.f32 v10, v6;
	(erf) = vpow2.f32 v16  }
0x6f: {  	s31 =	simm.s32 $0x10;
	v10 =	vmax.f32 v7, v18;
	v16 =	vmul.f32 $1.442695020e+00, v17;
	v17 =	vsub.f32 v20, v11  }
0x70: {  	v7 =	vmax.f32 v14, v22;
	v18 =	vsub.f32 v19, v9;
	v19 =	vld [tilespmem:s31+$0x3F00];
	v14 =	vmul.f32 $1.442695020e+00, v23  }
0x71: {  	v17 =	vmul.f32 $1.442695020e+00, v17;
	v15 =	vsub.f32 v15, v8;
	(erf) = vpow2.f32 v16;
	v16 =	vld [tilespmem:s31+$0x3480]  }
0x72: {  	v18 =	vmul.f32 $1.442695020e+00, v18;
	v20 =	vsub.f32 v21, v10;
	(erf) = vpow2.f32 v14;
	v14 =	vld [tilespmem:s31+$0x3600]  }
0x73: {  	v21 =	vsub.f32 v24, v7;
	v15 =	vmul.f32 $1.442695020e+00, v15;
	(erf) = vpow2.f32 v17;
	v17 =	vld [tilespmem:s31+$0x3780]  }
0x74: {  	v22 =	vmul.f32 $1.442695020e+00, v20;
	(erf) = vpow2.f32 v18  }
0x75: {  	v21 =	vmul.f32 $1.442695020e+00, v21;
	v19 =	vsub.f32 v19, v5;
	v18 =	vld [tilespmem:s31+$0x3900];
	(erf) = vpow2.f32 v15  }
0x76: {  	v20 =	vimm.f32 $0.0e+00;
	v16 =	vsub.f32 v16, v4;
	(erf) = vpow2.f32 v22  }
0x77: {  	v15 =	vld [tilespmem:s31+$0x3A80];
	v19 =	vmul.f32 $1.442695020e+00, v19;
	(erf) = vpow2.f32 v21;
	v21 =	vsub.f32 v14, v6;
	v14 =	vpop (erf)  }
0x78: {  	v25 =	vld [tilespmem:s31+$0x3C00];
	v16 =	vmul.f32 $1.442695020e+00, v16;
	v17 =	vsub.f32 v17, v11;
	v14 =	vadd.f32 v14, v20  }
0x79: {  	v26 =	vld [tilespmem:s31+$0x3D80];
	(erf) = vpow2.f32 v19;
	v19 =	vimm.f32 $0.0e+00;
	v27 =	vmul.f32 $1.442695020e+00, v21  }
0x7a: {  	v29 =	vsub.f32 v18, v9;
	v24 =	vpop (erf);
	(erf) = vpow2.f32 v16;
	v21 =	vimm.f32 $0.0e+00  }
0x7b: {  	v16 =	vimm.f32 $0.0e+00;
	v18 =	vimm.f32 $0.0e+00;
	v28 =	vmul.f32 $1.442695020e+00, v17;
	v23 =	vpop (erf)  }
0x7c: {  	s21 =	simm.s32 $0x20;
	s22 =	simm.s32 $0xC0;
	v30 =	vsub.f32 v15, v8;
	v15 =	vimm.f32 $0.0e+00;
	v17 =	vimm.f32 $0.0e+00;
	v22 =	vpop (erf)  }
.LBB2_5:
0x7d: {  	p0 =	sne.s32 s22, $0x5C0;
	v31 =	vld [tilespmem:s21+$0x3F00];
	v29 =	vmul.f32 $1.442695020e+00, v29;
	v25 =	vsub.f32 v25, v10;
	(erf) = vpow2.f32 v27;
	v27 =	vpop (erf)  }
0x7e: {  	v32 =	vld [tilespmem:s21+$0x3480];
	v30 =	vmul.f32 $1.442695020e+00, v30;
	v26 =	vsub.f32 v26, v7;
	(erf) = vpow2.f32 v28;
	v28 =	vpop (erf)  }
0x7f: {  	v20 =	vadd.f32 v24, v20;
	v33 =	vld [tilespmem:s21+$0x3600];
	v25 =	vmul.f32 $1.442695020e+00, v25;
	(erf) = vpow2.f32 v29;
	v24 =	vpop (erf)  }
0x80: {  	v21 =	vadd.f32 v23, v21;
	v29 =	vld [tilespmem:s21+$0x3780];
	v26 =	vmul.f32 $1.442695020e+00, v26;
	(erf) = vpow2.f32 v30;
	v23 =	vpop (erf)  }
0x81: {  	v16 =	vadd.f32 v22, v16;
	v15 =	vadd.f32 v27, v15;
	v30 =	vld [tilespmem:s21+$0x3900];
	(erf) = vpow2.f32 v25  }
0x82: {  	v19 =	vadd.f32 v28, v19;
	v22 =	vld [tilespmem:s21+$0x3A80];
	v27 =	vsub.f32 v31, v5;
	(erf) = vpow2.f32 v26  }
.Ltmp1:
0x83: {  	v17 =	vadd.f32 v24, v17;
	v28 =	vsub.f32 v32, v4;
	v25 =	vld [tilespmem:s21+$0x3C00];
	(pc) =	sbr.rel @p0 .LBB2_5-.Ltmp1, $4  }
0x84: {  	v18 =	vadd.f32 v23, v18;
	v31 =	vsub.f32 v33, v6;
	v26 =	vld [tilespmem:s21+$0x3D80];
	v32 =	vmul.f32 $1.442695020e+00, v27;
	v24 =	vpop (erf)  }
0x85: {  	v33 =	vmul.f32 $1.442695020e+00, v28;
	v28 =	vsub.f32 v29, v11;
	v14 =	vadd.f32 v24, v14;
	v24 =	vpop (erf)  }
0x86: {  	v27 =	vmul.f32 $1.442695020e+00, v31;
	v29 =	vsub.f32 v30, v9;
	(erf) = vpow2.f32 v32;
	v23 =	vpop (erf)  }
0x87: {  	s21 =	sshra.s32 s22, $0x2;
	s22 =	sadd.s32 $0x40, s22;
	v28 =	vmul.f32 $1.442695020e+00, v28;
	v30 =	vsub.f32 v22, v8;
	(erf) = vpow2.f32 v33;
	v22 =	vpop (erf)  }
0x88: {  	v31 =	vld [tilespmem:s21+$0x3F00]  }
0x89: {  	v32 =	vld [tilespmem:s21+$0x3480]  }
0x8a: {  	v33 =	vld [tilespmem:s21+$0x3600];
	v29 =	vmul.f32 $1.442695020e+00, v29;
	v25 =	vsub.f32 v25, v10  }
0x8b: {  	(erf) = vpow2.f32 v27;
	v27 =	vmul.f32 $1.442695020e+00, v30;
	v26 =	vsub.f32 v26, v7  }
0x8c: {  	(erf) = vpow2.f32 v28;
	v25 =	vmul.f32 $1.442695020e+00, v25  }
0x8d: {  	(erf) = vpow2.f32 v29;
	v26 =	vmul.f32 $1.442695020e+00, v26  }
0x8e: {  	v29 =	vpop (erf);
	(erf) = vpow2.f32 v27;
	v28 =	vsub.f32 v31, v5;
	v27 =	vsub.f32 v32, v4  }
0x8f: {  	v34 =	vld [tilespmem:s21+$0x3A80];
	v40 =	vbroadcast v13, $0xF;
	v30 =	vpop (erf);
	(erf) = vpow2.f32 v25;
	v25 =	vsub.f32 v33, v6  }
0x90: {  	v36 =	vld [tilespmem:s21+$0x3C00];
	v31 =	vpop (erf);
	(erf) = vpow2.f32 v26;
	v28 =	vmul.f32 $1.442695020e+00, v28  }
0x91: {  	v20 =	vadd.f32 v24, v20;
	v24 =	vld [tilespmem:s21+$0x3D80];
	v26 =	vmul.f32 $1.442695020e+00, v27;
	v25 =	vmul.f32 $1.442695020e+00, v25  }
0x92: {  	v42 =	vbroadcast v12, $0x8;
	v27 =	vpop (erf);
	(erf) = vpow2.f32 v28;
	v28 =	vld [tilespmem:s21+$0x3780]  }
0x93: {  	v21 =	vadd.f32 v23, v21;
	v41 =	vbroadcast v12, $0x9;
	v49 =	vpop (erf);
	(erf) = vpow2.f32 v26  }
0x94: {  	v16 =	vadd.f32 v22, v16;
	v43 =	vbroadcast v12, $0xF;
	v50 =	vpop (erf);
	(erf) = vpow2.f32 v25  }
0x95: {  	v23 =	vsub.f32 v34, v8;
	v36 =	vsub.f32 v36, v10;
	v34 =	vbroadcast v13, $0xA;
	v26 =	vld [tilespmem:s21+$0x3900];
	v25 =	vpop (erf)  }
0x96: {  	v24 =	vsub.f32 v24, v7;
	v33 =	vbroadcast v13, $0xB;
	v32 =	vbroadcast v13, $0xC;
	v35 =	vpop (erf)  }
0x97: {  	v19 =	vadd.f32 v30, v19;
	v30 =	vbroadcast v13, $0xE;
	v37 =	vpop (erf);
	v28 =	vsub.f32 v28, v11  }
0x98: {  	v15 =	vadd.f32 v29, v15;
	v23 =	vmul.f32 $1.442695020e+00, v23;
	v24 =	vmul.f32 $1.442695020e+00, v24;
	s21 =	simm.s32 $0x0;
	v38 =	vpop (erf)  }
0x99: {  	v17 =	vadd.f32 v31, v17;
	v44 =	vld [tilespmem:s21+$0x0];
	v20 =	vadd.f32 v50, v20;
	v39 =	vpop (erf);
	v28 =	vmul.f32 $1.442695020e+00, v28  }
0x9a: {  	v31 =	vbroadcast v13, $0xD;
	v21 =	vadd.f32 v25, v21;
	v26 =	vsub.f32 v26, v9;
	v51 =	vpop (erf)  }
0x9b: {  	v16 =	vadd.f32 v35, v16;
	v35 =	vbroadcast v13, $0x8;
	v15 =	vadd.f32 v37, v15;
	v52 =	vpop (erf)  }
0x9c: {  	v37 =	vbroadcast v12, $0xC;
	v19 =	vadd.f32 v38, v19;
	v26 =	vmul.f32 $1.442695020e+00, v26;
	v25 =	vpop (erf)  }
0x9d: {  	v45 =	vld [tilespmem:s21+$0x180];
	v38 =	vbroadcast v12, $0xB;
	(erf) = vpow2.f32 v28;
	v28 =	vpop (erf);
	v20 =	vadd.f32 v25, v20  }
0x9e: {  	v47 =	vmul.f32 v44, v42;
	(erf) = vpow2.f32 v26;
	v21 =	vadd.f32 v28, v21  }
0x9f: {  	v25 =	vmul.f32 $1.442695020e+00, v36;
	v26 =	vperm.xlane v20, v0  }
0xa0: {  	(erf) = vpow2.f32 v23;
	v23 =	vperm.xlane v21, v0  }
0xa1: {  	v50 =	vmul.f32 v44, v43;
	(erf) = vpow2.f32 v25;
	v20 =	vadd.f32 v26, v20  }
0xa2: {  	v57 =	vmul.f32 v45, v34;
	(erf) = vpow2.f32 v24;
	v21 =	vadd.f32 v23, v21  }
0xa3: {  	v18 =	vadd.f32 v27, v18;
	v61 =	vmul.f32 v45, v32;
	v22 =	vperm.xlane v20, v1  }
0xa4: {  	v59 =	vmul.f32 v45, v30;
	v17 =	vadd.f32 v39, v17;
	v23 =	vperm.xlane v21, v1  }
0xa5: {  	v39 =	vbroadcast v12, $0xA;
	v24 =	vadd.f32 v49, v14;
	v14 =	vadd.f32 v22, v20  }
0xa6: {  	v18 =	vadd.f32 v51, v18;
	v51 =	vmul.f32 v45, v40;
	v20 =	vadd.f32 v23, v21  }
0xa7: {  	v56 =	vmul.f32 v44, v39;
	v21 =	vpop (erf);
	v22 =	vperm.xlane v14, v2  }
0xa8: {  	v36 =	vbroadcast v13, $0x9;
	v50 =	vadd.f32 v51, v50;
	v23 =	vpop (erf);
	v25 =	vperm.xlane v20, v2  }
0xa9: {  	v13 =	vbroadcast v12, $0xD;
	v21 =	vadd.f32 v21, v16;
	v26 =	vpop (erf);
	v14 =	vadd.f32 v22, v14  }
0xaa: {  	v12 =	vbroadcast v12, $0xE;
	v22 =	vadd.f32 v23, v15;
	v16 =	vpop (erf);
	v15 =	vadd.f32 v25, v20  }
0xab: {  	v51 =	vmul.f32 v44, v38;
	v19 =	vadd.f32 v26, v19;
	v20 =	vpop (erf);
	v23 =	vadd.f32 v16, v17  }
0xac: {  	v25 =	vperm.xlane v22, v0;
	v18 =	vadd.f32 v20, v18;
	v20 =	vperm.xlane v21, v0  }
0xad: {  	v24 =	vadd.f32 v52, v24;
	v16 =	vperm.xlane v14, v3;
	v26 =	vperm.xlane v19, v0  }
0xae: {  	v22 =	vadd.f32 v25, v22;
	v20 =	vadd.f32 v20, v21;
	v21 =	vperm.xlane v23, v0  }
0xaf: {  	v48 =	vimm.f32 $-3.000000010e+38;
	v25 =	vperm.xlane v24, v0;
	v27 =	vperm.xlane v18, v0  }
0xb0: {  	v19 =	vadd.f32 v26, v19;
	v21 =	vadd.f32 v21, v23;
	v23 =	vperm.xlane v22, v1  }
0xb1: {  	v24 =	vadd.f32 v25, v24;
	v26 =	vperm.xlane v20, v1;
	v18 =	vadd.f32 v27, v18  }
0xb2: {  	v27 =	vperm.xlane v19, v1;
	v25 =	vperm.xlane v21, v1;
	v22 =	vadd.f32 v23, v22  }
0xb3: {  	[tilespmem:$0x1FF90] =	vst v16;
	v16 =	vperm.xlane v15, v3;
	v20 =	vadd.f32 v26, v20;
	v26 =	vperm.xlane v18, v1  }
0xb4: {  	v46 =	vld [tilespmem:s21+$0x300];
	v19 =	vadd.f32 v27, v19;
	v21 =	vadd.f32 v25, v21;
	v25 =	vperm.xlane v22, v2  }
0xb5: {  	v60 =	vadd.f32 v57, v56;
	v23 =	vperm.xlane v24, v1;
	v27 =	vperm.xlane v20, v2  }
0xb6: {  	v18 =	vadd.f32 v26, v18;
	v26 =	vperm.xlane v19, v2;
	v25 =	vadd.f32 v25, v22  }
0xb7: {  	v53 =	vmul.f32 v45, v36;
	v23 =	vadd.f32 v23, v24;
	v27 =	vadd.f32 v27, v20  }
0xb8: {  	[tilespmem:$0x1FFA0] =	vst v16;
	v20 =	vperm.xlane v21, v2;
	v24 =	vadd.f32 v26, v19;
	v16 =	vperm.xlane v25, v3  }
0xb9: {  	v50 =	vadd.f32 v50, v46;
	v62 =	vmul.f32 v44, v13;
	v49 =	vmul.f32 v44, v41  }
0xba: {  	v28 =	vperm.xlane v18, v2;
	v22 =	vadd.f32 v20, v21;
	[tilespmem:$0x1FFB0] =	vst v16;
	v16 =	vperm.xlane v24, v3  }
0xbb: {  	v58 =	vmul.f32 v44, v12;
	v52 =	vmul.f32 v45, v35;
	v55 =	vadd.f32 v53, v49  }
0xbc: {  	v19 =	vperm.xlane v23, v2;
	v20 =	vadd.f32 v28, v18;
	[tilespmem:$0x1FFC0] =	vst v16;
	v16 =	vperm.xlane v22, v3  }
0xbd: {  	v53 =	vmul.f32 v45, v31;
	v54 =	vadd.f32 v52, v47;
	v47 =	vmul.f32 v45, v33  }
0xbe: {  	v52 =	vmul.f32 v44, v37;
	v18 =	vadd.f32 v19, v23;
	[tilespmem:$0x1FFD0] =	vst v16;
	v16 =	vperm.xlane v20, v3  }
0xbf: {  	[tilespmem:s21+$0x3F00] =	vst v50;
	v44 =	vmax.f32 v48, v50;
	v57 =	vadd.f32 v53, v62;
	v53 =	vimm.f32 $-3.000000010e+38  }
0xc0: {  	v50 =	vimm.f32 $-3.000000010e+38;
	v45 =	vimm.f32 $-3.000000010e+38;
	[tilespmem:$0x1FFE0] =	vst v16;
	v16 =	vperm.xlane v18, v3  }
0xc1: {  	s22 =	simm.s32 $0x10;
	v56 =	vadd.f32 v47, v51;
	v61 =	vadd.f32 v61, v52;
	v52 =	vimm.f32 $-3.000000010e+38  }
0xc2: {  	s23 =	simm.s32 $0x80;
	v49 =	vld [tilespmem:s22+$0x0];
	v51 =	vimm.f32 $-3.000000010e+38;
	v47 =	vimm.f32 $-3.000000010e+38;
	v29 =	vperm.xlane v27, v3;
	[tilespmem:$0x1FFF0] =	vst v16  }
.LBB2_7:
0xc3: {  	p0 =	sne.s32 s23, $0x5C0;
	v62 =	vld [tilespmem:s22+$0x180];
	v54 =	vadd.f32 v54, v46;
	v58 =	vadd.f32 v59, v58  }
0xc4: {  	v55 =	vadd.f32 v55, v46;
	v59 =	vadd.f32 v60, v46  }
0xc5: {  	[tilespmem:s21+$0x3480] =	vst v54;
	v48 =	vmax.f32 v48, v54;
	v54 =	vadd.f32 v56, v46;
	v56 =	vadd.f32 v61, v46  }
0xc6: {  	v57 =	vadd.f32 v57, v46;
	v53 =	vmax.f32 v53, v55;
	v63 =	vadd.f32 v58, v46;
	[tilespmem:s21+$0x3600] =	vst v55  }
0xc7: {  	v52 =	vmax.f32 v52, v59;
	v46 =	vld [tilespmem:s22+$0x300];
	v55 =	vmul.f32 v49, v42;
	v58 =	vmul.f32 v49, v41;
	[tilespmem:s21+$0x3780] =	vst v59  }
0xc8: {  	v59 =	vmul.f32 v49, v43;
	v50 =	vmax.f32 v50, v54;
	v60 =	vmul.f32 v62, v40;
	[tilespmem:s21+$0x3900] =	vst v54  }
0xc9: {  	v51 =	vmax.f32 v51, v56;
	v54 =	vmul.f32 v62, v35;
	v61 =	vmul.f32 v62, v36;
	[tilespmem:s21+$0x3A80] =	vst v56  }
0xca: {  	v16 =	vmul.f32 v62, v34;
	v56 =	vmul.f32 v49, v39;
	v59 =	vadd.f32 v60, v59;
	[tilespmem:s21+$0x3C00] =	vst v57  }
0xcb: {  	v17 =	vmul.f32 v49, v38;
	v19 =	vmul.f32 v62, v33;
	v54 =	vadd.f32 v54, v55;
	[tilespmem:s21+$0x3D80] =	vst v63;
	s21 =	smov.u32 s22  }
.Ltmp2:
0xcc: {  	v21 =	vmul.f32 v49, v37;
	v23 =	vmul.f32 v62, v32;
	v60 =	vadd.f32 v59, v46;
	(pc) =	sbr.rel @p0 .LBB2_7-.Ltmp2, $4  }
0xcd: {  	v26 =	vmul.f32 v49, v13;
	v28 =	vmul.f32 v62, v31;
	v55 =	vadd.f32 v61, v58  }
0xce: {  	v58 =	vmul.f32 v49, v12;
	v59 =	vmul.f32 v62, v30;
	[tilespmem:s21+$0x3F00] =	vst v60;
	v44 =	vmax.f32 v44, v60  }
0xcf: {  	v47 =	vmax.f32 v47, v57;
	s22 =	sshra.s32 s23, $0x2;
	v60 =	vadd.f32 v16, v56;
	v56 =	vadd.f32 v19, v17  }
0xd0: {  	v45 =	vmax.f32 v45, v63;
	v61 =	vadd.f32 v23, v21;
	v57 =	vadd.f32 v28, v26;
	s23 =	sadd.s32 $0x40, s23;
	v49 =	vld [tilespmem:s22+$0x0]  }
0xd1: {  	_ = 	snop  }
0xd2: {  	v16 =	vadd.f32 v54, v46  }
0xd3: {  	v19 =	vadd.f32 v55, v46;
	v21 =	vadd.f32 v59, v58  }
0xd4: {  	v17 =	vld [tilespmem:s22+$0x180];
	v23 =	vadd.f32 v60, v46;
	v28 =	vadd.f32 v61, v46  }
0xd5: {  	v26 =	vmax.f32 v48, v16;
	[tilespmem:s21+$0x3480] =	vst v16;
	v16 =	vadd.f32 v56, v46;
	v42 =	vmul.f32 v49, v42  }
0xd6: {  	v61 =	vmax.f32 v53, v19;
	v41 =	vmul.f32 v49, v41;
	v43 =	vmul.f32 v49, v43  }
0xd7: {  	[tilespmem:s21+$0x3600] =	vst v19;
	v19 =	vadd.f32 v57, v46;
	v39 =	vmul.f32 v49, v39;
	v38 =	vmul.f32 v49, v38  }
0xd8: {  	v21 =	vadd.f32 v21, v46;
	v37 =	vmul.f32 v49, v37;
	v13 =	vmul.f32 v49, v13  }
0xd9: {  	v52 =	vmax.f32 v52, v23;
	v62 =	vld [tilespmem:s22+$0x300];
	v12 =	vmul.f32 v49, v12;
	v40 =	vmul.f32 v17, v40  }
0xda: {  	v51 =	vmax.f32 v51, v28;
	v35 =	vmul.f32 v17, v35;
	v36 =	vmul.f32 v17, v36  }
0xdb: {  	v50 =	vmax.f32 v50, v16;
	v34 =	vmul.f32 v17, v34;
	v33 =	vmul.f32 v17, v33  }
0xdc: {  	v32 =	vmul.f32 v17, v32;
	v40 =	vadd.f32 v40, v43;
	v35 =	vadd.f32 v35, v42  }
0xdd: {  	v31 =	vmul.f32 v17, v31;
	v36 =	vadd.f32 v36, v41;
	v34 =	vadd.f32 v34, v39  }
0xde: {  	v17 =	vmul.f32 v17, v30;
	v33 =	vadd.f32 v33, v38;
	v35 =	vadd.f32 v35, v62  }
0xdf: {  	v63 =	vmax.f32 v47, v19;
	v32 =	vadd.f32 v32, v37;
	v13 =	vadd.f32 v31, v13  }
0xe0: {  	v12 =	vadd.f32 v17, v12;
	v40 =	vadd.f32 v40, v62;
	v26 =	vmax.f32 v26, v35  }
0xe1: {  	v36 =	vadd.f32 v36, v62;
	v17 =	vadd.f32 v34, v62;
	v43 =	vperm.xlane v26, v0  }
0xe2: {  	v31 =	vmax.f32 v45, v21;
	v33 =	vadd.f32 v33, v62;
	v32 =	vadd.f32 v32, v62  }
0xe3: {  	v45 =	vadd.f32 v13, v62;
	v12 =	vadd.f32 v12, v62;
	v26 =	vmax.f32 v26, v43  }
0xe4: {  	[tilespmem:s21+$0x3780] =	vst v23;
	v30 =	vmax.f32 v44, v40;
	v44 =	vmax.f32 v61, v36;
	v37 =	vperm.xlane v26, v1  }
0xe5: {  	[tilespmem:s21+$0x3A80] =	vst v28;
	v23 =	vmax.f32 v52, v17;
	v28 =	vmax.f32 v50, v33;
	v13 =	vperm.xlane v44, v0  }
0xe6: {  	v47 =	vmax.f32 v51, v32;
	v46 =	vperm.xlane v23, v0;
	v26 =	vmax.f32 v26, v37  }
0xe7: {  	[tilespmem:s21+$0x3900] =	vst v16;
	v50 =	vperm.xlane v28, v0;
	v13 =	vmax.f32 v44, v13;
	v16 =	vperm.xlane v26, v2  }
0xe8: {  	[tilespmem:s21+$0x3C00] =	vst v19;
	v19 =	vmax.f32 v63, v45;
	v51 =	vperm.xlane v47, v0;
	v48 =	vperm.xlane v13, v1  }
0xe9: {  	v23 =	vmax.f32 v23, v46;
	v28 =	vmax.f32 v28, v50;
	v16 =	vmax.f32 v26, v16  }
0xea: {  	[tilespmem:s21+$0x3D80] =	vst v21;
	v34 =	vperm.xlane v23, v1;
	v26 =	vmax.f32 v13, v48;
	v21 =	vperm.xlane v16, v3  }
0xeb: {  	v31 =	vmax.f32 v31, v12;
	[tilespmem:s22+$0x3780] =	vst v17;
	v17 =	vperm.xlane v28, v1;
	v49 =	vperm.xlane v26, v2  }
0xec: {  	[tilespmem:s22+$0x3F00] =	vst v40;
	v13 =	vmax.f32 v16, v21;
	v16 =	vmax.f32 v23, v34;
	v21 =	vperm.xlane v30, v0  }
0xed: {  	[tilespmem:s22+$0x3D80] =	vst v12;
	v12 =	vperm.xlane v19, v0;
	v23 =	vmax.f32 v26, v49;
	v26 =	vperm.xlane v16, v2  }
0xee: {  	[tilespmem:s22+$0x3480] =	vst v35;
	v17 =	vmax.f32 v28, v17;
	v28 =	vmax.f32 v47, v51;
	v21 =	vmax.f32 v30, v21  }
0xef: {  	[tilespmem:s22+$0x3600] =	vst v36;
	v30 =	vperm.xlane v23, v3;
	v16 =	vmax.f32 v16, v26;
	v26 =	vperm.xlane v21, v1  }
0xf0: {  	[tilespmem:s22+$0x3900] =	vst v33;
	v12 =	vmax.f32 v19, v12;
	v54 =	vperm.xlane v28, v1  }
0xf1: {  	[tilespmem:s22+$0x3A80] =	vst v32;
	v53 =	vperm.xlane v17, v2;
	v34 =	vmax.f32 v23, v30;
	v21 =	vmax.f32 v21, v26  }
0xf2: {  	s30 =	simm.s32 $0x0;
	[tilespmem:s22+$0x3C00] =	vst v45;
	v26 =	vmax.f32 v28, v54;
	v28 =	vperm.xlane v31, v0;
	v23 =	vperm.xlane v21, v2  }
0xf3: {  	v17 =	vmax.f32 v17, v53;
	v52 =	vperm.xlane v16, v3;
	v30 =	vld [tilespmem:s30+$0x3F00];
	v55 =	vperm.xlane v26, v2  }
0xf4: {  	v19 =	vmax.f32 v21, v23;
	v23 =	vmax.f32 v31, v28;
	v31 =	vperm.xlane v17, v3  }
0xf5: {  	v36 =	vld [tilespmem:s30+$0x3480];
	v21 =	vperm.xlane v12, v1;
	v28 =	vperm.xlane v19, v3  }
0xf6: {  	v26 =	vmax.f32 v26, v55;
	v56 =	vperm.xlane v23, v1;
	v33 =	vmax.f32 v17, v31;
	v17 =	vld [tilespmem:s30+$0x3900]  }
0xf7: {  	v57 =	vperm.xlane v26, v3;
	v21 =	vmax.f32 v12, v21;
	v12 =	vmax.f32 v19, v28;
	v19 =	vld [tilespmem:s30+$0x3600]  }
0xf8: {  	v58 =	vld [tilespmem:s30+$0x3780];
	v28 =	vperm.xlane v21, v2;
	v23 =	vmax.f32 v23, v56;
	v59 =	vsub.f32 v30, v12  }
0xf9: {  	v35 =	vmax.f32 v16, v52;
	v16 =	vperm.xlane v23, v2  }
0xfa: {  	v30 =	vmax.f32 v26, v57;
	v26 =	vld [tilespmem:s30+$0x3A80];
	v21 =	vmax.f32 v21, v28;
	v28 =	vmul.f32 $1.442695020e+00, v59  }
0xfb: {  	v60 =	vld [tilespmem:s30+$0x3C00];
	v31 =	vperm.xlane v21, v3;
	v16 =	vmax.f32 v23, v16;
	v23 =	vsub.f32 v36, v13  }
0xfc: {  	v62 =	vld [tilespmem:s30+$0x3D80];
	v61 =	vperm.xlane v16, v3;
	v17 =	vsub.f32 v17, v33;
	v19 =	vsub.f32 v19, v34  }
0xfd: {  	v32 =	vmax.f32 v21, v31;
	v21 =	vmul.f32 $1.442695020e+00, v23;
	v23 =	vsub.f32 v58, v35  }
0xfe: {  	(erf) = vpow2.f32 v28;
	v31 =	vmax.f32 v16, v61;
	v16 =	vmul.f32 $1.442695020e+00, v19  }
0xff: {  	s31 =	simm.s32 $0x10;
	v26 =	vsub.f32 v26, v30;
	v23 =	vmul.f32 $1.442695020e+00, v23;
	(erf) = vpow2.f32 v21  }
0x100: {  	v17 =	vmul.f32 $1.442695020e+00, v17;
	v28 =	vsub.f32 v60, v32;
	v19 =	vld [tilespmem:s31+$0x3F00];
	(erf) = vpow2.f32 v16  }
0x101: {  	v21 =	vld [tilespmem:s31+$0x3480];
	v63 =	vsub.f32 v62, v31;
	v26 =	vmul.f32 $1.442695020e+00, v26;
	(erf) = vpow2.f32 v23  }
0x102: {  	v28 =	vmul.f32 $1.442695020e+00, v28;
	v16 =	vld [tilespmem:s31+$0x3600];
	(erf) = vpow2.f32 v17  }
0x103: {  	v41 =	vimm.f32 $0.0e+00;
	v36 =	vmul.f32 $1.442695020e+00, v63;
	v23 =	vld [tilespmem:s31+$0x3780];
	(erf) = vpow2.f32 v26  }
0x104: {  	v38 =	vimm.f32 $0.0e+00;
	v39 =	vimm.f32 $0.0e+00;
	v17 =	vld [tilespmem:s31+$0x3900];
	(erf) = vpow2.f32 v28  }
0x105: {  	v42 =	vimm.f32 $0.0e+00;
	v26 =	vld [tilespmem:s31+$0x3A80];
	v19 =	vsub.f32 v19, v12;
	(erf) = vpow2.f32 v36  }
0x106: {  	v40 =	vimm.f32 $0.0e+00;
	v43 =	vimm.f32 $0.0e+00;
	v48 =	vld [tilespmem:s31+$0x3C00];
	v21 =	vsub.f32 v21, v13  }
0x107: {  	v37 =	vimm.f32 $0.0e+00;
	v47 =	vld [tilespmem:s31+$0x3D80];
	v16 =	vsub.f32 v16, v34;
	v19 =	vmul.f32 $1.442695020e+00, v19;
	v28 =	vpop (erf)  }
0x108: {  	v21 =	vmul.f32 $1.442695020e+00, v21;
	v23 =	vsub.f32 v23, v35;
	v36 =	vadd.f32 v28, v37;
	v44 =	vpop (erf)  }
0x109: {  	v49 =	vmul.f32 $1.442695020e+00, v16;
	v51 =	vsub.f32 v17, v33;
	(erf) = vpow2.f32 v19;
	v45 =	vpop (erf)  }
0x10a: {  	s21 =	simm.s32 $0x20;
	s22 =	simm.s32 $0xC0;
	v50 =	vmul.f32 $1.442695020e+00, v23;
	v52 =	vsub.f32 v26, v30;
	(erf) = vpow2.f32 v21;
	v46 =	vpop (erf)  }
.LBB2_9:
0x10b: {  	p0 =	sne.s32 s22, $0x5C0;
	v16 =	vld [tilespmem:s21+$0x3F00];
	v51 =	vmul.f32 $1.442695020e+00, v51;
	v19 =	vsub.f32 v48, v32;
	(erf) = vpow2.f32 v49;
	v21 =	vpop (erf)  }
0x10c: {  	v23 =	vld [tilespmem:s21+$0x3480];
	v48 =	vmul.f32 $1.442695020e+00, v52;
	v28 =	vsub.f32 v47, v31;
	(erf) = vpow2.f32 v50;
	v47 =	vpop (erf)  }
0x10d: {  	v37 =	vadd.f32 v44, v37;
	v49 =	vld [tilespmem:s21+$0x3600];
	v19 =	vmul.f32 $1.442695020e+00, v19;
	(erf) = vpow2.f32 v51;
	v17 =	vpop (erf)  }
0x10e: {  	v41 =	vadd.f32 v45, v41;
	v44 =	vld [tilespmem:s21+$0x3780];
	v28 =	vmul.f32 $1.442695020e+00, v28;
	(erf) = vpow2.f32 v48;
	v26 =	vpop (erf)  }
0x10f: {  	v38 =	vadd.f32 v46, v38;
	v39 =	vadd.f32 v21, v39;
	v45 =	vld [tilespmem:s21+$0x3900];
	(erf) = vpow2.f32 v19  }
0x110: {  	v42 =	vadd.f32 v47, v42;
	v19 =	vld [tilespmem:s21+$0x3A80];
	v16 =	vsub.f32 v16, v12;
	(erf) = vpow2.f32 v28  }
.Ltmp3:
0x111: {  	v43 =	vadd.f32 v17, v43;
	v21 =	vsub.f32 v23, v13;
	v48 =	vld [tilespmem:s21+$0x3C00];
	(pc) =	sbr.rel @p0 .LBB2_9-.Ltmp3, $4  }
0x112: {  	v40 =	vadd.f32 v26, v40;
	v17 =	vsub.f32 v49, v34;
	v47 =	vld [tilespmem:s21+$0x3D80];
	v16 =	vmul.f32 $1.442695020e+00, v16;
	v23 =	vpop (erf)  }
0x113: {  	v21 =	vmul.f32 $1.442695020e+00, v21;
	v26 =	vsub.f32 v44, v35;
	v36 =	vadd.f32 v23, v36;
	v44 =	vpop (erf)  }
0x114: {  	v49 =	vmul.f32 $1.442695020e+00, v17;
	v51 =	vsub.f32 v45, v33;
	(erf) = vpow2.f32 v16;
	v45 =	vpop (erf)  }
0x115: {  	s21 =	sshra.s32 s22, $0x2;
	s22 =	sadd.s32 $0x40, s22;
	v50 =	vmul.f32 $1.442695020e+00, v26;
	v52 =	vsub.f32 v19, v30;
	(erf) = vpow2.f32 v21;
	v46 =	vpop (erf)  }
0x116: {  	v21 =	vmul.f32 $1.442695020e+00, v51;
	v23 =	vsub.f32 v48, v32  }
0x117: {  	(erf) = vpow2.f32 v49;
	v37 =	vadd.f32 v44, v37;
	v41 =	vadd.f32 v45, v41  }
0x118: {  	v38 =	vadd.f32 v46, v38;
	vm0 =	vmmov $0x1;
	v27 =	vadd.f32 v29, v27  }
0x119: {  	vm1 =	vmmov $0x3;
	vm15 =	vmmov $0x7;
	vm4 =	vmmov $0xf  }
0x11a: {  	vm5 =	vmmov $0x1f;
	vm6 =	vmmov $0x3f;
	vm7 =	vmmov $0x7f  }
0x11b: {  	v16 =	vld [tilespmem:s21+$0x3F00];
	vm8 =	vmmov $0xff;
	vm9 =	vmmov $0x1ff;
	vm10 =	vmmov $0x3ff  }
0x11c: {  	v17 =	vld [tilespmem:s21+$0x3480];
	vm11 =	vmmov $0x7ff;
	vm12 =	vmmov $0xfff;
	vm13 =	vmmov $0x1fff  }
0x11d: {  	v19 =	vld [tilespmem:s21+$0x3600];
	v49 =	vpop (erf);
	vm14 =	vmmov $0x3fff;
	v28 =	vmul.f32 $1.442695020e+00, v52;
	v47 =	vsub.f32 v47, v31  }
0x11e: {  	(erf) = vpow2.f32 v50;
	v59 =	vpop (erf);
	v39 =	vadd.f32 v49, v39;
	v4 =	vsel vm0, v4, v6  }
0x11f: {  	v26 =	vld [tilespmem:s21+$0x3780];
	v23 =	vmul.f32 $1.442695020e+00, v23;
	(erf) = vpow2.f32 v21;
	v42 =	vadd.f32 v59, v42  }
0x120: {  	v56 =	vld [tilespmem:s21+$0x3900];
	v4 =	vsel vm1, v4, v11;
	v47 =	vmul.f32 $1.442695020e+00, v47;
	v16 =	vsub.f32 v16, v12  }
0x121: {  	v57 =	vld [tilespmem:s21+$0x3A80];
	(erf) = vpow2.f32 v28;
	v4 =	vsel vm15, v4, v9;
	v17 =	vsub.f32 v17, v13  }
0x122: {  	v58 =	vld [tilespmem:s21+$0x3C00];
	v60 =	vpop (erf);
	(erf) = vpow2.f32 v23;
	v19 =	vsub.f32 v19, v34;
	v16 =	vmul.f32 $1.442695020e+00, v16  }
0x123: {  	v62 =	vld [tilespmem:s21+$0x3D80];
	v23 =	vadd.f32 v60, v43;
	(erf) = vpow2.f32 v47;
	v17 =	vmul.f32 $1.442695020e+00, v17  }
0x124: {  	v51 =	vld [tilespmem:$0x1FFA0];
	v61 =	vpop (erf);
	v26 =	vsub.f32 v26, v35;
	v19 =	vmul.f32 $1.442695020e+00, v19;
	(erf) = vpow2.f32 v16  }
0x125: {  	v40 =	vadd.f32 v61, v40;
	v48 =	vsub.f32 v56, v33;
	v63 =	vpop (erf);
	(erf) = vpow2.f32 v17  }
0x126: {  	v50 =	vld [tilespmem:$0x1FF90];
	v21 =	vsub.f32 v57, v30;
	v26 =	vmul.f32 $1.442695020e+00, v26;
	v52 =	vpop (erf);
	(erf) = vpow2.f32 v19  }
0x127: {  	v4 =	vsel vm4, v4, v8;
	v28 =	vsub.f32 v58, v32;
	v48 =	vmul.f32 $1.442695020e+00, v48;
	v53 =	vpop (erf)  }
0x128: {  	v56 =	vsub.f32 v62, v31;
	v21 =	vmul.f32 $1.442695020e+00, v21;
	v54 =	vpop (erf);
	(erf) = vpow2.f32 v26  }
0x129: {  	v15 =	vadd.f32 v51, v15;
	v28 =	vmul.f32 $1.442695020e+00, v28;
	v55 =	vpop (erf);
	(erf) = vpow2.f32 v48  }
0x12a: {  	v4 =	vsel vm5, v4, v10;
	v57 =	vpop (erf);
	(erf) = vpow2.f32 v21;
	v21 =	vmul.f32 $1.442695020e+00, v56  }
0x12b: {  	v14 =	vadd.f32 v50, v14;
	v4 =	vsel vm6, v4, v7;
	v58 =	vpop (erf);
	(erf) = vpow2.f32 v28  }
0x12c: {  	v4 =	vsel vm7, v4, v5;
	v16 =	vadd.f32 v63, v36;
	v59 =	vpop (erf);
	(erf) = vpow2.f32 v21  }
0x12d: {  	v14 =	vsel vm0, v14, v15;
	v17 =	vadd.f32 v52, v37;
	v19 =	vadd.f32 v53, v41;
	v56 =	vld [tilespmem:$0x1FFB0];
	v60 =	vpop (erf)  }
0x12e: {  	v4 =	vsel vm8, v4, v13;
	v26 =	vadd.f32 v54, v38;
	v62 =	vadd.f32 v55, v39;
	v61 =	vpop (erf)  }
0x12f: {  	v4 =	vsel vm9, v4, v34;
	v44 =	vadd.f32 v57, v42;
	v63 =	vpop (erf);
	v17 =	vadd.f32 v61, v17  }
0x130: {  	v4 =	vsel vm10, v4, v35;
	v23 =	vadd.f32 v58, v23;
	v58 =	vld [tilespmem:$0x1FFC0];
	v19 =	vadd.f32 v63, v19  }
0x131: {  	v40 =	vadd.f32 v59, v40;
	v16 =	vadd.f32 v60, v16;
	v45 =	vpop (erf);
	v53 =	vperm.xlane v17, v0  }
0x132: {  	v15 =	vadd.f32 v56, v25;
	v46 =	vpop (erf);
	v26 =	vadd.f32 v45, v26;
	v57 =	vperm.xlane v19, v0  }
0x133: {  	v4 =	vsel vm11, v4, v33;
	v47 =	vpop (erf);
	v21 =	vadd.f32 v46, v62;
	v55 =	vadd.f32 v53, v17  }
0x134: {  	v54 =	vsel vm1, v14, v27;
	v48 =	vpop (erf);
	v49 =	vadd.f32 v47, v44;
	v60 =	vadd.f32 v57, v19;
	v19 =	vld [tilespmem:$0x1FFD0]  }
0x135: {  	v17 =	vadd.f32 v58, v24;
	v63 =	vperm.xlane v26, v0;
	v52 =	vpop (erf);
	v59 =	vperm.xlane v55, v1  }
0x136: {  	v27 =	vld [tilespmem:$0x1FFE0];
	v23 =	vadd.f32 v48, v23;
	v6 =	vadd.f32 v52, v40;
	v24 =	vperm.xlane v60, v1  }
0x137: {  	v11 =	vsel vm15, v54, v15;
	v14 =	vadd.f32 v63, v26;
	v62 =	vadd.f32 v59, v55  }
0x138: {  	v40 =	vperm.xlane v21, v0;
	v45 =	vperm.xlane v49, v0;
	v8 =	vadd.f32 v24, v60  }
0x139: {  	v46 =	vperm.xlane v23, v0;
	v15 =	vadd.f32 v19, v22;
	v25 =	vperm.xlane v62, v2  }
0x13a: {  	v61 =	vsel vm4, v11, v17;
	v29 =	vperm.xlane v14, v1;
	v37 =	vperm.xlane v8, v2  }
0x13b: {  	v9 =	vsel vm5, v61, v15;
	v15 =	vadd.f32 v27, v20;
	v10 =	vadd.f32 v25, v62  }
0x13c: {  	v50 =	vperm.xlane v6, v0;
	v11 =	vadd.f32 v29, v14;
	v8 =	vadd.f32 v37, v8  }
0x13d: {  	v38 =	vld [tilespmem:$0x1FFF0];
	v36 =	vsel vm6, v9, v15;
	v39 =	vperm.xlane v10, v3;
	v9 =	vadd.f32 v40, v21  }
0x13e: {  	v48 =	vadd.f32 v45, v49;
	v41 =	vperm.xlane v11, v2;
	v42 =	vperm.xlane v8, v3  }
0x13f: {  	v6 =	vadd.f32 v50, v6;
	v5 =	vadd.f32 v39, v10;
	v44 =	vperm.xlane v9, v1  }
0x140: {  	v4 =	vsel vm12, v4, v30;
	v10 =	vadd.f32 v41, v11;
	v43 =	vadd.f32 v42, v8  }
0x141: {  	v52 =	vperm.xlane v16, v0;
	v8 =	vadd.f32 v44, v9;
	v9 =	vadd.f32 v46, v23  }
0x142: {  	v51 =	vperm.xlane v48, v1;
	v15 =	vadd.f32 v38, v18;
	v11 =	vperm.xlane v10, v3  }
0x143: {  	v54 =	vadd.f32 v52, v16;
	v56 =	vperm.xlane v6, v1;
	v53 =	vperm.xlane v9, v1  }
0x144: {  	v7 =	vsel vm7, v36, v15;
	v47 =	vadd.f32 v11, v10;
	v10 =	vadd.f32 v51, v48  }
0x145: {  	v15 =	vperm.xlane v54, v1;
	v49 =	vperm.xlane v8, v2;
	v9 =	vadd.f32 v53, v9  }
0x146: {  	v4 =	vsel vm13, v4, v32;
	v6 =	vadd.f32 v56, v6;
	v57 =	vperm.xlane v10, v2  }
0x147: {  	v59 =	vadd.f32 v15, v54;
	v8 =	vadd.f32 v49, v8;
	v58 =	vperm.xlane v9, v2  }
0x148: {  	v5 =	vsel vm8, v7, v5;
	v11 =	vperm.xlane v6, v2;
	v7 =	vadd.f32 v57, v10  }
0x149: {  	v13 =	vperm.xlane v59, v2;
	v55 =	vperm.xlane v8, v3;
	v9 =	vadd.f32 v58, v9  }
0x14a: {  	v5 =	vsel vm9, v5, v43;
	v6 =	vadd.f32 v11, v6;
	v60 =	vperm.xlane v7, v3  }
0x14b: {  	v61 =	vadd.f32 v13, v59;
	v8 =	vadd.f32 v55, v8;
	v14 =	vperm.xlane v9, v3  }
0x14c: {  	s19 =	sadd.s32 $0x1, s19;
	v5 =	vsel vm10, v5, v47;
	v62 =	vperm.xlane v6, v3;
	v7 =	vadd.f32 v60, v7  }
0x14d: {  	p0 =	sne.s32 s19, $0x100;
	v63 =	vperm.xlane v61, v3;
	v5 =	vsel vm11, v5, v8;
	v9 =	vadd.f32 v14, v9  }
.Ltmp4:
0x14e: {  	v4 =	vsel vm14, v4, v31;
	v6 =	vadd.f32 v62, v6;
	v5 =	vsel vm12, v5, v7;
	(pc) =	sbr.rel @p0 .LBB2_2-.Ltmp4, $4  }
0x14f: {  	vm15 =	vmmov $0x7fff;
	v7 =	vadd.f32 v63, v61;
	v5 =	vsel vm13, v5, v9  }
0x150: {  	v4 =	vsel vm15, v4, v12;
	v5 =	vsel vm14, v5, v6  }
0x151: {  	[tilespmem:s20+$0x1480] =	vst v4;
	v5 =	vsel vm15, v5, v7  }
0x152: {  	[tilespmem:s20+$0x2480] =	vst v5  }
0x153: {  	[hbm4b:s7+s10] =	stream.strided.scatter [tilespmem:s16], [sflag:$0x1], $0x1000, s11, s10, $0x38;
	[tilespmem:$0x4080] =	vst v63  }
0x154: {  	s18 =	sadd.s32 $0x1, s18;
	_ =	swait.ge [sflag:s12], $0x1000  }
0x155: {  	p0 =	sne.s32 s18, s9;
	[sflag:s12] =	ssyncset.done $0x0  }
.Ltmp5:
0x156: {  	[sflag:s12] =	ssyncadd.s32 $0xFFFFF000;
	(pc) =	sbr.rel @p0 .LBB2_1-.Ltmp5, $4  }
0x157: {  	[hbm4b:s8+s10] =	stream.strided.scatter [tilespmem:s17], [sflag:$0x1], $0x1000, s11, s10, $0x38;
	[tilespmem:$0x4080] =	vst v63  }
0x158: {  	_ =	swait.ge [sflag:s12], $0x1000  }
0x159: {  	[sflag:s12] =	ssyncset.done $0x0  }
0x15a: {  	[sflag:s12] =	ssyncadd.s32 $0xFFFFF000  }
0x15b: {  	_ =	sfence.sel $0x180000  }
0x15c: {  	[bflag:$0x0] =	sbarrier.arrive $0xFFFF  }
0x15d: {  	p0 =	sne.s32 s0, $0x0;
	_ =	strace $0x90000047  }
0x15e: {  	s0 =	sadd.s32 @!p0 $0x100000, s2;
	[bflag:$0x2] =	sbarrier.arrive $0xFFFF  }
0x15f: {  	[sflag:s0] =	ssyncadd.tile.s32 @!p0 $0x1;
	_ =	shalt  }
.Lfunc_end2:
_tile_overlayer_lowered:
.L_overlay_start_2:
0x160: {  	(tag) =	ssettag $0x2  }
0x161: {  	s0 =	rddreg [dreg:$0x0];
	s2 =	stileid.u32  }
0x162: {  	s1 =	rddreg [dreg:$0x1];
	p0 =	sne.s32 s2, $0x0  }
0x163: {  	s3 =	rddreg [dreg:$0x2];
	[bflag:$0x3] =	sbarrier.arrive $0xFFFF;
	s2 =	simm.s32 @!p0 $0x1C01  }
0x164: {  	[timem:s3], [sflag:s2] =	dma.local @!p0 [hbm:s0], s1  }
0x165: {  	s0 =	simm.s32 @!p0 $0x1  }
0x166: {  	_ =	swait.ge @!p0 [sflag:s0], s1  }
0x167: {  	s1 =	ssub.s32 @!p0 $0x0, s1;
	[sflag:s0] =	ssyncset.done @!p0 $0x0  }
0x168: {  	[sflag:s0] =	ssyncadd.s32 @!p0 s1  }
0x169: {  	[bflag:$0x3] =	sbarrier.arrive $0xFFFF  }
0x16a: {  	_ =	shalt  }

</sc_bundles>
